<compile_context>
chip_gen: v7x
topology: tpu7x:2x2x1
jax: 0.10.2.dev20260603
libtpu: 0.0.44.dev20260713+nightly
codegen_flags: <defaults>
</compile_context>

<pallas_src>
import functools
import math

import jax
import jax.numpy as jnp
from jax import lax
from jax.experimental import pallas as pl
from jax.experimental.pallas import tpu as pltpu
from jax.experimental.pallas import tpu_sc as plsc

_L = 16
_NB = 4


def _pos_encoding(T_len, d_model, dtype):
    positions = jnp.arange(T_len, dtype=dtype)[:, None]
    i = jnp.arange(0, d_model, 2, dtype=dtype)
    denominator = jnp.exp(i / d_model * math.log(10000.0))
    pe = jnp.zeros((T_len, d_model), dtype=dtype)
    pe = pe.at[:, 0::2].set(jnp.sin(positions / denominator))
    pe = pe.at[:, 1::2].set(jnp.cos(positions / denominator))
    return pe


def _make_sc_kernel(B, T, V, D, scale):
    try:
        info = plsc.get_sparse_core_info()
        NC, NS = info.num_cores, info.num_subcores
    except ValueError:
        NC, NS = 2, 16
    NW = NC * NS
    assert B % NW == 0 and T % _NB == 0 and D % _L == 0
    C = B // NW
    assert C % _L == 0
    NR = C // _L
    mesh = plsc.VectorSubcoreMesh(
        core_axis_name="c",
        subcore_axis_name="s",
        num_cores=NC,
        num_subcores=NS,
    )

    scratch = [
        pltpu.VMEM((T * D,), jnp.float32),
        pltpu.VMEM((_NB, C), jnp.int32),
        pltpu.VMEM((_NB, C), jnp.int32),
        pltpu.VMEM((_NB, C, 2 * D), jnp.float32),
        pltpu.VMEM((_NB, D, C), jnp.float32),
        [pltpu.SemaphoreType.DMA] * _NB,
        [pltpu.SemaphoreType.DMA] * _NB,
        [pltpu.SemaphoreType.DMA] * _NB,
        [pltpu.SemaphoreType.DMA] * _NB,
    ]

    @functools.partial(
        pl.kernel,
        out_type=jax.ShapeDtypeStruct((T, D, B), jnp.float32),
        mesh=mesh,
        scratch_types=scratch,
        compiler_params=pltpu.CompilerParams(use_tc_tiling_on_sc=True, needs_layout_passes=False),
    )
    def k(xp_hbm, xh_hbm, we2_hbm, pe_hbm, out_hbm,
          pe_v, xp_r, xh_r, rows_r, obuf_r, sem_ip, sem_ih, sem_g, sem_o):
        wid = lax.axis_index("s") * NC + lax.axis_index("c")
        b0 = wid * C
        pltpu.sync_copy(pe_hbm, pe_v)

        def idx_cp(g, b, kind):
            src = (xp_hbm, xh_hbm)[kind]
            dst = (xp_r, xh_r)[kind]
            sem = (sem_ip, sem_ih)[kind]
            return pltpu.make_async_copy(
                src.at[g, pl.ds(b0, C)], dst.at[b], sem[b]
            )

        def gather(g, b):
            return pltpu.make_async_copy(
                we2_hbm.at[xp_r.at[b]], rows_r.at[b], sem_g[b]
            )

        def writeout(g, b):
            return pltpu.make_async_copy(
                obuf_r.at[b], out_hbm.at[g, :, pl.ds(b0, C)], sem_o[b]
            )

        for g in range(_NB):
            idx_cp(g, g, 0).start()
            idx_cp(g, g, 1).start()
        for g in range(3):
            idx_cp(g, g, 0).wait()
            gather(g, g).start()

        iota = lax.iota(jnp.int32, _L)

        def outer(gg, carry):
            for b in range(_NB):
                g = gg * _NB + b

                gather(g, b).wait()

                @pl.when(g + _NB < T)
                def _():
                    idx_cp(g + _NB, b, 0).start()

                @pl.when(g + 3 < T)
                def _():
                    idx_cp(g + 3, (b + 3) % _NB, 0).wait()
                    gather(g + 3, (b + 3) % _NB).start()

                idx_cp(g, b, 1).wait()

                @pl.when(g >= _NB)
                def _():
                    writeout(g - _NB, b).wait()

                rows2d = rows_r.at[b]
                rowv = []
                colv = []
                for r0 in range(NR):
                    hv = xh_r[b, pl.ds(r0 * _L, _L)]
                    rowv.append(iota + (r0 * _L))
                    colv.append(hv * D)
                peJ = jnp.full((_L,), g * D, jnp.int32)

                def issue(j):
                    jv = (j + iota) & (D - 1)
                    vals = [
                        plsc.load_gather(rows2d, [rowv[r0], colv[r0] + jv])
                        for r0 in range(NR)
                    ]
                    vals.append(plsc.load_gather(pe_v, [peJ + jv]))
                    vals.append(jv)
                    return tuple(vals)

                obuf2d = obuf_r.at[b]

                def jloop(j, carry, obuf2d=obuf2d):
                    nxt = issue(jnp.minimum(j + 1, D - 1))
                    pe_s = carry[NR]
                    jv = carry[NR + 1]
                    for r0 in range(NR):
                        plsc.store_scatter(
                            obuf2d, [jv, rowv[r0]], carry[r0] * scale + pe_s
                        )
                    return nxt

                lax.fori_loop(0, D, jloop, issue(0), unroll=4)

                @pl.when(g + _NB < T)
                def _():
                    idx_cp(g + _NB, b, 1).start()

                writeout(g, b).start()
            return carry

        lax.fori_loop(0, T // _NB, outer, 0)
        for g in range(T - _NB, T):
            writeout(g, g % _NB).wait()

    return k


@jax.jit
def kernel(x, We):
    B, T = x.shape
    V, D = We.shape
    scale = math.sqrt(D)
    pe1d = _pos_encoding(T, D, jnp.float32).reshape(T * D)
    xT = x.T
    xp = xT >> 1
    xh = xT & 1
    We2 = We.reshape(V // 2, 2 * D)
    sc = _make_sc_kernel(B, T, V, D, scale)
    out_t = sc(xp, xh, We2, pe1d)
    return out_t.transpose(2, 0, 1)

# --- scband reference (transcript-rebuilt; emitter-appended) ---
"""Pipeline reference for scband-embedding-40209483825533 (READ-ONLY COPY).

The authoritative reference and input builder live on the scoring server;
editing this copy changes nothing except your own understanding.
"""

import math
import jax, jax.numpy as jnp
import numpy as np

VOCAB = 1000000
D_MODEL = 64
B = 4096
T = 200

def setup_inputs(seed: int = 0) -> dict:
    key = jax.random.key(seed)
    k1, k2 = jax.random.split(key)
    x = jax.random.randint(k1, (B, T), 0, VOCAB, dtype=jnp.int32)
    We = jax.random.normal(k2, (VOCAB, D_MODEL), dtype=jnp.float32) * 0.02
    return {"x": x, "We": We}

def _positional_embeddings(T_len, d_model, dtype):
    positions = jnp.arange(T_len, dtype=dtype)[:, None]
    i = jnp.arange(0, d_model, 2, dtype=dtype)
    denominator = jnp.exp(i / d_model * math.log(10000.0))
    pe = jnp.zeros((T_len, d_model), dtype=dtype)
    pe = pe.at[:, 0::2].set(jnp.sin(positions / denominator))
    pe = pe.at[:, 1::2].set(jnp.cos(positions / denominator))
    return pe

def reference(x, We):
    d_model = We.shape[1]
    embedding = jnp.take(We, x, axis=0) * math.sqrt(d_model)
    pe = _positional_embeddings(x.shape[1], d_model, embedding.dtype)
    out = embedding + pe[None, :, :]
    # dropout p=0.0 -> identity
    return out

if __name__ == "__main__":
    import jax
    _d = setup_inputs()
    print(jax.jit(kernel)(*tuple(_d.values())))

</pallas_src>

<mosaic_0001>
#map = affine_map<(d0, d1) -> (0, 0)>
#map1 = affine_map<(d0, d1) -> (0)>
#map2 = affine_map<(d0, d1) -> (0, 0, 0)>
module attributes {stable_mosaic.version = 14 : i64} {
  func.func @k(%arg0: i32, %arg1: i32, %arg2: memref<200x4096xi32, #tpu.memory_space<hbm>>, %arg3: memref<200x4096xi32, #tpu.memory_space<hbm>>, %arg4: memref<500000x128xf32, #tpu.memory_space<hbm>>, %arg5: memref<12800xf32, #tpu.memory_space<hbm>>, %arg6: memref<200x64x4096xf32, #tpu.memory_space<hbm>>, %arg7: memref<12800xf32, #tpu.memory_space<vmem>>, %arg8: memref<4x128xi32, #tpu.memory_space<vmem>>, %arg9: memref<4x128xi32, #tpu.memory_space<vmem>>, %arg10: memref<4x128x128xf32, #tpu.memory_space<vmem>>, %arg11: memref<4x64x128xf32, #tpu.memory_space<vmem>>, %arg12: memref<!tpu.dma_semaphore, #tpu.memory_space<semaphore_mem>>, %arg13: memref<!tpu.dma_semaphore, #tpu.memory_space<semaphore_mem>>, %arg14: memref<!tpu.dma_semaphore, #tpu.memory_space<semaphore_mem>>, %arg15: memref<!tpu.dma_semaphore, #tpu.memory_space<semaphore_mem>>, %arg16: memref<!tpu.dma_semaphore, #tpu.memory_space<semaphore_mem>>, %arg17: memref<!tpu.dma_semaphore, #tpu.memory_space<semaphore_mem>>, %arg18: memref<!tpu.dma_semaphore, #tpu.memory_space<semaphore_mem>>, %arg19: memref<!tpu.dma_semaphore, #tpu.memory_space<semaphore_mem>>, %arg20: memref<!tpu.dma_semaphore, #tpu.memory_space<semaphore_mem>>, %arg21: memref<!tpu.dma_semaphore, #tpu.memory_space<semaphore_mem>>, %arg22: memref<!tpu.dma_semaphore, #tpu.memory_space<semaphore_mem>>, %arg23: memref<!tpu.dma_semaphore, #tpu.memory_space<semaphore_mem>>, %arg24: memref<!tpu.dma_semaphore, #tpu.memory_space<semaphore_mem>>, %arg25: memref<!tpu.dma_semaphore, #tpu.memory_space<semaphore_mem>>, %arg26: memref<!tpu.dma_semaphore, #tpu.memory_space<semaphore_mem>>, %arg27: memref<!tpu.dma_semaphore, #tpu.memory_space<semaphore_mem>>) attributes {dimension_semantics = [#tpu.dimension_semantics<core_parallel>, #tpu.dimension_semantics<subcore_parallel>], iteration_bounds = array<i64: 2, 16>, scalar_prefetch = 0 : i64, scratch_operands = 21 : i64, tpu.core_type = #tpu.core_type<sc_vector_subcore>, window_params = [{transform_indices = #map}, {transform_indices = #map}, {transform_indices = #map}, {transform_indices = #map1}, {transform_indices = #map2}]} {
    %mul3A = arith.constant 2 : i32
    %mul3A_0 = arith.muli %arg1, %mul3A : i32
    %add3A = arith.addi %mul3A_0, %arg0 : i32
    %mul3A_1 = arith.constant 128 : i32
    %mul3A_2 = arith.muli %add3A, %mul3A_1 : i32
    "tpu.region"() ({
      %run_scoped3A = tpu.sem_alloc : memref<!tpu.dma_semaphore, #tpu.memory_space<semaphore_mem>>
      tpu.enqueue_dma source(%arg5 : memref<12800xf32, #tpu.memory_space<hbm>>) target(%arg7 : memref<12800xf32, #tpu.memory_space<vmem>>) target_semaphore(%run_scoped3A : memref<!tpu.dma_semaphore, #tpu.memory_space<semaphore_mem>>)
      tpu.wait_dma2 semaphore(%run_scoped3A : memref<!tpu.dma_semaphore, #tpu.memory_space<semaphore_mem>>) src(%arg5 : memref<12800xf32, #tpu.memory_space<hbm>>) dst(%arg7 : memref<12800xf32, #tpu.memory_space<vmem>>)
      tpu.yield
    }) : () -> ()
    %dma_start3A = arith.constant 0 : i32
    %dma_start3A_3 = arith.constant 0 : i32
    %dma_start3A_4 = arith.constant 0 : i32
    %dma_start3A_5 = tpu.memref_slice %arg8[%dma_start3A_3, %dma_start3A_4] : memref<4x128xi32, #tpu.memory_space<vmem>> -> memref<1x128xi32, #tpu.memory_space<vmem>>
    %dma_start3A_6 = tpu.memref_squeeze %dma_start3A_5 : memref<1x128xi32, #tpu.memory_space<vmem>> -> memref<128xi32, #tpu.memory_space<vmem>>
    %dma_start3A_7 = tpu.memref_slice %arg2[%dma_start3A, %mul3A_2] : memref<200x4096xi32, #tpu.memory_space<hbm>> -> memref<1x128xi32, #tpu.memory_space<hbm>>
    %dma_start3A_8 = tpu.memref_squeeze %dma_start3A_7 : memref<1x128xi32, #tpu.memory_space<hbm>> -> memref<128xi32, #tpu.memory_space<hbm>>
    %dma_start3A_9 = arith.constant 0 : i32
    %dma_start3A_10 = tpu.memref_slice %arg8[%dma_start3A_3, %dma_start3A_9] : memref<4x128xi32, #tpu.memory_space<vmem>> -> memref<1x128xi32, #tpu.memory_space<vmem>>
    %dma_start3A_11 = tpu.memref_squeeze %dma_start3A_10 : memref<1x128xi32, #tpu.memory_space<vmem>> -> memref<128xi32, #tpu.memory_space<vmem>>
    %dma_start3A_12 = tpu.memref_slice %arg2[%dma_start3A, %mul3A_2] : memref<200x4096xi32, #tpu.memory_space<hbm>> -> memref<1x128xi32, #tpu.memory_space<hbm>>
    %dma_start3A_13 = tpu.memref_squeeze %dma_start3A_12 : memref<1x128xi32, #tpu.memory_space<hbm>> -> memref<128xi32, #tpu.memory_space<hbm>>
    tpu.enqueue_dma source(%dma_start3A_13 : memref<128xi32, #tpu.memory_space<hbm>>) target(%dma_start3A_11 : memref<128xi32, #tpu.memory_space<vmem>>) target_semaphore(%arg12 : memref<!tpu.dma_semaphore, #tpu.memory_space<semaphore_mem>>)
    %dma_start3A_14 = arith.constant 0 : i32
    %dma_start3A_15 = arith.constant 0 : i32
    %dma_start3A_16 = arith.constant 0 : i32
    %dma_start3A_17 = tpu.memref_slice %arg9[%dma_start3A_15, %dma_start3A_16] : memref<4x128xi32, #tpu.memory_space<vmem>> -> memref<1x128xi32, #tpu.memory_space<vmem>>
    %dma_start3A_18 = tpu.memref_squeeze %dma_start3A_17 : memref<1x128xi32, #tpu.memory_space<vmem>> -> memref<128xi32, #tpu.memory_space<vmem>>
    %dma_start3A_19 = tpu.memref_slice %arg3[%dma_start3A_14, %mul3A_2] : memref<200x4096xi32, #tpu.memory_space<hbm>> -> memref<1x128xi32, #tpu.memory_space<hbm>>
    %dma_start3A_20 = tpu.memref_squeeze %dma_start3A_19 : memref<1x128xi32, #tpu.memory_space<hbm>> -> memref<128xi32, #tpu.memory_space<hbm>>
    %dma_start3A_21 = arith.constant 0 : i32
    %dma_start3A_22 = tpu.memref_slice %arg9[%dma_start3A_15, %dma_start3A_21] : memref<4x128xi32, #tpu.memory_space<vmem>> -> memref<1x128xi32, #tpu.memory_space<vmem>>
    %dma_start3A_23 = tpu.memref_squeeze %dma_start3A_22 : memref<1x128xi32, #tpu.memory_space<vmem>> -> memref<128xi32, #tpu.memory_space<vmem>>
    %dma_start3A_24 = tpu.memref_slice %arg3[%dma_start3A_14, %mul3A_2] : memref<200x4096xi32, #tpu.memory_space<hbm>> -> memref<1x128xi32, #tpu.memory_space<hbm>>
    %dma_start3A_25 = tpu.memref_squeeze %dma_start3A_24 : memref<1x128xi32, #tpu.memory_space<hbm>> -> memref<128xi32, #tpu.memory_space<hbm>>
    tpu.enqueue_dma source(%dma_start3A_25 : memref<128xi32, #tpu.memory_space<hbm>>) target(%dma_start3A_23 : memref<128xi32, #tpu.memory_space<vmem>>) target_semaphore(%arg16 : memref<!tpu.dma_semaphore, #tpu.memory_space<semaphore_mem>>)
    %dma_start3A_26 = arith.constant 1 : i32
    %dma_start3A_27 = arith.constant 1 : i32
    %dma_start3A_28 = arith.constant 0 : i32
    %dma_start3A_29 = tpu.memref_slice %arg8[%dma_start3A_27, %dma_start3A_28] : memref<4x128xi32, #tpu.memory_space<vmem>> -> memref<1x128xi32, #tpu.memory_space<vmem>>
    %dma_start3A_30 = tpu.memref_squeeze %dma_start3A_29 : memref<1x128xi32, #tpu.memory_space<vmem>> -> memref<128xi32, #tpu.memory_space<vmem>>
    %dma_start3A_31 = tpu.memref_slice %arg2[%dma_start3A_26, %mul3A_2] : memref<200x4096xi32, #tpu.memory_space<hbm>> -> memref<1x128xi32, #tpu.memory_space<hbm>>
    %dma_start3A_32 = tpu.memref_squeeze %dma_start3A_31 : memref<1x128xi32, #tpu.memory_space<hbm>> -> memref<128xi32, #tpu.memory_space<hbm>>
    %dma_start3A_33 = arith.constant 0 : i32
    %dma_start3A_34 = tpu.memref_slice %arg8[%dma_start3A_27, %dma_start3A_33] : memref<4x128xi32, #tpu.memory_space<vmem>> -> memref<1x128xi32, #tpu.memory_space<vmem>>
    %dma_start3A_35 = tpu.memref_squeeze %dma_start3A_34 : memref<1x128xi32, #tpu.memory_space<vmem>> -> memref<128xi32, #tpu.memory_space<vmem>>
    %dma_start3A_36 = tpu.memref_slice %arg2[%dma_start3A_26, %mul3A_2] : memref<200x4096xi32, #tpu.memory_space<hbm>> -> memref<1x128xi32, #tpu.memory_space<hbm>>
    %dma_start3A_37 = tpu.memref_squeeze %dma_start3A_36 : memref<1x128xi32, #tpu.memory_space<hbm>> -> memref<128xi32, #tpu.memory_space<hbm>>
    tpu.enqueue_dma source(%dma_start3A_37 : memref<128xi32, #tpu.memory_space<hbm>>) target(%dma_start3A_35 : memref<128xi32, #tpu.memory_space<vmem>>) target_semaphore(%arg13 : memref<!tpu.dma_semaphore, #tpu.memory_space<semaphore_mem>>)
    %dma_start3A_38 = arith.constant 1 : i32
    %dma_start3A_39 = arith.constant 1 : i32
    %dma_start3A_40 = arith.constant 0 : i32
    %dma_start3A_41 = tpu.memref_slice %arg9[%dma_start3A_39, %dma_start3A_40] : memref<4x128xi32, #tpu.memory_space<vmem>> -> memref<1x128xi32, #tpu.memory_space<vmem>>
    %dma_start3A_42 = tpu.memref_squeeze %dma_start3A_41 : memref<1x128xi32, #tpu.memory_space<vmem>> -> memref<128xi32, #tpu.memory_space<vmem>>
    %dma_start3A_43 = tpu.memref_slice %arg3[%dma_start3A_38, %mul3A_2] : memref<200x4096xi32, #tpu.memory_space<hbm>> -> memref<1x128xi32, #tpu.memory_space<hbm>>
    %dma_start3A_44 = tpu.memref_squeeze %dma_start3A_43 : memref<1x128xi32, #tpu.memory_space<hbm>> -> memref<128xi32, #tpu.memory_space<hbm>>
    %dma_start3A_45 = arith.constant 0 : i32
    %dma_start3A_46 = tpu.memref_slice %arg9[%dma_start3A_39, %dma_start3A_45] : memref<4x128xi32, #tpu.memory_space<vmem>> -> memref<1x128xi32, #tpu.memory_space<vmem>>
    %dma_start3A_47 = tpu.memref_squeeze %dma_start3A_46 : memref<1x128xi32, #tpu.memory_space<vmem>> -> memref<128xi32, #tpu.memory_space<vmem>>
    %dma_start3A_48 = tpu.memref_slice %arg3[%dma_start3A_38, %mul3A_2] : memref<200x4096xi32, #tpu.memory_space<hbm>> -> memref<1x128xi32, #tpu.memory_space<hbm>>
    %dma_start3A_49 = tpu.memref_squeeze %dma_start3A_48 : memref<1x128xi32, #tpu.memory_space<hbm>> -> memref<128xi32, #tpu.memory_space<hbm>>
    tpu.enqueue_dma source(%dma_start3A_49 : memref<128xi32, #tpu.memory_space<hbm>>) target(%dma_start3A_47 : memref<128xi32, #tpu.memory_space<vmem>>) target_semaphore(%arg17 : memref<!tpu.dma_semaphore, #tpu.memory_space<semaphore_mem>>)
    %dma_start3A_50 = arith.constant 2 : i32
    %dma_start3A_51 = arith.constant 2 : i32
    %dma_start3A_52 = arith.constant 0 : i32
    %dma_start3A_53 = tpu.memref_slice %arg8[%dma_start3A_51, %dma_start3A_52] : memref<4x128xi32, #tpu.memory_space<vmem>> -> memref<1x128xi32, #tpu.memory_space<vmem>>
    %dma_start3A_54 = tpu.memref_squeeze %dma_start3A_53 : memref<1x128xi32, #tpu.memory_space<vmem>> -> memref<128xi32, #tpu.memory_space<vmem>>
    %dma_start3A_55 = tpu.memref_slice %arg2[%dma_start3A_50, %mul3A_2] : memref<200x4096xi32, #tpu.memory_space<hbm>> -> memref<1x128xi32, #tpu.memory_space<hbm>>
    %dma_start3A_56 = tpu.memref_squeeze %dma_start3A_55 : memref<1x128xi32, #tpu.memory_space<hbm>> -> memref<128xi32, #tpu.memory_space<hbm>>
    %dma_start3A_57 = arith.constant 0 : i32
    %dma_start3A_58 = tpu.memref_slice %arg8[%dma_start3A_51, %dma_start3A_57] : memref<4x128xi32, #tpu.memory_space<vmem>> -> memref<1x128xi32, #tpu.memory_space<vmem>>
    %dma_start3A_59 = tpu.memref_squeeze %dma_start3A_58 : memref<1x128xi32, #tpu.memory_space<vmem>> -> memref<128xi32, #tpu.memory_space<vmem>>
    %dma_start3A_60 = tpu.memref_slice %arg2[%dma_start3A_50, %mul3A_2] : memref<200x4096xi32, #tpu.memory_space<hbm>> -> memref<1x128xi32, #tpu.memory_space<hbm>>
    %dma_start3A_61 = tpu.memref_squeeze %dma_start3A_60 : memref<1x128xi32, #tpu.memory_space<hbm>> -> memref<128xi32, #tpu.memory_space<hbm>>
    tpu.enqueue_dma source(%dma_start3A_61 : memref<128xi32, #tpu.memory_space<hbm>>) target(%dma_start3A_59 : memref<128xi32, #tpu.memory_space<vmem>>) target_semaphore(%arg14 : memref<!tpu.dma_semaphore, #tpu.memory_space<semaphore_mem>>)
    %dma_start3A_62 = arith.constant 2 : i32
    %dma_start3A_63 = arith.constant 2 : i32
    %dma_start3A_64 = arith.constant 0 : i32
    %dma_start3A_65 = tpu.memref_slice %arg9[%dma_start3A_63, %dma_start3A_64] : memref<4x128xi32, #tpu.memory_space<vmem>> -> memref<1x128xi32, #tpu.memory_space<vmem>>
    %dma_start3A_66 = tpu.memref_squeeze %dma_start3A_65 : memref<1x128xi32, #tpu.memory_space<vmem>> -> memref<128xi32, #tpu.memory_space<vmem>>
    %dma_start3A_67 = tpu.memref_slice %arg3[%dma_start3A_62, %mul3A_2] : memref<200x4096xi32, #tpu.memory_space<hbm>> -> memref<1x128xi32, #tpu.memory_space<hbm>>
    %dma_start3A_68 = tpu.memref_squeeze %dma_start3A_67 : memref<1x128xi32, #tpu.memory_space<hbm>> -> memref<128xi32, #tpu.memory_space<hbm>>
    %dma_start3A_69 = arith.constant 0 : i32
    %dma_start3A_70 = tpu.memref_slice %arg9[%dma_start3A_63, %dma_start3A_69] : memref<4x128xi32, #tpu.memory_space<vmem>> -> memref<1x128xi32, #tpu.memory_space<vmem>>
    %dma_start3A_71 = tpu.memref_squeeze %dma_start3A_70 : memref<1x128xi32, #tpu.memory_space<vmem>> -> memref<128xi32, #tpu.memory_space<vmem>>
    %dma_start3A_72 = tpu.memref_slice %arg3[%dma_start3A_62, %mul3A_2] : memref<200x4096xi32, #tpu.memory_space<hbm>> -> memref<1x128xi32, #tpu.memory_space<hbm>>
    %dma_start3A_73 = tpu.memref_squeeze %dma_start3A_72 : memref<1x128xi32, #tpu.memory_space<hbm>> -> memref<128xi32, #tpu.memory_space<hbm>>
    tpu.enqueue_dma source(%dma_start3A_73 : memref<128xi32, #tpu.memory_space<hbm>>) target(%dma_start3A_71 : memref<128xi32, #tpu.memory_space<vmem>>) target_semaphore(%arg18 : memref<!tpu.dma_semaphore, #tpu.memory_space<semaphore_mem>>)
    %dma_start3A_74 = arith.constant 3 : i32
    %dma_start3A_75 = arith.constant 3 : i32
    %dma_start3A_76 = arith.constant 0 : i32
    %dma_start3A_77 = tpu.memref_slice %arg8[%dma_start3A_75, %dma_start3A_76] : memref<4x128xi32, #tpu.memory_space<vmem>> -> memref<1x128xi32, #tpu.memory_space<vmem>>
    %dma_start3A_78 = tpu.memref_squeeze %dma_start3A_77 : memref<1x128xi32, #tpu.memory_space<vmem>> -> memref<128xi32, #tpu.memory_space<vmem>>
    %dma_start3A_79 = tpu.memref_slice %arg2[%dma_start3A_74, %mul3A_2] : memref<200x4096xi32, #tpu.memory_space<hbm>> -> memref<1x128xi32, #tpu.memory_space<hbm>>
    %dma_start3A_80 = tpu.memref_squeeze %dma_start3A_79 : memref<1x128xi32, #tpu.memory_space<hbm>> -> memref<128xi32, #tpu.memory_space<hbm>>
    %dma_start3A_81 = arith.constant 0 : i32
    %dma_start3A_82 = tpu.memref_slice %arg8[%dma_start3A_75, %dma_start3A_81] : memref<4x128xi32, #tpu.memory_space<vmem>> -> memref<1x128xi32, #tpu.memory_space<vmem>>
    %dma_start3A_83 = tpu.memref_squeeze %dma_start3A_82 : memref<1x128xi32, #tpu.memory_space<vmem>> -> memref<128xi32, #tpu.memory_space<vmem>>
    %dma_start3A_84 = tpu.memref_slice %arg2[%dma_start3A_74, %mul3A_2] : memref<200x4096xi32, #tpu.memory_space<hbm>> -> memref<1x128xi32, #tpu.memory_space<hbm>>
    %dma_start3A_85 = tpu.memref_squeeze %dma_start3A_84 : memref<1x128xi32, #tpu.memory_space<hbm>> -> memref<128xi32, #tpu.memory_space<hbm>>
    tpu.enqueue_dma source(%dma_start3A_85 : memref<128xi32, #tpu.memory_space<hbm>>) target(%dma_start3A_83 : memref<128xi32, #tpu.memory_space<vmem>>) target_semaphore(%arg15 : memref<!tpu.dma_semaphore, #tpu.memory_space<semaphore_mem>>)
    %dma_start3A_86 = arith.constant 3 : i32
    %dma_start3A_87 = arith.constant 3 : i32
    %dma_start3A_88 = arith.constant 0 : i32
    %dma_start3A_89 = tpu.memref_slice %arg9[%dma_start3A_87, %dma_start3A_88] : memref<4x128xi32, #tpu.memory_space<vmem>> -> memref<1x128xi32, #tpu.memory_space<vmem>>
    %dma_start3A_90 = tpu.memref_squeeze %dma_start3A_89 : memref<1x128xi32, #tpu.memory_space<vmem>> -> memref<128xi32, #tpu.memory_space<vmem>>
    %dma_start3A_91 = tpu.memref_slice %arg3[%dma_start3A_86, %mul3A_2] : memref<200x4096xi32, #tpu.memory_space<hbm>> -> memref<1x128xi32, #tpu.memory_space<hbm>>
    %dma_start3A_92 = tpu.memref_squeeze %dma_start3A_91 : memref<1x128xi32, #tpu.memory_space<hbm>> -> memref<128xi32, #tpu.memory_space<hbm>>
    %dma_start3A_93 = arith.constant 0 : i32
    %dma_start3A_94 = tpu.memref_slice %arg9[%dma_start3A_87, %dma_start3A_93] : memref<4x128xi32, #tpu.memory_space<vmem>> -> memref<1x128xi32, #tpu.memory_space<vmem>>
    %dma_start3A_95 = tpu.memref_squeeze %dma_start3A_94 : memref<1x128xi32, #tpu.memory_space<vmem>> -> memref<128xi32, #tpu.memory_space<vmem>>
    %dma_start3A_96 = tpu.memref_slice %arg3[%dma_start3A_86, %mul3A_2] : memref<200x4096xi32, #tpu.memory_space<hbm>> -> memref<1x128xi32, #tpu.memory_space<hbm>>
    %dma_start3A_97 = tpu.memref_squeeze %dma_start3A_96 : memref<1x128xi32, #tpu.memory_space<hbm>> -> memref<128xi32, #tpu.memory_space<hbm>>
    tpu.enqueue_dma source(%dma_start3A_97 : memref<128xi32, #tpu.memory_space<hbm>>) target(%dma_start3A_95 : memref<128xi32, #tpu.memory_space<vmem>>) target_semaphore(%arg19 : memref<!tpu.dma_semaphore, #tpu.memory_space<semaphore_mem>>)
    %dma_wait3A = arith.constant 0 : i32
    %dma_wait3A_98 = arith.constant 0 : i32
    %dma_wait3A_99 = arith.constant 0 : i32
    %dma_wait3A_100 = tpu.memref_slice %arg8[%dma_wait3A_98, %dma_wait3A_99] : memref<4x128xi32, #tpu.memory_space<vmem>> -> memref<1x128xi32, #tpu.memory_space<vmem>>
    %dma_wait3A_101 = tpu.memref_squeeze %dma_wait3A_100 : memref<1x128xi32, #tpu.memory_space<vmem>> -> memref<128xi32, #tpu.memory_space<vmem>>
    %dma_wait3A_102 = tpu.memref_slice %arg2[%dma_wait3A, %mul3A_2] : memref<200x4096xi32, #tpu.memory_space<hbm>> -> memref<1x128xi32, #tpu.memory_space<hbm>>
    %dma_wait3A_103 = tpu.memref_squeeze %dma_wait3A_102 : memref<1x128xi32, #tpu.memory_space<hbm>> -> memref<128xi32, #tpu.memory_space<hbm>>
    %dma_wait3A_104 = arith.constant 0 : i32
    %dma_wait3A_105 = tpu.memref_slice %arg8[%dma_wait3A_98, %dma_wait3A_104] : memref<4x128xi32, #tpu.memory_space<vmem>> -> memref<1x128xi32, #tpu.memory_space<vmem>>
    %dma_wait3A_106 = tpu.memref_squeeze %dma_wait3A_105 : memref<1x128xi32, #tpu.memory_space<vmem>> -> memref<128xi32, #tpu.memory_space<vmem>>
    %dma_wait3A_107 = tpu.memref_slice %arg2[%dma_wait3A, %mul3A_2] : memref<200x4096xi32, #tpu.memory_space<hbm>> -> memref<1x128xi32, #tpu.memory_space<hbm>>
    %dma_wait3A_108 = tpu.memref_squeeze %dma_wait3A_107 : memref<1x128xi32, #tpu.memory_space<hbm>> -> memref<128xi32, #tpu.memory_space<hbm>>
    tpu.wait_dma2 semaphore(%arg12 : memref<!tpu.dma_semaphore, #tpu.memory_space<semaphore_mem>>) src(%dma_wait3A_108 : memref<128xi32, #tpu.memory_space<hbm>>) dst(%dma_wait3A_106 : memref<128xi32, #tpu.memory_space<vmem>>)
    %dma_start3A_109 = arith.constant 0 : i32
    %dma_start3A_110 = arith.constant 0 : i32
    %dma_start3A_111 = arith.constant 0 : i32
    %dma_start3A_112 = arith.constant 0 : i32
    %dma_start3A_113 = tpu.memref_slice %arg10[%dma_start3A_110, %dma_start3A_111, %dma_start3A_112] : memref<4x128x128xf32, #tpu.memory_space<vmem>> -> memref<1x128x128xf32, #tpu.memory_space<vmem>>
    %dma_start3A_114 = tpu.memref_squeeze %dma_start3A_113 : memref<1x128x128xf32, #tpu.memory_space<vmem>> -> memref<128x128xf32, #tpu.memory_space<vmem>>
    %dma_start3A_115 = arith.constant 0 : i32
    %dma_start3A_116 = tpu.memref_slice %arg8[%dma_start3A_109, %dma_start3A_115] : memref<4x128xi32, #tpu.memory_space<vmem>> -> memref<1x128xi32, #tpu.memory_space<vmem>>
    %dma_start3A_117 = tpu.memref_squeeze %dma_start3A_116 : memref<1x128xi32, #tpu.memory_space<vmem>> -> memref<128xi32, #tpu.memory_space<vmem>>
    %dma_start3A_118 = arith.constant 0 : i32
    %dma_start3A_119 = arith.constant 0 : i32
    %dma_start3A_120 = tpu.memref_slice %arg4[%dma_start3A_118, %dma_start3A_119] : memref<500000x128xf32, #tpu.memory_space<hbm>> -> memref<500000x128xf32, #tpu.memory_space<hbm>>
    tpu.enqueue_indirect_dma source(%dma_start3A_120 : memref<500000x128xf32, #tpu.memory_space<hbm>>) target(%dma_start3A_114 : memref<128x128xf32, #tpu.memory_space<vmem>>) offsets(%dma_start3A_117 : memref<128xi32, #tpu.memory_space<vmem>>) semaphore(%arg20 : memref<!tpu.dma_semaphore, #tpu.memory_space<semaphore_mem>>)
    %dma_wait3A_121 = arith.constant 1 : i32
    %dma_wait3A_122 = arith.constant 1 : i32
    %dma_wait3A_123 = arith.constant 0 : i32
    %dma_wait3A_124 = tpu.memref_slice %arg8[%dma_wait3A_122, %dma_wait3A_123] : memref<4x128xi32, #tpu.memory_space<vmem>> -> memref<1x128xi32, #tpu.memory_space<vmem>>
    %dma_wait3A_125 = tpu.memref_squeeze %dma_wait3A_124 : memref<1x128xi32, #tpu.memory_space<vmem>> -> memref<128xi32, #tpu.memory_space<vmem>>
    %dma_wait3A_126 = tpu.memref_slice %arg2[%dma_wait3A_121, %mul3A_2] : memref<200x4096xi32, #tpu.memory_space<hbm>> -> memref<1x128xi32, #tpu.memory_space<hbm>>
    %dma_wait3A_127 = tpu.memref_squeeze %dma_wait3A_126 : memref<1x128xi32, #tpu.memory_space<hbm>> -> memref<128xi32, #tpu.memory_space<hbm>>
    %dma_wait3A_128 = arith.constant 0 : i32
    %dma_wait3A_129 = tpu.memref_slice %arg8[%dma_wait3A_122, %dma_wait3A_128] : memref<4x128xi32, #tpu.memory_space<vmem>> -> memref<1x128xi32, #tpu.memory_space<vmem>>
    %dma_wait3A_130 = tpu.memref_squeeze %dma_wait3A_129 : memref<1x128xi32, #tpu.memory_space<vmem>> -> memref<128xi32, #tpu.memory_space<vmem>>
    %dma_wait3A_131 = tpu.memref_slice %arg2[%dma_wait3A_121, %mul3A_2] : memref<200x4096xi32, #tpu.memory_space<hbm>> -> memref<1x128xi32, #tpu.memory_space<hbm>>
    %dma_wait3A_132 = tpu.memref_squeeze %dma_wait3A_131 : memref<1x128xi32, #tpu.memory_space<hbm>> -> memref<128xi32, #tpu.memory_space<hbm>>
    tpu.wait_dma2 semaphore(%arg13 : memref<!tpu.dma_semaphore, #tpu.memory_space<semaphore_mem>>) src(%dma_wait3A_132 : memref<128xi32, #tpu.memory_space<hbm>>) dst(%dma_wait3A_130 : memref<128xi32, #tpu.memory_space<vmem>>)
    %dma_start3A_133 = arith.constant 1 : i32
    %dma_start3A_134 = arith.constant 1 : i32
    %dma_start3A_135 = arith.constant 0 : i32
    %dma_start3A_136 = arith.constant 0 : i32
    %dma_start3A_137 = tpu.memref_slice %arg10[%dma_start3A_134, %dma_start3A_135, %dma_start3A_136] : memref<4x128x128xf32, #tpu.memory_space<vmem>> -> memref<1x128x128xf32, #tpu.memory_space<vmem>>
    %dma_start3A_138 = tpu.memref_squeeze %dma_start3A_137 : memref<1x128x128xf32, #tpu.memory_space<vmem>> -> memref<128x128xf32, #tpu.memory_space<vmem>>
    %dma_start3A_139 = arith.constant 0 : i32
    %dma_start3A_140 = tpu.memref_slice %arg8[%dma_start3A_133, %dma_start3A_139] : memref<4x128xi32, #tpu.memory_space<vmem>> -> memref<1x128xi32, #tpu.memory_space<vmem>>
    %dma_start3A_141 = tpu.memref_squeeze %dma_start3A_140 : memref<1x128xi32, #tpu.memory_space<vmem>> -> memref<128xi32, #tpu.memory_space<vmem>>
    %dma_start3A_142 = arith.constant 0 : i32
    %dma_start3A_143 = arith.constant 0 : i32
    %dma_start3A_144 = tpu.memref_slice %arg4[%dma_start3A_142, %dma_start3A_143] : memref<500000x128xf32, #tpu.memory_space<hbm>> -> memref<500000x128xf32, #tpu.memory_space<hbm>>
    tpu.enqueue_indirect_dma source(%dma_start3A_144 : memref<500000x128xf32, #tpu.memory_space<hbm>>) target(%dma_start3A_138 : memref<128x128xf32, #tpu.memory_space<vmem>>) offsets(%dma_start3A_141 : memref<128xi32, #tpu.memory_space<vmem>>) semaphore(%arg21 : memref<!tpu.dma_semaphore, #tpu.memory_space<semaphore_mem>>)
    %dma_wait3A_145 = arith.constant 2 : i32
    %dma_wait3A_146 = arith.constant 2 : i32
    %dma_wait3A_147 = arith.constant 0 : i32
    %dma_wait3A_148 = tpu.memref_slice %arg8[%dma_wait3A_146, %dma_wait3A_147] : memref<4x128xi32, #tpu.memory_space<vmem>> -> memref<1x128xi32, #tpu.memory_space<vmem>>
    %dma_wait3A_149 = tpu.memref_squeeze %dma_wait3A_148 : memref<1x128xi32, #tpu.memory_space<vmem>> -> memref<128xi32, #tpu.memory_space<vmem>>
    %dma_wait3A_150 = tpu.memref_slice %arg2[%dma_wait3A_145, %mul3A_2] : memref<200x4096xi32, #tpu.memory_space<hbm>> -> memref<1x128xi32, #tpu.memory_space<hbm>>
    %dma_wait3A_151 = tpu.memref_squeeze %dma_wait3A_150 : memref<1x128xi32, #tpu.memory_space<hbm>> -> memref<128xi32, #tpu.memory_space<hbm>>
    %dma_wait3A_152 = arith.constant 0 : i32
    %dma_wait3A_153 = tpu.memref_slice %arg8[%dma_wait3A_146, %dma_wait3A_152] : memref<4x128xi32, #tpu.memory_space<vmem>> -> memref<1x128xi32, #tpu.memory_space<vmem>>
    %dma_wait3A_154 = tpu.memref_squeeze %dma_wait3A_153 : memref<1x128xi32, #tpu.memory_space<vmem>> -> memref<128xi32, #tpu.memory_space<vmem>>
    %dma_wait3A_155 = tpu.memref_slice %arg2[%dma_wait3A_145, %mul3A_2] : memref<200x4096xi32, #tpu.memory_space<hbm>> -> memref<1x128xi32, #tpu.memory_space<hbm>>
    %dma_wait3A_156 = tpu.memref_squeeze %dma_wait3A_155 : memref<1x128xi32, #tpu.memory_space<hbm>> -> memref<128xi32, #tpu.memory_space<hbm>>
    tpu.wait_dma2 semaphore(%arg14 : memref<!tpu.dma_semaphore, #tpu.memory_space<semaphore_mem>>) src(%dma_wait3A_156 : memref<128xi32, #tpu.memory_space<hbm>>) dst(%dma_wait3A_154 : memref<128xi32, #tpu.memory_space<vmem>>)
    %dma_start3A_157 = arith.constant 2 : i32
    %dma_start3A_158 = arith.constant 2 : i32
    %dma_start3A_159 = arith.constant 0 : i32
    %dma_start3A_160 = arith.constant 0 : i32
    %dma_start3A_161 = tpu.memref_slice %arg10[%dma_start3A_158, %dma_start3A_159, %dma_start3A_160] : memref<4x128x128xf32, #tpu.memory_space<vmem>> -> memref<1x128x128xf32, #tpu.memory_space<vmem>>
    %dma_start3A_162 = tpu.memref_squeeze %dma_start3A_161 : memref<1x128x128xf32, #tpu.memory_space<vmem>> -> memref<128x128xf32, #tpu.memory_space<vmem>>
    %dma_start3A_163 = arith.constant 0 : i32
    %dma_start3A_164 = tpu.memref_slice %arg8[%dma_start3A_157, %dma_start3A_163] : memref<4x128xi32, #tpu.memory_space<vmem>> -> memref<1x128xi32, #tpu.memory_space<vmem>>
    %dma_start3A_165 = tpu.memref_squeeze %dma_start3A_164 : memref<1x128xi32, #tpu.memory_space<vmem>> -> memref<128xi32, #tpu.memory_space<vmem>>
    %dma_start3A_166 = arith.constant 0 : i32
    %dma_start3A_167 = arith.constant 0 : i32
    %dma_start3A_168 = tpu.memref_slice %arg4[%dma_start3A_166, %dma_start3A_167] : memref<500000x128xf32, #tpu.memory_space<hbm>> -> memref<500000x128xf32, #tpu.memory_space<hbm>>
    tpu.enqueue_indirect_dma source(%dma_start3A_168 : memref<500000x128xf32, #tpu.memory_space<hbm>>) target(%dma_start3A_162 : memref<128x128xf32, #tpu.memory_space<vmem>>) offsets(%dma_start3A_165 : memref<128xi32, #tpu.memory_space<vmem>>) semaphore(%arg22 : memref<!tpu.dma_semaphore, #tpu.memory_space<semaphore_mem>>)
    %iota3A = tpu.iota {dimensions = array<i32: 0>} : vector<16xi32>
    %scan3A = arith.constant 0 : i32
    %scan3A_169 = arith.constant 0 : i32
    %scan3A_170 = arith.constant 50 : i32
    %scan3A_171 = arith.addi %scan3A_169, %scan3A_170 : i32
    %scan3A_172 = arith.constant 1 : i32
    scf.for %scan3A_238 = %scan3A_169 to %scan3A_171 step %scan3A_172  : i32 {
      %mul3A_239 = arith.constant 4 : i32
      %mul3A_240 = arith.muli %scan3A_238, %mul3A_239 : i32
      %add3A_241 = arith.constant 0 : i32
      %add3A_242 = arith.addi %mul3A_240, %add3A_241 : i32
      %dma_wait3A_243 = arith.constant 0 : i32
      %dma_wait3A_244 = arith.constant 0 : i32
      %dma_wait3A_245 = arith.constant 0 : i32
      %dma_wait3A_246 = arith.constant 0 : i32
      %dma_wait3A_247 = tpu.memref_slice %arg10[%dma_wait3A_244, %dma_wait3A_245, %dma_wait3A_246] : memref<4x128x128xf32, #tpu.memory_space<vmem>> -> memref<1x128x128xf32, #tpu.memory_space<vmem>>
      %dma_wait3A_248 = tpu.memref_squeeze %dma_wait3A_247 : memref<1x128x128xf32, #tpu.memory_space<vmem>> -> memref<128x128xf32, #tpu.memory_space<vmem>>
      %dma_wait3A_249 = arith.constant 0 : i32
      %dma_wait3A_250 = tpu.memref_slice %arg8[%dma_wait3A_243, %dma_wait3A_249] : memref<4x128xi32, #tpu.memory_space<vmem>> -> memref<1x128xi32, #tpu.memory_space<vmem>>
      %dma_wait3A_251 = tpu.memref_squeeze %dma_wait3A_250 : memref<1x128xi32, #tpu.memory_space<vmem>> -> memref<128xi32, #tpu.memory_space<vmem>>
      %dma_wait3A_252 = arith.constant 0 : i32
      %dma_wait3A_253 = arith.constant 0 : i32
      %dma_wait3A_254 = tpu.memref_slice %arg4[%dma_wait3A_252, %dma_wait3A_253] : memref<500000x128xf32, #tpu.memory_space<hbm>> -> memref<500000x128xf32, #tpu.memory_space<hbm>>
      tpu.wait_indirect_dma semaphore(%arg20 : memref<!tpu.dma_semaphore, #tpu.memory_space<semaphore_mem>>) src(%dma_wait3A_254 : memref<500000x128xf32, #tpu.memory_space<hbm>>) dst(%dma_wait3A_248 : memref<128x128xf32, #tpu.memory_space<vmem>>)
      %add3A_255 = arith.constant 4 : i32
      %add3A_256 = arith.addi %add3A_242, %add3A_255 : i32
      %lt3A = arith.constant 200 : i32
      %lt3A_257 = arith.cmpi slt, %add3A_256, %lt3A : i32
      %convert_element_type3A = arith.extui %lt3A_257 : i1 to i32
      %cond3A = arith.constant 0 : i32
      %cond3A_258 = arith.cmpi ne, %convert_element_type3A, %cond3A : i32
      scf.if %cond3A_258 {
        %add3A_1123 = arith.constant 4 : i32
        %add3A_1124 = arith.addi %add3A_242, %add3A_1123 : i32
        %dma_start3A_1125 = arith.constant 0 : i32
        %dma_start3A_1126 = arith.constant 0 : i32
        %dma_start3A_1127 = tpu.memref_slice %arg8[%dma_start3A_1125, %dma_start3A_1126] : memref<4x128xi32, #tpu.memory_space<vmem>> -> memref<1x128xi32, #tpu.memory_space<vmem>>
        %dma_start3A_1128 = tpu.memref_squeeze %dma_start3A_1127 : memref<1x128xi32, #tpu.memory_space<vmem>> -> memref<128xi32, #tpu.memory_space<vmem>>
        %dma_start3A_1129 = tpu.memref_slice %arg2[%add3A_1124, %mul3A_2] : memref<200x4096xi32, #tpu.memory_space<hbm>> -> memref<1x128xi32, #tpu.memory_space<hbm>>
        %dma_start3A_1130 = tpu.memref_squeeze %dma_start3A_1129 : memref<1x128xi32, #tpu.memory_space<hbm>> -> memref<128xi32, #tpu.memory_space<hbm>>
        %dma_start3A_1131 = arith.constant 0 : i32
        %dma_start3A_1132 = tpu.memref_slice %arg8[%dma_start3A_1125, %dma_start3A_1131] : memref<4x128xi32, #tpu.memory_space<vmem>> -> memref<1x128xi32, #tpu.memory_space<vmem>>
        %dma_start3A_1133 = tpu.memref_squeeze %dma_start3A_1132 : memref<1x128xi32, #tpu.memory_space<vmem>> -> memref<128xi32, #tpu.memory_space<vmem>>
        %dma_start3A_1134 = tpu.memref_slice %arg2[%add3A_1124, %mul3A_2] : memref<200x4096xi32, #tpu.memory_space<hbm>> -> memref<1x128xi32, #tpu.memory_space<hbm>>
        %dma_start3A_1135 = tpu.memref_squeeze %dma_start3A_1134 : memref<1x128xi32, #tpu.memory_space<hbm>> -> memref<128xi32, #tpu.memory_space<hbm>>
        tpu.enqueue_dma source(%dma_start3A_1135 : memref<128xi32, #tpu.memory_space<hbm>>) target(%dma_start3A_1133 : memref<128xi32, #tpu.memory_space<vmem>>) target_semaphore(%arg12 : memref<!tpu.dma_semaphore, #tpu.memory_space<semaphore_mem>>)
      } else {
      }
      %add3A_259 = arith.constant 3 : i32
      %add3A_260 = arith.addi %add3A_242, %add3A_259 : i32
      %lt3A_261 = arith.constant 200 : i32
      %lt3A_262 = arith.cmpi slt, %add3A_260, %lt3A_261 : i32
      %convert_element_type3A_263 = arith.extui %lt3A_262 : i1 to i32
      %cond3A_264 = arith.constant 0 : i32
      %cond3A_265 = arith.cmpi ne, %convert_element_type3A_263, %cond3A_264 : i32
      scf.if %cond3A_265 {
        %add3A_1123 = arith.constant 3 : i32
        %add3A_1124 = arith.addi %add3A_242, %add3A_1123 : i32
        %dma_wait3A_1125 = arith.constant 3 : i32
        %dma_wait3A_1126 = arith.constant 0 : i32
        %dma_wait3A_1127 = tpu.memref_slice %arg8[%dma_wait3A_1125, %dma_wait3A_1126] : memref<4x128xi32, #tpu.memory_space<vmem>> -> memref<1x128xi32, #tpu.memory_space<vmem>>
        %dma_wait3A_1128 = tpu.memref_squeeze %dma_wait3A_1127 : memref<1x128xi32, #tpu.memory_space<vmem>> -> memref<128xi32, #tpu.memory_space<vmem>>
        %dma_wait3A_1129 = tpu.memref_slice %arg2[%add3A_1124, %mul3A_2] : memref<200x4096xi32, #tpu.memory_space<hbm>> -> memref<1x128xi32, #tpu.memory_space<hbm>>
        %dma_wait3A_1130 = tpu.memref_squeeze %dma_wait3A_1129 : memref<1x128xi32, #tpu.memory_space<hbm>> -> memref<128xi32, #tpu.memory_space<hbm>>
        %dma_wait3A_1131 = arith.constant 0 : i32
        %dma_wait3A_1132 = tpu.memref_slice %arg8[%dma_wait3A_1125, %dma_wait3A_1131] : memref<4x128xi32, #tpu.memory_space<vmem>> -> memref<1x128xi32, #tpu.memory_space<vmem>>
        %dma_wait3A_1133 = tpu.memref_squeeze %dma_wait3A_1132 : memref<1x128xi32, #tpu.memory_space<vmem>> -> memref<128xi32, #tpu.memory_space<vmem>>
        %dma_wait3A_1134 = tpu.memref_slice %arg2[%add3A_1124, %mul3A_2] : memref<200x4096xi32, #tpu.memory_space<hbm>> -> memref<1x128xi32, #tpu.memory_space<hbm>>
        %dma_wait3A_1135 = tpu.memref_squeeze %dma_wait3A_1134 : memref<1x128xi32, #tpu.memory_space<hbm>> -> memref<128xi32, #tpu.memory_space<hbm>>
        tpu.wait_dma2 semaphore(%arg15 : memref<!tpu.dma_semaphore, #tpu.memory_space<semaphore_mem>>) src(%dma_wait3A_1135 : memref<128xi32, #tpu.memory_space<hbm>>) dst(%dma_wait3A_1133 : memref<128xi32, #tpu.memory_space<vmem>>)
        %add3A_1136 = arith.constant 3 : i32
        %add3A_1137 = arith.addi %add3A_242, %add3A_1136 : i32
        %dma_start3A_1138 = arith.constant 3 : i32
        %dma_start3A_1139 = arith.constant 3 : i32
        %dma_start3A_1140 = arith.constant 0 : i32
        %dma_start3A_1141 = arith.constant 0 : i32
        %dma_start3A_1142 = tpu.memref_slice %arg10[%dma_start3A_1139, %dma_start3A_1140, %dma_start3A_1141] : memref<4x128x128xf32, #tpu.memory_space<vmem>> -> memref<1x128x128xf32, #tpu.memory_space<vmem>>
        %dma_start3A_1143 = tpu.memref_squeeze %dma_start3A_1142 : memref<1x128x128xf32, #tpu.memory_space<vmem>> -> memref<128x128xf32, #tpu.memory_space<vmem>>
        %dma_start3A_1144 = arith.constant 0 : i32
        %dma_start3A_1145 = tpu.memref_slice %arg8[%dma_start3A_1138, %dma_start3A_1144] : memref<4x128xi32, #tpu.memory_space<vmem>> -> memref<1x128xi32, #tpu.memory_space<vmem>>
        %dma_start3A_1146 = tpu.memref_squeeze %dma_start3A_1145 : memref<1x128xi32, #tpu.memory_space<vmem>> -> memref<128xi32, #tpu.memory_space<vmem>>
        %dma_start3A_1147 = arith.constant 0 : i32
        %dma_start3A_1148 = arith.constant 0 : i32
        %dma_start3A_1149 = tpu.memref_slice %arg4[%dma_start3A_1147, %dma_start3A_1148] : memref<500000x128xf32, #tpu.memory_space<hbm>> -> memref<500000x128xf32, #tpu.memory_space<hbm>>
        tpu.enqueue_indirect_dma source(%dma_start3A_1149 : memref<500000x128xf32, #tpu.memory_space<hbm>>) target(%dma_start3A_1143 : memref<128x128xf32, #tpu.memory_space<vmem>>) offsets(%dma_start3A_1146 : memref<128xi32, #tpu.memory_space<vmem>>) semaphore(%arg23 : memref<!tpu.dma_semaphore, #tpu.memory_space<semaphore_mem>>)
      } else {
      }
      %dma_wait3A_266 = arith.constant 0 : i32
      %dma_wait3A_267 = arith.constant 0 : i32
      %dma_wait3A_268 = tpu.memref_slice %arg9[%dma_wait3A_266, %dma_wait3A_267] : memref<4x128xi32, #tpu.memory_space<vmem>> -> memref<1x128xi32, #tpu.memory_space<vmem>>
      %dma_wait3A_269 = tpu.memref_squeeze %dma_wait3A_268 : memref<1x128xi32, #tpu.memory_space<vmem>> -> memref<128xi32, #tpu.memory_space<vmem>>
      %dma_wait3A_270 = tpu.memref_slice %arg3[%add3A_242, %mul3A_2] : memref<200x4096xi32, #tpu.memory_space<hbm>> -> memref<1x128xi32, #tpu.memory_space<hbm>>
      %dma_wait3A_271 = tpu.memref_squeeze %dma_wait3A_270 : memref<1x128xi32, #tpu.memory_space<hbm>> -> memref<128xi32, #tpu.memory_space<hbm>>
      %dma_wait3A_272 = arith.constant 0 : i32
      %dma_wait3A_273 = tpu.memref_slice %arg9[%dma_wait3A_266, %dma_wait3A_272] : memref<4x128xi32, #tpu.memory_space<vmem>> -> memref<1x128xi32, #tpu.memory_space<vmem>>
      %dma_wait3A_274 = tpu.memref_squeeze %dma_wait3A_273 : memref<1x128xi32, #tpu.memory_space<vmem>> -> memref<128xi32, #tpu.memory_space<vmem>>
      %dma_wait3A_275 = tpu.memref_slice %arg3[%add3A_242, %mul3A_2] : memref<200x4096xi32, #tpu.memory_space<hbm>> -> memref<1x128xi32, #tpu.memory_space<hbm>>
      %dma_wait3A_276 = tpu.memref_squeeze %dma_wait3A_275 : memref<1x128xi32, #tpu.memory_space<hbm>> -> memref<128xi32, #tpu.memory_space<hbm>>
      tpu.wait_dma2 semaphore(%arg16 : memref<!tpu.dma_semaphore, #tpu.memory_space<semaphore_mem>>) src(%dma_wait3A_276 : memref<128xi32, #tpu.memory_space<hbm>>) dst(%dma_wait3A_274 : memref<128xi32, #tpu.memory_space<vmem>>)
      %ge3A = arith.constant 4 : i32
      %ge3A_277 = arith.cmpi sge, %add3A_242, %ge3A : i32
      %convert_element_type3A_278 = arith.extui %ge3A_277 : i1 to i32
      %cond3A_279 = arith.constant 0 : i32
      %cond3A_280 = arith.cmpi ne, %convert_element_type3A_278, %cond3A_279 : i32
      scf.if %cond3A_280 {
        %sub3A = arith.constant 4 : i32
        %sub3A_1123 = arith.subi %add3A_242, %sub3A : i32
        %dma_wait3A_1124 = arith.constant 0 : i32
        %dma_wait3A_1125 = arith.constant 0 : i32
        %dma_wait3A_1126 = arith.constant 0 : i32
        %dma_wait3A_1127 = tpu.memref_slice %arg11[%dma_wait3A_1124, %dma_wait3A_1125, %dma_wait3A_1126] : memref<4x64x128xf32, #tpu.memory_space<vmem>> -> memref<1x64x128xf32, #tpu.memory_space<vmem>>
        %dma_wait3A_1128 = tpu.memref_squeeze %dma_wait3A_1127 : memref<1x64x128xf32, #tpu.memory_space<vmem>> -> memref<64x128xf32, #tpu.memory_space<vmem>>
        %dma_wait3A_1129 = arith.constant 0 : i32
        %dma_wait3A_1130 = tpu.memref_slice %arg6[%sub3A_1123, %dma_wait3A_1129, %mul3A_2] : memref<200x64x4096xf32, #tpu.memory_space<hbm>> -> memref<1x64x128xf32, #tpu.memory_space<hbm>>
        %dma_wait3A_1131 = tpu.memref_squeeze %dma_wait3A_1130 : memref<1x64x128xf32, #tpu.memory_space<hbm>> -> memref<64x128xf32, #tpu.memory_space<hbm>>
        %dma_wait3A_1132 = arith.constant 0 : i32
        %dma_wait3A_1133 = tpu.memref_slice %arg6[%sub3A_1123, %dma_wait3A_1132, %mul3A_2] : memref<200x64x4096xf32, #tpu.memory_space<hbm>> -> memref<1x64x128xf32, #tpu.memory_space<hbm>>
        %dma_wait3A_1134 = tpu.memref_squeeze %dma_wait3A_1133 : memref<1x64x128xf32, #tpu.memory_space<hbm>> -> memref<64x128xf32, #tpu.memory_space<hbm>>
        %dma_wait3A_1135 = arith.constant 0 : i32
        %dma_wait3A_1136 = arith.constant 0 : i32
        %dma_wait3A_1137 = tpu.memref_slice %arg11[%dma_wait3A_1124, %dma_wait3A_1135, %dma_wait3A_1136] : memref<4x64x128xf32, #tpu.memory_space<vmem>> -> memref<1x64x128xf32, #tpu.memory_space<vmem>>
        %dma_wait3A_1138 = tpu.memref_squeeze %dma_wait3A_1137 : memref<1x64x128xf32, #tpu.memory_space<vmem>> -> memref<64x128xf32, #tpu.memory_space<vmem>>
        tpu.wait_dma2 semaphore(%arg24 : memref<!tpu.dma_semaphore, #tpu.memory_space<semaphore_mem>>) src(%dma_wait3A_1138 : memref<64x128xf32, #tpu.memory_space<vmem>>) dst(%dma_wait3A_1134 : memref<64x128xf32, #tpu.memory_space<hbm>>)
      } else {
      }
      %get3A = arith.constant 0 : i32
      %get3A_281 = arith.index_cast %get3A : i32 to index
      %get3A_282 = arith.constant 0 : index
      %get3A_283 = tpu.vector_load %arg9[%get3A_281, %get3A_282] {strides = array<i32>} : memref<4x128xi32, #tpu.memory_space<vmem>>, vector<16xi32>,
      %add3A_284 = arith.constant 0 : i32
      %add3A_285 = vector.broadcast %add3A_284 : i32 to vector<16xi32>
      %add3A_286 = arith.addi %iota3A, %add3A_285 : vector<16xi32>
      %mul3A_287 = arith.constant 64 : i32
      %mul3A_288 = vector.broadcast %mul3A_287 : i32 to vector<16xi32>
      %mul3A_289 = arith.muli %get3A_283, %mul3A_288 : vector<16xi32>
      %get3A_290 = arith.constant 0 : i32
      %get3A_291 = arith.index_cast %get3A_290 : i32 to index
      %get3A_292 = arith.constant 16 : index
      %get3A_293 = tpu.vector_load %arg9[%get3A_291, %get3A_292] {strides = array<i32>} : memref<4x128xi32, #tpu.memory_space<vmem>>, vector<16xi32>,
      %add3A_294 = arith.constant 16 : i32
      %add3A_295 = vector.broadcast %add3A_294 : i32 to vector<16xi32>
      %add3A_296 = arith.addi %iota3A, %add3A_295 : vector<16xi32>
      %mul3A_297 = arith.constant 64 : i32
      %mul3A_298 = vector.broadcast %mul3A_297 : i32 to vector<16xi32>
      %mul3A_299 = arith.muli %get3A_293, %mul3A_298 : vector<16xi32>
      %get3A_300 = arith.constant 0 : i32
      %get3A_301 = arith.index_cast %get3A_300 : i32 to index
      %get3A_302 = arith.constant 32 : index
      %get3A_303 = tpu.vector_load %arg9[%get3A_301, %get3A_302] {strides = array<i32>} : memref<4x128xi32, #tpu.memory_space<vmem>>, vector<16xi32>,
      %add3A_304 = arith.constant 32 : i32
      %add3A_305 = vector.broadcast %add3A_304 : i32 to vector<16xi32>
      %add3A_306 = arith.addi %iota3A, %add3A_305 : vector<16xi32>
      %mul3A_307 = arith.constant 64 : i32
      %mul3A_308 = vector.broadcast %mul3A_307 : i32 to vector<16xi32>
      %mul3A_309 = arith.muli %get3A_303, %mul3A_308 : vector<16xi32>
      %get3A_310 = arith.constant 0 : i32
      %get3A_311 = arith.index_cast %get3A_310 : i32 to index
      %get3A_312 = arith.constant 48 : index
      %get3A_313 = tpu.vector_load %arg9[%get3A_311, %get3A_312] {strides = array<i32>} : memref<4x128xi32, #tpu.memory_space<vmem>>, vector<16xi32>,
      %add3A_314 = arith.constant 48 : i32
      %add3A_315 = vector.broadcast %add3A_314 : i32 to vector<16xi32>
      %add3A_316 = arith.addi %iota3A, %add3A_315 : vector<16xi32>
      %mul3A_317 = arith.constant 64 : i32
      %mul3A_318 = vector.broadcast %mul3A_317 : i32 to vector<16xi32>
      %mul3A_319 = arith.muli %get3A_313, %mul3A_318 : vector<16xi32>
      %get3A_320 = arith.constant 0 : i32
      %get3A_321 = arith.index_cast %get3A_320 : i32 to index
      %get3A_322 = arith.constant 64 : index
      %get3A_323 = tpu.vector_load %arg9[%get3A_321, %get3A_322] {strides = array<i32>} : memref<4x128xi32, #tpu.memory_space<vmem>>, vector<16xi32>,
      %add3A_324 = arith.constant 64 : i32
      %add3A_325 = vector.broadcast %add3A_324 : i32 to vector<16xi32>
      %add3A_326 = arith.addi %iota3A, %add3A_325 : vector<16xi32>
      %mul3A_327 = arith.constant 64 : i32
      %mul3A_328 = vector.broadcast %mul3A_327 : i32 to vector<16xi32>
      %mul3A_329 = arith.muli %get3A_323, %mul3A_328 : vector<16xi32>
      %get3A_330 = arith.constant 0 : i32
      %get3A_331 = arith.index_cast %get3A_330 : i32 to index
      %get3A_332 = arith.constant 80 : index
      %get3A_333 = tpu.vector_load %arg9[%get3A_331, %get3A_332] {strides = array<i32>} : memref<4x128xi32, #tpu.memory_space<vmem>>, vector<16xi32>,
      %add3A_334 = arith.constant 80 : i32
      %add3A_335 = vector.broadcast %add3A_334 : i32 to vector<16xi32>
      %add3A_336 = arith.addi %iota3A, %add3A_335 : vector<16xi32>
      %mul3A_337 = arith.constant 64 : i32
      %mul3A_338 = vector.broadcast %mul3A_337 : i32 to vector<16xi32>
      %mul3A_339 = arith.muli %get3A_333, %mul3A_338 : vector<16xi32>
      %get3A_340 = arith.constant 0 : i32
      %get3A_341 = arith.index_cast %get3A_340 : i32 to index
      %get3A_342 = arith.constant 96 : index
      %get3A_343 = tpu.vector_load %arg9[%get3A_341, %get3A_342] {strides = array<i32>} : memref<4x128xi32, #tpu.memory_space<vmem>>, vector<16xi32>,
      %add3A_344 = arith.constant 96 : i32
      %add3A_345 = vector.broadcast %add3A_344 : i32 to vector<16xi32>
      %add3A_346 = arith.addi %iota3A, %add3A_345 : vector<16xi32>
      %mul3A_347 = arith.constant 64 : i32
      %mul3A_348 = vector.broadcast %mul3A_347 : i32 to vector<16xi32>
      %mul3A_349 = arith.muli %get3A_343, %mul3A_348 : vector<16xi32>
      %get3A_350 = arith.constant 0 : i32
      %get3A_351 = arith.index_cast %get3A_350 : i32 to index
      %get3A_352 = arith.constant 112 : index
      %get3A_353 = tpu.vector_load %arg9[%get3A_351, %get3A_352] {strides = array<i32>} : memref<4x128xi32, #tpu.memory_space<vmem>>, vector<16xi32>,
      %add3A_354 = arith.constant 112 : i32
      %add3A_355 = vector.broadcast %add3A_354 : i32 to vector<16xi32>
      %add3A_356 = arith.addi %iota3A, %add3A_355 : vector<16xi32>
      %mul3A_357 = arith.constant 64 : i32
      %mul3A_358 = vector.broadcast %mul3A_357 : i32 to vector<16xi32>
      %mul3A_359 = arith.muli %get3A_353, %mul3A_358 : vector<16xi32>
      %mul3A_360 = arith.constant 64 : i32
      %mul3A_361 = arith.muli %add3A_242, %mul3A_360 : i32
      %broadcast_in_dim3A = vector.broadcast %mul3A_361 : i32 to vector<16xi32>
      %add3A_362 = arith.constant 0 : i32
      %add3A_363 = vector.broadcast %add3A_362 : i32 to vector<16xi32>
      %add3A_364 = arith.addi %add3A_363, %iota3A : vector<16xi32>
      %and3A = arith.constant 63 : i32
      %and3A_365 = vector.broadcast %and3A : i32 to vector<16xi32>
      %and3A_366 = arith.andi %add3A_364, %and3A_365 : vector<16xi32>
      %add3A_367 = arith.addi %mul3A_289, %and3A_366 : vector<16xi32>
      %gather3A = arith.constant 0 : i32
      %gather3A_368 = arith.constant 0 : i32
      %gather3A_369 = arith.constant 0 : i32
      %gather3A_370 = tpu.memref_slice %arg10[%gather3A, %gather3A_368, %gather3A_369] : memref<4x128x128xf32, #tpu.memory_space<vmem>> -> memref<1x128x128xf32, #tpu.memory_space<vmem>>
      %gather3A_371 = tpu.memref_squeeze %gather3A_370 : memref<1x128x128xf32, #tpu.memory_space<vmem>> -> memref<128x128xf32, #tpu.memory_space<vmem>>
      %gather3A_372 = tpu.vector_load_idx %gather3A_371[%add3A_286, %add3A_367] : memref<128x128xf32, #tpu.memory_space<vmem>>[vector<16xi32>, vector<16xi32>], vector<16xf32>,
      %add3A_373 = arith.addi %mul3A_299, %and3A_366 : vector<16xi32>
      %gather3A_374 = arith.constant 0 : i32
      %gather3A_375 = arith.constant 0 : i32
      %gather3A_376 = arith.constant 0 : i32
      %gather3A_377 = tpu.memref_slice %arg10[%gather3A_374, %gather3A_375, %gather3A_376] : memref<4x128x128xf32, #tpu.memory_space<vmem>> -> memref<1x128x128xf32, #tpu.memory_space<vmem>>
      %gather3A_378 = tpu.memref_squeeze %gather3A_377 : memref<1x128x128xf32, #tpu.memory_space<vmem>> -> memref<128x128xf32, #tpu.memory_space<vmem>>
      %gather3A_379 = tpu.vector_load_idx %gather3A_378[%add3A_296, %add3A_373] : memref<128x128xf32, #tpu.memory_space<vmem>>[vector<16xi32>, vector<16xi32>], vector<16xf32>,
      %add3A_380 = arith.addi %mul3A_309, %and3A_366 : vector<16xi32>
      %gather3A_381 = arith.constant 0 : i32
      %gather3A_382 = arith.constant 0 : i32
      %gather3A_383 = arith.constant 0 : i32
      %gather3A_384 = tpu.memref_slice %arg10[%gather3A_381, %gather3A_382, %gather3A_383] : memref<4x128x128xf32, #tpu.memory_space<vmem>> -> memref<1x128x128xf32, #tpu.memory_space<vmem>>
      %gather3A_385 = tpu.memref_squeeze %gather3A_384 : memref<1x128x128xf32, #tpu.memory_space<vmem>> -> memref<128x128xf32, #tpu.memory_space<vmem>>
      %gather3A_386 = tpu.vector_load_idx %gather3A_385[%add3A_306, %add3A_380] : memref<128x128xf32, #tpu.memory_space<vmem>>[vector<16xi32>, vector<16xi32>], vector<16xf32>,
      %add3A_387 = arith.addi %mul3A_319, %and3A_366 : vector<16xi32>
      %gather3A_388 = arith.constant 0 : i32
      %gather3A_389 = arith.constant 0 : i32
      %gather3A_390 = arith.constant 0 : i32
      %gather3A_391 = tpu.memref_slice %arg10[%gather3A_388, %gather3A_389, %gather3A_390] : memref<4x128x128xf32, #tpu.memory_space<vmem>> -> memref<1x128x128xf32, #tpu.memory_space<vmem>>
      %gather3A_392 = tpu.memref_squeeze %gather3A_391 : memref<1x128x128xf32, #tpu.memory_space<vmem>> -> memref<128x128xf32, #tpu.memory_space<vmem>>
      %gather3A_393 = tpu.vector_load_idx %gather3A_392[%add3A_316, %add3A_387] : memref<128x128xf32, #tpu.memory_space<vmem>>[vector<16xi32>, vector<16xi32>], vector<16xf32>,
      %add3A_394 = arith.addi %mul3A_329, %and3A_366 : vector<16xi32>
      %gather3A_395 = arith.constant 0 : i32
      %gather3A_396 = arith.constant 0 : i32
      %gather3A_397 = arith.constant 0 : i32
      %gather3A_398 = tpu.memref_slice %arg10[%gather3A_395, %gather3A_396, %gather3A_397] : memref<4x128x128xf32, #tpu.memory_space<vmem>> -> memref<1x128x128xf32, #tpu.memory_space<vmem>>
      %gather3A_399 = tpu.memref_squeeze %gather3A_398 : memref<1x128x128xf32, #tpu.memory_space<vmem>> -> memref<128x128xf32, #tpu.memory_space<vmem>>
      %gather3A_400 = tpu.vector_load_idx %gather3A_399[%add3A_326, %add3A_394] : memref<128x128xf32, #tpu.memory_space<vmem>>[vector<16xi32>, vector<16xi32>], vector<16xf32>,
      %add3A_401 = arith.addi %mul3A_339, %and3A_366 : vector<16xi32>
      %gather3A_402 = arith.constant 0 : i32
      %gather3A_403 = arith.constant 0 : i32
      %gather3A_404 = arith.constant 0 : i32
      %gather3A_405 = tpu.memref_slice %arg10[%gather3A_402, %gather3A_403, %gather3A_404] : memref<4x128x128xf32, #tpu.memory_space<vmem>> -> memref<1x128x128xf32, #tpu.memory_space<vmem>>
      %gather3A_406 = tpu.memref_squeeze %gather3A_405 : memref<1x128x128xf32, #tpu.memory_space<vmem>> -> memref<128x128xf32, #tpu.memory_space<vmem>>
      %gather3A_407 = tpu.vector_load_idx %gather3A_406[%add3A_336, %add3A_401] : memref<128x128xf32, #tpu.memory_space<vmem>>[vector<16xi32>, vector<16xi32>], vector<16xf32>,
      %add3A_408 = arith.addi %mul3A_349, %and3A_366 : vector<16xi32>
      %gather3A_409 = arith.constant 0 : i32
      %gather3A_410 = arith.constant 0 : i32
      %gather3A_411 = arith.constant 0 : i32
      %gather3A_412 = tpu.memref_slice %arg10[%gather3A_409, %gather3A_410, %gather3A_411] : memref<4x128x128xf32, #tpu.memory_space<vmem>> -> memref<1x128x128xf32, #tpu.memory_space<vmem>>
      %gather3A_413 = tpu.memref_squeeze %gather3A_412 : memref<1x128x128xf32, #tpu.memory_space<vmem>> -> memref<128x128xf32, #tpu.memory_space<vmem>>
      %gather3A_414 = tpu.vector_load_idx %gather3A_413[%add3A_346, %add3A_408] : memref<128x128xf32, #tpu.memory_space<vmem>>[vector<16xi32>, vector<16xi32>], vector<16xf32>,
      %add3A_415 = arith.addi %mul3A_359, %and3A_366 : vector<16xi32>
      %gather3A_416 = arith.constant 0 : i32
      %gather3A_417 = arith.constant 0 : i32
      %gather3A_418 = arith.constant 0 : i32
      %gather3A_419 = tpu.memref_slice %arg10[%gather3A_416, %gather3A_417, %gather3A_418] : memref<4x128x128xf32, #tpu.memory_space<vmem>> -> memref<1x128x128xf32, #tpu.memory_space<vmem>>
      %gather3A_420 = tpu.memref_squeeze %gather3A_419 : memref<1x128x128xf32, #tpu.memory_space<vmem>> -> memref<128x128xf32, #tpu.memory_space<vmem>>
      %gather3A_421 = tpu.vector_load_idx %gather3A_420[%add3A_356, %add3A_415] : memref<128x128xf32, #tpu.memory_space<vmem>>[vector<16xi32>, vector<16xi32>], vector<16xf32>,
      %add3A_422 = arith.addi %broadcast_in_dim3A, %and3A_366 : vector<16xi32>
      %gather3A_423 = tpu.vector_load_idx %arg7[%add3A_422] : memref<12800xf32, #tpu.memory_space<vmem>>[vector<16xi32>], vector<16xf32>,
      %scan3A_424 = arith.constant 0 : i32
      %scan3A_425 = arith.constant 0 : i32
      %scan3A_426 = arith.constant 0 : i32
      %scan3A_427 = arith.constant 64 : i32
      %scan3A_428 = arith.addi %scan3A_426, %scan3A_427 : i32
      %scan3A_429 = arith.constant 4 : i32
      %scan3A_430:10 = scf.for %scan3A_1123 = %scan3A_426 to %scan3A_428 step %scan3A_429 iter_args(%scan3A_1124 = %gather3A_372, %scan3A_1125 = %gather3A_379, %scan3A_1126 = %gather3A_386, %scan3A_1127 = %gather3A_393, %scan3A_1128 = %gather3A_400, %scan3A_1129 = %gather3A_407, %scan3A_1130 = %gather3A_414, %scan3A_1131 = %gather3A_421, %scan3A_1132 = %gather3A_423, %scan3A_1133 = %and3A_366) -> (vector<16xf32>, vector<16xf32>, vector<16xf32>, vector<16xf32>, vector<16xf32>, vector<16xf32>, vector<16xf32>, vector<16xf32>, vector<16xf32>, vector<16xi32>)  : i32 {
        %add3A_1134 = arith.constant 1 : i32
        %add3A_1135 = arith.addi %scan3A_1123, %add3A_1134 : i32
        %min3A = arith.constant 63 : i32
        %min3A_1136 = arith.minsi %add3A_1135, %min3A : i32
        %add3A_1137 = vector.broadcast %min3A_1136 : i32 to vector<16xi32>
        %add3A_1138 = arith.addi %add3A_1137, %iota3A : vector<16xi32>
        %and3A_1139 = arith.constant 63 : i32
        %and3A_1140 = vector.broadcast %and3A_1139 : i32 to vector<16xi32>
        %and3A_1141 = arith.andi %add3A_1138, %and3A_1140 : vector<16xi32>
        %add3A_1142 = arith.addi %mul3A_289, %and3A_1141 : vector<16xi32>
        %gather3A_1143 = arith.constant 0 : i32
        %gather3A_1144 = arith.constant 0 : i32
        %gather3A_1145 = tpu.memref_slice %arg10[%scan3A_424, %gather3A_1143, %gather3A_1144] : memref<4x128x128xf32, #tpu.memory_space<vmem>> -> memref<1x128x128xf32, #tpu.memory_space<vmem>>
        %gather3A_1146 = tpu.memref_squeeze %gather3A_1145 : memref<1x128x128xf32, #tpu.memory_space<vmem>> -> memref<128x128xf32, #tpu.memory_space<vmem>>
        %gather3A_1147 = tpu.vector_load_idx %gather3A_1146[%add3A_286, %add3A_1142] : memref<128x128xf32, #tpu.memory_space<vmem>>[vector<16xi32>, vector<16xi32>], vector<16xf32>,
        %add3A_1148 = arith.addi %mul3A_299, %and3A_1141 : vector<16xi32>
        %gather3A_1149 = arith.constant 0 : i32
        %gather3A_1150 = arith.constant 0 : i32
        %gather3A_1151 = tpu.memref_slice %arg10[%scan3A_424, %gather3A_1149, %gather3A_1150] : memref<4x128x128xf32, #tpu.memory_space<vmem>> -> memref<1x128x128xf32, #tpu.memory_space<vmem>>
        %gather3A_1152 = tpu.memref_squeeze %gather3A_1151 : memref<1x128x128xf32, #tpu.memory_space<vmem>> -> memref<128x128xf32, #tpu.memory_space<vmem>>
        %gather3A_1153 = tpu.vector_load_idx %gather3A_1152[%add3A_296, %add3A_1148] : memref<128x128xf32, #tpu.memory_space<vmem>>[vector<16xi32>, vector<16xi32>], vector<16xf32>,
        %add3A_1154 = arith.addi %mul3A_309, %and3A_1141 : vector<16xi32>
        %gather3A_1155 = arith.constant 0 : i32
        %gather3A_1156 = arith.constant 0 : i32
        %gather3A_1157 = tpu.memref_slice %arg10[%scan3A_424, %gather3A_1155, %gather3A_1156] : memref<4x128x128xf32, #tpu.memory_space<vmem>> -> memref<1x128x128xf32, #tpu.memory_space<vmem>>
        %gather3A_1158 = tpu.memref_squeeze %gather3A_1157 : memref<1x128x128xf32, #tpu.memory_space<vmem>> -> memref<128x128xf32, #tpu.memory_space<vmem>>
        %gather3A_1159 = tpu.vector_load_idx %gather3A_1158[%add3A_306, %add3A_1154] : memref<128x128xf32, #tpu.memory_space<vmem>>[vector<16xi32>, vector<16xi32>], vector<16xf32>,
        %add3A_1160 = arith.addi %mul3A_319, %and3A_1141 : vector<16xi32>
        %gather3A_1161 = arith.constant 0 : i32
        %gather3A_1162 = arith.constant 0 : i32
        %gather3A_1163 = tpu.memref_slice %arg10[%scan3A_424, %gather3A_1161, %gather3A_1162] : memref<4x128x128xf32, #tpu.memory_space<vmem>> -> memref<1x128x128xf32, #tpu.memory_space<vmem>>
        %gather3A_1164 = tpu.memref_squeeze %gather3A_1163 : memref<1x128x128xf32, #tpu.memory_space<vmem>> -> memref<128x128xf32, #tpu.memory_space<vmem>>
        %gather3A_1165 = tpu.vector_load_idx %gather3A_1164[%add3A_316, %add3A_1160] : memref<128x128xf32, #tpu.memory_space<vmem>>[vector<16xi32>, vector<16xi32>], vector<16xf32>,
        %add3A_1166 = arith.addi %mul3A_329, %and3A_1141 : vector<16xi32>
        %gather3A_1167 = arith.constant 0 : i32
        %gather3A_1168 = arith.constant 0 : i32
        %gather3A_1169 = tpu.memref_slice %arg10[%scan3A_424, %gather3A_1167, %gather3A_1168] : memref<4x128x128xf32, #tpu.memory_space<vmem>> -> memref<1x128x128xf32, #tpu.memory_space<vmem>>
        %gather3A_1170 = tpu.memref_squeeze %gather3A_1169 : memref<1x128x128xf32, #tpu.memory_space<vmem>> -> memref<128x128xf32, #tpu.memory_space<vmem>>
        %gather3A_1171 = tpu.vector_load_idx %gather3A_1170[%add3A_326, %add3A_1166] : memref<128x128xf32, #tpu.memory_space<vmem>>[vector<16xi32>, vector<16xi32>], vector<16xf32>,
        %add3A_1172 = arith.addi %mul3A_339, %and3A_1141 : vector<16xi32>
        %gather3A_1173 = arith.constant 0 : i32
        %gather3A_1174 = arith.constant 0 : i32
        %gather3A_1175 = tpu.memref_slice %arg10[%scan3A_424, %gather3A_1173, %gather3A_1174] : memref<4x128x128xf32, #tpu.memory_space<vmem>> -> memref<1x128x128xf32, #tpu.memory_space<vmem>>
        %gather3A_1176 = tpu.memref_squeeze %gather3A_1175 : memref<1x128x128xf32, #tpu.memory_space<vmem>> -> memref<128x128xf32, #tpu.memory_space<vmem>>
        %gather3A_1177 = tpu.vector_load_idx %gather3A_1176[%add3A_336, %add3A_1172] : memref<128x128xf32, #tpu.memory_space<vmem>>[vector<16xi32>, vector<16xi32>], vector<16xf32>,
        %add3A_1178 = arith.addi %mul3A_349, %and3A_1141 : vector<16xi32>
        %gather3A_1179 = arith.constant 0 : i32
        %gather3A_1180 = arith.constant 0 : i32
        %gather3A_1181 = tpu.memref_slice %arg10[%scan3A_424, %gather3A_1179, %gather3A_1180] : memref<4x128x128xf32, #tpu.memory_space<vmem>> -> memref<1x128x128xf32, #tpu.memory_space<vmem>>
        %gather3A_1182 = tpu.memref_squeeze %gather3A_1181 : memref<1x128x128xf32, #tpu.memory_space<vmem>> -> memref<128x128xf32, #tpu.memory_space<vmem>>
        %gather3A_1183 = tpu.vector_load_idx %gather3A_1182[%add3A_346, %add3A_1178] : memref<128x128xf32, #tpu.memory_space<vmem>>[vector<16xi32>, vector<16xi32>], vector<16xf32>,
        %add3A_1184 = arith.addi %mul3A_359, %and3A_1141 : vector<16xi32>
        %gather3A_1185 = arith.constant 0 : i32
        %gather3A_1186 = arith.constant 0 : i32
        %gather3A_1187 = tpu.memref_slice %arg10[%scan3A_424, %gather3A_1185, %gather3A_1186] : memref<4x128x128xf32, #tpu.memory_space<vmem>> -> memref<1x128x128xf32, #tpu.memory_space<vmem>>
        %gather3A_1188 = tpu.memref_squeeze %gather3A_1187 : memref<1x128x128xf32, #tpu.memory_space<vmem>> -> memref<128x128xf32, #tpu.memory_space<vmem>>
        %gather3A_1189 = tpu.vector_load_idx %gather3A_1188[%add3A_356, %add3A_1184] : memref<128x128xf32, #tpu.memory_space<vmem>>[vector<16xi32>, vector<16xi32>], vector<16xf32>,
        %add3A_1190 = arith.addi %broadcast_in_dim3A, %and3A_1141 : vector<16xi32>
        %gather3A_1191 = tpu.vector_load_idx %arg7[%add3A_1190] : memref<12800xf32, #tpu.memory_space<vmem>>[vector<16xi32>], vector<16xf32>,
        %mul3A_1192 = arith.constant 8.000000e+00 : f32
        %mul3A_1193 = vector.broadcast %mul3A_1192 : f32 to vector<16xf32>
        %mul3A_1194 = arith.mulf %scan3A_1124, %mul3A_1193 : vector<16xf32>
        %add3A_1195 = arith.addf %mul3A_1194, %scan3A_1132 : vector<16xf32>
        %scatter3A = arith.constant 0 : i32
        %scatter3A_1196 = arith.constant 0 : i32
        %scatter3A_1197 = tpu.memref_slice %arg11[%scan3A_425, %scatter3A, %scatter3A_1196] : memref<4x64x128xf32, #tpu.memory_space<vmem>> -> memref<1x64x128xf32, #tpu.memory_space<vmem>>
        %scatter3A_1198 = tpu.memref_squeeze %scatter3A_1197 : memref<1x64x128xf32, #tpu.memory_space<vmem>> -> memref<64x128xf32, #tpu.memory_space<vmem>>
        tpu.vector_store_idx %scatter3A_1198[%scan3A_1133, %add3A_286], %add3A_1195 : memref<64x128xf32, #tpu.memory_space<vmem>>[vector<16xi32>, vector<16xi32>], vector<16xf32>,
        %mul3A_1199 = arith.constant 8.000000e+00 : f32
        %mul3A_1200 = vector.broadcast %mul3A_1199 : f32 to vector<16xf32>
        %mul3A_1201 = arith.mulf %scan3A_1125, %mul3A_1200 : vector<16xf32>
        %add3A_1202 = arith.addf %mul3A_1201, %scan3A_1132 : vector<16xf32>
        %scatter3A_1203 = arith.constant 0 : i32
        %scatter3A_1204 = arith.constant 0 : i32
        %scatter3A_1205 = tpu.memref_slice %arg11[%scan3A_425, %scatter3A_1203, %scatter3A_1204] : memref<4x64x128xf32, #tpu.memory_space<vmem>> -> memref<1x64x128xf32, #tpu.memory_space<vmem>>
        %scatter3A_1206 = tpu.memref_squeeze %scatter3A_1205 : memref<1x64x128xf32, #tpu.memory_space<vmem>> -> memref<64x128xf32, #tpu.memory_space<vmem>>
        tpu.vector_store_idx %scatter3A_1206[%scan3A_1133, %add3A_296], %add3A_1202 : memref<64x128xf32, #tpu.memory_space<vmem>>[vector<16xi32>, vector<16xi32>], vector<16xf32>,
        %mul3A_1207 = arith.constant 8.000000e+00 : f32
        %mul3A_1208 = vector.broadcast %mul3A_1207 : f32 to vector<16xf32>
        %mul3A_1209 = arith.mulf %scan3A_1126, %mul3A_1208 : vector<16xf32>
        %add3A_1210 = arith.addf %mul3A_1209, %scan3A_1132 : vector<16xf32>
        %scatter3A_1211 = arith.constant 0 : i32
        %scatter3A_1212 = arith.constant 0 : i32
        %scatter3A_1213 = tpu.memref_slice %arg11[%scan3A_425, %scatter3A_1211, %scatter3A_1212] : memref<4x64x128xf32, #tpu.memory_space<vmem>> -> memref<1x64x128xf32, #tpu.memory_space<vmem>>
        %scatter3A_1214 = tpu.memref_squeeze %scatter3A_1213 : memref<1x64x128xf32, #tpu.memory_space<vmem>> -> memref<64x128xf32, #tpu.memory_space<vmem>>
        tpu.vector_store_idx %scatter3A_1214[%scan3A_1133, %add3A_306], %add3A_1210 : memref<64x128xf32, #tpu.memory_space<vmem>>[vector<16xi32>, vector<16xi32>], vector<16xf32>,
        %mul3A_1215 = arith.constant 8.000000e+00 : f32
        %mul3A_1216 = vector.broadcast %mul3A_1215 : f32 to vector<16xf32>
        %mul3A_1217 = arith.mulf %scan3A_1127, %mul3A_1216 : vector<16xf32>
        %add3A_1218 = arith.addf %mul3A_1217, %scan3A_1132 : vector<16xf32>
        %scatter3A_1219 = arith.constant 0 : i32
        %scatter3A_1220 = arith.constant 0 : i32
        %scatter3A_1221 = tpu.memref_slice %arg11[%scan3A_425, %scatter3A_1219, %scatter3A_1220] : memref<4x64x128xf32, #tpu.memory_space<vmem>> -> memref<1x64x128xf32, #tpu.memory_space<vmem>>
        %scatter3A_1222 = tpu.memref_squeeze %scatter3A_1221 : memref<1x64x128xf32, #tpu.memory_space<vmem>> -> memref<64x128xf32, #tpu.memory_space<vmem>>
        tpu.vector_store_idx %scatter3A_1222[%scan3A_1133, %add3A_316], %add3A_1218 : memref<64x128xf32, #tpu.memory_space<vmem>>[vector<16xi32>, vector<16xi32>], vector<16xf32>,
        %mul3A_1223 = arith.constant 8.000000e+00 : f32
        %mul3A_1224 = vector.broadcast %mul3A_1223 : f32 to vector<16xf32>
        %mul3A_1225 = arith.mulf %scan3A_1128, %mul3A_1224 : vector<16xf32>
        %add3A_1226 = arith.addf %mul3A_1225, %scan3A_1132 : vector<16xf32>
        %scatter3A_1227 = arith.constant 0 : i32
        %scatter3A_1228 = arith.constant 0 : i32
        %scatter3A_1229 = tpu.memref_slice %arg11[%scan3A_425, %scatter3A_1227, %scatter3A_1228] : memref<4x64x128xf32, #tpu.memory_space<vmem>> -> memref<1x64x128xf32, #tpu.memory_space<vmem>>
        %scatter3A_1230 = tpu.memref_squeeze %scatter3A_1229 : memref<1x64x128xf32, #tpu.memory_space<vmem>> -> memref<64x128xf32, #tpu.memory_space<vmem>>
        tpu.vector_store_idx %scatter3A_1230[%scan3A_1133, %add3A_326], %add3A_1226 : memref<64x128xf32, #tpu.memory_space<vmem>>[vector<16xi32>, vector<16xi32>], vector<16xf32>,
        %mul3A_1231 = arith.constant 8.000000e+00 : f32
        %mul3A_1232 = vector.broadcast %mul3A_1231 : f32 to vector<16xf32>
        %mul3A_1233 = arith.mulf %scan3A_1129, %mul3A_1232 : vector<16xf32>
        %add3A_1234 = arith.addf %mul3A_1233, %scan3A_1132 : vector<16xf32>
        %scatter3A_1235 = arith.constant 0 : i32
        %scatter3A_1236 = arith.constant 0 : i32
        %scatter3A_1237 = tpu.memref_slice %arg11[%scan3A_425, %scatter3A_1235, %scatter3A_1236] : memref<4x64x128xf32, #tpu.memory_space<vmem>> -> memref<1x64x128xf32, #tpu.memory_space<vmem>>
        %scatter3A_1238 = tpu.memref_squeeze %scatter3A_1237 : memref<1x64x128xf32, #tpu.memory_space<vmem>> -> memref<64x128xf32, #tpu.memory_space<vmem>>
        tpu.vector_store_idx %scatter3A_1238[%scan3A_1133, %add3A_336], %add3A_1234 : memref<64x128xf32, #tpu.memory_space<vmem>>[vector<16xi32>, vector<16xi32>], vector<16xf32>,
        %mul3A_1239 = arith.constant 8.000000e+00 : f32
        %mul3A_1240 = vector.broadcast %mul3A_1239 : f32 to vector<16xf32>
        %mul3A_1241 = arith.mulf %scan3A_1130, %mul3A_1240 : vector<16xf32>
        %add3A_1242 = arith.addf %mul3A_1241, %scan3A_1132 : vector<16xf32>
        %scatter3A_1243 = arith.constant 0 : i32
        %scatter3A_1244 = arith.constant 0 : i32
        %scatter3A_1245 = tpu.memref_slice %arg11[%scan3A_425, %scatter3A_1243, %scatter3A_1244] : memref<4x64x128xf32, #tpu.memory_space<vmem>> -> memref<1x64x128xf32, #tpu.memory_space<vmem>>
        %scatter3A_1246 = tpu.memref_squeeze %scatter3A_1245 : memref<1x64x128xf32, #tpu.memory_space<vmem>> -> memref<64x128xf32, #tpu.memory_space<vmem>>
        tpu.vector_store_idx %scatter3A_1246[%scan3A_1133, %add3A_346], %add3A_1242 : memref<64x128xf32, #tpu.memory_space<vmem>>[vector<16xi32>, vector<16xi32>], vector<16xf32>,
        %mul3A_1247 = arith.constant 8.000000e+00 : f32
        %mul3A_1248 = vector.broadcast %mul3A_1247 : f32 to vector<16xf32>
        %mul3A_1249 = arith.mulf %scan3A_1131, %mul3A_1248 : vector<16xf32>
        %add3A_1250 = arith.addf %mul3A_1249, %scan3A_1132 : vector<16xf32>
        %scatter3A_1251 = arith.constant 0 : i32
        %scatter3A_1252 = arith.constant 0 : i32
        %scatter3A_1253 = tpu.memref_slice %arg11[%scan3A_425, %scatter3A_1251, %scatter3A_1252] : memref<4x64x128xf32, #tpu.memory_space<vmem>> -> memref<1x64x128xf32, #tpu.memory_space<vmem>>
        %scatter3A_1254 = tpu.memref_squeeze %scatter3A_1253 : memref<1x64x128xf32, #tpu.memory_space<vmem>> -> memref<64x128xf32, #tpu.memory_space<vmem>>
        tpu.vector_store_idx %scatter3A_1254[%scan3A_1133, %add3A_356], %add3A_1250 : memref<64x128xf32, #tpu.memory_space<vmem>>[vector<16xi32>, vector<16xi32>], vector<16xf32>,
        %scan3A_1255 = arith.constant 1 : i32
        %scan3A_1256 = arith.addi %scan3A_1123, %scan3A_1255 : i32
        %add3A_1257 = arith.constant 1 : i32
        %add3A_1258 = arith.addi %scan3A_1256, %add3A_1257 : i32
        %min3A_1259 = arith.constant 63 : i32
        %min3A_1260 = arith.minsi %add3A_1258, %min3A_1259 : i32
        %add3A_1261 = vector.broadcast %min3A_1260 : i32 to vector<16xi32>
        %add3A_1262 = arith.addi %add3A_1261, %iota3A : vector<16xi32>
        %and3A_1263 = arith.constant 63 : i32
        %and3A_1264 = vector.broadcast %and3A_1263 : i32 to vector<16xi32>
        %and3A_1265 = arith.andi %add3A_1262, %and3A_1264 : vector<16xi32>
        %add3A_1266 = arith.addi %mul3A_289, %and3A_1265 : vector<16xi32>
        %gather3A_1267 = arith.constant 0 : i32
        %gather3A_1268 = arith.constant 0 : i32
        %gather3A_1269 = tpu.memref_slice %arg10[%scan3A_424, %gather3A_1267, %gather3A_1268] : memref<4x128x128xf32, #tpu.memory_space<vmem>> -> memref<1x128x128xf32, #tpu.memory_space<vmem>>
        %gather3A_1270 = tpu.memref_squeeze %gather3A_1269 : memref<1x128x128xf32, #tpu.memory_space<vmem>> -> memref<128x128xf32, #tpu.memory_space<vmem>>
        %gather3A_1271 = tpu.vector_load_idx %gather3A_1270[%add3A_286, %add3A_1266] : memref<128x128xf32, #tpu.memory_space<vmem>>[vector<16xi32>, vector<16xi32>], vector<16xf32>,
        %add3A_1272 = arith.addi %mul3A_299, %and3A_1265 : vector<16xi32>
        %gather3A_1273 = arith.constant 0 : i32
        %gather3A_1274 = arith.constant 0 : i32
        %gather3A_1275 = tpu.memref_slice %arg10[%scan3A_424, %gather3A_1273, %gather3A_1274] : memref<4x128x128xf32, #tpu.memory_space<vmem>> -> memref<1x128x128xf32, #tpu.memory_space<vmem>>
        %gather3A_1276 = tpu.memref_squeeze %gather3A_1275 : memref<1x128x128xf32, #tpu.memory_space<vmem>> -> memref<128x128xf32, #tpu.memory_space<vmem>>
        %gather3A_1277 = tpu.vector_load_idx %gather3A_1276[%add3A_296, %add3A_1272] : memref<128x128xf32, #tpu.memory_space<vmem>>[vector<16xi32>, vector<16xi32>], vector<16xf32>,
        %add3A_1278 = arith.addi %mul3A_309, %and3A_1265 : vector<16xi32>
        %gather3A_1279 = arith.constant 0 : i32
        %gather3A_1280 = arith.constant 0 : i32
        %gather3A_1281 = tpu.memref_slice %arg10[%scan3A_424, %gather3A_1279, %gather3A_1280] : memref<4x128x128xf32, #tpu.memory_space<vmem>> -> memref<1x128x128xf32, #tpu.memory_space<vmem>>
        %gather3A_1282 = tpu.memref_squeeze %gather3A_1281 : memref<1x128x128xf32, #tpu.memory_space<vmem>> -> memref<128x128xf32, #tpu.memory_space<vmem>>
        %gather3A_1283 = tpu.vector_load_idx %gather3A_1282[%add3A_306, %add3A_1278] : memref<128x128xf32, #tpu.memory_space<vmem>>[vector<16xi32>, vector<16xi32>], vector<16xf32>,
        %add3A_1284 = arith.addi %mul3A_319, %and3A_1265 : vector<16xi32>
        %gather3A_1285 = arith.constant 0 : i32
        %gather3A_1286 = arith.constant 0 : i32
        %gather3A_1287 = tpu.memref_slice %arg10[%scan3A_424, %gather3A_1285, %gather3A_1286] : memref<4x128x128xf32, #tpu.memory_space<vmem>> -> memref<1x128x128xf32, #tpu.memory_space<vmem>>
        %gather3A_1288 = tpu.memref_squeeze %gather3A_1287 : memref<1x128x128xf32, #tpu.memory_space<vmem>> -> memref<128x128xf32, #tpu.memory_space<vmem>>
        %gather3A_1289 = tpu.vector_load_idx %gather3A_1288[%add3A_316, %add3A_1284] : memref<128x128xf32, #tpu.memory_space<vmem>>[vector<16xi32>, vector<16xi32>], vector<16xf32>,
        %add3A_1290 = arith.addi %mul3A_329, %and3A_1265 : vector<16xi32>
        %gather3A_1291 = arith.constant 0 : i32
        %gather3A_1292 = arith.constant 0 : i32
        %gather3A_1293 = tpu.memref_slice %arg10[%scan3A_424, %gather3A_1291, %gather3A_1292] : memref<4x128x128xf32, #tpu.memory_space<vmem>> -> memref<1x128x128xf32, #tpu.memory_space<vmem>>
        %gather3A_1294 = tpu.memref_squeeze %gather3A_1293 : memref<1x128x128xf32, #tpu.memory_space<vmem>> -> memref<128x128xf32, #tpu.memory_space<vmem>>
        %gather3A_1295 = tpu.vector_load_idx %gather3A_1294[%add3A_326, %add3A_1290] : memref<128x128xf32, #tpu.memory_space<vmem>>[vector<16xi32>, vector<16xi32>], vector<16xf32>,
        %add3A_1296 = arith.addi %mul3A_339, %and3A_1265 : vector<16xi32>
        %gather3A_1297 = arith.constant 0 : i32
        %gather3A_1298 = arith.constant 0 : i32
        %gather3A_1299 = tpu.memref_slice %arg10[%scan3A_424, %gather3A_1297, %gather3A_1298] : memref<4x128x128xf32, #tpu.memory_space<vmem>> -> memref<1x128x128xf32, #tpu.memory_space<vmem>>
        %gather3A_1300 = tpu.memref_squeeze %gather3A_1299 : memref<1x128x128xf32, #tpu.memory_space<vmem>> -> memref<128x128xf32, #tpu.memory_space<vmem>>
        %gather3A_1301 = tpu.vector_load_idx %gather3A_1300[%add3A_336, %add3A_1296] : memref<128x128xf32, #tpu.memory_space<vmem>>[vector<16xi32>, vector<16xi32>], vector<16xf32>,
        %add3A_1302 = arith.addi %mul3A_349, %and3A_1265 : vector<16xi32>
        %gather3A_1303 = arith.constant 0 : i32
        %gather3A_1304 = arith.constant 0 : i32
        %gather3A_1305 = tpu.memref_slice %arg10[%scan3A_424, %gather3A_1303, %gather3A_1304] : memref<4x128x128xf32, #tpu.memory_space<vmem>> -> memref<1x128x128xf32, #tpu.memory_space<vmem>>
        %gather3A_1306 = tpu.memref_squeeze %gather3A_1305 : memref<1x128x128xf32, #tpu.memory_space<vmem>> -> memref<128x128xf32, #tpu.memory_space<vmem>>
        %gather3A_1307 = tpu.vector_load_idx %gather3A_1306[%add3A_346, %add3A_1302] : memref<128x128xf32, #tpu.memory_space<vmem>>[vector<16xi32>, vector<16xi32>], vector<16xf32>,
        %add3A_1308 = arith.addi %mul3A_359, %and3A_1265 : vector<16xi32>
        %gather3A_1309 = arith.constant 0 : i32
        %gather3A_1310 = arith.constant 0 : i32
        %gather3A_1311 = tpu.memref_slice %arg10[%scan3A_424, %gather3A_1309, %gather3A_1310] : memref<4x128x128xf32, #tpu.memory_space<vmem>> -> memref<1x128x128xf32, #tpu.memory_space<vmem>>
        %gather3A_1312 = tpu.memref_squeeze %gather3A_1311 : memref<1x128x128xf32, #tpu.memory_space<vmem>> -> memref<128x128xf32, #tpu.memory_space<vmem>>
        %gather3A_1313 = tpu.vector_load_idx %gather3A_1312[%add3A_356, %add3A_1308] : memref<128x128xf32, #tpu.memory_space<vmem>>[vector<16xi32>, vector<16xi32>], vector<16xf32>,
        %add3A_1314 = arith.addi %broadcast_in_dim3A, %and3A_1265 : vector<16xi32>
        %gather3A_1315 = tpu.vector_load_idx %arg7[%add3A_1314] : memref<12800xf32, #tpu.memory_space<vmem>>[vector<16xi32>], vector<16xf32>,
        %mul3A_1316 = arith.constant 8.000000e+00 : f32
        %mul3A_1317 = vector.broadcast %mul3A_1316 : f32 to vector<16xf32>
        %mul3A_1318 = arith.mulf %gather3A_1147, %mul3A_1317 : vector<16xf32>
        %add3A_1319 = arith.addf %mul3A_1318, %gather3A_1191 : vector<16xf32>
        %scatter3A_1320 = arith.constant 0 : i32
        %scatter3A_1321 = arith.constant 0 : i32
        %scatter3A_1322 = tpu.memref_slice %arg11[%scan3A_425, %scatter3A_1320, %scatter3A_1321] : memref<4x64x128xf32, #tpu.memory_space<vmem>> -> memref<1x64x128xf32, #tpu.memory_space<vmem>>
        %scatter3A_1323 = tpu.memref_squeeze %scatter3A_1322 : memref<1x64x128xf32, #tpu.memory_space<vmem>> -> memref<64x128xf32, #tpu.memory_space<vmem>>
        tpu.vector_store_idx %scatter3A_1323[%and3A_1141, %add3A_286], %add3A_1319 : memref<64x128xf32, #tpu.memory_space<vmem>>[vector<16xi32>, vector<16xi32>], vector<16xf32>,
        %mul3A_1324 = arith.constant 8.000000e+00 : f32
        %mul3A_1325 = vector.broadcast %mul3A_1324 : f32 to vector<16xf32>
        %mul3A_1326 = arith.mulf %gather3A_1153, %mul3A_1325 : vector<16xf32>
        %add3A_1327 = arith.addf %mul3A_1326, %gather3A_1191 : vector<16xf32>
        %scatter3A_1328 = arith.constant 0 : i32
        %scatter3A_1329 = arith.constant 0 : i32
        %scatter3A_1330 = tpu.memref_slice %arg11[%scan3A_425, %scatter3A_1328, %scatter3A_1329] : memref<4x64x128xf32, #tpu.memory_space<vmem>> -> memref<1x64x128xf32, #tpu.memory_space<vmem>>
        %scatter3A_1331 = tpu.memref_squeeze %scatter3A_1330 : memref<1x64x128xf32, #tpu.memory_space<vmem>> -> memref<64x128xf32, #tpu.memory_space<vmem>>
        tpu.vector_store_idx %scatter3A_1331[%and3A_1141, %add3A_296], %add3A_1327 : memref<64x128xf32, #tpu.memory_space<vmem>>[vector<16xi32>, vector<16xi32>], vector<16xf32>,
        %mul3A_1332 = arith.constant 8.000000e+00 : f32
        %mul3A_1333 = vector.broadcast %mul3A_1332 : f32 to vector<16xf32>
        %mul3A_1334 = arith.mulf %gather3A_1159, %mul3A_1333 : vector<16xf32>
        %add3A_1335 = arith.addf %mul3A_1334, %gather3A_1191 : vector<16xf32>
        %scatter3A_1336 = arith.constant 0 : i32
        %scatter3A_1337 = arith.constant 0 : i32
        %scatter3A_1338 = tpu.memref_slice %arg11[%scan3A_425, %scatter3A_1336, %scatter3A_1337] : memref<4x64x128xf32, #tpu.memory_space<vmem>> -> memref<1x64x128xf32, #tpu.memory_space<vmem>>
        %scatter3A_1339 = tpu.memref_squeeze %scatter3A_1338 : memref<1x64x128xf32, #tpu.memory_space<vmem>> -> memref<64x128xf32, #tpu.memory_space<vmem>>
        tpu.vector_store_idx %scatter3A_1339[%and3A_1141, %add3A_306], %add3A_1335 : memref<64x128xf32, #tpu.memory_space<vmem>>[vector<16xi32>, vector<16xi32>], vector<16xf32>,
        %mul3A_1340 = arith.constant 8.000000e+00 : f32
        %mul3A_1341 = vector.broadcast %mul3A_1340 : f32 to vector<16xf32>
        %mul3A_1342 = arith.mulf %gather3A_1165, %mul3A_1341 : vector<16xf32>
        %add3A_1343 = arith.addf %mul3A_1342, %gather3A_1191 : vector<16xf32>
        %scatter3A_1344 = arith.constant 0 : i32
        %scatter3A_1345 = arith.constant 0 : i32
        %scatter3A_1346 = tpu.memref_slice %arg11[%scan3A_425, %scatter3A_1344, %scatter3A_1345] : memref<4x64x128xf32, #tpu.memory_space<vmem>> -> memref<1x64x128xf32, #tpu.memory_space<vmem>>
        %scatter3A_1347 = tpu.memref_squeeze %scatter3A_1346 : memref<1x64x128xf32, #tpu.memory_space<vmem>> -> memref<64x128xf32, #tpu.memory_space<vmem>>
        tpu.vector_store_idx %scatter3A_1347[%and3A_1141, %add3A_316], %add3A_1343 : memref<64x128xf32, #tpu.memory_space<vmem>>[vector<16xi32>, vector<16xi32>], vector<16xf32>,
        %mul3A_1348 = arith.constant 8.000000e+00 : f32
        %mul3A_1349 = vector.broadcast %mul3A_1348 : f32 to vector<16xf32>
        %mul3A_1350 = arith.mulf %gather3A_1171, %mul3A_1349 : vector<16xf32>
        %add3A_1351 = arith.addf %mul3A_1350, %gather3A_1191 : vector<16xf32>
        %scatter3A_1352 = arith.constant 0 : i32
        %scatter3A_1353 = arith.constant 0 : i32
        %scatter3A_1354 = tpu.memref_slice %arg11[%scan3A_425, %scatter3A_1352, %scatter3A_1353] : memref<4x64x128xf32, #tpu.memory_space<vmem>> -> memref<1x64x128xf32, #tpu.memory_space<vmem>>
        %scatter3A_1355 = tpu.memref_squeeze %scatter3A_1354 : memref<1x64x128xf32, #tpu.memory_space<vmem>> -> memref<64x128xf32, #tpu.memory_space<vmem>>
        tpu.vector_store_idx %scatter3A_1355[%and3A_1141, %add3A_326], %add3A_1351 : memref<64x128xf32, #tpu.memory_space<vmem>>[vector<16xi32>, vector<16xi32>], vector<16xf32>,
        %mul3A_1356 = arith.constant 8.000000e+00 : f32
        %mul3A_1357 = vector.broadcast %mul3A_1356 : f32 to vector<16xf32>
        %mul3A_1358 = arith.mulf %gather3A_1177, %mul3A_1357 : vector<16xf32>
        %add3A_1359 = arith.addf %mul3A_1358, %gather3A_1191 : vector<16xf32>
        %scatter3A_1360 = arith.constant 0 : i32
        %scatter3A_1361 = arith.constant 0 : i32
        %scatter3A_1362 = tpu.memref_slice %arg11[%scan3A_425, %scatter3A_1360, %scatter3A_1361] : memref<4x64x128xf32, #tpu.memory_space<vmem>> -> memref<1x64x128xf32, #tpu.memory_space<vmem>>
        %scatter3A_1363 = tpu.memref_squeeze %scatter3A_1362 : memref<1x64x128xf32, #tpu.memory_space<vmem>> -> memref<64x128xf32, #tpu.memory_space<vmem>>
        tpu.vector_store_idx %scatter3A_1363[%and3A_1141, %add3A_336], %add3A_1359 : memref<64x128xf32, #tpu.memory_space<vmem>>[vector<16xi32>, vector<16xi32>], vector<16xf32>,
        %mul3A_1364 = arith.constant 8.000000e+00 : f32
        %mul3A_1365 = vector.broadcast %mul3A_1364 : f32 to vector<16xf32>
        %mul3A_1366 = arith.mulf %gather3A_1183, %mul3A_1365 : vector<16xf32>
        %add3A_1367 = arith.addf %mul3A_1366, %gather3A_1191 : vector<16xf32>
        %scatter3A_1368 = arith.constant 0 : i32
        %scatter3A_1369 = arith.constant 0 : i32
        %scatter3A_1370 = tpu.memref_slice %arg11[%scan3A_425, %scatter3A_1368, %scatter3A_1369] : memref<4x64x128xf32, #tpu.memory_space<vmem>> -> memref<1x64x128xf32, #tpu.memory_space<vmem>>
        %scatter3A_1371 = tpu.memref_squeeze %scatter3A_1370 : memref<1x64x128xf32, #tpu.memory_space<vmem>> -> memref<64x128xf32, #tpu.memory_space<vmem>>
        tpu.vector_store_idx %scatter3A_1371[%and3A_1141, %add3A_346], %add3A_1367 : memref<64x128xf32, #tpu.memory_space<vmem>>[vector<16xi32>, vector<16xi32>], vector<16xf32>,
        %mul3A_1372 = arith.constant 8.000000e+00 : f32
        %mul3A_1373 = vector.broadcast %mul3A_1372 : f32 to vector<16xf32>
        %mul3A_1374 = arith.mulf %gather3A_1189, %mul3A_1373 : vector<16xf32>
        %add3A_1375 = arith.addf %mul3A_1374, %gather3A_1191 : vector<16xf32>
        %scatter3A_1376 = arith.constant 0 : i32
        %scatter3A_1377 = arith.constant 0 : i32
        %scatter3A_1378 = tpu.memref_slice %arg11[%scan3A_425, %scatter3A_1376, %scatter3A_1377] : memref<4x64x128xf32, #tpu.memory_space<vmem>> -> memref<1x64x128xf32, #tpu.memory_space<vmem>>
        %scatter3A_1379 = tpu.memref_squeeze %scatter3A_1378 : memref<1x64x128xf32, #tpu.memory_space<vmem>> -> memref<64x128xf32, #tpu.memory_space<vmem>>
        tpu.vector_store_idx %scatter3A_1379[%and3A_1141, %add3A_356], %add3A_1375 : memref<64x128xf32, #tpu.memory_space<vmem>>[vector<16xi32>, vector<16xi32>], vector<16xf32>,
        %scan3A_1380 = arith.constant 2 : i32
        %scan3A_1381 = arith.addi %scan3A_1123, %scan3A_1380 : i32
        %add3A_1382 = arith.constant 1 : i32
        %add3A_1383 = arith.addi %scan3A_1381, %add3A_1382 : i32
        %min3A_1384 = arith.constant 63 : i32
        %min3A_1385 = arith.minsi %add3A_1383, %min3A_1384 : i32
        %add3A_1386 = vector.broadcast %min3A_1385 : i32 to vector<16xi32>
        %add3A_1387 = arith.addi %add3A_1386, %iota3A : vector<16xi32>
        %and3A_1388 = arith.constant 63 : i32
        %and3A_1389 = vector.broadcast %and3A_1388 : i32 to vector<16xi32>
        %and3A_1390 = arith.andi %add3A_1387, %and3A_1389 : vector<16xi32>
        %add3A_1391 = arith.addi %mul3A_289, %and3A_1390 : vector<16xi32>
        %gather3A_1392 = arith.constant 0 : i32
        %gather3A_1393 = arith.constant 0 : i32
        %gather3A_1394 = tpu.memref_slice %arg10[%scan3A_424, %gather3A_1392, %gather3A_1393] : memref<4x128x128xf32, #tpu.memory_space<vmem>> -> memref<1x128x128xf32, #tpu.memory_space<vmem>>
        %gather3A_1395 = tpu.memref_squeeze %gather3A_1394 : memref<1x128x128xf32, #tpu.memory_space<vmem>> -> memref<128x128xf32, #tpu.memory_space<vmem>>
        %gather3A_1396 = tpu.vector_load_idx %gather3A_1395[%add3A_286, %add3A_1391] : memref<128x128xf32, #tpu.memory_space<vmem>>[vector<16xi32>, vector<16xi32>], vector<16xf32>,
        %add3A_1397 = arith.addi %mul3A_299, %and3A_1390 : vector<16xi32>
        %gather3A_1398 = arith.constant 0 : i32
        %gather3A_1399 = arith.constant 0 : i32
        %gather3A_1400 = tpu.memref_slice %arg10[%scan3A_424, %gather3A_1398, %gather3A_1399] : memref<4x128x128xf32, #tpu.memory_space<vmem>> -> memref<1x128x128xf32, #tpu.memory_space<vmem>>
        %gather3A_1401 = tpu.memref_squeeze %gather3A_1400 : memref<1x128x128xf32, #tpu.memory_space<vmem>> -> memref<128x128xf32, #tpu.memory_space<vmem>>
        %gather3A_1402 = tpu.vector_load_idx %gather3A_1401[%add3A_296, %add3A_1397] : memref<128x128xf32, #tpu.memory_space<vmem>>[vector<16xi32>, vector<16xi32>], vector<16xf32>,
        %add3A_1403 = arith.addi %mul3A_309, %and3A_1390 : vector<16xi32>
        %gather3A_1404 = arith.constant 0 : i32
        %gather3A_1405 = arith.constant 0 : i32
        %gather3A_1406 = tpu.memref_slice %arg10[%scan3A_424, %gather3A_1404, %gather3A_1405] : memref<4x128x128xf32, #tpu.memory_space<vmem>> -> memref<1x128x128xf32, #tpu.memory_space<vmem>>
        %gather3A_1407 = tpu.memref_squeeze %gather3A_1406 : memref<1x128x128xf32, #tpu.memory_space<vmem>> -> memref<128x128xf32, #tpu.memory_space<vmem>>
        %gather3A_1408 = tpu.vector_load_idx %gather3A_1407[%add3A_306, %add3A_1403] : memref<128x128xf32, #tpu.memory_space<vmem>>[vector<16xi32>, vector<16xi32>], vector<16xf32>,
        %add3A_1409 = arith.addi %mul3A_319, %and3A_1390 : vector<16xi32>
        %gather3A_1410 = arith.constant 0 : i32
        %gather3A_1411 = arith.constant 0 : i32
        %gather3A_1412 = tpu.memref_slice %arg10[%scan3A_424, %gather3A_1410, %gather3A_1411] : memref<4x128x128xf32, #tpu.memory_space<vmem>> -> memref<1x128x128xf32, #tpu.memory_space<vmem>>
        %gather3A_1413 = tpu.memref_squeeze %gather3A_1412 : memref<1x128x128xf32, #tpu.memory_space<vmem>> -> memref<128x128xf32, #tpu.memory_space<vmem>>
        %gather3A_1414 = tpu.vector_load_idx %gather3A_1413[%add3A_316, %add3A_1409] : memref<128x128xf32, #tpu.memory_space<vmem>>[vector<16xi32>, vector<16xi32>], vector<16xf32>,
        %add3A_1415 = arith.addi %mul3A_329, %and3A_1390 : vector<16xi32>
        %gather3A_1416 = arith.constant 0 : i32
        %gather3A_1417 = arith.constant 0 : i32
        %gather3A_1418 = tpu.memref_slice %arg10[%scan3A_424, %gather3A_1416, %gather3A_1417] : memref<4x128x128xf32, #tpu.memory_space<vmem>> -> memref<1x128x128xf32, #tpu.memory_space<vmem>>
        %gather3A_1419 = tpu.memref_squeeze %gather3A_1418 : memref<1x128x128xf32, #tpu.memory_space<vmem>> -> memref<128x128xf32, #tpu.memory_space<vmem>>
        %gather3A_1420 = tpu.vector_load_idx %gather3A_1419[%add3A_326, %add3A_1415] : memref<128x128xf32, #tpu.memory_space<vmem>>[vector<16xi32>, vector<16xi32>], vector<16xf32>,
        %add3A_1421 = arith.addi %mul3A_339, %and3A_1390 : vector<16xi32>
        %gather3A_1422 = arith.constant 0 : i32
        %gather3A_1423 = arith.constant 0 : i32
        %gather3A_1424 = tpu.memref_slice %arg10[%scan3A_424, %gather3A_1422, %gather3A_1423] : memref<4x128x128xf32, #tpu.memory_space<vmem>> -> memref<1x128x128xf32, #tpu.memory_space<vmem>>
        %gather3A_1425 = tpu.memref_squeeze %gather3A_1424 : memref<1x128x128xf32, #tpu.memory_space<vmem>> -> memref<128x128xf32, #tpu.memory_space<vmem>>
        %gather3A_1426 = tpu.vector_load_idx %gather3A_1425[%add3A_336, %add3A_1421] : memref<128x128xf32, #tpu.memory_space<vmem>>[vector<16xi32>, vector<16xi32>], vector<16xf32>,
        %add3A_1427 = arith.addi %mul3A_349, %and3A_1390 : vector<16xi32>
        %gather3A_1428 = arith.constant 0 : i32
        %gather3A_1429 = arith.constant 0 : i32
        %gather3A_1430 = tpu.memref_slice %arg10[%scan3A_424, %gather3A_1428, %gather3A_1429] : memref<4x128x128xf32, #tpu.memory_space<vmem>> -> memref<1x128x128xf32, #tpu.memory_space<vmem>>
        %gather3A_1431 = tpu.memref_squeeze %gather3A_1430 : memref<1x128x128xf32, #tpu.memory_space<vmem>> -> memref<128x128xf32, #tpu.memory_space<vmem>>
        %gather3A_1432 = tpu.vector_load_idx %gather3A_1431[%add3A_346, %add3A_1427] : memref<128x128xf32, #tpu.memory_space<vmem>>[vector<16xi32>, vector<16xi32>], vector<16xf32>,
        %add3A_1433 = arith.addi %mul3A_359, %and3A_1390 : vector<16xi32>
        %gather3A_1434 = arith.constant 0 : i32
        %gather3A_1435 = arith.constant 0 : i32
        %gather3A_1436 = tpu.memref_slice %arg10[%scan3A_424, %gather3A_1434, %gather3A_1435] : memref<4x128x128xf32, #tpu.memory_space<vmem>> -> memref<1x128x128xf32, #tpu.memory_space<vmem>>
        %gather3A_1437 = tpu.memref_squeeze %gather3A_1436 : memref<1x128x128xf32, #tpu.memory_space<vmem>> -> memref<128x128xf32, #tpu.memory_space<vmem>>
        %gather3A_1438 = tpu.vector_load_idx %gather3A_1437[%add3A_356, %add3A_1433] : memref<128x128xf32, #tpu.memory_space<vmem>>[vector<16xi32>, vector<16xi32>], vector<16xf32>,
        %add3A_1439 = arith.addi %broadcast_in_dim3A, %and3A_1390 : vector<16xi32>
        %gather3A_1440 = tpu.vector_load_idx %arg7[%add3A_1439] : memref<12800xf32, #tpu.memory_space<vmem>>[vector<16xi32>], vector<16xf32>,
        %mul3A_1441 = arith.constant 8.000000e+00 : f32
        %mul3A_1442 = vector.broadcast %mul3A_1441 : f32 to vector<16xf32>
        %mul3A_1443 = arith.mulf %gather3A_1271, %mul3A_1442 : vector<16xf32>
        %add3A_1444 = arith.addf %mul3A_1443, %gather3A_1315 : vector<16xf32>
        %scatter3A_1445 = arith.constant 0 : i32
        %scatter3A_1446 = arith.constant 0 : i32
        %scatter3A_1447 = tpu.memref_slice %arg11[%scan3A_425, %scatter3A_1445, %scatter3A_1446] : memref<4x64x128xf32, #tpu.memory_space<vmem>> -> memref<1x64x128xf32, #tpu.memory_space<vmem>>
        %scatter3A_1448 = tpu.memref_squeeze %scatter3A_1447 : memref<1x64x128xf32, #tpu.memory_space<vmem>> -> memref<64x128xf32, #tpu.memory_space<vmem>>
        tpu.vector_store_idx %scatter3A_1448[%and3A_1265, %add3A_286], %add3A_1444 : memref<64x128xf32, #tpu.memory_space<vmem>>[vector<16xi32>, vector<16xi32>], vector<16xf32>,
        %mul3A_1449 = arith.constant 8.000000e+00 : f32
        %mul3A_1450 = vector.broadcast %mul3A_1449 : f32 to vector<16xf32>
        %mul3A_1451 = arith.mulf %gather3A_1277, %mul3A_1450 : vector<16xf32>
        %add3A_1452 = arith.addf %mul3A_1451, %gather3A_1315 : vector<16xf32>
        %scatter3A_1453 = arith.constant 0 : i32
        %scatter3A_1454 = arith.constant 0 : i32
        %scatter3A_1455 = tpu.memref_slice %arg11[%scan3A_425, %scatter3A_1453, %scatter3A_1454] : memref<4x64x128xf32, #tpu.memory_space<vmem>> -> memref<1x64x128xf32, #tpu.memory_space<vmem>>
        %scatter3A_1456 = tpu.memref_squeeze %scatter3A_1455 : memref<1x64x128xf32, #tpu.memory_space<vmem>> -> memref<64x128xf32, #tpu.memory_space<vmem>>
        tpu.vector_store_idx %scatter3A_1456[%and3A_1265, %add3A_296], %add3A_1452 : memref<64x128xf32, #tpu.memory_space<vmem>>[vector<16xi32>, vector<16xi32>], vector<16xf32>,
        %mul3A_1457 = arith.constant 8.000000e+00 : f32
        %mul3A_1458 = vector.broadcast %mul3A_1457 : f32 to vector<16xf32>
        %mul3A_1459 = arith.mulf %gather3A_1283, %mul3A_1458 : vector<16xf32>
        %add3A_1460 = arith.addf %mul3A_1459, %gather3A_1315 : vector<16xf32>
        %scatter3A_1461 = arith.constant 0 : i32
        %scatter3A_1462 = arith.constant 0 : i32
        %scatter3A_1463 = tpu.memref_slice %arg11[%scan3A_425, %scatter3A_1461, %scatter3A_1462] : memref<4x64x128xf32, #tpu.memory_space<vmem>> -> memref<1x64x128xf32, #tpu.memory_space<vmem>>
        %scatter3A_1464 = tpu.memref_squeeze %scatter3A_1463 : memref<1x64x128xf32, #tpu.memory_space<vmem>> -> memref<64x128xf32, #tpu.memory_space<vmem>>
        tpu.vector_store_idx %scatter3A_1464[%and3A_1265, %add3A_306], %add3A_1460 : memref<64x128xf32, #tpu.memory_space<vmem>>[vector<16xi32>, vector<16xi32>], vector<16xf32>,
        %mul3A_1465 = arith.constant 8.000000e+00 : f32
        %mul3A_1466 = vector.broadcast %mul3A_1465 : f32 to vector<16xf32>
        %mul3A_1467 = arith.mulf %gather3A_1289, %mul3A_1466 : vector<16xf32>
        %add3A_1468 = arith.addf %mul3A_1467, %gather3A_1315 : vector<16xf32>
        %scatter3A_1469 = arith.constant 0 : i32
        %scatter3A_1470 = arith.constant 0 : i32
        %scatter3A_1471 = tpu.memref_slice %arg11[%scan3A_425, %scatter3A_1469, %scatter3A_1470] : memref<4x64x128xf32, #tpu.memory_space<vmem>> -> memref<1x64x128xf32, #tpu.memory_space<vmem>>
        %scatter3A_1472 = tpu.memref_squeeze %scatter3A_1471 : memref<1x64x128xf32, #tpu.memory_space<vmem>> -> memref<64x128xf32, #tpu.memory_space<vmem>>
        tpu.vector_store_idx %scatter3A_1472[%and3A_1265, %add3A_316], %add3A_1468 : memref<64x128xf32, #tpu.memory_space<vmem>>[vector<16xi32>, vector<16xi32>], vector<16xf32>,
        %mul3A_1473 = arith.constant 8.000000e+00 : f32
        %mul3A_1474 = vector.broadcast %mul3A_1473 : f32 to vector<16xf32>
        %mul3A_1475 = arith.mulf %gather3A_1295, %mul3A_1474 : vector<16xf32>
        %add3A_1476 = arith.addf %mul3A_1475, %gather3A_1315 : vector<16xf32>
        %scatter3A_1477 = arith.constant 0 : i32
        %scatter3A_1478 = arith.constant 0 : i32
        %scatter3A_1479 = tpu.memref_slice %arg11[%scan3A_425, %scatter3A_1477, %scatter3A_1478] : memref<4x64x128xf32, #tpu.memory_space<vmem>> -> memref<1x64x128xf32, #tpu.memory_space<vmem>>
        %scatter3A_1480 = tpu.memref_squeeze %scatter3A_1479 : memref<1x64x128xf32, #tpu.memory_space<vmem>> -> memref<64x128xf32, #tpu.memory_space<vmem>>
        tpu.vector_store_idx %scatter3A_1480[%and3A_1265, %add3A_326], %add3A_1476 : memref<64x128xf32, #tpu.memory_space<vmem>>[vector<16xi32>, vector<16xi32>], vector<16xf32>,
        %mul3A_1481 = arith.constant 8.000000e+00 : f32
        %mul3A_1482 = vector.broadcast %mul3A_1481 : f32 to vector<16xf32>
        %mul3A_1483 = arith.mulf %gather3A_1301, %mul3A_1482 : vector<16xf32>
        %add3A_1484 = arith.addf %mul3A_1483, %gather3A_1315 : vector<16xf32>
        %scatter3A_1485 = arith.constant 0 : i32
        %scatter3A_1486 = arith.constant 0 : i32
        %scatter3A_1487 = tpu.memref_slice %arg11[%scan3A_425, %scatter3A_1485, %scatter3A_1486] : memref<4x64x128xf32, #tpu.memory_space<vmem>> -> memref<1x64x128xf32, #tpu.memory_space<vmem>>
        %scatter3A_1488 = tpu.memref_squeeze %scatter3A_1487 : memref<1x64x128xf32, #tpu.memory_space<vmem>> -> memref<64x128xf32, #tpu.memory_space<vmem>>
        tpu.vector_store_idx %scatter3A_1488[%and3A_1265, %add3A_336], %add3A_1484 : memref<64x128xf32, #tpu.memory_space<vmem>>[vector<16xi32>, vector<16xi32>], vector<16xf32>,
        %mul3A_1489 = arith.constant 8.000000e+00 : f32
        %mul3A_1490 = vector.broadcast %mul3A_1489 : f32 to vector<16xf32>
        %mul3A_1491 = arith.mulf %gather3A_1307, %mul3A_1490 : vector<16xf32>
        %add3A_1492 = arith.addf %mul3A_1491, %gather3A_1315 : vector<16xf32>
        %scatter3A_1493 = arith.constant 0 : i32
        %scatter3A_1494 = arith.constant 0 : i32
        %scatter3A_1495 = tpu.memref_slice %arg11[%scan3A_425, %scatter3A_1493, %scatter3A_1494] : memref<4x64x128xf32, #tpu.memory_space<vmem>> -> memref<1x64x128xf32, #tpu.memory_space<vmem>>
        %scatter3A_1496 = tpu.memref_squeeze %scatter3A_1495 : memref<1x64x128xf32, #tpu.memory_space<vmem>> -> memref<64x128xf32, #tpu.memory_space<vmem>>
        tpu.vector_store_idx %scatter3A_1496[%and3A_1265, %add3A_346], %add3A_1492 : memref<64x128xf32, #tpu.memory_space<vmem>>[vector<16xi32>, vector<16xi32>], vector<16xf32>,
        %mul3A_1497 = arith.constant 8.000000e+00 : f32
        %mul3A_1498 = vector.broadcast %mul3A_1497 : f32 to vector<16xf32>
        %mul3A_1499 = arith.mulf %gather3A_1313, %mul3A_1498 : vector<16xf32>
        %add3A_1500 = arith.addf %mul3A_1499, %gather3A_1315 : vector<16xf32>
        %scatter3A_1501 = arith.constant 0 : i32
        %scatter3A_1502 = arith.constant 0 : i32
        %scatter3A_1503 = tpu.memref_slice %arg11[%scan3A_425, %scatter3A_1501, %scatter3A_1502] : memref<4x64x128xf32, #tpu.memory_space<vmem>> -> memref<1x64x128xf32, #tpu.memory_space<vmem>>
        %scatter3A_1504 = tpu.memref_squeeze %scatter3A_1503 : memref<1x64x128xf32, #tpu.memory_space<vmem>> -> memref<64x128xf32, #tpu.memory_space<vmem>>
        tpu.vector_store_idx %scatter3A_1504[%and3A_1265, %add3A_356], %add3A_1500 : memref<64x128xf32, #tpu.memory_space<vmem>>[vector<16xi32>, vector<16xi32>], vector<16xf32>,
        %scan3A_1505 = arith.constant 3 : i32
        %scan3A_1506 = arith.addi %scan3A_1123, %scan3A_1505 : i32
        %add3A_1507 = arith.constant 1 : i32
        %add3A_1508 = arith.addi %scan3A_1506, %add3A_1507 : i32
        %min3A_1509 = arith.constant 63 : i32
        %min3A_1510 = arith.minsi %add3A_1508, %min3A_1509 : i32
        %add3A_1511 = vector.broadcast %min3A_1510 : i32 to vector<16xi32>
        %add3A_1512 = arith.addi %add3A_1511, %iota3A : vector<16xi32>
        %and3A_1513 = arith.constant 63 : i32
        %and3A_1514 = vector.broadcast %and3A_1513 : i32 to vector<16xi32>
        %and3A_1515 = arith.andi %add3A_1512, %and3A_1514 : vector<16xi32>
        %add3A_1516 = arith.addi %mul3A_289, %and3A_1515 : vector<16xi32>
        %gather3A_1517 = arith.constant 0 : i32
        %gather3A_1518 = arith.constant 0 : i32
        %gather3A_1519 = tpu.memref_slice %arg10[%scan3A_424, %gather3A_1517, %gather3A_1518] : memref<4x128x128xf32, #tpu.memory_space<vmem>> -> memref<1x128x128xf32, #tpu.memory_space<vmem>>
        %gather3A_1520 = tpu.memref_squeeze %gather3A_1519 : memref<1x128x128xf32, #tpu.memory_space<vmem>> -> memref<128x128xf32, #tpu.memory_space<vmem>>
        %gather3A_1521 = tpu.vector_load_idx %gather3A_1520[%add3A_286, %add3A_1516] : memref<128x128xf32, #tpu.memory_space<vmem>>[vector<16xi32>, vector<16xi32>], vector<16xf32>,
        %add3A_1522 = arith.addi %mul3A_299, %and3A_1515 : vector<16xi32>
        %gather3A_1523 = arith.constant 0 : i32
        %gather3A_1524 = arith.constant 0 : i32
        %gather3A_1525 = tpu.memref_slice %arg10[%scan3A_424, %gather3A_1523, %gather3A_1524] : memref<4x128x128xf32, #tpu.memory_space<vmem>> -> memref<1x128x128xf32, #tpu.memory_space<vmem>>
        %gather3A_1526 = tpu.memref_squeeze %gather3A_1525 : memref<1x128x128xf32, #tpu.memory_space<vmem>> -> memref<128x128xf32, #tpu.memory_space<vmem>>
        %gather3A_1527 = tpu.vector_load_idx %gather3A_1526[%add3A_296, %add3A_1522] : memref<128x128xf32, #tpu.memory_space<vmem>>[vector<16xi32>, vector<16xi32>], vector<16xf32>,
        %add3A_1528 = arith.addi %mul3A_309, %and3A_1515 : vector<16xi32>
        %gather3A_1529 = arith.constant 0 : i32
        %gather3A_1530 = arith.constant 0 : i32
        %gather3A_1531 = tpu.memref_slice %arg10[%scan3A_424, %gather3A_1529, %gather3A_1530] : memref<4x128x128xf32, #tpu.memory_space<vmem>> -> memref<1x128x128xf32, #tpu.memory_space<vmem>>
        %gather3A_1532 = tpu.memref_squeeze %gather3A_1531 : memref<1x128x128xf32, #tpu.memory_space<vmem>> -> memref<128x128xf32, #tpu.memory_space<vmem>>
        %gather3A_1533 = tpu.vector_load_idx %gather3A_1532[%add3A_306, %add3A_1528] : memref<128x128xf32, #tpu.memory_space<vmem>>[vector<16xi32>, vector<16xi32>], vector<16xf32>,
        %add3A_1534 = arith.addi %mul3A_319, %and3A_1515 : vector<16xi32>
        %gather3A_1535 = arith.constant 0 : i32
        %gather3A_1536 = arith.constant 0 : i32
        %gather3A_1537 = tpu.memref_slice %arg10[%scan3A_424, %gather3A_1535, %gather3A_1536] : memref<4x128x128xf32, #tpu.memory_space<vmem>> -> memref<1x128x128xf32, #tpu.memory_space<vmem>>
        %gather3A_1538 = tpu.memref_squeeze %gather3A_1537 : memref<1x128x128xf32, #tpu.memory_space<vmem>> -> memref<128x128xf32, #tpu.memory_space<vmem>>
        %gather3A_1539 = tpu.vector_load_idx %gather3A_1538[%add3A_316, %add3A_1534] : memref<128x128xf32, #tpu.memory_space<vmem>>[vector<16xi32>, vector<16xi32>], vector<16xf32>,
        %add3A_1540 = arith.addi %mul3A_329, %and3A_1515 : vector<16xi32>
        %gather3A_1541 = arith.constant 0 : i32
        %gather3A_1542 = arith.constant 0 : i32
        %gather3A_1543 = tpu.memref_slice %arg10[%scan3A_424, %gather3A_1541, %gather3A_1542] : memref<4x128x128xf32, #tpu.memory_space<vmem>> -> memref<1x128x128xf32, #tpu.memory_space<vmem>>
        %gather3A_1544 = tpu.memref_squeeze %gather3A_1543 : memref<1x128x128xf32, #tpu.memory_space<vmem>> -> memref<128x128xf32, #tpu.memory_space<vmem>>
        %gather3A_1545 = tpu.vector_load_idx %gather3A_1544[%add3A_326, %add3A_1540] : memref<128x128xf32, #tpu.memory_space<vmem>>[vector<16xi32>, vector<16xi32>], vector<16xf32>,
        %add3A_1546 = arith.addi %mul3A_339, %and3A_1515 : vector<16xi32>
        %gather3A_1547 = arith.constant 0 : i32
        %gather3A_1548 = arith.constant 0 : i32
        %gather3A_1549 = tpu.memref_slice %arg10[%scan3A_424, %gather3A_1547, %gather3A_1548] : memref<4x128x128xf32, #tpu.memory_space<vmem>> -> memref<1x128x128xf32, #tpu.memory_space<vmem>>
        %gather3A_1550 = tpu.memref_squeeze %gather3A_1549 : memref<1x128x128xf32, #tpu.memory_space<vmem>> -> memref<128x128xf32, #tpu.memory_space<vmem>>
        %gather3A_1551 = tpu.vector_load_idx %gather3A_1550[%add3A_336, %add3A_1546] : memref<128x128xf32, #tpu.memory_space<vmem>>[vector<16xi32>, vector<16xi32>], vector<16xf32>,
        %add3A_1552 = arith.addi %mul3A_349, %and3A_1515 : vector<16xi32>
        %gather3A_1553 = arith.constant 0 : i32
        %gather3A_1554 = arith.constant 0 : i32
        %gather3A_1555 = tpu.memref_slice %arg10[%scan3A_424, %gather3A_1553, %gather3A_1554] : memref<4x128x128xf32, #tpu.memory_space<vmem>> -> memref<1x128x128xf32, #tpu.memory_space<vmem>>
        %gather3A_1556 = tpu.memref_squeeze %gather3A_1555 : memref<1x128x128xf32, #tpu.memory_space<vmem>> -> memref<128x128xf32, #tpu.memory_space<vmem>>
        %gather3A_1557 = tpu.vector_load_idx %gather3A_1556[%add3A_346, %add3A_1552] : memref<128x128xf32, #tpu.memory_space<vmem>>[vector<16xi32>, vector<16xi32>], vector<16xf32>,
        %add3A_1558 = arith.addi %mul3A_359, %and3A_1515 : vector<16xi32>
        %gather3A_1559 = arith.constant 0 : i32
        %gather3A_1560 = arith.constant 0 : i32
        %gather3A_1561 = tpu.memref_slice %arg10[%scan3A_424, %gather3A_1559, %gather3A_1560] : memref<4x128x128xf32, #tpu.memory_space<vmem>> -> memref<1x128x128xf32, #tpu.memory_space<vmem>>
        %gather3A_1562 = tpu.memref_squeeze %gather3A_1561 : memref<1x128x128xf32, #tpu.memory_space<vmem>> -> memref<128x128xf32, #tpu.memory_space<vmem>>
        %gather3A_1563 = tpu.vector_load_idx %gather3A_1562[%add3A_356, %add3A_1558] : memref<128x128xf32, #tpu.memory_space<vmem>>[vector<16xi32>, vector<16xi32>], vector<16xf32>,
        %add3A_1564 = arith.addi %broadcast_in_dim3A, %and3A_1515 : vector<16xi32>
        %gather3A_1565 = tpu.vector_load_idx %arg7[%add3A_1564] : memref<12800xf32, #tpu.memory_space<vmem>>[vector<16xi32>], vector<16xf32>,
        %mul3A_1566 = arith.constant 8.000000e+00 : f32
        %mul3A_1567 = vector.broadcast %mul3A_1566 : f32 to vector<16xf32>
        %mul3A_1568 = arith.mulf %gather3A_1396, %mul3A_1567 : vector<16xf32>
        %add3A_1569 = arith.addf %mul3A_1568, %gather3A_1440 : vector<16xf32>
        %scatter3A_1570 = arith.constant 0 : i32
        %scatter3A_1571 = arith.constant 0 : i32
        %scatter3A_1572 = tpu.memref_slice %arg11[%scan3A_425, %scatter3A_1570, %scatter3A_1571] : memref<4x64x128xf32, #tpu.memory_space<vmem>> -> memref<1x64x128xf32, #tpu.memory_space<vmem>>
        %scatter3A_1573 = tpu.memref_squeeze %scatter3A_1572 : memref<1x64x128xf32, #tpu.memory_space<vmem>> -> memref<64x128xf32, #tpu.memory_space<vmem>>
        tpu.vector_store_idx %scatter3A_1573[%and3A_1390, %add3A_286], %add3A_1569 : memref<64x128xf32, #tpu.memory_space<vmem>>[vector<16xi32>, vector<16xi32>], vector<16xf32>,
        %mul3A_1574 = arith.constant 8.000000e+00 : f32
        %mul3A_1575 = vector.broadcast %mul3A_1574 : f32 to vector<16xf32>
        %mul3A_1576 = arith.mulf %gather3A_1402, %mul3A_1575 : vector<16xf32>
        %add3A_1577 = arith.addf %mul3A_1576, %gather3A_1440 : vector<16xf32>
        %scatter3A_1578 = arith.constant 0 : i32
        %scatter3A_1579 = arith.constant 0 : i32
        %scatter3A_1580 = tpu.memref_slice %arg11[%scan3A_425, %scatter3A_1578, %scatter3A_1579] : memref<4x64x128xf32, #tpu.memory_space<vmem>> -> memref<1x64x128xf32, #tpu.memory_space<vmem>>
        %scatter3A_1581 = tpu.memref_squeeze %scatter3A_1580 : memref<1x64x128xf32, #tpu.memory_space<vmem>> -> memref<64x128xf32, #tpu.memory_space<vmem>>
        tpu.vector_store_idx %scatter3A_1581[%and3A_1390, %add3A_296], %add3A_1577 : memref<64x128xf32, #tpu.memory_space<vmem>>[vector<16xi32>, vector<16xi32>], vector<16xf32>,
        %mul3A_1582 = arith.constant 8.000000e+00 : f32
        %mul3A_1583 = vector.broadcast %mul3A_1582 : f32 to vector<16xf32>
        %mul3A_1584 = arith.mulf %gather3A_1408, %mul3A_1583 : vector<16xf32>
        %add3A_1585 = arith.addf %mul3A_1584, %gather3A_1440 : vector<16xf32>
        %scatter3A_1586 = arith.constant 0 : i32
        %scatter3A_1587 = arith.constant 0 : i32
        %scatter3A_1588 = tpu.memref_slice %arg11[%scan3A_425, %scatter3A_1586, %scatter3A_1587] : memref<4x64x128xf32, #tpu.memory_space<vmem>> -> memref<1x64x128xf32, #tpu.memory_space<vmem>>
        %scatter3A_1589 = tpu.memref_squeeze %scatter3A_1588 : memref<1x64x128xf32, #tpu.memory_space<vmem>> -> memref<64x128xf32, #tpu.memory_space<vmem>>
        tpu.vector_store_idx %scatter3A_1589[%and3A_1390, %add3A_306], %add3A_1585 : memref<64x128xf32, #tpu.memory_space<vmem>>[vector<16xi32>, vector<16xi32>], vector<16xf32>,
        %mul3A_1590 = arith.constant 8.000000e+00 : f32
        %mul3A_1591 = vector.broadcast %mul3A_1590 : f32 to vector<16xf32>
        %mul3A_1592 = arith.mulf %gather3A_1414, %mul3A_1591 : vector<16xf32>
        %add3A_1593 = arith.addf %mul3A_1592, %gather3A_1440 : vector<16xf32>
        %scatter3A_1594 = arith.constant 0 : i32
        %scatter3A_1595 = arith.constant 0 : i32
        %scatter3A_1596 = tpu.memref_slice %arg11[%scan3A_425, %scatter3A_1594, %scatter3A_1595] : memref<4x64x128xf32, #tpu.memory_space<vmem>> -> memref<1x64x128xf32, #tpu.memory_space<vmem>>
        %scatter3A_1597 = tpu.memref_squeeze %scatter3A_1596 : memref<1x64x128xf32, #tpu.memory_space<vmem>> -> memref<64x128xf32, #tpu.memory_space<vmem>>
        tpu.vector_store_idx %scatter3A_1597[%and3A_1390, %add3A_316], %add3A_1593 : memref<64x128xf32, #tpu.memory_space<vmem>>[vector<16xi32>, vector<16xi32>], vector<16xf32>,
        %mul3A_1598 = arith.constant 8.000000e+00 : f32
        %mul3A_1599 = vector.broadcast %mul3A_1598 : f32 to vector<16xf32>
        %mul3A_1600 = arith.mulf %gather3A_1420, %mul3A_1599 : vector<16xf32>
        %add3A_1601 = arith.addf %mul3A_1600, %gather3A_1440 : vector<16xf32>
        %scatter3A_1602 = arith.constant 0 : i32
        %scatter3A_1603 = arith.constant 0 : i32
        %scatter3A_1604 = tpu.memref_slice %arg11[%scan3A_425, %scatter3A_1602, %scatter3A_1603] : memref<4x64x128xf32, #tpu.memory_space<vmem>> -> memref<1x64x128xf32, #tpu.memory_space<vmem>>
        %scatter3A_1605 = tpu.memref_squeeze %scatter3A_1604 : memref<1x64x128xf32, #tpu.memory_space<vmem>> -> memref<64x128xf32, #tpu.memory_space<vmem>>
        tpu.vector_store_idx %scatter3A_1605[%and3A_1390, %add3A_326], %add3A_1601 : memref<64x128xf32, #tpu.memory_space<vmem>>[vector<16xi32>, vector<16xi32>], vector<16xf32>,
        %mul3A_1606 = arith.constant 8.000000e+00 : f32
        %mul3A_1607 = vector.broadcast %mul3A_1606 : f32 to vector<16xf32>
        %mul3A_1608 = arith.mulf %gather3A_1426, %mul3A_1607 : vector<16xf32>
        %add3A_1609 = arith.addf %mul3A_1608, %gather3A_1440 : vector<16xf32>
        %scatter3A_1610 = arith.constant 0 : i32
        %scatter3A_1611 = arith.constant 0 : i32
        %scatter3A_1612 = tpu.memref_slice %arg11[%scan3A_425, %scatter3A_1610, %scatter3A_1611] : memref<4x64x128xf32, #tpu.memory_space<vmem>> -> memref<1x64x128xf32, #tpu.memory_space<vmem>>
        %scatter3A_1613 = tpu.memref_squeeze %scatter3A_1612 : memref<1x64x128xf32, #tpu.memory_space<vmem>> -> memref<64x128xf32, #tpu.memory_space<vmem>>
        tpu.vector_store_idx %scatter3A_1613[%and3A_1390, %add3A_336], %add3A_1609 : memref<64x128xf32, #tpu.memory_space<vmem>>[vector<16xi32>, vector<16xi32>], vector<16xf32>,
        %mul3A_1614 = arith.constant 8.000000e+00 : f32
        %mul3A_1615 = vector.broadcast %mul3A_1614 : f32 to vector<16xf32>
        %mul3A_1616 = arith.mulf %gather3A_1432, %mul3A_1615 : vector<16xf32>
        %add3A_1617 = arith.addf %mul3A_1616, %gather3A_1440 : vector<16xf32>
        %scatter3A_1618 = arith.constant 0 : i32
        %scatter3A_1619 = arith.constant 0 : i32
        %scatter3A_1620 = tpu.memref_slice %arg11[%scan3A_425, %scatter3A_1618, %scatter3A_1619] : memref<4x64x128xf32, #tpu.memory_space<vmem>> -> memref<1x64x128xf32, #tpu.memory_space<vmem>>
        %scatter3A_1621 = tpu.memref_squeeze %scatter3A_1620 : memref<1x64x128xf32, #tpu.memory_space<vmem>> -> memref<64x128xf32, #tpu.memory_space<vmem>>
        tpu.vector_store_idx %scatter3A_1621[%and3A_1390, %add3A_346], %add3A_1617 : memref<64x128xf32, #tpu.memory_space<vmem>>[vector<16xi32>, vector<16xi32>], vector<16xf32>,
        %mul3A_1622 = arith.constant 8.000000e+00 : f32
        %mul3A_1623 = vector.broadcast %mul3A_1622 : f32 to vector<16xf32>
        %mul3A_1624 = arith.mulf %gather3A_1438, %mul3A_1623 : vector<16xf32>
        %add3A_1625 = arith.addf %mul3A_1624, %gather3A_1440 : vector<16xf32>
        %scatter3A_1626 = arith.constant 0 : i32
        %scatter3A_1627 = arith.constant 0 : i32
        %scatter3A_1628 = tpu.memref_slice %arg11[%scan3A_425, %scatter3A_1626, %scatter3A_1627] : memref<4x64x128xf32, #tpu.memory_space<vmem>> -> memref<1x64x128xf32, #tpu.memory_space<vmem>>
        %scatter3A_1629 = tpu.memref_squeeze %scatter3A_1628 : memref<1x64x128xf32, #tpu.memory_space<vmem>> -> memref<64x128xf32, #tpu.memory_space<vmem>>
        tpu.vector_store_idx %scatter3A_1629[%and3A_1390, %add3A_356], %add3A_1625 : memref<64x128xf32, #tpu.memory_space<vmem>>[vector<16xi32>, vector<16xi32>], vector<16xf32>,
        scf.yield %gather3A_1521, %gather3A_1527, %gather3A_1533, %gather3A_1539, %gather3A_1545, %gather3A_1551, %gather3A_1557, %gather3A_1563, %gather3A_1565, %and3A_1515 : vector<16xf32>, vector<16xf32>, vector<16xf32>, vector<16xf32>, vector<16xf32>, vector<16xf32>, vector<16xf32>, vector<16xf32>, vector<16xf32>, vector<16xi32>
      }
      %scan3A_431 = arith.constant 64 : i32
      %add3A_432 = arith.constant 4 : i32
      %add3A_433 = arith.addi %add3A_242, %add3A_432 : i32
      %lt3A_434 = arith.constant 200 : i32
      %lt3A_435 = arith.cmpi slt, %add3A_433, %lt3A_434 : i32
      %convert_element_type3A_436 = arith.extui %lt3A_435 : i1 to i32
      %cond3A_437 = arith.constant 0 : i32
      %cond3A_438 = arith.cmpi ne, %convert_element_type3A_436, %cond3A_437 : i32
      scf.if %cond3A_438 {
        %add3A_1123 = arith.constant 4 : i32
        %add3A_1124 = arith.addi %add3A_242, %add3A_1123 : i32
        %dma_start3A_1125 = arith.constant 0 : i32
        %dma_start3A_1126 = arith.constant 0 : i32
        %dma_start3A_1127 = tpu.memref_slice %arg9[%dma_start3A_1125, %dma_start3A_1126] : memref<4x128xi32, #tpu.memory_space<vmem>> -> memref<1x128xi32, #tpu.memory_space<vmem>>
        %dma_start3A_1128 = tpu.memref_squeeze %dma_start3A_1127 : memref<1x128xi32, #tpu.memory_space<vmem>> -> memref<128xi32, #tpu.memory_space<vmem>>
        %dma_start3A_1129 = tpu.memref_slice %arg3[%add3A_1124, %mul3A_2] : memref<200x4096xi32, #tpu.memory_space<hbm>> -> memref<1x128xi32, #tpu.memory_space<hbm>>
        %dma_start3A_1130 = tpu.memref_squeeze %dma_start3A_1129 : memref<1x128xi32, #tpu.memory_space<hbm>> -> memref<128xi32, #tpu.memory_space<hbm>>
        %dma_start3A_1131 = arith.constant 0 : i32
        %dma_start3A_1132 = tpu.memref_slice %arg9[%dma_start3A_1125, %dma_start3A_1131] : memref<4x128xi32, #tpu.memory_space<vmem>> -> memref<1x128xi32, #tpu.memory_space<vmem>>
        %dma_start3A_1133 = tpu.memref_squeeze %dma_start3A_1132 : memref<1x128xi32, #tpu.memory_space<vmem>> -> memref<128xi32, #tpu.memory_space<vmem>>
        %dma_start3A_1134 = tpu.memref_slice %arg3[%add3A_1124, %mul3A_2] : memref<200x4096xi32, #tpu.memory_space<hbm>> -> memref<1x128xi32, #tpu.memory_space<hbm>>
        %dma_start3A_1135 = tpu.memref_squeeze %dma_start3A_1134 : memref<1x128xi32, #tpu.memory_space<hbm>> -> memref<128xi32, #tpu.memory_space<hbm>>
        tpu.enqueue_dma source(%dma_start3A_1135 : memref<128xi32, #tpu.memory_space<hbm>>) target(%dma_start3A_1133 : memref<128xi32, #tpu.memory_space<vmem>>) target_semaphore(%arg16 : memref<!tpu.dma_semaphore, #tpu.memory_space<semaphore_mem>>)
      } else {
      }
      %dma_start3A_439 = arith.constant 0 : i32
      %dma_start3A_440 = arith.constant 0 : i32
      %dma_start3A_441 = arith.constant 0 : i32
      %dma_start3A_442 = tpu.memref_slice %arg11[%dma_start3A_439, %dma_start3A_440, %dma_start3A_441] : memref<4x64x128xf32, #tpu.memory_space<vmem>> -> memref<1x64x128xf32, #tpu.memory_space<vmem>>
      %dma_start3A_443 = tpu.memref_squeeze %dma_start3A_442 : memref<1x64x128xf32, #tpu.memory_space<vmem>> -> memref<64x128xf32, #tpu.memory_space<vmem>>
      %dma_start3A_444 = arith.constant 0 : i32
      %dma_start3A_445 = tpu.memref_slice %arg6[%add3A_242, %dma_start3A_444, %mul3A_2] : memref<200x64x4096xf32, #tpu.memory_space<hbm>> -> memref<1x64x128xf32, #tpu.memory_space<hbm>>
      %dma_start3A_446 = tpu.memref_squeeze %dma_start3A_445 : memref<1x64x128xf32, #tpu.memory_space<hbm>> -> memref<64x128xf32, #tpu.memory_space<hbm>>
      %dma_start3A_447 = arith.constant 0 : i32
      %dma_start3A_448 = tpu.memref_slice %arg6[%add3A_242, %dma_start3A_447, %mul3A_2] : memref<200x64x4096xf32, #tpu.memory_space<hbm>> -> memref<1x64x128xf32, #tpu.memory_space<hbm>>
      %dma_start3A_449 = tpu.memref_squeeze %dma_start3A_448 : memref<1x64x128xf32, #tpu.memory_space<hbm>> -> memref<64x128xf32, #tpu.memory_space<hbm>>
      %dma_start3A_450 = arith.constant 0 : i32
      %dma_start3A_451 = arith.constant 0 : i32
      %dma_start3A_452 = tpu.memref_slice %arg11[%dma_start3A_439, %dma_start3A_450, %dma_start3A_451] : memref<4x64x128xf32, #tpu.memory_space<vmem>> -> memref<1x64x128xf32, #tpu.memory_space<vmem>>
      %dma_start3A_453 = tpu.memref_squeeze %dma_start3A_452 : memref<1x64x128xf32, #tpu.memory_space<vmem>> -> memref<64x128xf32, #tpu.memory_space<vmem>>
      tpu.enqueue_dma source(%dma_start3A_453 : memref<64x128xf32, #tpu.memory_space<vmem>>) target(%dma_start3A_449 : memref<64x128xf32, #tpu.memory_space<hbm>>) target_semaphore(%arg24 : memref<!tpu.dma_semaphore, #tpu.memory_space<semaphore_mem>>)
      %mul3A_454 = arith.constant 4 : i32
      %mul3A_455 = arith.muli %scan3A_238, %mul3A_454 : i32
      %add3A_456 = arith.constant 1 : i32
      %add3A_457 = arith.addi %mul3A_455, %add3A_456 : i32
      %dma_wait3A_458 = arith.constant 1 : i32
      %dma_wait3A_459 = arith.constant 1 : i32
      %dma_wait3A_460 = arith.constant 0 : i32
      %dma_wait3A_461 = arith.constant 0 : i32
      %dma_wait3A_462 = tpu.memref_slice %arg10[%dma_wait3A_459, %dma_wait3A_460, %dma_wait3A_461] : memref<4x128x128xf32, #tpu.memory_space<vmem>> -> memref<1x128x128xf32, #tpu.memory_space<vmem>>
      %dma_wait3A_463 = tpu.memref_squeeze %dma_wait3A_462 : memref<1x128x128xf32, #tpu.memory_space<vmem>> -> memref<128x128xf32, #tpu.memory_space<vmem>>
      %dma_wait3A_464 = arith.constant 0 : i32
      %dma_wait3A_465 = tpu.memref_slice %arg8[%dma_wait3A_458, %dma_wait3A_464] : memref<4x128xi32, #tpu.memory_space<vmem>> -> memref<1x128xi32, #tpu.memory_space<vmem>>
      %dma_wait3A_466 = tpu.memref_squeeze %dma_wait3A_465 : memref<1x128xi32, #tpu.memory_space<vmem>> -> memref<128xi32, #tpu.memory_space<vmem>>
      %dma_wait3A_467 = arith.constant 0 : i32
      %dma_wait3A_468 = arith.constant 0 : i32
      %dma_wait3A_469 = tpu.memref_slice %arg4[%dma_wait3A_467, %dma_wait3A_468] : memref<500000x128xf32, #tpu.memory_space<hbm>> -> memref<500000x128xf32, #tpu.memory_space<hbm>>
      tpu.wait_indirect_dma semaphore(%arg21 : memref<!tpu.dma_semaphore, #tpu.memory_space<semaphore_mem>>) src(%dma_wait3A_469 : memref<500000x128xf32, #tpu.memory_space<hbm>>) dst(%dma_wait3A_463 : memref<128x128xf32, #tpu.memory_space<vmem>>)
      %add3A_470 = arith.constant 4 : i32
      %add3A_471 = arith.addi %add3A_457, %add3A_470 : i32
      %lt3A_472 = arith.constant 200 : i32
      %lt3A_473 = arith.cmpi slt, %add3A_471, %lt3A_472 : i32
      %convert_element_type3A_474 = arith.extui %lt3A_473 : i1 to i32
      %cond3A_475 = arith.constant 0 : i32
      %cond3A_476 = arith.cmpi ne, %convert_element_type3A_474, %cond3A_475 : i32
      scf.if %cond3A_476 {
        %add3A_1123 = arith.constant 4 : i32
        %add3A_1124 = arith.addi %add3A_457, %add3A_1123 : i32
        %dma_start3A_1125 = arith.constant 1 : i32
        %dma_start3A_1126 = arith.constant 0 : i32
        %dma_start3A_1127 = tpu.memref_slice %arg8[%dma_start3A_1125, %dma_start3A_1126] : memref<4x128xi32, #tpu.memory_space<vmem>> -> memref<1x128xi32, #tpu.memory_space<vmem>>
        %dma_start3A_1128 = tpu.memref_squeeze %dma_start3A_1127 : memref<1x128xi32, #tpu.memory_space<vmem>> -> memref<128xi32, #tpu.memory_space<vmem>>
        %dma_start3A_1129 = tpu.memref_slice %arg2[%add3A_1124, %mul3A_2] : memref<200x4096xi32, #tpu.memory_space<hbm>> -> memref<1x128xi32, #tpu.memory_space<hbm>>
        %dma_start3A_1130 = tpu.memref_squeeze %dma_start3A_1129 : memref<1x128xi32, #tpu.memory_space<hbm>> -> memref<128xi32, #tpu.memory_space<hbm>>
        %dma_start3A_1131 = arith.constant 0 : i32
        %dma_start3A_1132 = tpu.memref_slice %arg8[%dma_start3A_1125, %dma_start3A_1131] : memref<4x128xi32, #tpu.memory_space<vmem>> -> memref<1x128xi32, #tpu.memory_space<vmem>>
        %dma_start3A_1133 = tpu.memref_squeeze %dma_start3A_1132 : memref<1x128xi32, #tpu.memory_space<vmem>> -> memref<128xi32, #tpu.memory_space<vmem>>
        %dma_start3A_1134 = tpu.memref_slice %arg2[%add3A_1124, %mul3A_2] : memref<200x4096xi32, #tpu.memory_space<hbm>> -> memref<1x128xi32, #tpu.memory_space<hbm>>
        %dma_start3A_1135 = tpu.memref_squeeze %dma_start3A_1134 : memref<1x128xi32, #tpu.memory_space<hbm>> -> memref<128xi32, #tpu.memory_space<hbm>>
        tpu.enqueue_dma source(%dma_start3A_1135 : memref<128xi32, #tpu.memory_space<hbm>>) target(%dma_start3A_1133 : memref<128xi32, #tpu.memory_space<vmem>>) target_semaphore(%arg13 : memref<!tpu.dma_semaphore, #tpu.memory_space<semaphore_mem>>)
      } else {
      }
      %add3A_477 = arith.constant 3 : i32
      %add3A_478 = arith.addi %add3A_457, %add3A_477 : i32
      %lt3A_479 = arith.constant 200 : i32
      %lt3A_480 = arith.cmpi slt, %add3A_478, %lt3A_479 : i32
      %convert_element_type3A_481 = arith.extui %lt3A_480 : i1 to i32
      %cond3A_482 = arith.constant 0 : i32
      %cond3A_483 = arith.cmpi ne, %convert_element_type3A_481, %cond3A_482 : i32
      scf.if %cond3A_483 {
        %add3A_1123 = arith.constant 3 : i32
        %add3A_1124 = arith.addi %add3A_457, %add3A_1123 : i32
        %dma_wait3A_1125 = arith.constant 0 : i32
        %dma_wait3A_1126 = arith.constant 0 : i32
        %dma_wait3A_1127 = tpu.memref_slice %arg8[%dma_wait3A_1125, %dma_wait3A_1126] : memref<4x128xi32, #tpu.memory_space<vmem>> -> memref<1x128xi32, #tpu.memory_space<vmem>>
        %dma_wait3A_1128 = tpu.memref_squeeze %dma_wait3A_1127 : memref<1x128xi32, #tpu.memory_space<vmem>> -> memref<128xi32, #tpu.memory_space<vmem>>
        %dma_wait3A_1129 = tpu.memref_slice %arg2[%add3A_1124, %mul3A_2] : memref<200x4096xi32, #tpu.memory_space<hbm>> -> memref<1x128xi32, #tpu.memory_space<hbm>>
        %dma_wait3A_1130 = tpu.memref_squeeze %dma_wait3A_1129 : memref<1x128xi32, #tpu.memory_space<hbm>> -> memref<128xi32, #tpu.memory_space<hbm>>
        %dma_wait3A_1131 = arith.constant 0 : i32
        %dma_wait3A_1132 = tpu.memref_slice %arg8[%dma_wait3A_1125, %dma_wait3A_1131] : memref<4x128xi32, #tpu.memory_space<vmem>> -> memref<1x128xi32, #tpu.memory_space<vmem>>
        %dma_wait3A_1133 = tpu.memref_squeeze %dma_wait3A_1132 : memref<1x128xi32, #tpu.memory_space<vmem>> -> memref<128xi32, #tpu.memory_space<vmem>>
        %dma_wait3A_1134 = tpu.memref_slice %arg2[%add3A_1124, %mul3A_2] : memref<200x4096xi32, #tpu.memory_space<hbm>> -> memref<1x128xi32, #tpu.memory_space<hbm>>
        %dma_wait3A_1135 = tpu.memref_squeeze %dma_wait3A_1134 : memref<1x128xi32, #tpu.memory_space<hbm>> -> memref<128xi32, #tpu.memory_space<hbm>>
        tpu.wait_dma2 semaphore(%arg12 : memref<!tpu.dma_semaphore, #tpu.memory_space<semaphore_mem>>) src(%dma_wait3A_1135 : memref<128xi32, #tpu.memory_space<hbm>>) dst(%dma_wait3A_1133 : memref<128xi32, #tpu.memory_space<vmem>>)
        %add3A_1136 = arith.constant 3 : i32
        %add3A_1137 = arith.addi %add3A_457, %add3A_1136 : i32
        %dma_start3A_1138 = arith.constant 0 : i32
        %dma_start3A_1139 = arith.constant 0 : i32
        %dma_start3A_1140 = arith.constant 0 : i32
        %dma_start3A_1141 = arith.constant 0 : i32
        %dma_start3A_1142 = tpu.memref_slice %arg10[%dma_start3A_1139, %dma_start3A_1140, %dma_start3A_1141] : memref<4x128x128xf32, #tpu.memory_space<vmem>> -> memref<1x128x128xf32, #tpu.memory_space<vmem>>
        %dma_start3A_1143 = tpu.memref_squeeze %dma_start3A_1142 : memref<1x128x128xf32, #tpu.memory_space<vmem>> -> memref<128x128xf32, #tpu.memory_space<vmem>>
        %dma_start3A_1144 = arith.constant 0 : i32
        %dma_start3A_1145 = tpu.memref_slice %arg8[%dma_start3A_1138, %dma_start3A_1144] : memref<4x128xi32, #tpu.memory_space<vmem>> -> memref<1x128xi32, #tpu.memory_space<vmem>>
        %dma_start3A_1146 = tpu.memref_squeeze %dma_start3A_1145 : memref<1x128xi32, #tpu.memory_space<vmem>> -> memref<128xi32, #tpu.memory_space<vmem>>
        %dma_start3A_1147 = arith.constant 0 : i32
        %dma_start3A_1148 = arith.constant 0 : i32
        %dma_start3A_1149 = tpu.memref_slice %arg4[%dma_start3A_1147, %dma_start3A_1148] : memref<500000x128xf32, #tpu.memory_space<hbm>> -> memref<500000x128xf32, #tpu.memory_space<hbm>>
        tpu.enqueue_indirect_dma source(%dma_start3A_1149 : memref<500000x128xf32, #tpu.memory_space<hbm>>) target(%dma_start3A_1143 : memref<128x128xf32, #tpu.memory_space<vmem>>) offsets(%dma_start3A_1146 : memref<128xi32, #tpu.memory_space<vmem>>) semaphore(%arg20 : memref<!tpu.dma_semaphore, #tpu.memory_space<semaphore_mem>>)
      } else {
      }
      %dma_wait3A_484 = arith.constant 1 : i32
      %dma_wait3A_485 = arith.constant 0 : i32
      %dma_wait3A_486 = tpu.memref_slice %arg9[%dma_wait3A_484, %dma_wait3A_485] : memref<4x128xi32, #tpu.memory_space<vmem>> -> memref<1x128xi32, #tpu.memory_space<vmem>>
      %dma_wait3A_487 = tpu.memref_squeeze %dma_wait3A_486 : memref<1x128xi32, #tpu.memory_space<vmem>> -> memref<128xi32, #tpu.memory_space<vmem>>
      %dma_wait3A_488 = tpu.memref_slice %arg3[%add3A_457, %mul3A_2] : memref<200x4096xi32, #tpu.memory_space<hbm>> -> memref<1x128xi32, #tpu.memory_space<hbm>>
      %dma_wait3A_489 = tpu.memref_squeeze %dma_wait3A_488 : memref<1x128xi32, #tpu.memory_space<hbm>> -> memref<128xi32, #tpu.memory_space<hbm>>
      %dma_wait3A_490 = arith.constant 0 : i32
      %dma_wait3A_491 = tpu.memref_slice %arg9[%dma_wait3A_484, %dma_wait3A_490] : memref<4x128xi32, #tpu.memory_space<vmem>> -> memref<1x128xi32, #tpu.memory_space<vmem>>
      %dma_wait3A_492 = tpu.memref_squeeze %dma_wait3A_491 : memref<1x128xi32, #tpu.memory_space<vmem>> -> memref<128xi32, #tpu.memory_space<vmem>>
      %dma_wait3A_493 = tpu.memref_slice %arg3[%add3A_457, %mul3A_2] : memref<200x4096xi32, #tpu.memory_space<hbm>> -> memref<1x128xi32, #tpu.memory_space<hbm>>
      %dma_wait3A_494 = tpu.memref_squeeze %dma_wait3A_493 : memref<1x128xi32, #tpu.memory_space<hbm>> -> memref<128xi32, #tpu.memory_space<hbm>>
      tpu.wait_dma2 semaphore(%arg17 : memref<!tpu.dma_semaphore, #tpu.memory_space<semaphore_mem>>) src(%dma_wait3A_494 : memref<128xi32, #tpu.memory_space<hbm>>) dst(%dma_wait3A_492 : memref<128xi32, #tpu.memory_space<vmem>>)
      %ge3A_495 = arith.constant 4 : i32
      %ge3A_496 = arith.cmpi sge, %add3A_457, %ge3A_495 : i32
      %convert_element_type3A_497 = arith.extui %ge3A_496 : i1 to i32
      %cond3A_498 = arith.constant 0 : i32
      %cond3A_499 = arith.cmpi ne, %convert_element_type3A_497, %cond3A_498 : i32
      scf.if %cond3A_499 {
        %sub3A = arith.constant 4 : i32
        %sub3A_1123 = arith.subi %add3A_457, %sub3A : i32
        %dma_wait3A_1124 = arith.constant 1 : i32
        %dma_wait3A_1125 = arith.constant 0 : i32
        %dma_wait3A_1126 = arith.constant 0 : i32
        %dma_wait3A_1127 = tpu.memref_slice %arg11[%dma_wait3A_1124, %dma_wait3A_1125, %dma_wait3A_1126] : memref<4x64x128xf32, #tpu.memory_space<vmem>> -> memref<1x64x128xf32, #tpu.memory_space<vmem>>
        %dma_wait3A_1128 = tpu.memref_squeeze %dma_wait3A_1127 : memref<1x64x128xf32, #tpu.memory_space<vmem>> -> memref<64x128xf32, #tpu.memory_space<vmem>>
        %dma_wait3A_1129 = arith.constant 0 : i32
        %dma_wait3A_1130 = tpu.memref_slice %arg6[%sub3A_1123, %dma_wait3A_1129, %mul3A_2] : memref<200x64x4096xf32, #tpu.memory_space<hbm>> -> memref<1x64x128xf32, #tpu.memory_space<hbm>>
        %dma_wait3A_1131 = tpu.memref_squeeze %dma_wait3A_1130 : memref<1x64x128xf32, #tpu.memory_space<hbm>> -> memref<64x128xf32, #tpu.memory_space<hbm>>
        %dma_wait3A_1132 = arith.constant 0 : i32
        %dma_wait3A_1133 = tpu.memref_slice %arg6[%sub3A_1123, %dma_wait3A_1132, %mul3A_2] : memref<200x64x4096xf32, #tpu.memory_space<hbm>> -> memref<1x64x128xf32, #tpu.memory_space<hbm>>
        %dma_wait3A_1134 = tpu.memref_squeeze %dma_wait3A_1133 : memref<1x64x128xf32, #tpu.memory_space<hbm>> -> memref<64x128xf32, #tpu.memory_space<hbm>>
        %dma_wait3A_1135 = arith.constant 0 : i32
        %dma_wait3A_1136 = arith.constant 0 : i32
        %dma_wait3A_1137 = tpu.memref_slice %arg11[%dma_wait3A_1124, %dma_wait3A_1135, %dma_wait3A_1136] : memref<4x64x128xf32, #tpu.memory_space<vmem>> -> memref<1x64x128xf32, #tpu.memory_space<vmem>>
        %dma_wait3A_1138 = tpu.memref_squeeze %dma_wait3A_1137 : memref<1x64x128xf32, #tpu.memory_space<vmem>> -> memref<64x128xf32, #tpu.memory_space<vmem>>
        tpu.wait_dma2 semaphore(%arg25 : memref<!tpu.dma_semaphore, #tpu.memory_space<semaphore_mem>>) src(%dma_wait3A_1138 : memref<64x128xf32, #tpu.memory_space<vmem>>) dst(%dma_wait3A_1134 : memref<64x128xf32, #tpu.memory_space<hbm>>)
      } else {
      }
      %get3A_500 = arith.constant 1 : i32
      %get3A_501 = arith.index_cast %get3A_500 : i32 to index
      %get3A_502 = arith.constant 0 : index
      %get3A_503 = tpu.vector_load %arg9[%get3A_501, %get3A_502] {strides = array<i32>} : memref<4x128xi32, #tpu.memory_space<vmem>>, vector<16xi32>,
      %add3A_504 = arith.constant 0 : i32
      %add3A_505 = vector.broadcast %add3A_504 : i32 to vector<16xi32>
      %add3A_506 = arith.addi %iota3A, %add3A_505 : vector<16xi32>
      %mul3A_507 = arith.constant 64 : i32
      %mul3A_508 = vector.broadcast %mul3A_507 : i32 to vector<16xi32>
      %mul3A_509 = arith.muli %get3A_503, %mul3A_508 : vector<16xi32>
      %get3A_510 = arith.constant 1 : i32
      %get3A_511 = arith.index_cast %get3A_510 : i32 to index
      %get3A_512 = arith.constant 16 : index
      %get3A_513 = tpu.vector_load %arg9[%get3A_511, %get3A_512] {strides = array<i32>} : memref<4x128xi32, #tpu.memory_space<vmem>>, vector<16xi32>,
      %add3A_514 = arith.constant 16 : i32
      %add3A_515 = vector.broadcast %add3A_514 : i32 to vector<16xi32>
      %add3A_516 = arith.addi %iota3A, %add3A_515 : vector<16xi32>
      %mul3A_517 = arith.constant 64 : i32
      %mul3A_518 = vector.broadcast %mul3A_517 : i32 to vector<16xi32>
      %mul3A_519 = arith.muli %get3A_513, %mul3A_518 : vector<16xi32>
      %get3A_520 = arith.constant 1 : i32
      %get3A_521 = arith.index_cast %get3A_520 : i32 to index
      %get3A_522 = arith.constant 32 : index
      %get3A_523 = tpu.vector_load %arg9[%get3A_521, %get3A_522] {strides = array<i32>} : memref<4x128xi32, #tpu.memory_space<vmem>>, vector<16xi32>,
      %add3A_524 = arith.constant 32 : i32
      %add3A_525 = vector.broadcast %add3A_524 : i32 to vector<16xi32>
      %add3A_526 = arith.addi %iota3A, %add3A_525 : vector<16xi32>
      %mul3A_527 = arith.constant 64 : i32
      %mul3A_528 = vector.broadcast %mul3A_527 : i32 to vector<16xi32>
      %mul3A_529 = arith.muli %get3A_523, %mul3A_528 : vector<16xi32>
      %get3A_530 = arith.constant 1 : i32
      %get3A_531 = arith.index_cast %get3A_530 : i32 to index
      %get3A_532 = arith.constant 48 : index
      %get3A_533 = tpu.vector_load %arg9[%get3A_531, %get3A_532] {strides = array<i32>} : memref<4x128xi32, #tpu.memory_space<vmem>>, vector<16xi32>,
      %add3A_534 = arith.constant 48 : i32
      %add3A_535 = vector.broadcast %add3A_534 : i32 to vector<16xi32>
      %add3A_536 = arith.addi %iota3A, %add3A_535 : vector<16xi32>
      %mul3A_537 = arith.constant 64 : i32
      %mul3A_538 = vector.broadcast %mul3A_537 : i32 to vector<16xi32>
      %mul3A_539 = arith.muli %get3A_533, %mul3A_538 : vector<16xi32>
      %get3A_540 = arith.constant 1 : i32
      %get3A_541 = arith.index_cast %get3A_540 : i32 to index
      %get3A_542 = arith.constant 64 : index
      %get3A_543 = tpu.vector_load %arg9[%get3A_541, %get3A_542] {strides = array<i32>} : memref<4x128xi32, #tpu.memory_space<vmem>>, vector<16xi32>,
      %add3A_544 = arith.constant 64 : i32
      %add3A_545 = vector.broadcast %add3A_544 : i32 to vector<16xi32>
      %add3A_546 = arith.addi %iota3A, %add3A_545 : vector<16xi32>
      %mul3A_547 = arith.constant 64 : i32
      %mul3A_548 = vector.broadcast %mul3A_547 : i32 to vector<16xi32>
      %mul3A_549 = arith.muli %get3A_543, %mul3A_548 : vector<16xi32>
      %get3A_550 = arith.constant 1 : i32
      %get3A_551 = arith.index_cast %get3A_550 : i32 to index
      %get3A_552 = arith.constant 80 : index
      %get3A_553 = tpu.vector_load %arg9[%get3A_551, %get3A_552] {strides = array<i32>} : memref<4x128xi32, #tpu.memory_space<vmem>>, vector<16xi32>,
      %add3A_554 = arith.constant 80 : i32
      %add3A_555 = vector.broadcast %add3A_554 : i32 to vector<16xi32>
      %add3A_556 = arith.addi %iota3A, %add3A_555 : vector<16xi32>
      %mul3A_557 = arith.constant 64 : i32
      %mul3A_558 = vector.broadcast %mul3A_557 : i32 to vector<16xi32>
      %mul3A_559 = arith.muli %get3A_553, %mul3A_558 : vector<16xi32>
      %get3A_560 = arith.constant 1 : i32
      %get3A_561 = arith.index_cast %get3A_560 : i32 to index
      %get3A_562 = arith.constant 96 : index
      %get3A_563 = tpu.vector_load %arg9[%get3A_561, %get3A_562] {strides = array<i32>} : memref<4x128xi32, #tpu.memory_space<vmem>>, vector<16xi32>,
      %add3A_564 = arith.constant 96 : i32
      %add3A_565 = vector.broadcast %add3A_564 : i32 to vector<16xi32>
      %add3A_566 = arith.addi %iota3A, %add3A_565 : vector<16xi32>
      %mul3A_567 = arith.constant 64 : i32
      %mul3A_568 = vector.broadcast %mul3A_567 : i32 to vector<16xi32>
      %mul3A_569 = arith.muli %get3A_563, %mul3A_568 : vector<16xi32>
      %get3A_570 = arith.constant 1 : i32
      %get3A_571 = arith.index_cast %get3A_570 : i32 to index
      %get3A_572 = arith.constant 112 : index
      %get3A_573 = tpu.vector_load %arg9[%get3A_571, %get3A_572] {strides = array<i32>} : memref<4x128xi32, #tpu.memory_space<vmem>>, vector<16xi32>,
      %add3A_574 = arith.constant 112 : i32
      %add3A_575 = vector.broadcast %add3A_574 : i32 to vector<16xi32>
      %add3A_576 = arith.addi %iota3A, %add3A_575 : vector<16xi32>
      %mul3A_577 = arith.constant 64 : i32
      %mul3A_578 = vector.broadcast %mul3A_577 : i32 to vector<16xi32>
      %mul3A_579 = arith.muli %get3A_573, %mul3A_578 : vector<16xi32>
      %mul3A_580 = arith.constant 64 : i32
      %mul3A_581 = arith.muli %add3A_457, %mul3A_580 : i32
      %broadcast_in_dim3A_582 = vector.broadcast %mul3A_581 : i32 to vector<16xi32>
      %add3A_583 = arith.constant 0 : i32
      %add3A_584 = vector.broadcast %add3A_583 : i32 to vector<16xi32>
      %add3A_585 = arith.addi %add3A_584, %iota3A : vector<16xi32>
      %and3A_586 = arith.constant 63 : i32
      %and3A_587 = vector.broadcast %and3A_586 : i32 to vector<16xi32>
      %and3A_588 = arith.andi %add3A_585, %and3A_587 : vector<16xi32>
      %add3A_589 = arith.addi %mul3A_509, %and3A_588 : vector<16xi32>
      %gather3A_590 = arith.constant 1 : i32
      %gather3A_591 = arith.constant 0 : i32
      %gather3A_592 = arith.constant 0 : i32
      %gather3A_593 = tpu.memref_slice %arg10[%gather3A_590, %gather3A_591, %gather3A_592] : memref<4x128x128xf32, #tpu.memory_space<vmem>> -> memref<1x128x128xf32, #tpu.memory_space<vmem>>
      %gather3A_594 = tpu.memref_squeeze %gather3A_593 : memref<1x128x128xf32, #tpu.memory_space<vmem>> -> memref<128x128xf32, #tpu.memory_space<vmem>>
      %gather3A_595 = tpu.vector_load_idx %gather3A_594[%add3A_506, %add3A_589] : memref<128x128xf32, #tpu.memory_space<vmem>>[vector<16xi32>, vector<16xi32>], vector<16xf32>,
      %add3A_596 = arith.addi %mul3A_519, %and3A_588 : vector<16xi32>
      %gather3A_597 = arith.constant 1 : i32
      %gather3A_598 = arith.constant 0 : i32
      %gather3A_599 = arith.constant 0 : i32
      %gather3A_600 = tpu.memref_slice %arg10[%gather3A_597, %gather3A_598, %gather3A_599] : memref<4x128x128xf32, #tpu.memory_space<vmem>> -> memref<1x128x128xf32, #tpu.memory_space<vmem>>
      %gather3A_601 = tpu.memref_squeeze %gather3A_600 : memref<1x128x128xf32, #tpu.memory_space<vmem>> -> memref<128x128xf32, #tpu.memory_space<vmem>>
      %gather3A_602 = tpu.vector_load_idx %gather3A_601[%add3A_516, %add3A_596] : memref<128x128xf32, #tpu.memory_space<vmem>>[vector<16xi32>, vector<16xi32>], vector<16xf32>,
      %add3A_603 = arith.addi %mul3A_529, %and3A_588 : vector<16xi32>
      %gather3A_604 = arith.constant 1 : i32
      %gather3A_605 = arith.constant 0 : i32
      %gather3A_606 = arith.constant 0 : i32
      %gather3A_607 = tpu.memref_slice %arg10[%gather3A_604, %gather3A_605, %gather3A_606] : memref<4x128x128xf32, #tpu.memory_space<vmem>> -> memref<1x128x128xf32, #tpu.memory_space<vmem>>
      %gather3A_608 = tpu.memref_squeeze %gather3A_607 : memref<1x128x128xf32, #tpu.memory_space<vmem>> -> memref<128x128xf32, #tpu.memory_space<vmem>>
      %gather3A_609 = tpu.vector_load_idx %gather3A_608[%add3A_526, %add3A_603] : memref<128x128xf32, #tpu.memory_space<vmem>>[vector<16xi32>, vector<16xi32>], vector<16xf32>,
      %add3A_610 = arith.addi %mul3A_539, %and3A_588 : vector<16xi32>
      %gather3A_611 = arith.constant 1 : i32
      %gather3A_612 = arith.constant 0 : i32
      %gather3A_613 = arith.constant 0 : i32
      %gather3A_614 = tpu.memref_slice %arg10[%gather3A_611, %gather3A_612, %gather3A_613] : memref<4x128x128xf32, #tpu.memory_space<vmem>> -> memref<1x128x128xf32, #tpu.memory_space<vmem>>
      %gather3A_615 = tpu.memref_squeeze %gather3A_614 : memref<1x128x128xf32, #tpu.memory_space<vmem>> -> memref<128x128xf32, #tpu.memory_space<vmem>>
      %gather3A_616 = tpu.vector_load_idx %gather3A_615[%add3A_536, %add3A_610] : memref<128x128xf32, #tpu.memory_space<vmem>>[vector<16xi32>, vector<16xi32>], vector<16xf32>,
      %add3A_617 = arith.addi %mul3A_549, %and3A_588 : vector<16xi32>
      %gather3A_618 = arith.constant 1 : i32
      %gather3A_619 = arith.constant 0 : i32
      %gather3A_620 = arith.constant 0 : i32
      %gather3A_621 = tpu.memref_slice %arg10[%gather3A_618, %gather3A_619, %gather3A_620] : memref<4x128x128xf32, #tpu.memory_space<vmem>> -> memref<1x128x128xf32, #tpu.memory_space<vmem>>
      %gather3A_622 = tpu.memref_squeeze %gather3A_621 : memref<1x128x128xf32, #tpu.memory_space<vmem>> -> memref<128x128xf32, #tpu.memory_space<vmem>>
      %gather3A_623 = tpu.vector_load_idx %gather3A_622[%add3A_546, %add3A_617] : memref<128x128xf32, #tpu.memory_space<vmem>>[vector<16xi32>, vector<16xi32>], vector<16xf32>,
      %add3A_624 = arith.addi %mul3A_559, %and3A_588 : vector<16xi32>
      %gather3A_625 = arith.constant 1 : i32
      %gather3A_626 = arith.constant 0 : i32
      %gather3A_627 = arith.constant 0 : i32
      %gather3A_628 = tpu.memref_slice %arg10[%gather3A_625, %gather3A_626, %gather3A_627] : memref<4x128x128xf32, #tpu.memory_space<vmem>> -> memref<1x128x128xf32, #tpu.memory_space<vmem>>
      %gather3A_629 = tpu.memref_squeeze %gather3A_628 : memref<1x128x128xf32, #tpu.memory_space<vmem>> -> memref<128x128xf32, #tpu.memory_space<vmem>>
      %gather3A_630 = tpu.vector_load_idx %gather3A_629[%add3A_556, %add3A_624] : memref<128x128xf32, #tpu.memory_space<vmem>>[vector<16xi32>, vector<16xi32>], vector<16xf32>,
      %add3A_631 = arith.addi %mul3A_569, %and3A_588 : vector<16xi32>
      %gather3A_632 = arith.constant 1 : i32
      %gather3A_633 = arith.constant 0 : i32
      %gather3A_634 = arith.constant 0 : i32
      %gather3A_635 = tpu.memref_slice %arg10[%gather3A_632, %gather3A_633, %gather3A_634] : memref<4x128x128xf32, #tpu.memory_space<vmem>> -> memref<1x128x128xf32, #tpu.memory_space<vmem>>
      %gather3A_636 = tpu.memref_squeeze %gather3A_635 : memref<1x128x128xf32, #tpu.memory_space<vmem>> -> memref<128x128xf32, #tpu.memory_space<vmem>>
      %gather3A_637 = tpu.vector_load_idx %gather3A_636[%add3A_566, %add3A_631] : memref<128x128xf32, #tpu.memory_space<vmem>>[vector<16xi32>, vector<16xi32>], vector<16xf32>,
      %add3A_638 = arith.addi %mul3A_579, %and3A_588 : vector<16xi32>
      %gather3A_639 = arith.constant 1 : i32
      %gather3A_640 = arith.constant 0 : i32
      %gather3A_641 = arith.constant 0 : i32
      %gather3A_642 = tpu.memref_slice %arg10[%gather3A_639, %gather3A_640, %gather3A_641] : memref<4x128x128xf32, #tpu.memory_space<vmem>> -> memref<1x128x128xf32, #tpu.memory_space<vmem>>
      %gather3A_643 = tpu.memref_squeeze %gather3A_642 : memref<1x128x128xf32, #tpu.memory_space<vmem>> -> memref<128x128xf32, #tpu.memory_space<vmem>>
      %gather3A_644 = tpu.vector_load_idx %gather3A_643[%add3A_576, %add3A_638] : memref<128x128xf32, #tpu.memory_space<vmem>>[vector<16xi32>, vector<16xi32>], vector<16xf32>,
      %add3A_645 = arith.addi %broadcast_in_dim3A_582, %and3A_588 : vector<16xi32>
      %gather3A_646 = tpu.vector_load_idx %arg7[%add3A_645] : memref<12800xf32, #tpu.memory_space<vmem>>[vector<16xi32>], vector<16xf32>,
      %scan3A_647 = arith.constant 1 : i32
      %scan3A_648 = arith.constant 1 : i32
      %scan3A_649 = arith.constant 0 : i32
      %scan3A_650 = arith.constant 64 : i32
      %scan3A_651 = arith.addi %scan3A_649, %scan3A_650 : i32
      %scan3A_652 = arith.constant 4 : i32
      %scan3A_653:10 = scf.for %scan3A_1123 = %scan3A_649 to %scan3A_651 step %scan3A_652 iter_args(%scan3A_1124 = %gather3A_595, %scan3A_1125 = %gather3A_602, %scan3A_1126 = %gather3A_609, %scan3A_1127 = %gather3A_616, %scan3A_1128 = %gather3A_623, %scan3A_1129 = %gather3A_630, %scan3A_1130 = %gather3A_637, %scan3A_1131 = %gather3A_644, %scan3A_1132 = %gather3A_646, %scan3A_1133 = %and3A_588) -> (vector<16xf32>, vector<16xf32>, vector<16xf32>, vector<16xf32>, vector<16xf32>, vector<16xf32>, vector<16xf32>, vector<16xf32>, vector<16xf32>, vector<16xi32>)  : i32 {
        %add3A_1134 = arith.constant 1 : i32
        %add3A_1135 = arith.addi %scan3A_1123, %add3A_1134 : i32
        %min3A = arith.constant 63 : i32
        %min3A_1136 = arith.minsi %add3A_1135, %min3A : i32
        %add3A_1137 = vector.broadcast %min3A_1136 : i32 to vector<16xi32>
        %add3A_1138 = arith.addi %add3A_1137, %iota3A : vector<16xi32>
        %and3A_1139 = arith.constant 63 : i32
        %and3A_1140 = vector.broadcast %and3A_1139 : i32 to vector<16xi32>
        %and3A_1141 = arith.andi %add3A_1138, %and3A_1140 : vector<16xi32>
        %add3A_1142 = arith.addi %mul3A_509, %and3A_1141 : vector<16xi32>
        %gather3A_1143 = arith.constant 0 : i32
        %gather3A_1144 = arith.constant 0 : i32
        %gather3A_1145 = tpu.memref_slice %arg10[%scan3A_647, %gather3A_1143, %gather3A_1144] : memref<4x128x128xf32, #tpu.memory_space<vmem>> -> memref<1x128x128xf32, #tpu.memory_space<vmem>>
        %gather3A_1146 = tpu.memref_squeeze %gather3A_1145 : memref<1x128x128xf32, #tpu.memory_space<vmem>> -> memref<128x128xf32, #tpu.memory_space<vmem>>
        %gather3A_1147 = tpu.vector_load_idx %gather3A_1146[%add3A_506, %add3A_1142] : memref<128x128xf32, #tpu.memory_space<vmem>>[vector<16xi32>, vector<16xi32>], vector<16xf32>,
        %add3A_1148 = arith.addi %mul3A_519, %and3A_1141 : vector<16xi32>
        %gather3A_1149 = arith.constant 0 : i32
        %gather3A_1150 = arith.constant 0 : i32
        %gather3A_1151 = tpu.memref_slice %arg10[%scan3A_647, %gather3A_1149, %gather3A_1150] : memref<4x128x128xf32, #tpu.memory_space<vmem>> -> memref<1x128x128xf32, #tpu.memory_space<vmem>>
        %gather3A_1152 = tpu.memref_squeeze %gather3A_1151 : memref<1x128x128xf32, #tpu.memory_space<vmem>> -> memref<128x128xf32, #tpu.memory_space<vmem>>
        %gather3A_1153 = tpu.vector_load_idx %gather3A_1152[%add3A_516, %add3A_1148] : memref<128x128xf32, #tpu.memory_space<vmem>>[vector<16xi32>, vector<16xi32>], vector<16xf32>,
        %add3A_1154 = arith.addi %mul3A_529, %and3A_1141 : vector<16xi32>
        %gather3A_1155 = arith.constant 0 : i32
        %gather3A_1156 = arith.constant 0 : i32
        %gather3A_1157 = tpu.memref_slice %arg10[%scan3A_647, %gather3A_1155, %gather3A_1156] : memref<4x128x128xf32, #tpu.memory_space<vmem>> -> memref<1x128x128xf32, #tpu.memory_space<vmem>>
        %gather3A_1158 = tpu.memref_squeeze %gather3A_1157 : memref<1x128x128xf32, #tpu.memory_space<vmem>> -> memref<128x128xf32, #tpu.memory_space<vmem>>
        %gather3A_1159 = tpu.vector_load_idx %gather3A_1158[%add3A_526, %add3A_1154] : memref<128x128xf32, #tpu.memory_space<vmem>>[vector<16xi32>, vector<16xi32>], vector<16xf32>,
        %add3A_1160 = arith.addi %mul3A_539, %and3A_1141 : vector<16xi32>
        %gather3A_1161 = arith.constant 0 : i32
        %gather3A_1162 = arith.constant 0 : i32
        %gather3A_1163 = tpu.memref_slice %arg10[%scan3A_647, %gather3A_1161, %gather3A_1162] : memref<4x128x128xf32, #tpu.memory_space<vmem>> -> memref<1x128x128xf32, #tpu.memory_space<vmem>>
        %gather3A_1164 = tpu.memref_squeeze %gather3A_1163 : memref<1x128x128xf32, #tpu.memory_space<vmem>> -> memref<128x128xf32, #tpu.memory_space<vmem>>
        %gather3A_1165 = tpu.vector_load_idx %gather3A_1164[%add3A_536, %add3A_1160] : memref<128x128xf32, #tpu.memory_space<vmem>>[vector<16xi32>, vector<16xi32>], vector<16xf32>,
        %add3A_1166 = arith.addi %mul3A_549, %and3A_1141 : vector<16xi32>
        %gather3A_1167 = arith.constant 0 : i32
        %gather3A_1168 = arith.constant 0 : i32
        %gather3A_1169 = tpu.memref_slice %arg10[%scan3A_647, %gather3A_1167, %gather3A_1168] : memref<4x128x128xf32, #tpu.memory_space<vmem>> -> memref<1x128x128xf32, #tpu.memory_space<vmem>>
        %gather3A_1170 = tpu.memref_squeeze %gather3A_1169 : memref<1x128x128xf32, #tpu.memory_space<vmem>> -> memref<128x128xf32, #tpu.memory_space<vmem>>
        %gather3A_1171 = tpu.vector_load_idx %gather3A_1170[%add3A_546, %add3A_1166] : memref<128x128xf32, #tpu.memory_space<vmem>>[vector<16xi32>, vector<16xi32>], vector<16xf32>,
        %add3A_1172 = arith.addi %mul3A_559, %and3A_1141 : vector<16xi32>
        %gather3A_1173 = arith.constant 0 : i32
        %gather3A_1174 = arith.constant 0 : i32
        %gather3A_1175 = tpu.memref_slice %arg10[%scan3A_647, %gather3A_1173, %gather3A_1174] : memref<4x128x128xf32, #tpu.memory_space<vmem>> -> memref<1x128x128xf32, #tpu.memory_space<vmem>>
        %gather3A_1176 = tpu.memref_squeeze %gather3A_1175 : memref<1x128x128xf32, #tpu.memory_space<vmem>> -> memref<128x128xf32, #tpu.memory_space<vmem>>
        %gather3A_1177 = tpu.vector_load_idx %gather3A_1176[%add3A_556, %add3A_1172] : memref<128x128xf32, #tpu.memory_space<vmem>>[vector<16xi32>, vector<16xi32>], vector<16xf32>,
        %add3A_1178 = arith.addi %mul3A_569, %and3A_1141 : vector<16xi32>
        %gather3A_1179 = arith.constant 0 : i32
        %gather3A_1180 = arith.constant 0 : i32
        %gather3A_1181 = tpu.memref_slice %arg10[%scan3A_647, %gather3A_1179, %gather3A_1180] : memref<4x128x128xf32, #tpu.memory_space<vmem>> -> memref<1x128x128xf32, #tpu.memory_space<vmem>>
        %gather3A_1182 = tpu.memref_squeeze %gather3A_1181 : memref<1x128x128xf32, #tpu.memory_space<vmem>> -> memref<128x128xf32, #tpu.memory_space<vmem>>
        %gather3A_1183 = tpu.vector_load_idx %gather3A_1182[%add3A_566, %add3A_1178] : memref<128x128xf32, #tpu.memory_space<vmem>>[vector<16xi32>, vector<16xi32>], vector<16xf32>,
        %add3A_1184 = arith.addi %mul3A_579, %and3A_1141 : vector<16xi32>
        %gather3A_1185 = arith.constant 0 : i32
        %gather3A_1186 = arith.constant 0 : i32
        %gather3A_1187 = tpu.memref_slice %arg10[%scan3A_647, %gather3A_1185, %gather3A_1186] : memref<4x128x128xf32, #tpu.memory_space<vmem>> -> memref<1x128x128xf32, #tpu.memory_space<vmem>>
        %gather3A_1188 = tpu.memref_squeeze %gather3A_1187 : memref<1x128x128xf32, #tpu.memory_space<vmem>> -> memref<128x128xf32, #tpu.memory_space<vmem>>
        %gather3A_1189 = tpu.vector_load_idx %gather3A_1188[%add3A_576, %add3A_1184] : memref<128x128xf32, #tpu.memory_space<vmem>>[vector<16xi32>, vector<16xi32>], vector<16xf32>,
        %add3A_1190 = arith.addi %broadcast_in_dim3A_582, %and3A_1141 : vector<16xi32>
        %gather3A_1191 = tpu.vector_load_idx %arg7[%add3A_1190] : memref<12800xf32, #tpu.memory_space<vmem>>[vector<16xi32>], vector<16xf32>,
        %mul3A_1192 = arith.constant 8.000000e+00 : f32
        %mul3A_1193 = vector.broadcast %mul3A_1192 : f32 to vector<16xf32>
        %mul3A_1194 = arith.mulf %scan3A_1124, %mul3A_1193 : vector<16xf32>
        %add3A_1195 = arith.addf %mul3A_1194, %scan3A_1132 : vector<16xf32>
        %scatter3A = arith.constant 0 : i32
        %scatter3A_1196 = arith.constant 0 : i32
        %scatter3A_1197 = tpu.memref_slice %arg11[%scan3A_648, %scatter3A, %scatter3A_1196] : memref<4x64x128xf32, #tpu.memory_space<vmem>> -> memref<1x64x128xf32, #tpu.memory_space<vmem>>
        %scatter3A_1198 = tpu.memref_squeeze %scatter3A_1197 : memref<1x64x128xf32, #tpu.memory_space<vmem>> -> memref<64x128xf32, #tpu.memory_space<vmem>>
        tpu.vector_store_idx %scatter3A_1198[%scan3A_1133, %add3A_506], %add3A_1195 : memref<64x128xf32, #tpu.memory_space<vmem>>[vector<16xi32>, vector<16xi32>], vector<16xf32>,
        %mul3A_1199 = arith.constant 8.000000e+00 : f32
        %mul3A_1200 = vector.broadcast %mul3A_1199 : f32 to vector<16xf32>
        %mul3A_1201 = arith.mulf %scan3A_1125, %mul3A_1200 : vector<16xf32>
        %add3A_1202 = arith.addf %mul3A_1201, %scan3A_1132 : vector<16xf32>
        %scatter3A_1203 = arith.constant 0 : i32
        %scatter3A_1204 = arith.constant 0 : i32
        %scatter3A_1205 = tpu.memref_slice %arg11[%scan3A_648, %scatter3A_1203, %scatter3A_1204] : memref<4x64x128xf32, #tpu.memory_space<vmem>> -> memref<1x64x128xf32, #tpu.memory_space<vmem>>
        %scatter3A_1206 = tpu.memref_squeeze %scatter3A_1205 : memref<1x64x128xf32, #tpu.memory_space<vmem>> -> memref<64x128xf32, #tpu.memory_space<vmem>>
        tpu.vector_store_idx %scatter3A_1206[%scan3A_1133, %add3A_516], %add3A_1202 : memref<64x128xf32, #tpu.memory_space<vmem>>[vector<16xi32>, vector<16xi32>], vector<16xf32>,
        %mul3A_1207 = arith.constant 8.000000e+00 : f32
        %mul3A_1208 = vector.broadcast %mul3A_1207 : f32 to vector<16xf32>
        %mul3A_1209 = arith.mulf %scan3A_1126, %mul3A_1208 : vector<16xf32>
        %add3A_1210 = arith.addf %mul3A_1209, %scan3A_1132 : vector<16xf32>
        %scatter3A_1211 = arith.constant 0 : i32
        %scatter3A_1212 = arith.constant 0 : i32
        %scatter3A_1213 = tpu.memref_slice %arg11[%scan3A_648, %scatter3A_1211, %scatter3A_1212] : memref<4x64x128xf32, #tpu.memory_space<vmem>> -> memref<1x64x128xf32, #tpu.memory_space<vmem>>
        %scatter3A_1214 = tpu.memref_squeeze %scatter3A_1213 : memref<1x64x128xf32, #tpu.memory_space<vmem>> -> memref<64x128xf32, #tpu.memory_space<vmem>>
        tpu.vector_store_idx %scatter3A_1214[%scan3A_1133, %add3A_526], %add3A_1210 : memref<64x128xf32, #tpu.memory_space<vmem>>[vector<16xi32>, vector<16xi32>], vector<16xf32>,
        %mul3A_1215 = arith.constant 8.000000e+00 : f32
        %mul3A_1216 = vector.broadcast %mul3A_1215 : f32 to vector<16xf32>
        %mul3A_1217 = arith.mulf %scan3A_1127, %mul3A_1216 : vector<16xf32>
        %add3A_1218 = arith.addf %mul3A_1217, %scan3A_1132 : vector<16xf32>
        %scatter3A_1219 = arith.constant 0 : i32
        %scatter3A_1220 = arith.constant 0 : i32
        %scatter3A_1221 = tpu.memref_slice %arg11[%scan3A_648, %scatter3A_1219, %scatter3A_1220] : memref<4x64x128xf32, #tpu.memory_space<vmem>> -> memref<1x64x128xf32, #tpu.memory_space<vmem>>
        %scatter3A_1222 = tpu.memref_squeeze %scatter3A_1221 : memref<1x64x128xf32, #tpu.memory_space<vmem>> -> memref<64x128xf32, #tpu.memory_space<vmem>>
        tpu.vector_store_idx %scatter3A_1222[%scan3A_1133, %add3A_536], %add3A_1218 : memref<64x128xf32, #tpu.memory_space<vmem>>[vector<16xi32>, vector<16xi32>], vector<16xf32>,
        %mul3A_1223 = arith.constant 8.000000e+00 : f32
        %mul3A_1224 = vector.broadcast %mul3A_1223 : f32 to vector<16xf32>
        %mul3A_1225 = arith.mulf %scan3A_1128, %mul3A_1224 : vector<16xf32>
        %add3A_1226 = arith.addf %mul3A_1225, %scan3A_1132 : vector<16xf32>
        %scatter3A_1227 = arith.constant 0 : i32
        %scatter3A_1228 = arith.constant 0 : i32
        %scatter3A_1229 = tpu.memref_slice %arg11[%scan3A_648, %scatter3A_1227, %scatter3A_1228] : memref<4x64x128xf32, #tpu.memory_space<vmem>> -> memref<1x64x128xf32, #tpu.memory_space<vmem>>
        %scatter3A_1230 = tpu.memref_squeeze %scatter3A_1229 : memref<1x64x128xf32, #tpu.memory_space<vmem>> -> memref<64x128xf32, #tpu.memory_space<vmem>>
        tpu.vector_store_idx %scatter3A_1230[%scan3A_1133, %add3A_546], %add3A_1226 : memref<64x128xf32, #tpu.memory_space<vmem>>[vector<16xi32>, vector<16xi32>], vector<16xf32>,
        %mul3A_1231 = arith.constant 8.000000e+00 : f32
        %mul3A_1232 = vector.broadcast %mul3A_1231 : f32 to vector<16xf32>
        %mul3A_1233 = arith.mulf %scan3A_1129, %mul3A_1232 : vector<16xf32>
        %add3A_1234 = arith.addf %mul3A_1233, %scan3A_1132 : vector<16xf32>
        %scatter3A_1235 = arith.constant 0 : i32
        %scatter3A_1236 = arith.constant 0 : i32
        %scatter3A_1237 = tpu.memref_slice %arg11[%scan3A_648, %scatter3A_1235, %scatter3A_1236] : memref<4x64x128xf32, #tpu.memory_space<vmem>> -> memref<1x64x128xf32, #tpu.memory_space<vmem>>
        %scatter3A_1238 = tpu.memref_squeeze %scatter3A_1237 : memref<1x64x128xf32, #tpu.memory_space<vmem>> -> memref<64x128xf32, #tpu.memory_space<vmem>>
        tpu.vector_store_idx %scatter3A_1238[%scan3A_1133, %add3A_556], %add3A_1234 : memref<64x128xf32, #tpu.memory_space<vmem>>[vector<16xi32>, vector<16xi32>], vector<16xf32>,
        %mul3A_1239 = arith.constant 8.000000e+00 : f32
        %mul3A_1240 = vector.broadcast %mul3A_1239 : f32 to vector<16xf32>
        %mul3A_1241 = arith.mulf %scan3A_1130, %mul3A_1240 : vector<16xf32>
        %add3A_1242 = arith.addf %mul3A_1241, %scan3A_1132 : vector<16xf32>
        %scatter3A_1243 = arith.constant 0 : i32
        %scatter3A_1244 = arith.constant 0 : i32
        %scatter3A_1245 = tpu.memref_slice %arg11[%scan3A_648, %scatter3A_1243, %scatter3A_1244] : memref<4x64x128xf32, #tpu.memory_space<vmem>> -> memref<1x64x128xf32, #tpu.memory_space<vmem>>
        %scatter3A_1246 = tpu.memref_squeeze %scatter3A_1245 : memref<1x64x128xf32, #tpu.memory_space<vmem>> -> memref<64x128xf32, #tpu.memory_space<vmem>>
        tpu.vector_store_idx %scatter3A_1246[%scan3A_1133, %add3A_566], %add3A_1242 : memref<64x128xf32, #tpu.memory_space<vmem>>[vector<16xi32>, vector<16xi32>], vector<16xf32>,
        %mul3A_1247 = arith.constant 8.000000e+00 : f32
        %mul3A_1248 = vector.broadcast %mul3A_1247 : f32 to vector<16xf32>
        %mul3A_1249 = arith.mulf %scan3A_1131, %mul3A_1248 : vector<16xf32>
        %add3A_1250 = arith.addf %mul3A_1249, %scan3A_1132 : vector<16xf32>
        %scatter3A_1251 = arith.constant 0 : i32
        %scatter3A_1252 = arith.constant 0 : i32
        %scatter3A_1253 = tpu.memref_slice %arg11[%scan3A_648, %scatter3A_1251, %scatter3A_1252] : memref<4x64x128xf32, #tpu.memory_space<vmem>> -> memref<1x64x128xf32, #tpu.memory_space<vmem>>
        %scatter3A_1254 = tpu.memref_squeeze %scatter3A_1253 : memref<1x64x128xf32, #tpu.memory_space<vmem>> -> memref<64x128xf32, #tpu.memory_space<vmem>>
        tpu.vector_store_idx %scatter3A_1254[%scan3A_1133, %add3A_576], %add3A_1250 : memref<64x128xf32, #tpu.memory_space<vmem>>[vector<16xi32>, vector<16xi32>], vector<16xf32>,
        %scan3A_1255 = arith.constant 1 : i32
        %scan3A_1256 = arith.addi %scan3A_1123, %scan3A_1255 : i32
        %add3A_1257 = arith.constant 1 : i32
        %add3A_1258 = arith.addi %scan3A_1256, %add3A_1257 : i32
        %min3A_1259 = arith.constant 63 : i32
        %min3A_1260 = arith.minsi %add3A_1258, %min3A_1259 : i32
        %add3A_1261 = vector.broadcast %min3A_1260 : i32 to vector<16xi32>
        %add3A_1262 = arith.addi %add3A_1261, %iota3A : vector<16xi32>
        %and3A_1263 = arith.constant 63 : i32
        %and3A_1264 = vector.broadcast %and3A_1263 : i32 to vector<16xi32>
        %and3A_1265 = arith.andi %add3A_1262, %and3A_1264 : vector<16xi32>
        %add3A_1266 = arith.addi %mul3A_509, %and3A_1265 : vector<16xi32>
        %gather3A_1267 = arith.constant 0 : i32
        %gather3A_1268 = arith.constant 0 : i32
        %gather3A_1269 = tpu.memref_slice %arg10[%scan3A_647, %gather3A_1267, %gather3A_1268] : memref<4x128x128xf32, #tpu.memory_space<vmem>> -> memref<1x128x128xf32, #tpu.memory_space<vmem>>
        %gather3A_1270 = tpu.memref_squeeze %gather3A_1269 : memref<1x128x128xf32, #tpu.memory_space<vmem>> -> memref<128x128xf32, #tpu.memory_space<vmem>>
        %gather3A_1271 = tpu.vector_load_idx %gather3A_1270[%add3A_506, %add3A_1266] : memref<128x128xf32, #tpu.memory_space<vmem>>[vector<16xi32>, vector<16xi32>], vector<16xf32>,
        %add3A_1272 = arith.addi %mul3A_519, %and3A_1265 : vector<16xi32>
        %gather3A_1273 = arith.constant 0 : i32
        %gather3A_1274 = arith.constant 0 : i32
        %gather3A_1275 = tpu.memref_slice %arg10[%scan3A_647, %gather3A_1273, %gather3A_1274] : memref<4x128x128xf32, #tpu.memory_space<vmem>> -> memref<1x128x128xf32, #tpu.memory_space<vmem>>
        %gather3A_1276 = tpu.memref_squeeze %gather3A_1275 : memref<1x128x128xf32, #tpu.memory_space<vmem>> -> memref<128x128xf32, #tpu.memory_space<vmem>>
        %gather3A_1277 = tpu.vector_load_idx %gather3A_1276[%add3A_516, %add3A_1272] : memref<128x128xf32, #tpu.memory_space<vmem>>[vector<16xi32>, vector<16xi32>], vector<16xf32>,
        %add3A_1278 = arith.addi %mul3A_529, %and3A_1265 : vector<16xi32>
        %gather3A_1279 = arith.constant 0 : i32
        %gather3A_1280 = arith.constant 0 : i32
        %gather3A_1281 = tpu.memref_slice %arg10[%scan3A_647, %gather3A_1279, %gather3A_1280] : memref<4x128x128xf32, #tpu.memory_space<vmem>> -> memref<1x128x128xf32, #tpu.memory_space<vmem>>
        %gather3A_1282 = tpu.memref_squeeze %gather3A_1281 : memref<1x128x128xf32, #tpu.memory_space<vmem>> -> memref<128x128xf32, #tpu.memory_space<vmem>>
        %gather3A_1283 = tpu.vector_load_idx %gather3A_1282[%add3A_526, %add3A_1278] : memref<128x128xf32, #tpu.memory_space<vmem>>[vector<16xi32>, vector<16xi32>], vector<16xf32>,
        %add3A_1284 = arith.addi %mul3A_539, %and3A_1265 : vector<16xi32>
        %gather3A_1285 = arith.constant 0 : i32
        %gather3A_1286 = arith.constant 0 : i32
        %gather3A_1287 = tpu.memref_slice %arg10[%scan3A_647, %gather3A_1285, %gather3A_1286] : memref<4x128x128xf32, #tpu.memory_space<vmem>> -> memref<1x128x128xf32, #tpu.memory_space<vmem>>
        %gather3A_1288 = tpu.memref_squeeze %gather3A_1287 : memref<1x128x128xf32, #tpu.memory_space<vmem>> -> memref<128x128xf32, #tpu.memory_space<vmem>>
        %gather3A_1289 = tpu.vector_load_idx %gather3A_1288[%add3A_536, %add3A_1284] : memref<128x128xf32, #tpu.memory_space<vmem>>[vector<16xi32>, vector<16xi32>], vector<16xf32>,
        %add3A_1290 = arith.addi %mul3A_549, %and3A_1265 : vector<16xi32>
        %gather3A_1291 = arith.constant 0 : i32
        %gather3A_1292 = arith.constant 0 : i32
        %gather3A_1293 = tpu.memref_slice %arg10[%scan3A_647, %gather3A_1291, %gather3A_1292] : memref<4x128x128xf32, #tpu.memory_space<vmem>> -> memref<1x128x128xf32, #tpu.memory_space<vmem>>
        %gather3A_1294 = tpu.memref_squeeze %gather3A_1293 : memref<1x128x128xf32, #tpu.memory_space<vmem>> -> memref<128x128xf32, #tpu.memory_space<vmem>>
        %gather3A_1295 = tpu.vector_load_idx %gather3A_1294[%add3A_546, %add3A_1290] : memref<128x128xf32, #tpu.memory_space<vmem>>[vector<16xi32>, vector<16xi32>], vector<16xf32>,
        %add3A_1296 = arith.addi %mul3A_559, %and3A_1265 : vector<16xi32>
        %gather3A_1297 = arith.constant 0 : i32
        %gather3A_1298 = arith.constant 0 : i32
        %gather3A_1299 = tpu.memref_slice %arg10[%scan3A_647, %gather3A_1297, %gather3A_1298] : memref<4x128x128xf32, #tpu.memory_space<vmem>> -> memref<1x128x128xf32, #tpu.memory_space<vmem>>
        %gather3A_1300 = tpu.memref_squeeze %gather3A_1299 : memref<1x128x128xf32, #tpu.memory_space<vmem>> -> memref<128x128xf32, #tpu.memory_space<vmem>>
        %gather3A_1301 = tpu.vector_load_idx %gather3A_1300[%add3A_556, %add3A_1296] : memref<128x128xf32, #tpu.memory_space<vmem>>[vector<16xi32>, vector<16xi32>], vector<16xf32>,
        %add3A_1302 = arith.addi %mul3A_569, %and3A_1265 : vector<16xi32>
        %gather3A_1303 = arith.constant 0 : i32
        %gather3A_1304 = arith.constant 0 : i32
        %gather3A_1305 = tpu.memref_slice %arg10[%scan3A_647, %gather3A_1303, %gather3A_1304] : memref<4x128x128xf32, #tpu.memory_space<vmem>> -> memref<1x128x128xf32, #tpu.memory_space<vmem>>
        %gather3A_1306 = tpu.memref_squeeze %gather3A_1305 : memref<1x128x128xf32, #tpu.memory_space<vmem>> -> memref<128x128xf32, #tpu.memory_space<vmem>>
        %gather3A_1307 = tpu.vector_load_idx %gather3A_1306[%add3A_566, %add3A_1302] : memref<128x128xf32, #tpu.memory_space<vmem>>[vector<16xi32>, vector<16xi32>], vector<16xf32>,
        %add3A_1308 = arith.addi %mul3A_579, %and3A_1265 : vector<16xi32>
        %gather3A_1309 = arith.constant 0 : i32
        %gather3A_1310 = arith.constant 0 : i32
        %gather3A_1311 = tpu.memref_slice %arg10[%scan3A_647, %gather3A_1309, %gather3A_1310] : memref<4x128x128xf32, #tpu.memory_space<vmem>> -> memref<1x128x128xf32, #tpu.memory_space<vmem>>
        %gather3A_1312 = tpu.memref_squeeze %gather3A_1311 : memref<1x128x128xf32, #tpu.memory_space<vmem>> -> memref<128x128xf32, #tpu.memory_space<vmem>>
        %gather3A_1313 = tpu.vector_load_idx %gather3A_1312[%add3A_576, %add3A_1308] : memref<128x128xf32, #tpu.memory_space<vmem>>[vector<16xi32>, vector<16xi32>], vector<16xf32>,
        %add3A_1314 = arith.addi %broadcast_in_dim3A_582, %and3A_1265 : vector<16xi32>
        %gather3A_1315 = tpu.vector_load_idx %arg7[%add3A_1314] : memref<12800xf32, #tpu.memory_space<vmem>>[vector<16xi32>], vector<16xf32>,
        %mul3A_1316 = arith.constant 8.000000e+00 : f32
        %mul3A_1317 = vector.broadcast %mul3A_1316 : f32 to vector<16xf32>
        %mul3A_1318 = arith.mulf %gather3A_1147, %mul3A_1317 : vector<16xf32>
        %add3A_1319 = arith.addf %mul3A_1318, %gather3A_1191 : vector<16xf32>
        %scatter3A_1320 = arith.constant 0 : i32
        %scatter3A_1321 = arith.constant 0 : i32
        %scatter3A_1322 = tpu.memref_slice %arg11[%scan3A_648, %scatter3A_1320, %scatter3A_1321] : memref<4x64x128xf32, #tpu.memory_space<vmem>> -> memref<1x64x128xf32, #tpu.memory_space<vmem>>
        %scatter3A_1323 = tpu.memref_squeeze %scatter3A_1322 : memref<1x64x128xf32, #tpu.memory_space<vmem>> -> memref<64x128xf32, #tpu.memory_space<vmem>>
        tpu.vector_store_idx %scatter3A_1323[%and3A_1141, %add3A_506], %add3A_1319 : memref<64x128xf32, #tpu.memory_space<vmem>>[vector<16xi32>, vector<16xi32>], vector<16xf32>,
        %mul3A_1324 = arith.constant 8.000000e+00 : f32
        %mul3A_1325 = vector.broadcast %mul3A_1324 : f32 to vector<16xf32>
        %mul3A_1326 = arith.mulf %gather3A_1153, %mul3A_1325 : vector<16xf32>
        %add3A_1327 = arith.addf %mul3A_1326, %gather3A_1191 : vector<16xf32>
        %scatter3A_1328 = arith.constant 0 : i32
        %scatter3A_1329 = arith.constant 0 : i32
        %scatter3A_1330 = tpu.memref_slice %arg11[%scan3A_648, %scatter3A_1328, %scatter3A_1329] : memref<4x64x128xf32, #tpu.memory_space<vmem>> -> memref<1x64x128xf32, #tpu.memory_space<vmem>>
        %scatter3A_1331 = tpu.memref_squeeze %scatter3A_1330 : memref<1x64x128xf32, #tpu.memory_space<vmem>> -> memref<64x128xf32, #tpu.memory_space<vmem>>
        tpu.vector_store_idx %scatter3A_1331[%and3A_1141, %add3A_516], %add3A_1327 : memref<64x128xf32, #tpu.memory_space<vmem>>[vector<16xi32>, vector<16xi32>], vector<16xf32>,
        %mul3A_1332 = arith.constant 8.000000e+00 : f32
        %mul3A_1333 = vector.broadcast %mul3A_1332 : f32 to vector<16xf32>
        %mul3A_1334 = arith.mulf %gather3A_1159, %mul3A_1333 : vector<16xf32>
        %add3A_1335 = arith.addf %mul3A_1334, %gather3A_1191 : vector<16xf32>
        %scatter3A_1336 = arith.constant 0 : i32
        %scatter3A_1337 = arith.constant 0 : i32
        %scatter3A_1338 = tpu.memref_slice %arg11[%scan3A_648, %scatter3A_1336, %scatter3A_1337] : memref<4x64x128xf32, #tpu.memory_space<vmem>> -> memref<1x64x128xf32, #tpu.memory_space<vmem>>
        %scatter3A_1339 = tpu.memref_squeeze %scatter3A_1338 : memref<1x64x128xf32, #tpu.memory_space<vmem>> -> memref<64x128xf32, #tpu.memory_space<vmem>>
        tpu.vector_store_idx %scatter3A_1339[%and3A_1141, %add3A_526], %add3A_1335 : memref<64x128xf32, #tpu.memory_space<vmem>>[vector<16xi32>, vector<16xi32>], vector<16xf32>,
        %mul3A_1340 = arith.constant 8.000000e+00 : f32
        %mul3A_1341 = vector.broadcast %mul3A_1340 : f32 to vector<16xf32>
        %mul3A_1342 = arith.mulf %gather3A_1165, %mul3A_1341 : vector<16xf32>
        %add3A_1343 = arith.addf %mul3A_1342, %gather3A_1191 : vector<16xf32>
        %scatter3A_1344 = arith.constant 0 : i32
        %scatter3A_1345 = arith.constant 0 : i32
        %scatter3A_1346 = tpu.memref_slice %arg11[%scan3A_648, %scatter3A_1344, %scatter3A_1345] : memref<4x64x128xf32, #tpu.memory_space<vmem>> -> memref<1x64x128xf32, #tpu.memory_space<vmem>>
        %scatter3A_1347 = tpu.memref_squeeze %scatter3A_1346 : memref<1x64x128xf32, #tpu.memory_space<vmem>> -> memref<64x128xf32, #tpu.memory_space<vmem>>
        tpu.vector_store_idx %scatter3A_1347[%and3A_1141, %add3A_536], %add3A_1343 : memref<64x128xf32, #tpu.memory_space<vmem>>[vector<16xi32>, vector<16xi32>], vector<16xf32>,
        %mul3A_1348 = arith.constant 8.000000e+00 : f32
        %mul3A_1349 = vector.broadcast %mul3A_1348 : f32 to vector<16xf32>
        %mul3A_1350 = arith.mulf %gather3A_1171, %mul3A_1349 : vector<16xf32>
        %add3A_1351 = arith.addf %mul3A_1350, %gather3A_1191 : vector<16xf32>
        %scatter3A_1352 = arith.constant 0 : i32
        %scatter3A_1353 = arith.constant 0 : i32
        %scatter3A_1354 = tpu.memref_slice %arg11[%scan3A_648, %scatter3A_1352, %scatter3A_1353] : memref<4x64x128xf32, #tpu.memory_space<vmem>> -> memref<1x64x128xf32, #tpu.memory_space<vmem>>
        %scatter3A_1355 = tpu.memref_squeeze %scatter3A_1354 : memref<1x64x128xf32, #tpu.memory_space<vmem>> -> memref<64x128xf32, #tpu.memory_space<vmem>>
        tpu.vector_store_idx %scatter3A_1355[%and3A_1141, %add3A_546], %add3A_1351 : memref<64x128xf32, #tpu.memory_space<vmem>>[vector<16xi32>, vector<16xi32>], vector<16xf32>,
        %mul3A_1356 = arith.constant 8.000000e+00 : f32
        %mul3A_1357 = vector.broadcast %mul3A_1356 : f32 to vector<16xf32>
        %mul3A_1358 = arith.mulf %gather3A_1177, %mul3A_1357 : vector<16xf32>
        %add3A_1359 = arith.addf %mul3A_1358, %gather3A_1191 : vector<16xf32>
        %scatter3A_1360 = arith.constant 0 : i32
        %scatter3A_1361 = arith.constant 0 : i32
        %scatter3A_1362 = tpu.memref_slice %arg11[%scan3A_648, %scatter3A_1360, %scatter3A_1361] : memref<4x64x128xf32, #tpu.memory_space<vmem>> -> memref<1x64x128xf32, #tpu.memory_space<vmem>>
        %scatter3A_1363 = tpu.memref_squeeze %scatter3A_1362 : memref<1x64x128xf32, #tpu.memory_space<vmem>> -> memref<64x128xf32, #tpu.memory_space<vmem>>
        tpu.vector_store_idx %scatter3A_1363[%and3A_1141, %add3A_556], %add3A_1359 : memref<64x128xf32, #tpu.memory_space<vmem>>[vector<16xi32>, vector<16xi32>], vector<16xf32>,
        %mul3A_1364 = arith.constant 8.000000e+00 : f32
        %mul3A_1365 = vector.broadcast %mul3A_1364 : f32 to vector<16xf32>
        %mul3A_1366 = arith.mulf %gather3A_1183, %mul3A_1365 : vector<16xf32>
        %add3A_1367 = arith.addf %mul3A_1366, %gather3A_1191 : vector<16xf32>
        %scatter3A_1368 = arith.constant 0 : i32
        %scatter3A_1369 = arith.constant 0 : i32
        %scatter3A_1370 = tpu.memref_slice %arg11[%scan3A_648, %scatter3A_1368, %scatter3A_1369] : memref<4x64x128xf32, #tpu.memory_space<vmem>> -> memref<1x64x128xf32, #tpu.memory_space<vmem>>
        %scatter3A_1371 = tpu.memref_squeeze %scatter3A_1370 : memref<1x64x128xf32, #tpu.memory_space<vmem>> -> memref<64x128xf32, #tpu.memory_space<vmem>>
        tpu.vector_store_idx %scatter3A_1371[%and3A_1141, %add3A_566], %add3A_1367 : memref<64x128xf32, #tpu.memory_space<vmem>>[vector<16xi32>, vector<16xi32>], vector<16xf32>,
        %mul3A_1372 = arith.constant 8.000000e+00 : f32
        %mul3A_1373 = vector.broadcast %mul3A_1372 : f32 to vector<16xf32>
        %mul3A_1374 = arith.mulf %gather3A_1189, %mul3A_1373 : vector<16xf32>
        %add3A_1375 = arith.addf %mul3A_1374, %gather3A_1191 : vector<16xf32>
        %scatter3A_1376 = arith.constant 0 : i32
        %scatter3A_1377 = arith.constant 0 : i32
        %scatter3A_1378 = tpu.memref_slice %arg11[%scan3A_648, %scatter3A_1376, %scatter3A_1377] : memref<4x64x128xf32, #tpu.memory_space<vmem>> -> memref<1x64x128xf32, #tpu.memory_space<vmem>>
        %scatter3A_1379 = tpu.memref_squeeze %scatter3A_1378 : memref<1x64x128xf32, #tpu.memory_space<vmem>> -> memref<64x128xf32, #tpu.memory_space<vmem>>
        tpu.vector_store_idx %scatter3A_1379[%and3A_1141, %add3A_576], %add3A_1375 : memref<64x128xf32, #tpu.memory_space<vmem>>[vector<16xi32>, vector<16xi32>], vector<16xf32>,
        %scan3A_1380 = arith.constant 2 : i32
        %scan3A_1381 = arith.addi %scan3A_1123, %scan3A_1380 : i32
        %add3A_1382 = arith.constant 1 : i32
        %add3A_1383 = arith.addi %scan3A_1381, %add3A_1382 : i32
        %min3A_1384 = arith.constant 63 : i32
        %min3A_1385 = arith.minsi %add3A_1383, %min3A_1384 : i32
        %add3A_1386 = vector.broadcast %min3A_1385 : i32 to vector<16xi32>
        %add3A_1387 = arith.addi %add3A_1386, %iota3A : vector<16xi32>
        %and3A_1388 = arith.constant 63 : i32
        %and3A_1389 = vector.broadcast %and3A_1388 : i32 to vector<16xi32>
        %and3A_1390 = arith.andi %add3A_1387, %and3A_1389 : vector<16xi32>
        %add3A_1391 = arith.addi %mul3A_509, %and3A_1390 : vector<16xi32>
        %gather3A_1392 = arith.constant 0 : i32
        %gather3A_1393 = arith.constant 0 : i32
        %gather3A_1394 = tpu.memref_slice %arg10[%scan3A_647, %gather3A_1392, %gather3A_1393] : memref<4x128x128xf32, #tpu.memory_space<vmem>> -> memref<1x128x128xf32, #tpu.memory_space<vmem>>
        %gather3A_1395 = tpu.memref_squeeze %gather3A_1394 : memref<1x128x128xf32, #tpu.memory_space<vmem>> -> memref<128x128xf32, #tpu.memory_space<vmem>>
        %gather3A_1396 = tpu.vector_load_idx %gather3A_1395[%add3A_506, %add3A_1391] : memref<128x128xf32, #tpu.memory_space<vmem>>[vector<16xi32>, vector<16xi32>], vector<16xf32>,
        %add3A_1397 = arith.addi %mul3A_519, %and3A_1390 : vector<16xi32>
        %gather3A_1398 = arith.constant 0 : i32
        %gather3A_1399 = arith.constant 0 : i32
        %gather3A_1400 = tpu.memref_slice %arg10[%scan3A_647, %gather3A_1398, %gather3A_1399] : memref<4x128x128xf32, #tpu.memory_space<vmem>> -> memref<1x128x128xf32, #tpu.memory_space<vmem>>
        %gather3A_1401 = tpu.memref_squeeze %gather3A_1400 : memref<1x128x128xf32, #tpu.memory_space<vmem>> -> memref<128x128xf32, #tpu.memory_space<vmem>>
        %gather3A_1402 = tpu.vector_load_idx %gather3A_1401[%add3A_516, %add3A_1397] : memref<128x128xf32, #tpu.memory_space<vmem>>[vector<16xi32>, vector<16xi32>], vector<16xf32>,
        %add3A_1403 = arith.addi %mul3A_529, %and3A_1390 : vector<16xi32>
        %gather3A_1404 = arith.constant 0 : i32
        %gather3A_1405 = arith.constant 0 : i32
        %gather3A_1406 = tpu.memref_slice %arg10[%scan3A_647, %gather3A_1404, %gather3A_1405] : memref<4x128x128xf32, #tpu.memory_space<vmem>> -> memref<1x128x128xf32, #tpu.memory_space<vmem>>
        %gather3A_1407 = tpu.memref_squeeze %gather3A_1406 : memref<1x128x128xf32, #tpu.memory_space<vmem>> -> memref<128x128xf32, #tpu.memory_space<vmem>>
        %gather3A_1408 = tpu.vector_load_idx %gather3A_1407[%add3A_526, %add3A_1403] : memref<128x128xf32, #tpu.memory_space<vmem>>[vector<16xi32>, vector<16xi32>], vector<16xf32>,
        %add3A_1409 = arith.addi %mul3A_539, %and3A_1390 : vector<16xi32>
        %gather3A_1410 = arith.constant 0 : i32
        %gather3A_1411 = arith.constant 0 : i32
        %gather3A_1412 = tpu.memref_slice %arg10[%scan3A_647, %gather3A_1410, %gather3A_1411] : memref<4x128x128xf32, #tpu.memory_space<vmem>> -> memref<1x128x128xf32, #tpu.memory_space<vmem>>
        %gather3A_1413 = tpu.memref_squeeze %gather3A_1412 : memref<1x128x128xf32, #tpu.memory_space<vmem>> -> memref<128x128xf32, #tpu.memory_space<vmem>>
        %gather3A_1414 = tpu.vector_load_idx %gather3A_1413[%add3A_536, %add3A_1409] : memref<128x128xf32, #tpu.memory_space<vmem>>[vector<16xi32>, vector<16xi32>], vector<16xf32>,
        %add3A_1415 = arith.addi %mul3A_549, %and3A_1390 : vector<16xi32>
        %gather3A_1416 = arith.constant 0 : i32
        %gather3A_1417 = arith.constant 0 : i32
        %gather3A_1418 = tpu.memref_slice %arg10[%scan3A_647, %gather3A_1416, %gather3A_1417] : memref<4x128x128xf32, #tpu.memory_space<vmem>> -> memref<1x128x128xf32, #tpu.memory_space<vmem>>
        %gather3A_1419 = tpu.memref_squeeze %gather3A_1418 : memref<1x128x128xf32, #tpu.memory_space<vmem>> -> memref<128x128xf32, #tpu.memory_space<vmem>>
        %gather3A_1420 = tpu.vector_load_idx %gather3A_1419[%add3A_546, %add3A_1415] : memref<128x128xf32, #tpu.memory_space<vmem>>[vector<16xi32>, vector<16xi32>], vector<16xf32>,
        %add3A_1421 = arith.addi %mul3A_559, %and3A_1390 : vector<16xi32>
        %gather3A_1422 = arith.constant 0 : i32
        %gather3A_1423 = arith.constant 0 : i32
        %gather3A_1424 = tpu.memref_slice %arg10[%scan3A_647, %gather3A_1422, %gather3A_1423] : memref<4x128x128xf32, #tpu.memory_space<vmem>> -> memref<1x128x128xf32, #tpu.memory_space<vmem>>
        %gather3A_1425 = tpu.memref_squeeze %gather3A_1424 : memref<1x128x128xf32, #tpu.memory_space<vmem>> -> memref<128x128xf32, #tpu.memory_space<vmem>>
        %gather3A_1426 = tpu.vector_load_idx %gather3A_1425[%add3A_556, %add3A_1421] : memref<128x128xf32, #tpu.memory_space<vmem>>[vector<16xi32>, vector<16xi32>], vector<16xf32>,
        %add3A_1427 = arith.addi %mul3A_569, %and3A_1390 : vector<16xi32>
        %gather3A_1428 = arith.constant 0 : i32
        %gather3A_1429 = arith.constant 0 : i32
        %gather3A_1430 = tpu.memref_slice %arg10[%scan3A_647, %gather3A_1428, %gather3A_1429] : memref<4x128x128xf32, #tpu.memory_space<vmem>> -> memref<1x128x128xf32, #tpu.memory_space<vmem>>
        %gather3A_1431 = tpu.memref_squeeze %gather3A_1430 : memref<1x128x128xf32, #tpu.memory_space<vmem>> -> memref<128x128xf32, #tpu.memory_space<vmem>>
        %gather3A_1432 = tpu.vector_load_idx %gather3A_1431[%add3A_566, %add3A_1427] : memref<128x128xf32, #tpu.memory_space<vmem>>[vector<16xi32>, vector<16xi32>], vector<16xf32>,
        %add3A_1433 = arith.addi %mul3A_579, %and3A_1390 : vector<16xi32>
        %gather3A_1434 = arith.constant 0 : i32
        %gather3A_1435 = arith.constant 0 : i32
        %gather3A_1436 = tpu.memref_slice %arg10[%scan3A_647, %gather3A_1434, %gather3A_1435] : memref<4x128x128xf32, #tpu.memory_space<vmem>> -> memref<1x128x128xf32, #tpu.memory_space<vmem>>
        %gather3A_1437 = tpu.memref_squeeze %gather3A_1436 : memref<1x128x128xf32, #tpu.memory_space<vmem>> -> memref<128x128xf32, #tpu.memory_space<vmem>>
        %gather3A_1438 = tpu.vector_load_idx %gather3A_1437[%add3A_576, %add3A_1433] : memref<128x128xf32, #tpu.memory_space<vmem>>[vector<16xi32>, vector<16xi32>], vector<16xf32>,
        %add3A_1439 = arith.addi %broadcast_in_dim3A_582, %and3A_1390 : vector<16xi32>
        %gather3A_1440 = tpu.vector_load_idx %arg7[%add3A_1439] : memref<12800xf32, #tpu.memory_space<vmem>>[vector<16xi32>], vector<16xf32>,
        %mul3A_1441 = arith.constant 8.000000e+00 : f32
        %mul3A_1442 = vector.broadcast %mul3A_1441 : f32 to vector<16xf32>
        %mul3A_1443 = arith.mulf %gather3A_1271, %mul3A_1442 : vector<16xf32>
        %add3A_1444 = arith.addf %mul3A_1443, %gather3A_1315 : vector<16xf32>
        %scatter3A_1445 = arith.constant 0 : i32
        %scatter3A_1446 = arith.constant 0 : i32
        %scatter3A_1447 = tpu.memref_slice %arg11[%scan3A_648, %scatter3A_1445, %scatter3A_1446] : memref<4x64x128xf32, #tpu.memory_space<vmem>> -> memref<1x64x128xf32, #tpu.memory_space<vmem>>
        %scatter3A_1448 = tpu.memref_squeeze %scatter3A_1447 : memref<1x64x128xf32, #tpu.memory_space<vmem>> -> memref<64x128xf32, #tpu.memory_space<vmem>>
        tpu.vector_store_idx %scatter3A_1448[%and3A_1265, %add3A_506], %add3A_1444 : memref<64x128xf32, #tpu.memory_space<vmem>>[vector<16xi32>, vector<16xi32>], vector<16xf32>,
        %mul3A_1449 = arith.constant 8.000000e+00 : f32
        %mul3A_1450 = vector.broadcast %mul3A_1449 : f32 to vector<16xf32>
        %mul3A_1451 = arith.mulf %gather3A_1277, %mul3A_1450 : vector<16xf32>
        %add3A_1452 = arith.addf %mul3A_1451, %gather3A_1315 : vector<16xf32>
        %scatter3A_1453 = arith.constant 0 : i32
        %scatter3A_1454 = arith.constant 0 : i32
        %scatter3A_1455 = tpu.memref_slice %arg11[%scan3A_648, %scatter3A_1453, %scatter3A_1454] : memref<4x64x128xf32, #tpu.memory_space<vmem>> -> memref<1x64x128xf32, #tpu.memory_space<vmem>>
        %scatter3A_1456 = tpu.memref_squeeze %scatter3A_1455 : memref<1x64x128xf32, #tpu.memory_space<vmem>> -> memref<64x128xf32, #tpu.memory_space<vmem>>
        tpu.vector_store_idx %scatter3A_1456[%and3A_1265, %add3A_516], %add3A_1452 : memref<64x128xf32, #tpu.memory_space<vmem>>[vector<16xi32>, vector<16xi32>], vector<16xf32>,
        %mul3A_1457 = arith.constant 8.000000e+00 : f32
        %mul3A_1458 = vector.broadcast %mul3A_1457 : f32 to vector<16xf32>
        %mul3A_1459 = arith.mulf %gather3A_1283, %mul3A_1458 : vector<16xf32>
        %add3A_1460 = arith.addf %mul3A_1459, %gather3A_1315 : vector<16xf32>
        %scatter3A_1461 = arith.constant 0 : i32
        %scatter3A_1462 = arith.constant 0 : i32
        %scatter3A_1463 = tpu.memref_slice %arg11[%scan3A_648, %scatter3A_1461, %scatter3A_1462] : memref<4x64x128xf32, #tpu.memory_space<vmem>> -> memref<1x64x128xf32, #tpu.memory_space<vmem>>
        %scatter3A_1464 = tpu.memref_squeeze %scatter3A_1463 : memref<1x64x128xf32, #tpu.memory_space<vmem>> -> memref<64x128xf32, #tpu.memory_space<vmem>>
        tpu.vector_store_idx %scatter3A_1464[%and3A_1265, %add3A_526], %add3A_1460 : memref<64x128xf32, #tpu.memory_space<vmem>>[vector<16xi32>, vector<16xi32>], vector<16xf32>,
        %mul3A_1465 = arith.constant 8.000000e+00 : f32
        %mul3A_1466 = vector.broadcast %mul3A_1465 : f32 to vector<16xf32>
        %mul3A_1467 = arith.mulf %gather3A_1289, %mul3A_1466 : vector<16xf32>
        %add3A_1468 = arith.addf %mul3A_1467, %gather3A_1315 : vector<16xf32>
        %scatter3A_1469 = arith.constant 0 : i32
        %scatter3A_1470 = arith.constant 0 : i32
        %scatter3A_1471 = tpu.memref_slice %arg11[%scan3A_648, %scatter3A_1469, %scatter3A_1470] : memref<4x64x128xf32, #tpu.memory_space<vmem>> -> memref<1x64x128xf32, #tpu.memory_space<vmem>>
        %scatter3A_1472 = tpu.memref_squeeze %scatter3A_1471 : memref<1x64x128xf32, #tpu.memory_space<vmem>> -> memref<64x128xf32, #tpu.memory_space<vmem>>
        tpu.vector_store_idx %scatter3A_1472[%and3A_1265, %add3A_536], %add3A_1468 : memref<64x128xf32, #tpu.memory_space<vmem>>[vector<16xi32>, vector<16xi32>], vector<16xf32>,
        %mul3A_1473 = arith.constant 8.000000e+00 : f32
        %mul3A_1474 = vector.broadcast %mul3A_1473 : f32 to vector<16xf32>
        %mul3A_1475 = arith.mulf %gather3A_1295, %mul3A_1474 : vector<16xf32>
        %add3A_1476 = arith.addf %mul3A_1475, %gather3A_1315 : vector<16xf32>
        %scatter3A_1477 = arith.constant 0 : i32
        %scatter3A_1478 = arith.constant 0 : i32
        %scatter3A_1479 = tpu.memref_slice %arg11[%scan3A_648, %scatter3A_1477, %scatter3A_1478] : memref<4x64x128xf32, #tpu.memory_space<vmem>> -> memref<1x64x128xf32, #tpu.memory_space<vmem>>
        %scatter3A_1480 = tpu.memref_squeeze %scatter3A_1479 : memref<1x64x128xf32, #tpu.memory_space<vmem>> -> memref<64x128xf32, #tpu.memory_space<vmem>>
        tpu.vector_store_idx %scatter3A_1480[%and3A_1265, %add3A_546], %add3A_1476 : memref<64x128xf32, #tpu.memory_space<vmem>>[vector<16xi32>, vector<16xi32>], vector<16xf32>,
        %mul3A_1481 = arith.constant 8.000000e+00 : f32
        %mul3A_1482 = vector.broadcast %mul3A_1481 : f32 to vector<16xf32>
        %mul3A_1483 = arith.mulf %gather3A_1301, %mul3A_1482 : vector<16xf32>
        %add3A_1484 = arith.addf %mul3A_1483, %gather3A_1315 : vector<16xf32>
        %scatter3A_1485 = arith.constant 0 : i32
        %scatter3A_1486 = arith.constant 0 : i32
        %scatter3A_1487 = tpu.memref_slice %arg11[%scan3A_648, %scatter3A_1485, %scatter3A_1486] : memref<4x64x128xf32, #tpu.memory_space<vmem>> -> memref<1x64x128xf32, #tpu.memory_space<vmem>>
        %scatter3A_1488 = tpu.memref_squeeze %scatter3A_1487 : memref<1x64x128xf32, #tpu.memory_space<vmem>> -> memref<64x128xf32, #tpu.memory_space<vmem>>
        tpu.vector_store_idx %scatter3A_1488[%and3A_1265, %add3A_556], %add3A_1484 : memref<64x128xf32, #tpu.memory_space<vmem>>[vector<16xi32>, vector<16xi32>], vector<16xf32>,
        %mul3A_1489 = arith.constant 8.000000e+00 : f32
        %mul3A_1490 = vector.broadcast %mul3A_1489 : f32 to vector<16xf32>
        %mul3A_1491 = arith.mulf %gather3A_1307, %mul3A_1490 : vector<16xf32>
        %add3A_1492 = arith.addf %mul3A_1491, %gather3A_1315 : vector<16xf32>
        %scatter3A_1493 = arith.constant 0 : i32
        %scatter3A_1494 = arith.constant 0 : i32
        %scatter3A_1495 = tpu.memref_slice %arg11[%scan3A_648, %scatter3A_1493, %scatter3A_1494] : memref<4x64x128xf32, #tpu.memory_space<vmem>> -> memref<1x64x128xf32, #tpu.memory_space<vmem>>
        %scatter3A_1496 = tpu.memref_squeeze %scatter3A_1495 : memref<1x64x128xf32, #tpu.memory_space<vmem>> -> memref<64x128xf32, #tpu.memory_space<vmem>>
        tpu.vector_store_idx %scatter3A_1496[%and3A_1265, %add3A_566], %add3A_1492 : memref<64x128xf32, #tpu.memory_space<vmem>>[vector<16xi32>, vector<16xi32>], vector<16xf32>,
        %mul3A_1497 = arith.constant 8.000000e+00 : f32
        %mul3A_1498 = vector.broadcast %mul3A_1497 : f32 to vector<16xf32>
        %mul3A_1499 = arith.mulf %gather3A_1313, %mul3A_1498 : vector<16xf32>
        %add3A_1500 = arith.addf %mul3A_1499, %gather3A_1315 : vector<16xf32>
        %scatter3A_1501 = arith.constant 0 : i32
        %scatter3A_1502 = arith.constant 0 : i32
        %scatter3A_1503 = tpu.memref_slice %arg11[%scan3A_648, %scatter3A_1501, %scatter3A_1502] : memref<4x64x128xf32, #tpu.memory_space<vmem>> -> memref<1x64x128xf32, #tpu.memory_space<vmem>>
        %scatter3A_1504 = tpu.memref_squeeze %scatter3A_1503 : memref<1x64x128xf32, #tpu.memory_space<vmem>> -> memref<64x128xf32, #tpu.memory_space<vmem>>
        tpu.vector_store_idx %scatter3A_1504[%and3A_1265, %add3A_576], %add3A_1500 : memref<64x128xf32, #tpu.memory_space<vmem>>[vector<16xi32>, vector<16xi32>], vector<16xf32>,
        %scan3A_1505 = arith.constant 3 : i32
        %scan3A_1506 = arith.addi %scan3A_1123, %scan3A_1505 : i32
        %add3A_1507 = arith.constant 1 : i32
        %add3A_1508 = arith.addi %scan3A_1506, %add3A_1507 : i32
        %min3A_1509 = arith.constant 63 : i32
        %min3A_1510 = arith.minsi %add3A_1508, %min3A_1509 : i32
        %add3A_1511 = vector.broadcast %min3A_1510 : i32 to vector<16xi32>
        %add3A_1512 = arith.addi %add3A_1511, %iota3A : vector<16xi32>
        %and3A_1513 = arith.constant 63 : i32
        %and3A_1514 = vector.broadcast %and3A_1513 : i32 to vector<16xi32>
        %and3A_1515 = arith.andi %add3A_1512, %and3A_1514 : vector<16xi32>
        %add3A_1516 = arith.addi %mul3A_509, %and3A_1515 : vector<16xi32>
        %gather3A_1517 = arith.constant 0 : i32
        %gather3A_1518 = arith.constant 0 : i32
        %gather3A_1519 = tpu.memref_slice %arg10[%scan3A_647, %gather3A_1517, %gather3A_1518] : memref<4x128x128xf32, #tpu.memory_space<vmem>> -> memref<1x128x128xf32, #tpu.memory_space<vmem>>
        %gather3A_1520 = tpu.memref_squeeze %gather3A_1519 : memref<1x128x128xf32, #tpu.memory_space<vmem>> -> memref<128x128xf32, #tpu.memory_space<vmem>>
        %gather3A_1521 = tpu.vector_load_idx %gather3A_1520[%add3A_506, %add3A_1516] : memref<128x128xf32, #tpu.memory_space<vmem>>[vector<16xi32>, vector<16xi32>], vector<16xf32>,
        %add3A_1522 = arith.addi %mul3A_519, %and3A_1515 : vector<16xi32>
        %gather3A_1523 = arith.constant 0 : i32
        %gather3A_1524 = arith.constant 0 : i32
        %gather3A_1525 = tpu.memref_slice %arg10[%scan3A_647, %gather3A_1523, %gather3A_1524] : memref<4x128x128xf32, #tpu.memory_space<vmem>> -> memref<1x128x128xf32, #tpu.memory_space<vmem>>
        %gather3A_1526 = tpu.memref_squeeze %gather3A_1525 : memref<1x128x128xf32, #tpu.memory_space<vmem>> -> memref<128x128xf32, #tpu.memory_space<vmem>>
        %gather3A_1527 = tpu.vector_load_idx %gather3A_1526[%add3A_516, %add3A_1522] : memref<128x128xf32, #tpu.memory_space<vmem>>[vector<16xi32>, vector<16xi32>], vector<16xf32>,
        %add3A_1528 = arith.addi %mul3A_529, %and3A_1515 : vector<16xi32>
        %gather3A_1529 = arith.constant 0 : i32
        %gather3A_1530 = arith.constant 0 : i32
        %gather3A_1531 = tpu.memref_slice %arg10[%scan3A_647, %gather3A_1529, %gather3A_1530] : memref<4x128x128xf32, #tpu.memory_space<vmem>> -> memref<1x128x128xf32, #tpu.memory_space<vmem>>
        %gather3A_1532 = tpu.memref_squeeze %gather3A_1531 : memref<1x128x128xf32, #tpu.memory_space<vmem>> -> memref<128x128xf32, #tpu.memory_space<vmem>>
        %gather3A_1533 = tpu.vector_load_idx %gather3A_1532[%add3A_526, %add3A_1528] : memref<128x128xf32, #tpu.memory_space<vmem>>[vector<16xi32>, vector<16xi32>], vector<16xf32>,
        %add3A_1534 = arith.addi %mul3A_539, %and3A_1515 : vector<16xi32>
        %gather3A_1535 = arith.constant 0 : i32
        %gather3A_1536 = arith.constant 0 : i32
        %gather3A_1537 = tpu.memref_slice %arg10[%scan3A_647, %gather3A_1535, %gather3A_1536] : memref<4x128x128xf32, #tpu.memory_space<vmem>> -> memref<1x128x128xf32, #tpu.memory_space<vmem>>
        %gather3A_1538 = tpu.memref_squeeze %gather3A_1537 : memref<1x128x128xf32, #tpu.memory_space<vmem>> -> memref<128x128xf32, #tpu.memory_space<vmem>>
        %gather3A_1539 = tpu.vector_load_idx %gather3A_1538[%add3A_536, %add3A_1534] : memref<128x128xf32, #tpu.memory_space<vmem>>[vector<16xi32>, vector<16xi32>], vector<16xf32>,
        %add3A_1540 = arith.addi %mul3A_549, %and3A_1515 : vector<16xi32>
        %gather3A_1541 = arith.constant 0 : i32
        %gather3A_1542 = arith.constant 0 : i32
        %gather3A_1543 = tpu.memref_slice %arg10[%scan3A_647, %gather3A_1541, %gather3A_1542] : memref<4x128x128xf32, #tpu.memory_space<vmem>> -> memref<1x128x128xf32, #tpu.memory_space<vmem>>
        %gather3A_1544 = tpu.memref_squeeze %gather3A_1543 : memref<1x128x128xf32, #tpu.memory_space<vmem>> -> memref<128x128xf32, #tpu.memory_space<vmem>>
        %gather3A_1545 = tpu.vector_load_idx %gather3A_1544[%add3A_546, %add3A_1540] : memref<128x128xf32, #tpu.memory_space<vmem>>[vector<16xi32>, vector<16xi32>], vector<16xf32>,
        %add3A_1546 = arith.addi %mul3A_559, %and3A_1515 : vector<16xi32>
        %gather3A_1547 = arith.constant 0 : i32
        %gather3A_1548 = arith.constant 0 : i32
        %gather3A_1549 = tpu.memref_slice %arg10[%scan3A_647, %gather3A_1547, %gather3A_1548] : memref<4x128x128xf32, #tpu.memory_space<vmem>> -> memref<1x128x128xf32, #tpu.memory_space<vmem>>
        %gather3A_1550 = tpu.memref_squeeze %gather3A_1549 : memref<1x128x128xf32, #tpu.memory_space<vmem>> -> memref<128x128xf32, #tpu.memory_space<vmem>>
        %gather3A_1551 = tpu.vector_load_idx %gather3A_1550[%add3A_556, %add3A_1546] : memref<128x128xf32, #tpu.memory_space<vmem>>[vector<16xi32>, vector<16xi32>], vector<16xf32>,
        %add3A_1552 = arith.addi %mul3A_569, %and3A_1515 : vector<16xi32>
        %gather3A_1553 = arith.constant 0 : i32
        %gather3A_1554 = arith.constant 0 : i32
        %gather3A_1555 = tpu.memref_slice %arg10[%scan3A_647, %gather3A_1553, %gather3A_1554] : memref<4x128x128xf32, #tpu.memory_space<vmem>> -> memref<1x128x128xf32, #tpu.memory_space<vmem>>
        %gather3A_1556 = tpu.memref_squeeze %gather3A_1555 : memref<1x128x128xf32, #tpu.memory_space<vmem>> -> memref<128x128xf32, #tpu.memory_space<vmem>>
        %gather3A_1557 = tpu.vector_load_idx %gather3A_1556[%add3A_566, %add3A_1552] : memref<128x128xf32, #tpu.memory_space<vmem>>[vector<16xi32>, vector<16xi32>], vector<16xf32>,
        %add3A_1558 = arith.addi %mul3A_579, %and3A_1515 : vector<16xi32>
        %gather3A_1559 = arith.constant 0 : i32
        %gather3A_1560 = arith.constant 0 : i32
        %gather3A_1561 = tpu.memref_slice %arg10[%scan3A_647, %gather3A_1559, %gather3A_1560] : memref<4x128x128xf32, #tpu.memory_space<vmem>> -> memref<1x128x128xf32, #tpu.memory_space<vmem>>
        %gather3A_1562 = tpu.memref_squeeze %gather3A_1561 : memref<1x128x128xf32, #tpu.memory_space<vmem>> -> memref<128x128xf32, #tpu.memory_space<vmem>>
        %gather3A_1563 = tpu.vector_load_idx %gather3A_1562[%add3A_576, %add3A_1558] : memref<128x128xf32, #tpu.memory_space<vmem>>[vector<16xi32>, vector<16xi32>], vector<16xf32>,
        %add3A_1564 = arith.addi %broadcast_in_dim3A_582, %and3A_1515 : vector<16xi32>
        %gather3A_1565 = tpu.vector_load_idx %arg7[%add3A_1564] : memref<12800xf32, #tpu.memory_space<vmem>>[vector<16xi32>], vector<16xf32>,
        %mul3A_1566 = arith.constant 8.000000e+00 : f32
        %mul3A_1567 = vector.broadcast %mul3A_1566 : f32 to vector<16xf32>
        %mul3A_1568 = arith.mulf %gather3A_1396, %mul3A_1567 : vector<16xf32>
        %add3A_1569 = arith.addf %mul3A_1568, %gather3A_1440 : vector<16xf32>
        %scatter3A_1570 = arith.constant 0 : i32
        %scatter3A_1571 = arith.constant 0 : i32
        %scatter3A_1572 = tpu.memref_slice %arg11[%scan3A_648, %scatter3A_1570, %scatter3A_1571] : memref<4x64x128xf32, #tpu.memory_space<vmem>> -> memref<1x64x128xf32, #tpu.memory_space<vmem>>
        %scatter3A_1573 = tpu.memref_squeeze %scatter3A_1572 : memref<1x64x128xf32, #tpu.memory_space<vmem>> -> memref<64x128xf32, #tpu.memory_space<vmem>>
        tpu.vector_store_idx %scatter3A_1573[%and3A_1390, %add3A_506], %add3A_1569 : memref<64x128xf32, #tpu.memory_space<vmem>>[vector<16xi32>, vector<16xi32>], vector<16xf32>,
        %mul3A_1574 = arith.constant 8.000000e+00 : f32
        %mul3A_1575 = vector.broadcast %mul3A_1574 : f32 to vector<16xf32>
        %mul3A_1576 = arith.mulf %gather3A_1402, %mul3A_1575 : vector<16xf32>
        %add3A_1577 = arith.addf %mul3A_1576, %gather3A_1440 : vector<16xf32>
        %scatter3A_1578 = arith.constant 0 : i32
        %scatter3A_1579 = arith.constant 0 : i32
        %scatter3A_1580 = tpu.memref_slice %arg11[%scan3A_648, %scatter3A_1578, %scatter3A_1579] : memref<4x64x128xf32, #tpu.memory_space<vmem>> -> memref<1x64x128xf32, #tpu.memory_space<vmem>>
        %scatter3A_1581 = tpu.memref_squeeze %scatter3A_1580 : memref<1x64x128xf32, #tpu.memory_space<vmem>> -> memref<64x128xf32, #tpu.memory_space<vmem>>
        tpu.vector_store_idx %scatter3A_1581[%and3A_1390, %add3A_516], %add3A_1577 : memref<64x128xf32, #tpu.memory_space<vmem>>[vector<16xi32>, vector<16xi32>], vector<16xf32>,
        %mul3A_1582 = arith.constant 8.000000e+00 : f32
        %mul3A_1583 = vector.broadcast %mul3A_1582 : f32 to vector<16xf32>
        %mul3A_1584 = arith.mulf %gather3A_1408, %mul3A_1583 : vector<16xf32>
        %add3A_1585 = arith.addf %mul3A_1584, %gather3A_1440 : vector<16xf32>
        %scatter3A_1586 = arith.constant 0 : i32
        %scatter3A_1587 = arith.constant 0 : i32
        %scatter3A_1588 = tpu.memref_slice %arg11[%scan3A_648, %scatter3A_1586, %scatter3A_1587] : memref<4x64x128xf32, #tpu.memory_space<vmem>> -> memref<1x64x128xf32, #tpu.memory_space<vmem>>
        %scatter3A_1589 = tpu.memref_squeeze %scatter3A_1588 : memref<1x64x128xf32, #tpu.memory_space<vmem>> -> memref<64x128xf32, #tpu.memory_space<vmem>>
        tpu.vector_store_idx %scatter3A_1589[%and3A_1390, %add3A_526], %add3A_1585 : memref<64x128xf32, #tpu.memory_space<vmem>>[vector<16xi32>, vector<16xi32>], vector<16xf32>,
        %mul3A_1590 = arith.constant 8.000000e+00 : f32
        %mul3A_1591 = vector.broadcast %mul3A_1590 : f32 to vector<16xf32>
        %mul3A_1592 = arith.mulf %gather3A_1414, %mul3A_1591 : vector<16xf32>
        %add3A_1593 = arith.addf %mul3A_1592, %gather3A_1440 : vector<16xf32>
        %scatter3A_1594 = arith.constant 0 : i32
        %scatter3A_1595 = arith.constant 0 : i32
        %scatter3A_1596 = tpu.memref_slice %arg11[%scan3A_648, %scatter3A_1594, %scatter3A_1595] : memref<4x64x128xf32, #tpu.memory_space<vmem>> -> memref<1x64x128xf32, #tpu.memory_space<vmem>>
        %scatter3A_1597 = tpu.memref_squeeze %scatter3A_1596 : memref<1x64x128xf32, #tpu.memory_space<vmem>> -> memref<64x128xf32, #tpu.memory_space<vmem>>
        tpu.vector_store_idx %scatter3A_1597[%and3A_1390, %add3A_536], %add3A_1593 : memref<64x128xf32, #tpu.memory_space<vmem>>[vector<16xi32>, vector<16xi32>], vector<16xf32>,
        %mul3A_1598 = arith.constant 8.000000e+00 : f32
        %mul3A_1599 = vector.broadcast %mul3A_1598 : f32 to vector<16xf32>
        %mul3A_1600 = arith.mulf %gather3A_1420, %mul3A_1599 : vector<16xf32>
        %add3A_1601 = arith.addf %mul3A_1600, %gather3A_1440 : vector<16xf32>
        %scatter3A_1602 = arith.constant 0 : i32
        %scatter3A_1603 = arith.constant 0 : i32
        %scatter3A_1604 = tpu.memref_slice %arg11[%scan3A_648, %scatter3A_1602, %scatter3A_1603] : memref<4x64x128xf32, #tpu.memory_space<vmem>> -> memref<1x64x128xf32, #tpu.memory_space<vmem>>
        %scatter3A_1605 = tpu.memref_squeeze %scatter3A_1604 : memref<1x64x128xf32, #tpu.memory_space<vmem>> -> memref<64x128xf32, #tpu.memory_space<vmem>>
        tpu.vector_store_idx %scatter3A_1605[%and3A_1390, %add3A_546], %add3A_1601 : memref<64x128xf32, #tpu.memory_space<vmem>>[vector<16xi32>, vector<16xi32>], vector<16xf32>,
        %mul3A_1606 = arith.constant 8.000000e+00 : f32
        %mul3A_1607 = vector.broadcast %mul3A_1606 : f32 to vector<16xf32>
        %mul3A_1608 = arith.mulf %gather3A_1426, %mul3A_1607 : vector<16xf32>
        %add3A_1609 = arith.addf %mul3A_1608, %gather3A_1440 : vector<16xf32>
        %scatter3A_1610 = arith.constant 0 : i32
        %scatter3A_1611 = arith.constant 0 : i32
        %scatter3A_1612 = tpu.memref_slice %arg11[%scan3A_648, %scatter3A_1610, %scatter3A_1611] : memref<4x64x128xf32, #tpu.memory_space<vmem>> -> memref<1x64x128xf32, #tpu.memory_space<vmem>>
        %scatter3A_1613 = tpu.memref_squeeze %scatter3A_1612 : memref<1x64x128xf32, #tpu.memory_space<vmem>> -> memref<64x128xf32, #tpu.memory_space<vmem>>
        tpu.vector_store_idx %scatter3A_1613[%and3A_1390, %add3A_556], %add3A_1609 : memref<64x128xf32, #tpu.memory_space<vmem>>[vector<16xi32>, vector<16xi32>], vector<16xf32>,
        %mul3A_1614 = arith.constant 8.000000e+00 : f32
        %mul3A_1615 = vector.broadcast %mul3A_1614 : f32 to vector<16xf32>
        %mul3A_1616 = arith.mulf %gather3A_1432, %mul3A_1615 : vector<16xf32>
        %add3A_1617 = arith.addf %mul3A_1616, %gather3A_1440 : vector<16xf32>
        %scatter3A_1618 = arith.constant 0 : i32
        %scatter3A_1619 = arith.constant 0 : i32
        %scatter3A_1620 = tpu.memref_slice %arg11[%scan3A_648, %scatter3A_1618, %scatter3A_1619] : memref<4x64x128xf32, #tpu.memory_space<vmem>> -> memref<1x64x128xf32, #tpu.memory_space<vmem>>
        %scatter3A_1621 = tpu.memref_squeeze %scatter3A_1620 : memref<1x64x128xf32, #tpu.memory_space<vmem>> -> memref<64x128xf32, #tpu.memory_space<vmem>>
        tpu.vector_store_idx %scatter3A_1621[%and3A_1390, %add3A_566], %add3A_1617 : memref<64x128xf32, #tpu.memory_space<vmem>>[vector<16xi32>, vector<16xi32>], vector<16xf32>,
        %mul3A_1622 = arith.constant 8.000000e+00 : f32
        %mul3A_1623 = vector.broadcast %mul3A_1622 : f32 to vector<16xf32>
        %mul3A_1624 = arith.mulf %gather3A_1438, %mul3A_1623 : vector<16xf32>
        %add3A_1625 = arith.addf %mul3A_1624, %gather3A_1440 : vector<16xf32>
        %scatter3A_1626 = arith.constant 0 : i32
        %scatter3A_1627 = arith.constant 0 : i32
        %scatter3A_1628 = tpu.memref_slice %arg11[%scan3A_648, %scatter3A_1626, %scatter3A_1627] : memref<4x64x128xf32, #tpu.memory_space<vmem>> -> memref<1x64x128xf32, #tpu.memory_space<vmem>>
        %scatter3A_1629 = tpu.memref_squeeze %scatter3A_1628 : memref<1x64x128xf32, #tpu.memory_space<vmem>> -> memref<64x128xf32, #tpu.memory_space<vmem>>
        tpu.vector_store_idx %scatter3A_1629[%and3A_1390, %add3A_576], %add3A_1625 : memref<64x128xf32, #tpu.memory_space<vmem>>[vector<16xi32>, vector<16xi32>], vector<16xf32>,
        scf.yield %gather3A_1521, %gather3A_1527, %gather3A_1533, %gather3A_1539, %gather3A_1545, %gather3A_1551, %gather3A_1557, %gather3A_1563, %gather3A_1565, %and3A_1515 : vector<16xf32>, vector<16xf32>, vector<16xf32>, vector<16xf32>, vector<16xf32>, vector<16xf32>, vector<16xf32>, vector<16xf32>, vector<16xf32>, vector<16xi32>
      }
      %scan3A_654 = arith.constant 64 : i32
      %add3A_655 = arith.constant 4 : i32
      %add3A_656 = arith.addi %add3A_457, %add3A_655 : i32
      %lt3A_657 = arith.constant 200 : i32
      %lt3A_658 = arith.cmpi slt, %add3A_656, %lt3A_657 : i32
      %convert_element_type3A_659 = arith.extui %lt3A_658 : i1 to i32
      %cond3A_660 = arith.constant 0 : i32
      %cond3A_661 = arith.cmpi ne, %convert_element_type3A_659, %cond3A_660 : i32
      scf.if %cond3A_661 {
        %add3A_1123 = arith.constant 4 : i32
        %add3A_1124 = arith.addi %add3A_457, %add3A_1123 : i32
        %dma_start3A_1125 = arith.constant 1 : i32
        %dma_start3A_1126 = arith.constant 0 : i32
        %dma_start3A_1127 = tpu.memref_slice %arg9[%dma_start3A_1125, %dma_start3A_1126] : memref<4x128xi32, #tpu.memory_space<vmem>> -> memref<1x128xi32, #tpu.memory_space<vmem>>
        %dma_start3A_1128 = tpu.memref_squeeze %dma_start3A_1127 : memref<1x128xi32, #tpu.memory_space<vmem>> -> memref<128xi32, #tpu.memory_space<vmem>>
        %dma_start3A_1129 = tpu.memref_slice %arg3[%add3A_1124, %mul3A_2] : memref<200x4096xi32, #tpu.memory_space<hbm>> -> memref<1x128xi32, #tpu.memory_space<hbm>>
        %dma_start3A_1130 = tpu.memref_squeeze %dma_start3A_1129 : memref<1x128xi32, #tpu.memory_space<hbm>> -> memref<128xi32, #tpu.memory_space<hbm>>
        %dma_start3A_1131 = arith.constant 0 : i32
        %dma_start3A_1132 = tpu.memref_slice %arg9[%dma_start3A_1125, %dma_start3A_1131] : memref<4x128xi32, #tpu.memory_space<vmem>> -> memref<1x128xi32, #tpu.memory_space<vmem>>
        %dma_start3A_1133 = tpu.memref_squeeze %dma_start3A_1132 : memref<1x128xi32, #tpu.memory_space<vmem>> -> memref<128xi32, #tpu.memory_space<vmem>>
        %dma_start3A_1134 = tpu.memref_slice %arg3[%add3A_1124, %mul3A_2] : memref<200x4096xi32, #tpu.memory_space<hbm>> -> memref<1x128xi32, #tpu.memory_space<hbm>>
        %dma_start3A_1135 = tpu.memref_squeeze %dma_start3A_1134 : memref<1x128xi32, #tpu.memory_space<hbm>> -> memref<128xi32, #tpu.memory_space<hbm>>
        tpu.enqueue_dma source(%dma_start3A_1135 : memref<128xi32, #tpu.memory_space<hbm>>) target(%dma_start3A_1133 : memref<128xi32, #tpu.memory_space<vmem>>) target_semaphore(%arg17 : memref<!tpu.dma_semaphore, #tpu.memory_space<semaphore_mem>>)
      } else {
      }
      %dma_start3A_662 = arith.constant 1 : i32
      %dma_start3A_663 = arith.constant 0 : i32
      %dma_start3A_664 = arith.constant 0 : i32
      %dma_start3A_665 = tpu.memref_slice %arg11[%dma_start3A_662, %dma_start3A_663, %dma_start3A_664] : memref<4x64x128xf32, #tpu.memory_space<vmem>> -> memref<1x64x128xf32, #tpu.memory_space<vmem>>
      %dma_start3A_666 = tpu.memref_squeeze %dma_start3A_665 : memref<1x64x128xf32, #tpu.memory_space<vmem>> -> memref<64x128xf32, #tpu.memory_space<vmem>>
      %dma_start3A_667 = arith.constant 0 : i32
      %dma_start3A_668 = tpu.memref_slice %arg6[%add3A_457, %dma_start3A_667, %mul3A_2] : memref<200x64x4096xf32, #tpu.memory_space<hbm>> -> memref<1x64x128xf32, #tpu.memory_space<hbm>>
      %dma_start3A_669 = tpu.memref_squeeze %dma_start3A_668 : memref<1x64x128xf32, #tpu.memory_space<hbm>> -> memref<64x128xf32, #tpu.memory_space<hbm>>
      %dma_start3A_670 = arith.constant 0 : i32
      %dma_start3A_671 = tpu.memref_slice %arg6[%add3A_457, %dma_start3A_670, %mul3A_2] : memref<200x64x4096xf32, #tpu.memory_space<hbm>> -> memref<1x64x128xf32, #tpu.memory_space<hbm>>
      %dma_start3A_672 = tpu.memref_squeeze %dma_start3A_671 : memref<1x64x128xf32, #tpu.memory_space<hbm>> -> memref<64x128xf32, #tpu.memory_space<hbm>>
      %dma_start3A_673 = arith.constant 0 : i32
      %dma_start3A_674 = arith.constant 0 : i32
      %dma_start3A_675 = tpu.memref_slice %arg11[%dma_start3A_662, %dma_start3A_673, %dma_start3A_674] : memref<4x64x128xf32, #tpu.memory_space<vmem>> -> memref<1x64x128xf32, #tpu.memory_space<vmem>>
      %dma_start3A_676 = tpu.memref_squeeze %dma_start3A_675 : memref<1x64x128xf32, #tpu.memory_space<vmem>> -> memref<64x128xf32, #tpu.memory_space<vmem>>
      tpu.enqueue_dma source(%dma_start3A_676 : memref<64x128xf32, #tpu.memory_space<vmem>>) target(%dma_start3A_672 : memref<64x128xf32, #tpu.memory_space<hbm>>) target_semaphore(%arg25 : memref<!tpu.dma_semaphore, #tpu.memory_space<semaphore_mem>>)
      %mul3A_677 = arith.constant 4 : i32
      %mul3A_678 = arith.muli %scan3A_238, %mul3A_677 : i32
      %add3A_679 = arith.constant 2 : i32
      %add3A_680 = arith.addi %mul3A_678, %add3A_679 : i32
      %dma_wait3A_681 = arith.constant 2 : i32
      %dma_wait3A_682 = arith.constant 2 : i32
      %dma_wait3A_683 = arith.constant 0 : i32
      %dma_wait3A_684 = arith.constant 0 : i32
      %dma_wait3A_685 = tpu.memref_slice %arg10[%dma_wait3A_682, %dma_wait3A_683, %dma_wait3A_684] : memref<4x128x128xf32, #tpu.memory_space<vmem>> -> memref<1x128x128xf32, #tpu.memory_space<vmem>>
      %dma_wait3A_686 = tpu.memref_squeeze %dma_wait3A_685 : memref<1x128x128xf32, #tpu.memory_space<vmem>> -> memref<128x128xf32, #tpu.memory_space<vmem>>
      %dma_wait3A_687 = arith.constant 0 : i32
      %dma_wait3A_688 = tpu.memref_slice %arg8[%dma_wait3A_681, %dma_wait3A_687] : memref<4x128xi32, #tpu.memory_space<vmem>> -> memref<1x128xi32, #tpu.memory_space<vmem>>
      %dma_wait3A_689 = tpu.memref_squeeze %dma_wait3A_688 : memref<1x128xi32, #tpu.memory_space<vmem>> -> memref<128xi32, #tpu.memory_space<vmem>>
      %dma_wait3A_690 = arith.constant 0 : i32
      %dma_wait3A_691 = arith.constant 0 : i32
      %dma_wait3A_692 = tpu.memref_slice %arg4[%dma_wait3A_690, %dma_wait3A_691] : memref<500000x128xf32, #tpu.memory_space<hbm>> -> memref<500000x128xf32, #tpu.memory_space<hbm>>
      tpu.wait_indirect_dma semaphore(%arg22 : memref<!tpu.dma_semaphore, #tpu.memory_space<semaphore_mem>>) src(%dma_wait3A_692 : memref<500000x128xf32, #tpu.memory_space<hbm>>) dst(%dma_wait3A_686 : memref<128x128xf32, #tpu.memory_space<vmem>>)
      %add3A_693 = arith.constant 4 : i32
      %add3A_694 = arith.addi %add3A_680, %add3A_693 : i32
      %lt3A_695 = arith.constant 200 : i32
      %lt3A_696 = arith.cmpi slt, %add3A_694, %lt3A_695 : i32
      %convert_element_type3A_697 = arith.extui %lt3A_696 : i1 to i32
      %cond3A_698 = arith.constant 0 : i32
      %cond3A_699 = arith.cmpi ne, %convert_element_type3A_697, %cond3A_698 : i32
      scf.if %cond3A_699 {
        %add3A_1123 = arith.constant 4 : i32
        %add3A_1124 = arith.addi %add3A_680, %add3A_1123 : i32
        %dma_start3A_1125 = arith.constant 2 : i32
        %dma_start3A_1126 = arith.constant 0 : i32
        %dma_start3A_1127 = tpu.memref_slice %arg8[%dma_start3A_1125, %dma_start3A_1126] : memref<4x128xi32, #tpu.memory_space<vmem>> -> memref<1x128xi32, #tpu.memory_space<vmem>>
        %dma_start3A_1128 = tpu.memref_squeeze %dma_start3A_1127 : memref<1x128xi32, #tpu.memory_space<vmem>> -> memref<128xi32, #tpu.memory_space<vmem>>
        %dma_start3A_1129 = tpu.memref_slice %arg2[%add3A_1124, %mul3A_2] : memref<200x4096xi32, #tpu.memory_space<hbm>> -> memref<1x128xi32, #tpu.memory_space<hbm>>
        %dma_start3A_1130 = tpu.memref_squeeze %dma_start3A_1129 : memref<1x128xi32, #tpu.memory_space<hbm>> -> memref<128xi32, #tpu.memory_space<hbm>>
        %dma_start3A_1131 = arith.constant 0 : i32
        %dma_start3A_1132 = tpu.memref_slice %arg8[%dma_start3A_1125, %dma_start3A_1131] : memref<4x128xi32, #tpu.memory_space<vmem>> -> memref<1x128xi32, #tpu.memory_space<vmem>>
        %dma_start3A_1133 = tpu.memref_squeeze %dma_start3A_1132 : memref<1x128xi32, #tpu.memory_space<vmem>> -> memref<128xi32, #tpu.memory_space<vmem>>
        %dma_start3A_1134 = tpu.memref_slice %arg2[%add3A_1124, %mul3A_2] : memref<200x4096xi32, #tpu.memory_space<hbm>> -> memref<1x128xi32, #tpu.memory_space<hbm>>
        %dma_start3A_1135 = tpu.memref_squeeze %dma_start3A_1134 : memref<1x128xi32, #tpu.memory_space<hbm>> -> memref<128xi32, #tpu.memory_space<hbm>>
        tpu.enqueue_dma source(%dma_start3A_1135 : memref<128xi32, #tpu.memory_space<hbm>>) target(%dma_start3A_1133 : memref<128xi32, #tpu.memory_space<vmem>>) target_semaphore(%arg14 : memref<!tpu.dma_semaphore, #tpu.memory_space<semaphore_mem>>)
      } else {
      }
      %add3A_700 = arith.constant 3 : i32
      %add3A_701 = arith.addi %add3A_680, %add3A_700 : i32
      %lt3A_702 = arith.constant 200 : i32
      %lt3A_703 = arith.cmpi slt, %add3A_701, %lt3A_702 : i32
      %convert_element_type3A_704 = arith.extui %lt3A_703 : i1 to i32
      %cond3A_705 = arith.constant 0 : i32
      %cond3A_706 = arith.cmpi ne, %convert_element_type3A_704, %cond3A_705 : i32
      scf.if %cond3A_706 {
        %add3A_1123 = arith.constant 3 : i32
        %add3A_1124 = arith.addi %add3A_680, %add3A_1123 : i32
        %dma_wait3A_1125 = arith.constant 1 : i32
        %dma_wait3A_1126 = arith.constant 0 : i32
        %dma_wait3A_1127 = tpu.memref_slice %arg8[%dma_wait3A_1125, %dma_wait3A_1126] : memref<4x128xi32, #tpu.memory_space<vmem>> -> memref<1x128xi32, #tpu.memory_space<vmem>>
        %dma_wait3A_1128 = tpu.memref_squeeze %dma_wait3A_1127 : memref<1x128xi32, #tpu.memory_space<vmem>> -> memref<128xi32, #tpu.memory_space<vmem>>
        %dma_wait3A_1129 = tpu.memref_slice %arg2[%add3A_1124, %mul3A_2] : memref<200x4096xi32, #tpu.memory_space<hbm>> -> memref<1x128xi32, #tpu.memory_space<hbm>>
        %dma_wait3A_1130 = tpu.memref_squeeze %dma_wait3A_1129 : memref<1x128xi32, #tpu.memory_space<hbm>> -> memref<128xi32, #tpu.memory_space<hbm>>
        %dma_wait3A_1131 = arith.constant 0 : i32
        %dma_wait3A_1132 = tpu.memref_slice %arg8[%dma_wait3A_1125, %dma_wait3A_1131] : memref<4x128xi32, #tpu.memory_space<vmem>> -> memref<1x128xi32, #tpu.memory_space<vmem>>
        %dma_wait3A_1133 = tpu.memref_squeeze %dma_wait3A_1132 : memref<1x128xi32, #tpu.memory_space<vmem>> -> memref<128xi32, #tpu.memory_space<vmem>>
        %dma_wait3A_1134 = tpu.memref_slice %arg2[%add3A_1124, %mul3A_2] : memref<200x4096xi32, #tpu.memory_space<hbm>> -> memref<1x128xi32, #tpu.memory_space<hbm>>
        %dma_wait3A_1135 = tpu.memref_squeeze %dma_wait3A_1134 : memref<1x128xi32, #tpu.memory_space<hbm>> -> memref<128xi32, #tpu.memory_space<hbm>>
        tpu.wait_dma2 semaphore(%arg13 : memref<!tpu.dma_semaphore, #tpu.memory_space<semaphore_mem>>) src(%dma_wait3A_1135 : memref<128xi32, #tpu.memory_space<hbm>>) dst(%dma_wait3A_1133 : memref<128xi32, #tpu.memory_space<vmem>>)
        %add3A_1136 = arith.constant 3 : i32
        %add3A_1137 = arith.addi %add3A_680, %add3A_1136 : i32
        %dma_start3A_1138 = arith.constant 1 : i32
        %dma_start3A_1139 = arith.constant 1 : i32
        %dma_start3A_1140 = arith.constant 0 : i32
        %dma_start3A_1141 = arith.constant 0 : i32
        %dma_start3A_1142 = tpu.memref_slice %arg10[%dma_start3A_1139, %dma_start3A_1140, %dma_start3A_1141] : memref<4x128x128xf32, #tpu.memory_space<vmem>> -> memref<1x128x128xf32, #tpu.memory_space<vmem>>
        %dma_start3A_1143 = tpu.memref_squeeze %dma_start3A_1142 : memref<1x128x128xf32, #tpu.memory_space<vmem>> -> memref<128x128xf32, #tpu.memory_space<vmem>>
        %dma_start3A_1144 = arith.constant 0 : i32
        %dma_start3A_1145 = tpu.memref_slice %arg8[%dma_start3A_1138, %dma_start3A_1144] : memref<4x128xi32, #tpu.memory_space<vmem>> -> memref<1x128xi32, #tpu.memory_space<vmem>>
        %dma_start3A_1146 = tpu.memref_squeeze %dma_start3A_1145 : memref<1x128xi32, #tpu.memory_space<vmem>> -> memref<128xi32, #tpu.memory_space<vmem>>
        %dma_start3A_1147 = arith.constant 0 : i32
        %dma_start3A_1148 = arith.constant 0 : i32
        %dma_start3A_1149 = tpu.memref_slice %arg4[%dma_start3A_1147, %dma_start3A_1148] : memref<500000x128xf32, #tpu.memory_space<hbm>> -> memref<500000x128xf32, #tpu.memory_space<hbm>>
        tpu.enqueue_indirect_dma source(%dma_start3A_1149 : memref<500000x128xf32, #tpu.memory_space<hbm>>) target(%dma_start3A_1143 : memref<128x128xf32, #tpu.memory_space<vmem>>) offsets(%dma_start3A_1146 : memref<128xi32, #tpu.memory_space<vmem>>) semaphore(%arg21 : memref<!tpu.dma_semaphore, #tpu.memory_space<semaphore_mem>>)
      } else {
      }
      %dma_wait3A_707 = arith.constant 2 : i32
      %dma_wait3A_708 = arith.constant 0 : i32
      %dma_wait3A_709 = tpu.memref_slice %arg9[%dma_wait3A_707, %dma_wait3A_708] : memref<4x128xi32, #tpu.memory_space<vmem>> -> memref<1x128xi32, #tpu.memory_space<vmem>>
      %dma_wait3A_710 = tpu.memref_squeeze %dma_wait3A_709 : memref<1x128xi32, #tpu.memory_space<vmem>> -> memref<128xi32, #tpu.memory_space<vmem>>
      %dma_wait3A_711 = tpu.memref_slice %arg3[%add3A_680, %mul3A_2] : memref<200x4096xi32, #tpu.memory_space<hbm>> -> memref<1x128xi32, #tpu.memory_space<hbm>>
      %dma_wait3A_712 = tpu.memref_squeeze %dma_wait3A_711 : memref<1x128xi32, #tpu.memory_space<hbm>> -> memref<128xi32, #tpu.memory_space<hbm>>
      %dma_wait3A_713 = arith.constant 0 : i32
      %dma_wait3A_714 = tpu.memref_slice %arg9[%dma_wait3A_707, %dma_wait3A_713] : memref<4x128xi32, #tpu.memory_space<vmem>> -> memref<1x128xi32, #tpu.memory_space<vmem>>
      %dma_wait3A_715 = tpu.memref_squeeze %dma_wait3A_714 : memref<1x128xi32, #tpu.memory_space<vmem>> -> memref<128xi32, #tpu.memory_space<vmem>>
      %dma_wait3A_716 = tpu.memref_slice %arg3[%add3A_680, %mul3A_2] : memref<200x4096xi32, #tpu.memory_space<hbm>> -> memref<1x128xi32, #tpu.memory_space<hbm>>
      %dma_wait3A_717 = tpu.memref_squeeze %dma_wait3A_716 : memref<1x128xi32, #tpu.memory_space<hbm>> -> memref<128xi32, #tpu.memory_space<hbm>>
      tpu.wait_dma2 semaphore(%arg18 : memref<!tpu.dma_semaphore, #tpu.memory_space<semaphore_mem>>) src(%dma_wait3A_717 : memref<128xi32, #tpu.memory_space<hbm>>) dst(%dma_wait3A_715 : memref<128xi32, #tpu.memory_space<vmem>>)
      %ge3A_718 = arith.constant 4 : i32
      %ge3A_719 = arith.cmpi sge, %add3A_680, %ge3A_718 : i32
      %convert_element_type3A_720 = arith.extui %ge3A_719 : i1 to i32
      %cond3A_721 = arith.constant 0 : i32
      %cond3A_722 = arith.cmpi ne, %convert_element_type3A_720, %cond3A_721 : i32
      scf.if %cond3A_722 {
        %sub3A = arith.constant 4 : i32
        %sub3A_1123 = arith.subi %add3A_680, %sub3A : i32
        %dma_wait3A_1124 = arith.constant 2 : i32
        %dma_wait3A_1125 = arith.constant 0 : i32
        %dma_wait3A_1126 = arith.constant 0 : i32
        %dma_wait3A_1127 = tpu.memref_slice %arg11[%dma_wait3A_1124, %dma_wait3A_1125, %dma_wait3A_1126] : memref<4x64x128xf32, #tpu.memory_space<vmem>> -> memref<1x64x128xf32, #tpu.memory_space<vmem>>
        %dma_wait3A_1128 = tpu.memref_squeeze %dma_wait3A_1127 : memref<1x64x128xf32, #tpu.memory_space<vmem>> -> memref<64x128xf32, #tpu.memory_space<vmem>>
        %dma_wait3A_1129 = arith.constant 0 : i32
        %dma_wait3A_1130 = tpu.memref_slice %arg6[%sub3A_1123, %dma_wait3A_1129, %mul3A_2] : memref<200x64x4096xf32, #tpu.memory_space<hbm>> -> memref<1x64x128xf32, #tpu.memory_space<hbm>>
        %dma_wait3A_1131 = tpu.memref_squeeze %dma_wait3A_1130 : memref<1x64x128xf32, #tpu.memory_space<hbm>> -> memref<64x128xf32, #tpu.memory_space<hbm>>
        %dma_wait3A_1132 = arith.constant 0 : i32
        %dma_wait3A_1133 = tpu.memref_slice %arg6[%sub3A_1123, %dma_wait3A_1132, %mul3A_2] : memref<200x64x4096xf32, #tpu.memory_space<hbm>> -> memref<1x64x128xf32, #tpu.memory_space<hbm>>
        %dma_wait3A_1134 = tpu.memref_squeeze %dma_wait3A_1133 : memref<1x64x128xf32, #tpu.memory_space<hbm>> -> memref<64x128xf32, #tpu.memory_space<hbm>>
        %dma_wait3A_1135 = arith.constant 0 : i32
        %dma_wait3A_1136 = arith.constant 0 : i32
        %dma_wait3A_1137 = tpu.memref_slice %arg11[%dma_wait3A_1124, %dma_wait3A_1135, %dma_wait3A_1136] : memref<4x64x128xf32, #tpu.memory_space<vmem>> -> memref<1x64x128xf32, #tpu.memory_space<vmem>>
        %dma_wait3A_1138 = tpu.memref_squeeze %dma_wait3A_1137 : memref<1x64x128xf32, #tpu.memory_space<vmem>> -> memref<64x128xf32, #tpu.memory_space<vmem>>
        tpu.wait_dma2 semaphore(%arg26 : memref<!tpu.dma_semaphore, #tpu.memory_space<semaphore_mem>>) src(%dma_wait3A_1138 : memref<64x128xf32, #tpu.memory_space<vmem>>) dst(%dma_wait3A_1134 : memref<64x128xf32, #tpu.memory_space<hbm>>)
      } else {
      }
      %get3A_723 = arith.constant 2 : i32
      %get3A_724 = arith.index_cast %get3A_723 : i32 to index
      %get3A_725 = arith.constant 0 : index
      %get3A_726 = tpu.vector_load %arg9[%get3A_724, %get3A_725] {strides = array<i32>} : memref<4x128xi32, #tpu.memory_space<vmem>>, vector<16xi32>,
      %add3A_727 = arith.constant 0 : i32
      %add3A_728 = vector.broadcast %add3A_727 : i32 to vector<16xi32>
      %add3A_729 = arith.addi %iota3A, %add3A_728 : vector<16xi32>
      %mul3A_730 = arith.constant 64 : i32
      %mul3A_731 = vector.broadcast %mul3A_730 : i32 to vector<16xi32>
      %mul3A_732 = arith.muli %get3A_726, %mul3A_731 : vector<16xi32>
      %get3A_733 = arith.constant 2 : i32
      %get3A_734 = arith.index_cast %get3A_733 : i32 to index
      %get3A_735 = arith.constant 16 : index
      %get3A_736 = tpu.vector_load %arg9[%get3A_734, %get3A_735] {strides = array<i32>} : memref<4x128xi32, #tpu.memory_space<vmem>>, vector<16xi32>,
      %add3A_737 = arith.constant 16 : i32
      %add3A_738 = vector.broadcast %add3A_737 : i32 to vector<16xi32>
      %add3A_739 = arith.addi %iota3A, %add3A_738 : vector<16xi32>
      %mul3A_740 = arith.constant 64 : i32
      %mul3A_741 = vector.broadcast %mul3A_740 : i32 to vector<16xi32>
      %mul3A_742 = arith.muli %get3A_736, %mul3A_741 : vector<16xi32>
      %get3A_743 = arith.constant 2 : i32
      %get3A_744 = arith.index_cast %get3A_743 : i32 to index
      %get3A_745 = arith.constant 32 : index
      %get3A_746 = tpu.vector_load %arg9[%get3A_744, %get3A_745] {strides = array<i32>} : memref<4x128xi32, #tpu.memory_space<vmem>>, vector<16xi32>,
      %add3A_747 = arith.constant 32 : i32
      %add3A_748 = vector.broadcast %add3A_747 : i32 to vector<16xi32>
      %add3A_749 = arith.addi %iota3A, %add3A_748 : vector<16xi32>
      %mul3A_750 = arith.constant 64 : i32
      %mul3A_751 = vector.broadcast %mul3A_750 : i32 to vector<16xi32>
      %mul3A_752 = arith.muli %get3A_746, %mul3A_751 : vector<16xi32>
      %get3A_753 = arith.constant 2 : i32
      %get3A_754 = arith.index_cast %get3A_753 : i32 to index
      %get3A_755 = arith.constant 48 : index
      %get3A_756 = tpu.vector_load %arg9[%get3A_754, %get3A_755] {strides = array<i32>} : memref<4x128xi32, #tpu.memory_space<vmem>>, vector<16xi32>,
      %add3A_757 = arith.constant 48 : i32
      %add3A_758 = vector.broadcast %add3A_757 : i32 to vector<16xi32>
      %add3A_759 = arith.addi %iota3A, %add3A_758 : vector<16xi32>
      %mul3A_760 = arith.constant 64 : i32
      %mul3A_761 = vector.broadcast %mul3A_760 : i32 to vector<16xi32>
      %mul3A_762 = arith.muli %get3A_756, %mul3A_761 : vector<16xi32>
      %get3A_763 = arith.constant 2 : i32
      %get3A_764 = arith.index_cast %get3A_763 : i32 to index
      %get3A_765 = arith.constant 64 : index
      %get3A_766 = tpu.vector_load %arg9[%get3A_764, %get3A_765] {strides = array<i32>} : memref<4x128xi32, #tpu.memory_space<vmem>>, vector<16xi32>,
      %add3A_767 = arith.constant 64 : i32
      %add3A_768 = vector.broadcast %add3A_767 : i32 to vector<16xi32>
      %add3A_769 = arith.addi %iota3A, %add3A_768 : vector<16xi32>
      %mul3A_770 = arith.constant 64 : i32
      %mul3A_771 = vector.broadcast %mul3A_770 : i32 to vector<16xi32>
      %mul3A_772 = arith.muli %get3A_766, %mul3A_771 : vector<16xi32>
      %get3A_773 = arith.constant 2 : i32
      %get3A_774 = arith.index_cast %get3A_773 : i32 to index
      %get3A_775 = arith.constant 80 : index
      %get3A_776 = tpu.vector_load %arg9[%get3A_774, %get3A_775] {strides = array<i32>} : memref<4x128xi32, #tpu.memory_space<vmem>>, vector<16xi32>,
      %add3A_777 = arith.constant 80 : i32
      %add3A_778 = vector.broadcast %add3A_777 : i32 to vector<16xi32>
      %add3A_779 = arith.addi %iota3A, %add3A_778 : vector<16xi32>
      %mul3A_780 = arith.constant 64 : i32
      %mul3A_781 = vector.broadcast %mul3A_780 : i32 to vector<16xi32>
      %mul3A_782 = arith.muli %get3A_776, %mul3A_781 : vector<16xi32>
      %get3A_783 = arith.constant 2 : i32
      %get3A_784 = arith.index_cast %get3A_783 : i32 to index
      %get3A_785 = arith.constant 96 : index
      %get3A_786 = tpu.vector_load %arg9[%get3A_784, %get3A_785] {strides = array<i32>} : memref<4x128xi32, #tpu.memory_space<vmem>>, vector<16xi32>,
      %add3A_787 = arith.constant 96 : i32
      %add3A_788 = vector.broadcast %add3A_787 : i32 to vector<16xi32>
      %add3A_789 = arith.addi %iota3A, %add3A_788 : vector<16xi32>
      %mul3A_790 = arith.constant 64 : i32
      %mul3A_791 = vector.broadcast %mul3A_790 : i32 to vector<16xi32>
      %mul3A_792 = arith.muli %get3A_786, %mul3A_791 : vector<16xi32>
      %get3A_793 = arith.constant 2 : i32
      %get3A_794 = arith.index_cast %get3A_793 : i32 to index
      %get3A_795 = arith.constant 112 : index
      %get3A_796 = tpu.vector_load %arg9[%get3A_794, %get3A_795] {strides = array<i32>} : memref<4x128xi32, #tpu.memory_space<vmem>>, vector<16xi32>,
      %add3A_797 = arith.constant 112 : i32
      %add3A_798 = vector.broadcast %add3A_797 : i32 to vector<16xi32>
      %add3A_799 = arith.addi %iota3A, %add3A_798 : vector<16xi32>
      %mul3A_800 = arith.constant 64 : i32
      %mul3A_801 = vector.broadcast %mul3A_800 : i32 to vector<16xi32>
      %mul3A_802 = arith.muli %get3A_796, %mul3A_801 : vector<16xi32>
      %mul3A_803 = arith.constant 64 : i32
      %mul3A_804 = arith.muli %add3A_680, %mul3A_803 : i32
      %broadcast_in_dim3A_805 = vector.broadcast %mul3A_804 : i32 to vector<16xi32>
      %add3A_806 = arith.constant 0 : i32
      %add3A_807 = vector.broadcast %add3A_806 : i32 to vector<16xi32>
      %add3A_808 = arith.addi %add3A_807, %iota3A : vector<16xi32>
      %and3A_809 = arith.constant 63 : i32
      %and3A_810 = vector.broadcast %and3A_809 : i32 to vector<16xi32>
      %and3A_811 = arith.andi %add3A_808, %and3A_810 : vector<16xi32>
      %add3A_812 = arith.addi %mul3A_732, %and3A_811 : vector<16xi32>
      %gather3A_813 = arith.constant 2 : i32
      %gather3A_814 = arith.constant 0 : i32
      %gather3A_815 = arith.constant 0 : i32
      %gather3A_816 = tpu.memref_slice %arg10[%gather3A_813, %gather3A_814, %gather3A_815] : memref<4x128x128xf32, #tpu.memory_space<vmem>> -> memref<1x128x128xf32, #tpu.memory_space<vmem>>
      %gather3A_817 = tpu.memref_squeeze %gather3A_816 : memref<1x128x128xf32, #tpu.memory_space<vmem>> -> memref<128x128xf32, #tpu.memory_space<vmem>>
      %gather3A_818 = tpu.vector_load_idx %gather3A_817[%add3A_729, %add3A_812] : memref<128x128xf32, #tpu.memory_space<vmem>>[vector<16xi32>, vector<16xi32>], vector<16xf32>,
      %add3A_819 = arith.addi %mul3A_742, %and3A_811 : vector<16xi32>
      %gather3A_820 = arith.constant 2 : i32
      %gather3A_821 = arith.constant 0 : i32
      %gather3A_822 = arith.constant 0 : i32
      %gather3A_823 = tpu.memref_slice %arg10[%gather3A_820, %gather3A_821, %gather3A_822] : memref<4x128x128xf32, #tpu.memory_space<vmem>> -> memref<1x128x128xf32, #tpu.memory_space<vmem>>
      %gather3A_824 = tpu.memref_squeeze %gather3A_823 : memref<1x128x128xf32, #tpu.memory_space<vmem>> -> memref<128x128xf32, #tpu.memory_space<vmem>>
      %gather3A_825 = tpu.vector_load_idx %gather3A_824[%add3A_739, %add3A_819] : memref<128x128xf32, #tpu.memory_space<vmem>>[vector<16xi32>, vector<16xi32>], vector<16xf32>,
      %add3A_826 = arith.addi %mul3A_752, %and3A_811 : vector<16xi32>
      %gather3A_827 = arith.constant 2 : i32
      %gather3A_828 = arith.constant 0 : i32
      %gather3A_829 = arith.constant 0 : i32
      %gather3A_830 = tpu.memref_slice %arg10[%gather3A_827, %gather3A_828, %gather3A_829] : memref<4x128x128xf32, #tpu.memory_space<vmem>> -> memref<1x128x128xf32, #tpu.memory_space<vmem>>
      %gather3A_831 = tpu.memref_squeeze %gather3A_830 : memref<1x128x128xf32, #tpu.memory_space<vmem>> -> memref<128x128xf32, #tpu.memory_space<vmem>>
      %gather3A_832 = tpu.vector_load_idx %gather3A_831[%add3A_749, %add3A_826] : memref<128x128xf32, #tpu.memory_space<vmem>>[vector<16xi32>, vector<16xi32>], vector<16xf32>,
      %add3A_833 = arith.addi %mul3A_762, %and3A_811 : vector<16xi32>
      %gather3A_834 = arith.constant 2 : i32
      %gather3A_835 = arith.constant 0 : i32
      %gather3A_836 = arith.constant 0 : i32
      %gather3A_837 = tpu.memref_slice %arg10[%gather3A_834, %gather3A_835, %gather3A_836] : memref<4x128x128xf32, #tpu.memory_space<vmem>> -> memref<1x128x128xf32, #tpu.memory_space<vmem>>
      %gather3A_838 = tpu.memref_squeeze %gather3A_837 : memref<1x128x128xf32, #tpu.memory_space<vmem>> -> memref<128x128xf32, #tpu.memory_space<vmem>>
      %gather3A_839 = tpu.vector_load_idx %gather3A_838[%add3A_759, %add3A_833] : memref<128x128xf32, #tpu.memory_space<vmem>>[vector<16xi32>, vector<16xi32>], vector<16xf32>,
      %add3A_840 = arith.addi %mul3A_772, %and3A_811 : vector<16xi32>
      %gather3A_841 = arith.constant 2 : i32
      %gather3A_842 = arith.constant 0 : i32
      %gather3A_843 = arith.constant 0 : i32
      %gather3A_844 = tpu.memref_slice %arg10[%gather3A_841, %gather3A_842, %gather3A_843] : memref<4x128x128xf32, #tpu.memory_space<vmem>> -> memref<1x128x128xf32, #tpu.memory_space<vmem>>
      %gather3A_845 = tpu.memref_squeeze %gather3A_844 : memref<1x128x128xf32, #tpu.memory_space<vmem>> -> memref<128x128xf32, #tpu.memory_space<vmem>>
      %gather3A_846 = tpu.vector_load_idx %gather3A_845[%add3A_769, %add3A_840] : memref<128x128xf32, #tpu.memory_space<vmem>>[vector<16xi32>, vector<16xi32>], vector<16xf32>,
      %add3A_847 = arith.addi %mul3A_782, %and3A_811 : vector<16xi32>
      %gather3A_848 = arith.constant 2 : i32
      %gather3A_849 = arith.constant 0 : i32
      %gather3A_850 = arith.constant 0 : i32
      %gather3A_851 = tpu.memref_slice %arg10[%gather3A_848, %gather3A_849, %gather3A_850] : memref<4x128x128xf32, #tpu.memory_space<vmem>> -> memref<1x128x128xf32, #tpu.memory_space<vmem>>
      %gather3A_852 = tpu.memref_squeeze %gather3A_851 : memref<1x128x128xf32, #tpu.memory_space<vmem>> -> memref<128x128xf32, #tpu.memory_space<vmem>>
      %gather3A_853 = tpu.vector_load_idx %gather3A_852[%add3A_779, %add3A_847] : memref<128x128xf32, #tpu.memory_space<vmem>>[vector<16xi32>, vector<16xi32>], vector<16xf32>,
      %add3A_854 = arith.addi %mul3A_792, %and3A_811 : vector<16xi32>
      %gather3A_855 = arith.constant 2 : i32
      %gather3A_856 = arith.constant 0 : i32
      %gather3A_857 = arith.constant 0 : i32
      %gather3A_858 = tpu.memref_slice %arg10[%gather3A_855, %gather3A_856, %gather3A_857] : memref<4x128x128xf32, #tpu.memory_space<vmem>> -> memref<1x128x128xf32, #tpu.memory_space<vmem>>
      %gather3A_859 = tpu.memref_squeeze %gather3A_858 : memref<1x128x128xf32, #tpu.memory_space<vmem>> -> memref<128x128xf32, #tpu.memory_space<vmem>>
      %gather3A_860 = tpu.vector_load_idx %gather3A_859[%add3A_789, %add3A_854] : memref<128x128xf32, #tpu.memory_space<vmem>>[vector<16xi32>, vector<16xi32>], vector<16xf32>,
      %add3A_861 = arith.addi %mul3A_802, %and3A_811 : vector<16xi32>
      %gather3A_862 = arith.constant 2 : i32
      %gather3A_863 = arith.constant 0 : i32
      %gather3A_864 = arith.constant 0 : i32
      %gather3A_865 = tpu.memref_slice %arg10[%gather3A_862, %gather3A_863, %gather3A_864] : memref<4x128x128xf32, #tpu.memory_space<vmem>> -> memref<1x128x128xf32, #tpu.memory_space<vmem>>
      %gather3A_866 = tpu.memref_squeeze %gather3A_865 : memref<1x128x128xf32, #tpu.memory_space<vmem>> -> memref<128x128xf32, #tpu.memory_space<vmem>>
      %gather3A_867 = tpu.vector_load_idx %gather3A_866[%add3A_799, %add3A_861] : memref<128x128xf32, #tpu.memory_space<vmem>>[vector<16xi32>, vector<16xi32>], vector<16xf32>,
      %add3A_868 = arith.addi %broadcast_in_dim3A_805, %and3A_811 : vector<16xi32>
      %gather3A_869 = tpu.vector_load_idx %arg7[%add3A_868] : memref<12800xf32, #tpu.memory_space<vmem>>[vector<16xi32>], vector<16xf32>,
      %scan3A_870 = arith.constant 2 : i32
      %scan3A_871 = arith.constant 2 : i32
      %scan3A_872 = arith.constant 0 : i32
      %scan3A_873 = arith.constant 64 : i32
      %scan3A_874 = arith.addi %scan3A_872, %scan3A_873 : i32
      %scan3A_875 = arith.constant 4 : i32
      %scan3A_876:10 = scf.for %scan3A_1123 = %scan3A_872 to %scan3A_874 step %scan3A_875 iter_args(%scan3A_1124 = %gather3A_818, %scan3A_1125 = %gather3A_825, %scan3A_1126 = %gather3A_832, %scan3A_1127 = %gather3A_839, %scan3A_1128 = %gather3A_846, %scan3A_1129 = %gather3A_853, %scan3A_1130 = %gather3A_860, %scan3A_1131 = %gather3A_867, %scan3A_1132 = %gather3A_869, %scan3A_1133 = %and3A_811) -> (vector<16xf32>, vector<16xf32>, vector<16xf32>, vector<16xf32>, vector<16xf32>, vector<16xf32>, vector<16xf32>, vector<16xf32>, vector<16xf32>, vector<16xi32>)  : i32 {
        %add3A_1134 = arith.constant 1 : i32
        %add3A_1135 = arith.addi %scan3A_1123, %add3A_1134 : i32
        %min3A = arith.constant 63 : i32
        %min3A_1136 = arith.minsi %add3A_1135, %min3A : i32
        %add3A_1137 = vector.broadcast %min3A_1136 : i32 to vector<16xi32>
        %add3A_1138 = arith.addi %add3A_1137, %iota3A : vector<16xi32>
        %and3A_1139 = arith.constant 63 : i32
        %and3A_1140 = vector.broadcast %and3A_1139 : i32 to vector<16xi32>
        %and3A_1141 = arith.andi %add3A_1138, %and3A_1140 : vector<16xi32>
        %add3A_1142 = arith.addi %mul3A_732, %and3A_1141 : vector<16xi32>
        %gather3A_1143 = arith.constant 0 : i32
        %gather3A_1144 = arith.constant 0 : i32
        %gather3A_1145 = tpu.memref_slice %arg10[%scan3A_870, %gather3A_1143, %gather3A_1144] : memref<4x128x128xf32, #tpu.memory_space<vmem>> -> memref<1x128x128xf32, #tpu.memory_space<vmem>>
        %gather3A_1146 = tpu.memref_squeeze %gather3A_1145 : memref<1x128x128xf32, #tpu.memory_space<vmem>> -> memref<128x128xf32, #tpu.memory_space<vmem>>
        %gather3A_1147 = tpu.vector_load_idx %gather3A_1146[%add3A_729, %add3A_1142] : memref<128x128xf32, #tpu.memory_space<vmem>>[vector<16xi32>, vector<16xi32>], vector<16xf32>,
        %add3A_1148 = arith.addi %mul3A_742, %and3A_1141 : vector<16xi32>
        %gather3A_1149 = arith.constant 0 : i32
        %gather3A_1150 = arith.constant 0 : i32
        %gather3A_1151 = tpu.memref_slice %arg10[%scan3A_870, %gather3A_1149, %gather3A_1150] : memref<4x128x128xf32, #tpu.memory_space<vmem>> -> memref<1x128x128xf32, #tpu.memory_space<vmem>>
        %gather3A_1152 = tpu.memref_squeeze %gather3A_1151 : memref<1x128x128xf32, #tpu.memory_space<vmem>> -> memref<128x128xf32, #tpu.memory_space<vmem>>
        %gather3A_1153 = tpu.vector_load_idx %gather3A_1152[%add3A_739, %add3A_1148] : memref<128x128xf32, #tpu.memory_space<vmem>>[vector<16xi32>, vector<16xi32>], vector<16xf32>,
        %add3A_1154 = arith.addi %mul3A_752, %and3A_1141 : vector<16xi32>
        %gather3A_1155 = arith.constant 0 : i32
        %gather3A_1156 = arith.constant 0 : i32
        %gather3A_1157 = tpu.memref_slice %arg10[%scan3A_870, %gather3A_1155, %gather3A_1156] : memref<4x128x128xf32, #tpu.memory_space<vmem>> -> memref<1x128x128xf32, #tpu.memory_space<vmem>>
        %gather3A_1158 = tpu.memref_squeeze %gather3A_1157 : memref<1x128x128xf32, #tpu.memory_space<vmem>> -> memref<128x128xf32, #tpu.memory_space<vmem>>
        %gather3A_1159 = tpu.vector_load_idx %gather3A_1158[%add3A_749, %add3A_1154] : memref<128x128xf32, #tpu.memory_space<vmem>>[vector<16xi32>, vector<16xi32>], vector<16xf32>,
        %add3A_1160 = arith.addi %mul3A_762, %and3A_1141 : vector<16xi32>
        %gather3A_1161 = arith.constant 0 : i32
        %gather3A_1162 = arith.constant 0 : i32
        %gather3A_1163 = tpu.memref_slice %arg10[%scan3A_870, %gather3A_1161, %gather3A_1162] : memref<4x128x128xf32, #tpu.memory_space<vmem>> -> memref<1x128x128xf32, #tpu.memory_space<vmem>>
        %gather3A_1164 = tpu.memref_squeeze %gather3A_1163 : memref<1x128x128xf32, #tpu.memory_space<vmem>> -> memref<128x128xf32, #tpu.memory_space<vmem>>
        %gather3A_1165 = tpu.vector_load_idx %gather3A_1164[%add3A_759, %add3A_1160] : memref<128x128xf32, #tpu.memory_space<vmem>>[vector<16xi32>, vector<16xi32>], vector<16xf32>,
        %add3A_1166 = arith.addi %mul3A_772, %and3A_1141 : vector<16xi32>
        %gather3A_1167 = arith.constant 0 : i32
        %gather3A_1168 = arith.constant 0 : i32
        %gather3A_1169 = tpu.memref_slice %arg10[%scan3A_870, %gather3A_1167, %gather3A_1168] : memref<4x128x128xf32, #tpu.memory_space<vmem>> -> memref<1x128x128xf32, #tpu.memory_space<vmem>>
        %gather3A_1170 = tpu.memref_squeeze %gather3A_1169 : memref<1x128x128xf32, #tpu.memory_space<vmem>> -> memref<128x128xf32, #tpu.memory_space<vmem>>
        %gather3A_1171 = tpu.vector_load_idx %gather3A_1170[%add3A_769, %add3A_1166] : memref<128x128xf32, #tpu.memory_space<vmem>>[vector<16xi32>, vector<16xi32>], vector<16xf32>,
        %add3A_1172 = arith.addi %mul3A_782, %and3A_1141 : vector<16xi32>
        %gather3A_1173 = arith.constant 0 : i32
        %gather3A_1174 = arith.constant 0 : i32
        %gather3A_1175 = tpu.memref_slice %arg10[%scan3A_870, %gather3A_1173, %gather3A_1174] : memref<4x128x128xf32, #tpu.memory_space<vmem>> -> memref<1x128x128xf32, #tpu.memory_space<vmem>>
        %gather3A_1176 = tpu.memref_squeeze %gather3A_1175 : memref<1x128x128xf32, #tpu.memory_space<vmem>> -> memref<128x128xf32, #tpu.memory_space<vmem>>
        %gather3A_1177 = tpu.vector_load_idx %gather3A_1176[%add3A_779, %add3A_1172] : memref<128x128xf32, #tpu.memory_space<vmem>>[vector<16xi32>, vector<16xi32>], vector<16xf32>,
        %add3A_1178 = arith.addi %mul3A_792, %and3A_1141 : vector<16xi32>
        %gather3A_1179 = arith.constant 0 : i32
        %gather3A_1180 = arith.constant 0 : i32
        %gather3A_1181 = tpu.memref_slice %arg10[%scan3A_870, %gather3A_1179, %gather3A_1180] : memref<4x128x128xf32, #tpu.memory_space<vmem>> -> memref<1x128x128xf32, #tpu.memory_space<vmem>>
        %gather3A_1182 = tpu.memref_squeeze %gather3A_1181 : memref<1x128x128xf32, #tpu.memory_space<vmem>> -> memref<128x128xf32, #tpu.memory_space<vmem>>
        %gather3A_1183 = tpu.vector_load_idx %gather3A_1182[%add3A_789, %add3A_1178] : memref<128x128xf32, #tpu.memory_space<vmem>>[vector<16xi32>, vector<16xi32>], vector<16xf32>,
        %add3A_1184 = arith.addi %mul3A_802, %and3A_1141 : vector<16xi32>
        %gather3A_1185 = arith.constant 0 : i32
        %gather3A_1186 = arith.constant 0 : i32
        %gather3A_1187 = tpu.memref_slice %arg10[%scan3A_870, %gather3A_1185, %gather3A_1186] : memref<4x128x128xf32, #tpu.memory_space<vmem>> -> memref<1x128x128xf32, #tpu.memory_space<vmem>>
        %gather3A_1188 = tpu.memref_squeeze %gather3A_1187 : memref<1x128x128xf32, #tpu.memory_space<vmem>> -> memref<128x128xf32, #tpu.memory_space<vmem>>
        %gather3A_1189 = tpu.vector_load_idx %gather3A_1188[%add3A_799, %add3A_1184] : memref<128x128xf32, #tpu.memory_space<vmem>>[vector<16xi32>, vector<16xi32>], vector<16xf32>,
        %add3A_1190 = arith.addi %broadcast_in_dim3A_805, %and3A_1141 : vector<16xi32>
        %gather3A_1191 = tpu.vector_load_idx %arg7[%add3A_1190] : memref<12800xf32, #tpu.memory_space<vmem>>[vector<16xi32>], vector<16xf32>,
        %mul3A_1192 = arith.constant 8.000000e+00 : f32
        %mul3A_1193 = vector.broadcast %mul3A_1192 : f32 to vector<16xf32>
        %mul3A_1194 = arith.mulf %scan3A_1124, %mul3A_1193 : vector<16xf32>
        %add3A_1195 = arith.addf %mul3A_1194, %scan3A_1132 : vector<16xf32>
        %scatter3A = arith.constant 0 : i32
        %scatter3A_1196 = arith.constant 0 : i32
        %scatter3A_1197 = tpu.memref_slice %arg11[%scan3A_871, %scatter3A, %scatter3A_1196] : memref<4x64x128xf32, #tpu.memory_space<vmem>> -> memref<1x64x128xf32, #tpu.memory_space<vmem>>
        %scatter3A_1198 = tpu.memref_squeeze %scatter3A_1197 : memref<1x64x128xf32, #tpu.memory_space<vmem>> -> memref<64x128xf32, #tpu.memory_space<vmem>>
        tpu.vector_store_idx %scatter3A_1198[%scan3A_1133, %add3A_729], %add3A_1195 : memref<64x128xf32, #tpu.memory_space<vmem>>[vector<16xi32>, vector<16xi32>], vector<16xf32>,
        %mul3A_1199 = arith.constant 8.000000e+00 : f32
        %mul3A_1200 = vector.broadcast %mul3A_1199 : f32 to vector<16xf32>
        %mul3A_1201 = arith.mulf %scan3A_1125, %mul3A_1200 : vector<16xf32>
        %add3A_1202 = arith.addf %mul3A_1201, %scan3A_1132 : vector<16xf32>
        %scatter3A_1203 = arith.constant 0 : i32
        %scatter3A_1204 = arith.constant 0 : i32
        %scatter3A_1205 = tpu.memref_slice %arg11[%scan3A_871, %scatter3A_1203, %scatter3A_1204] : memref<4x64x128xf32, #tpu.memory_space<vmem>> -> memref<1x64x128xf32, #tpu.memory_space<vmem>>
        %scatter3A_1206 = tpu.memref_squeeze %scatter3A_1205 : memref<1x64x128xf32, #tpu.memory_space<vmem>> -> memref<64x128xf32, #tpu.memory_space<vmem>>
        tpu.vector_store_idx %scatter3A_1206[%scan3A_1133, %add3A_739], %add3A_1202 : memref<64x128xf32, #tpu.memory_space<vmem>>[vector<16xi32>, vector<16xi32>], vector<16xf32>,
        %mul3A_1207 = arith.constant 8.000000e+00 : f32
        %mul3A_1208 = vector.broadcast %mul3A_1207 : f32 to vector<16xf32>
        %mul3A_1209 = arith.mulf %scan3A_1126, %mul3A_1208 : vector<16xf32>
        %add3A_1210 = arith.addf %mul3A_1209, %scan3A_1132 : vector<16xf32>
        %scatter3A_1211 = arith.constant 0 : i32
        %scatter3A_1212 = arith.constant 0 : i32
        %scatter3A_1213 = tpu.memref_slice %arg11[%scan3A_871, %scatter3A_1211, %scatter3A_1212] : memref<4x64x128xf32, #tpu.memory_space<vmem>> -> memref<1x64x128xf32, #tpu.memory_space<vmem>>
        %scatter3A_1214 = tpu.memref_squeeze %scatter3A_1213 : memref<1x64x128xf32, #tpu.memory_space<vmem>> -> memref<64x128xf32, #tpu.memory_space<vmem>>
        tpu.vector_store_idx %scatter3A_1214[%scan3A_1133, %add3A_749], %add3A_1210 : memref<64x128xf32, #tpu.memory_space<vmem>>[vector<16xi32>, vector<16xi32>], vector<16xf32>,
        %mul3A_1215 = arith.constant 8.000000e+00 : f32
        %mul3A_1216 = vector.broadcast %mul3A_1215 : f32 to vector<16xf32>
        %mul3A_1217 = arith.mulf %scan3A_1127, %mul3A_1216 : vector<16xf32>
        %add3A_1218 = arith.addf %mul3A_1217, %scan3A_1132 : vector<16xf32>
        %scatter3A_1219 = arith.constant 0 : i32
        %scatter3A_1220 = arith.constant 0 : i32
        %scatter3A_1221 = tpu.memref_slice %arg11[%scan3A_871, %scatter3A_1219, %scatter3A_1220] : memref<4x64x128xf32, #tpu.memory_space<vmem>> -> memref<1x64x128xf32, #tpu.memory_space<vmem>>
        %scatter3A_1222 = tpu.memref_squeeze %scatter3A_1221 : memref<1x64x128xf32, #tpu.memory_space<vmem>> -> memref<64x128xf32, #tpu.memory_space<vmem>>
        tpu.vector_store_idx %scatter3A_1222[%scan3A_1133, %add3A_759], %add3A_1218 : memref<64x128xf32, #tpu.memory_space<vmem>>[vector<16xi32>, vector<16xi32>], vector<16xf32>,
        %mul3A_1223 = arith.constant 8.000000e+00 : f32
        %mul3A_1224 = vector.broadcast %mul3A_1223 : f32 to vector<16xf32>
        %mul3A_1225 = arith.mulf %scan3A_1128, %mul3A_1224 : vector<16xf32>
        %add3A_1226 = arith.addf %mul3A_1225, %scan3A_1132 : vector<16xf32>
        %scatter3A_1227 = arith.constant 0 : i32
        %scatter3A_1228 = arith.constant 0 : i32
        %scatter3A_1229 = tpu.memref_slice %arg11[%scan3A_871, %scatter3A_1227, %scatter3A_1228] : memref<4x64x128xf32, #tpu.memory_space<vmem>> -> memref<1x64x128xf32, #tpu.memory_space<vmem>>
        %scatter3A_1230 = tpu.memref_squeeze %scatter3A_1229 : memref<1x64x128xf32, #tpu.memory_space<vmem>> -> memref<64x128xf32, #tpu.memory_space<vmem>>
        tpu.vector_store_idx %scatter3A_1230[%scan3A_1133, %add3A_769], %add3A_1226 : memref<64x128xf32, #tpu.memory_space<vmem>>[vector<16xi32>, vector<16xi32>], vector<16xf32>,
        %mul3A_1231 = arith.constant 8.000000e+00 : f32
        %mul3A_1232 = vector.broadcast %mul3A_1231 : f32 to vector<16xf32>
        %mul3A_1233 = arith.mulf %scan3A_1129, %mul3A_1232 : vector<16xf32>
        %add3A_1234 = arith.addf %mul3A_1233, %scan3A_1132 : vector<16xf32>
        %scatter3A_1235 = arith.constant 0 : i32
        %scatter3A_1236 = arith.constant 0 : i32
        %scatter3A_1237 = tpu.memref_slice %arg11[%scan3A_871, %scatter3A_1235, %scatter3A_1236] : memref<4x64x128xf32, #tpu.memory_space<vmem>> -> memref<1x64x128xf32, #tpu.memory_space<vmem>>
        %scatter3A_1238 = tpu.memref_squeeze %scatter3A_1237 : memref<1x64x128xf32, #tpu.memory_space<vmem>> -> memref<64x128xf32, #tpu.memory_space<vmem>>
        tpu.vector_store_idx %scatter3A_1238[%scan3A_1133, %add3A_779], %add3A_1234 : memref<64x128xf32, #tpu.memory_space<vmem>>[vector<16xi32>, vector<16xi32>], vector<16xf32>,
        %mul3A_1239 = arith.constant 8.000000e+00 : f32
        %mul3A_1240 = vector.broadcast %mul3A_1239 : f32 to vector<16xf32>
        %mul3A_1241 = arith.mulf %scan3A_1130, %mul3A_1240 : vector<16xf32>
        %add3A_1242 = arith.addf %mul3A_1241, %scan3A_1132 : vector<16xf32>
        %scatter3A_1243 = arith.constant 0 : i32
        %scatter3A_1244 = arith.constant 0 : i32
        %scatter3A_1245 = tpu.memref_slice %arg11[%scan3A_871, %scatter3A_1243, %scatter3A_1244] : memref<4x64x128xf32, #tpu.memory_space<vmem>> -> memref<1x64x128xf32, #tpu.memory_space<vmem>>
        %scatter3A_1246 = tpu.memref_squeeze %scatter3A_1245 : memref<1x64x128xf32, #tpu.memory_space<vmem>> -> memref<64x128xf32, #tpu.memory_space<vmem>>
        tpu.vector_store_idx %scatter3A_1246[%scan3A_1133, %add3A_789], %add3A_1242 : memref<64x128xf32, #tpu.memory_space<vmem>>[vector<16xi32>, vector<16xi32>], vector<16xf32>,
        %mul3A_1247 = arith.constant 8.000000e+00 : f32
        %mul3A_1248 = vector.broadcast %mul3A_1247 : f32 to vector<16xf32>
        %mul3A_1249 = arith.mulf %scan3A_1131, %mul3A_1248 : vector<16xf32>
        %add3A_1250 = arith.addf %mul3A_1249, %scan3A_1132 : vector<16xf32>
        %scatter3A_1251 = arith.constant 0 : i32
        %scatter3A_1252 = arith.constant 0 : i32
        %scatter3A_1253 = tpu.memref_slice %arg11[%scan3A_871, %scatter3A_1251, %scatter3A_1252] : memref<4x64x128xf32, #tpu.memory_space<vmem>> -> memref<1x64x128xf32, #tpu.memory_space<vmem>>
        %scatter3A_1254 = tpu.memref_squeeze %scatter3A_1253 : memref<1x64x128xf32, #tpu.memory_space<vmem>> -> memref<64x128xf32, #tpu.memory_space<vmem>>
        tpu.vector_store_idx %scatter3A_1254[%scan3A_1133, %add3A_799], %add3A_1250 : memref<64x128xf32, #tpu.memory_space<vmem>>[vector<16xi32>, vector<16xi32>], vector<16xf32>,
        %scan3A_1255 = arith.constant 1 : i32
        %scan3A_1256 = arith.addi %scan3A_1123, %scan3A_1255 : i32
        %add3A_1257 = arith.constant 1 : i32
        %add3A_1258 = arith.addi %scan3A_1256, %add3A_1257 : i32
        %min3A_1259 = arith.constant 63 : i32
        %min3A_1260 = arith.minsi %add3A_1258, %min3A_1259 : i32
        %add3A_1261 = vector.broadcast %min3A_1260 : i32 to vector<16xi32>
        %add3A_1262 = arith.addi %add3A_1261, %iota3A : vector<16xi32>
        %and3A_1263 = arith.constant 63 : i32
        %and3A_1264 = vector.broadcast %and3A_1263 : i32 to vector<16xi32>
        %and3A_1265 = arith.andi %add3A_1262, %and3A_1264 : vector<16xi32>
        %add3A_1266 = arith.addi %mul3A_732, %and3A_1265 : vector<16xi32>
        %gather3A_1267 = arith.constant 0 : i32
        %gather3A_1268 = arith.constant 0 : i32
        %gather3A_1269 = tpu.memref_slice %arg10[%scan3A_870, %gather3A_1267, %gather3A_1268] : memref<4x128x128xf32, #tpu.memory_space<vmem>> -> memref<1x128x128xf32, #tpu.memory_space<vmem>>
        %gather3A_1270 = tpu.memref_squeeze %gather3A_1269 : memref<1x128x128xf32, #tpu.memory_space<vmem>> -> memref<128x128xf32, #tpu.memory_space<vmem>>
        %gather3A_1271 = tpu.vector_load_idx %gather3A_1270[%add3A_729, %add3A_1266] : memref<128x128xf32, #tpu.memory_space<vmem>>[vector<16xi32>, vector<16xi32>], vector<16xf32>,
        %add3A_1272 = arith.addi %mul3A_742, %and3A_1265 : vector<16xi32>
        %gather3A_1273 = arith.constant 0 : i32
        %gather3A_1274 = arith.constant 0 : i32
        %gather3A_1275 = tpu.memref_slice %arg10[%scan3A_870, %gather3A_1273, %gather3A_1274] : memref<4x128x128xf32, #tpu.memory_space<vmem>> -> memref<1x128x128xf32, #tpu.memory_space<vmem>>
        %gather3A_1276 = tpu.memref_squeeze %gather3A_1275 : memref<1x128x128xf32, #tpu.memory_space<vmem>> -> memref<128x128xf32, #tpu.memory_space<vmem>>
        %gather3A_1277 = tpu.vector_load_idx %gather3A_1276[%add3A_739, %add3A_1272] : memref<128x128xf32, #tpu.memory_space<vmem>>[vector<16xi32>, vector<16xi32>], vector<16xf32>,
        %add3A_1278 = arith.addi %mul3A_752, %and3A_1265 : vector<16xi32>
        %gather3A_1279 = arith.constant 0 : i32
        %gather3A_1280 = arith.constant 0 : i32
        %gather3A_1281 = tpu.memref_slice %arg10[%scan3A_870, %gather3A_1279, %gather3A_1280] : memref<4x128x128xf32, #tpu.memory_space<vmem>> -> memref<1x128x128xf32, #tpu.memory_space<vmem>>
        %gather3A_1282 = tpu.memref_squeeze %gather3A_1281 : memref<1x128x128xf32, #tpu.memory_space<vmem>> -> memref<128x128xf32, #tpu.memory_space<vmem>>
        %gather3A_1283 = tpu.vector_load_idx %gather3A_1282[%add3A_749, %add3A_1278] : memref<128x128xf32, #tpu.memory_space<vmem>>[vector<16xi32>, vector<16xi32>], vector<16xf32>,
        %add3A_1284 = arith.addi %mul3A_762, %and3A_1265 : vector<16xi32>
        %gather3A_1285 = arith.constant 0 : i32
        %gather3A_1286 = arith.constant 0 : i32
        %gather3A_1287 = tpu.memref_slice %arg10[%scan3A_870, %gather3A_1285, %gather3A_1286] : memref<4x128x128xf32, #tpu.memory_space<vmem>> -> memref<1x128x128xf32, #tpu.memory_space<vmem>>
        %gather3A_1288 = tpu.memref_squeeze %gather3A_1287 : memref<1x128x128xf32, #tpu.memory_space<vmem>> -> memref<128x128xf32, #tpu.memory_space<vmem>>
        %gather3A_1289 = tpu.vector_load_idx %gather3A_1288[%add3A_759, %add3A_1284] : memref<128x128xf32, #tpu.memory_space<vmem>>[vector<16xi32>, vector<16xi32>], vector<16xf32>,
        %add3A_1290 = arith.addi %mul3A_772, %and3A_1265 : vector<16xi32>
        %gather3A_1291 = arith.constant 0 : i32
        %gather3A_1292 = arith.constant 0 : i32
        %gather3A_1293 = tpu.memref_slice %arg10[%scan3A_870, %gather3A_1291, %gather3A_1292] : memref<4x128x128xf32, #tpu.memory_space<vmem>> -> memref<1x128x128xf32, #tpu.memory_space<vmem>>
        %gather3A_1294 = tpu.memref_squeeze %gather3A_1293 : memref<1x128x128xf32, #tpu.memory_space<vmem>> -> memref<128x128xf32, #tpu.memory_space<vmem>>
        %gather3A_1295 = tpu.vector_load_idx %gather3A_1294[%add3A_769, %add3A_1290] : memref<128x128xf32, #tpu.memory_space<vmem>>[vector<16xi32>, vector<16xi32>], vector<16xf32>,
        %add3A_1296 = arith.addi %mul3A_782, %and3A_1265 : vector<16xi32>
        %gather3A_1297 = arith.constant 0 : i32
        %gather3A_1298 = arith.constant 0 : i32
        %gather3A_1299 = tpu.memref_slice %arg10[%scan3A_870, %gather3A_1297, %gather3A_1298] : memref<4x128x128xf32, #tpu.memory_space<vmem>> -> memref<1x128x128xf32, #tpu.memory_space<vmem>>
        %gather3A_1300 = tpu.memref_squeeze %gather3A_1299 : memref<1x128x128xf32, #tpu.memory_space<vmem>> -> memref<128x128xf32, #tpu.memory_space<vmem>>
        %gather3A_1301 = tpu.vector_load_idx %gather3A_1300[%add3A_779, %add3A_1296] : memref<128x128xf32, #tpu.memory_space<vmem>>[vector<16xi32>, vector<16xi32>], vector<16xf32>,
        %add3A_1302 = arith.addi %mul3A_792, %and3A_1265 : vector<16xi32>
        %gather3A_1303 = arith.constant 0 : i32
        %gather3A_1304 = arith.constant 0 : i32
        %gather3A_1305 = tpu.memref_slice %arg10[%scan3A_870, %gather3A_1303, %gather3A_1304] : memref<4x128x128xf32, #tpu.memory_space<vmem>> -> memref<1x128x128xf32, #tpu.memory_space<vmem>>
        %gather3A_1306 = tpu.memref_squeeze %gather3A_1305 : memref<1x128x128xf32, #tpu.memory_space<vmem>> -> memref<128x128xf32, #tpu.memory_space<vmem>>
        %gather3A_1307 = tpu.vector_load_idx %gather3A_1306[%add3A_789, %add3A_1302] : memref<128x128xf32, #tpu.memory_space<vmem>>[vector<16xi32>, vector<16xi32>], vector<16xf32>,
        %add3A_1308 = arith.addi %mul3A_802, %and3A_1265 : vector<16xi32>
        %gather3A_1309 = arith.constant 0 : i32
        %gather3A_1310 = arith.constant 0 : i32
        %gather3A_1311 = tpu.memref_slice %arg10[%scan3A_870, %gather3A_1309, %gather3A_1310] : memref<4x128x128xf32, #tpu.memory_space<vmem>> -> memref<1x128x128xf32, #tpu.memory_space<vmem>>
        %gather3A_1312 = tpu.memref_squeeze %gather3A_1311 : memref<1x128x128xf32, #tpu.memory_space<vmem>> -> memref<128x128xf32, #tpu.memory_space<vmem>>
        %gather3A_1313 = tpu.vector_load_idx %gather3A_1312[%add3A_799, %add3A_1308] : memref<128x128xf32, #tpu.memory_space<vmem>>[vector<16xi32>, vector<16xi32>], vector<16xf32>,
        %add3A_1314 = arith.addi %broadcast_in_dim3A_805, %and3A_1265 : vector<16xi32>
        %gather3A_1315 = tpu.vector_load_idx %arg7[%add3A_1314] : memref<12800xf32, #tpu.memory_space<vmem>>[vector<16xi32>], vector<16xf32>,
        %mul3A_1316 = arith.constant 8.000000e+00 : f32
        %mul3A_1317 = vector.broadcast %mul3A_1316 : f32 to vector<16xf32>
        %mul3A_1318 = arith.mulf %gather3A_1147, %mul3A_1317 : vector<16xf32>
        %add3A_1319 = arith.addf %mul3A_1318, %gather3A_1191 : vector<16xf32>
        %scatter3A_1320 = arith.constant 0 : i32
        %scatter3A_1321 = arith.constant 0 : i32
        %scatter3A_1322 = tpu.memref_slice %arg11[%scan3A_871, %scatter3A_1320, %scatter3A_1321] : memref<4x64x128xf32, #tpu.memory_space<vmem>> -> memref<1x64x128xf32, #tpu.memory_space<vmem>>
        %scatter3A_1323 = tpu.memref_squeeze %scatter3A_1322 : memref<1x64x128xf32, #tpu.memory_space<vmem>> -> memref<64x128xf32, #tpu.memory_space<vmem>>
        tpu.vector_store_idx %scatter3A_1323[%and3A_1141, %add3A_729], %add3A_1319 : memref<64x128xf32, #tpu.memory_space<vmem>>[vector<16xi32>, vector<16xi32>], vector<16xf32>,
        %mul3A_1324 = arith.constant 8.000000e+00 : f32
        %mul3A_1325 = vector.broadcast %mul3A_1324 : f32 to vector<16xf32>
        %mul3A_1326 = arith.mulf %gather3A_1153, %mul3A_1325 : vector<16xf32>
        %add3A_1327 = arith.addf %mul3A_1326, %gather3A_1191 : vector<16xf32>
        %scatter3A_1328 = arith.constant 0 : i32
        %scatter3A_1329 = arith.constant 0 : i32
        %scatter3A_1330 = tpu.memref_slice %arg11[%scan3A_871, %scatter3A_1328, %scatter3A_1329] : memref<4x64x128xf32, #tpu.memory_space<vmem>> -> memref<1x64x128xf32, #tpu.memory_space<vmem>>
        %scatter3A_1331 = tpu.memref_squeeze %scatter3A_1330 : memref<1x64x128xf32, #tpu.memory_space<vmem>> -> memref<64x128xf32, #tpu.memory_space<vmem>>
        tpu.vector_store_idx %scatter3A_1331[%and3A_1141, %add3A_739], %add3A_1327 : memref<64x128xf32, #tpu.memory_space<vmem>>[vector<16xi32>, vector<16xi32>], vector<16xf32>,
        %mul3A_1332 = arith.constant 8.000000e+00 : f32
        %mul3A_1333 = vector.broadcast %mul3A_1332 : f32 to vector<16xf32>
        %mul3A_1334 = arith.mulf %gather3A_1159, %mul3A_1333 : vector<16xf32>
        %add3A_1335 = arith.addf %mul3A_1334, %gather3A_1191 : vector<16xf32>
        %scatter3A_1336 = arith.constant 0 : i32
        %scatter3A_1337 = arith.constant 0 : i32
        %scatter3A_1338 = tpu.memref_slice %arg11[%scan3A_871, %scatter3A_1336, %scatter3A_1337] : memref<4x64x128xf32, #tpu.memory_space<vmem>> -> memref<1x64x128xf32, #tpu.memory_space<vmem>>
        %scatter3A_1339 = tpu.memref_squeeze %scatter3A_1338 : memref<1x64x128xf32, #tpu.memory_space<vmem>> -> memref<64x128xf32, #tpu.memory_space<vmem>>
        tpu.vector_store_idx %scatter3A_1339[%and3A_1141, %add3A_749], %add3A_1335 : memref<64x128xf32, #tpu.memory_space<vmem>>[vector<16xi32>, vector<16xi32>], vector<16xf32>,
        %mul3A_1340 = arith.constant 8.000000e+00 : f32
        %mul3A_1341 = vector.broadcast %mul3A_1340 : f32 to vector<16xf32>
        %mul3A_1342 = arith.mulf %gather3A_1165, %mul3A_1341 : vector<16xf32>
        %add3A_1343 = arith.addf %mul3A_1342, %gather3A_1191 : vector<16xf32>
        %scatter3A_1344 = arith.constant 0 : i32
        %scatter3A_1345 = arith.constant 0 : i32
        %scatter3A_1346 = tpu.memref_slice %arg11[%scan3A_871, %scatter3A_1344, %scatter3A_1345] : memref<4x64x128xf32, #tpu.memory_space<vmem>> -> memref<1x64x128xf32, #tpu.memory_space<vmem>>
        %scatter3A_1347 = tpu.memref_squeeze %scatter3A_1346 : memref<1x64x128xf32, #tpu.memory_space<vmem>> -> memref<64x128xf32, #tpu.memory_space<vmem>>
        tpu.vector_store_idx %scatter3A_1347[%and3A_1141, %add3A_759], %add3A_1343 : memref<64x128xf32, #tpu.memory_space<vmem>>[vector<16xi32>, vector<16xi32>], vector<16xf32>,
        %mul3A_1348 = arith.constant 8.000000e+00 : f32
        %mul3A_1349 = vector.broadcast %mul3A_1348 : f32 to vector<16xf32>
        %mul3A_1350 = arith.mulf %gather3A_1171, %mul3A_1349 : vector<16xf32>
        %add3A_1351 = arith.addf %mul3A_1350, %gather3A_1191 : vector<16xf32>
        %scatter3A_1352 = arith.constant 0 : i32
        %scatter3A_1353 = arith.constant 0 : i32
        %scatter3A_1354 = tpu.memref_slice %arg11[%scan3A_871, %scatter3A_1352, %scatter3A_1353] : memref<4x64x128xf32, #tpu.memory_space<vmem>> -> memref<1x64x128xf32, #tpu.memory_space<vmem>>
        %scatter3A_1355 = tpu.memref_squeeze %scatter3A_1354 : memref<1x64x128xf32, #tpu.memory_space<vmem>> -> memref<64x128xf32, #tpu.memory_space<vmem>>
        tpu.vector_store_idx %scatter3A_1355[%and3A_1141, %add3A_769], %add3A_1351 : memref<64x128xf32, #tpu.memory_space<vmem>>[vector<16xi32>, vector<16xi32>], vector<16xf32>,
        %mul3A_1356 = arith.constant 8.000000e+00 : f32
        %mul3A_1357 = vector.broadcast %mul3A_1356 : f32 to vector<16xf32>
        %mul3A_1358 = arith.mulf %gather3A_1177, %mul3A_1357 : vector<16xf32>
        %add3A_1359 = arith.addf %mul3A_1358, %gather3A_1191 : vector<16xf32>
        %scatter3A_1360 = arith.constant 0 : i32
        %scatter3A_1361 = arith.constant 0 : i32
        %scatter3A_1362 = tpu.memref_slice %arg11[%scan3A_871, %scatter3A_1360, %scatter3A_1361] : memref<4x64x128xf32, #tpu.memory_space<vmem>> -> memref<1x64x128xf32, #tpu.memory_space<vmem>>
        %scatter3A_1363 = tpu.memref_squeeze %scatter3A_1362 : memref<1x64x128xf32, #tpu.memory_space<vmem>> -> memref<64x128xf32, #tpu.memory_space<vmem>>
        tpu.vector_store_idx %scatter3A_1363[%and3A_1141, %add3A_779], %add3A_1359 : memref<64x128xf32, #tpu.memory_space<vmem>>[vector<16xi32>, vector<16xi32>], vector<16xf32>,
        %mul3A_1364 = arith.constant 8.000000e+00 : f32
        %mul3A_1365 = vector.broadcast %mul3A_1364 : f32 to vector<16xf32>
        %mul3A_1366 = arith.mulf %gather3A_1183, %mul3A_1365 : vector<16xf32>
        %add3A_1367 = arith.addf %mul3A_1366, %gather3A_1191 : vector<16xf32>
        %scatter3A_1368 = arith.constant 0 : i32
        %scatter3A_1369 = arith.constant 0 : i32
        %scatter3A_1370 = tpu.memref_slice %arg11[%scan3A_871, %scatter3A_1368, %scatter3A_1369] : memref<4x64x128xf32, #tpu.memory_space<vmem>> -> memref<1x64x128xf32, #tpu.memory_space<vmem>>
        %scatter3A_1371 = tpu.memref_squeeze %scatter3A_1370 : memref<1x64x128xf32, #tpu.memory_space<vmem>> -> memref<64x128xf32, #tpu.memory_space<vmem>>
        tpu.vector_store_idx %scatter3A_1371[%and3A_1141, %add3A_789], %add3A_1367 : memref<64x128xf32, #tpu.memory_space<vmem>>[vector<16xi32>, vector<16xi32>], vector<16xf32>,
        %mul3A_1372 = arith.constant 8.000000e+00 : f32
        %mul3A_1373 = vector.broadcast %mul3A_1372 : f32 to vector<16xf32>
        %mul3A_1374 = arith.mulf %gather3A_1189, %mul3A_1373 : vector<16xf32>
        %add3A_1375 = arith.addf %mul3A_1374, %gather3A_1191 : vector<16xf32>
        %scatter3A_1376 = arith.constant 0 : i32
        %scatter3A_1377 = arith.constant 0 : i32
        %scatter3A_1378 = tpu.memref_slice %arg11[%scan3A_871, %scatter3A_1376, %scatter3A_1377] : memref<4x64x128xf32, #tpu.memory_space<vmem>> -> memref<1x64x128xf32, #tpu.memory_space<vmem>>
        %scatter3A_1379 = tpu.memref_squeeze %scatter3A_1378 : memref<1x64x128xf32, #tpu.memory_space<vmem>> -> memref<64x128xf32, #tpu.memory_space<vmem>>
        tpu.vector_store_idx %scatter3A_1379[%and3A_1141, %add3A_799], %add3A_1375 : memref<64x128xf32, #tpu.memory_space<vmem>>[vector<16xi32>, vector<16xi32>], vector<16xf32>,
        %scan3A_1380 = arith.constant 2 : i32
        %scan3A_1381 = arith.addi %scan3A_1123, %scan3A_1380 : i32
        %add3A_1382 = arith.constant 1 : i32
        %add3A_1383 = arith.addi %scan3A_1381, %add3A_1382 : i32
        %min3A_1384 = arith.constant 63 : i32
        %min3A_1385 = arith.minsi %add3A_1383, %min3A_1384 : i32
        %add3A_1386 = vector.broadcast %min3A_1385 : i32 to vector<16xi32>
        %add3A_1387 = arith.addi %add3A_1386, %iota3A : vector<16xi32>
        %and3A_1388 = arith.constant 63 : i32
        %and3A_1389 = vector.broadcast %and3A_1388 : i32 to vector<16xi32>
        %and3A_1390 = arith.andi %add3A_1387, %and3A_1389 : vector<16xi32>
        %add3A_1391 = arith.addi %mul3A_732, %and3A_1390 : vector<16xi32>
        %gather3A_1392 = arith.constant 0 : i32
        %gather3A_1393 = arith.constant 0 : i32
        %gather3A_1394 = tpu.memref_slice %arg10[%scan3A_870, %gather3A_1392, %gather3A_1393] : memref<4x128x128xf32, #tpu.memory_space<vmem>> -> memref<1x128x128xf32, #tpu.memory_space<vmem>>
        %gather3A_1395 = tpu.memref_squeeze %gather3A_1394 : memref<1x128x128xf32, #tpu.memory_space<vmem>> -> memref<128x128xf32, #tpu.memory_space<vmem>>
        %gather3A_1396 = tpu.vector_load_idx %gather3A_1395[%add3A_729, %add3A_1391] : memref<128x128xf32, #tpu.memory_space<vmem>>[vector<16xi32>, vector<16xi32>], vector<16xf32>,
        %add3A_1397 = arith.addi %mul3A_742, %and3A_1390 : vector<16xi32>
        %gather3A_1398 = arith.constant 0 : i32
        %gather3A_1399 = arith.constant 0 : i32
        %gather3A_1400 = tpu.memref_slice %arg10[%scan3A_870, %gather3A_1398, %gather3A_1399] : memref<4x128x128xf32, #tpu.memory_space<vmem>> -> memref<1x128x128xf32, #tpu.memory_space<vmem>>
        %gather3A_1401 = tpu.memref_squeeze %gather3A_1400 : memref<1x128x128xf32, #tpu.memory_space<vmem>> -> memref<128x128xf32, #tpu.memory_space<vmem>>
        %gather3A_1402 = tpu.vector_load_idx %gather3A_1401[%add3A_739, %add3A_1397] : memref<128x128xf32, #tpu.memory_space<vmem>>[vector<16xi32>, vector<16xi32>], vector<16xf32>,
        %add3A_1403 = arith.addi %mul3A_752, %and3A_1390 : vector<16xi32>
        %gather3A_1404 = arith.constant 0 : i32
        %gather3A_1405 = arith.constant 0 : i32
        %gather3A_1406 = tpu.memref_slice %arg10[%scan3A_870, %gather3A_1404, %gather3A_1405] : memref<4x128x128xf32, #tpu.memory_space<vmem>> -> memref<1x128x128xf32, #tpu.memory_space<vmem>>
        %gather3A_1407 = tpu.memref_squeeze %gather3A_1406 : memref<1x128x128xf32, #tpu.memory_space<vmem>> -> memref<128x128xf32, #tpu.memory_space<vmem>>
        %gather3A_1408 = tpu.vector_load_idx %gather3A_1407[%add3A_749, %add3A_1403] : memref<128x128xf32, #tpu.memory_space<vmem>>[vector<16xi32>, vector<16xi32>], vector<16xf32>,
        %add3A_1409 = arith.addi %mul3A_762, %and3A_1390 : vector<16xi32>
        %gather3A_1410 = arith.constant 0 : i32
        %gather3A_1411 = arith.constant 0 : i32
        %gather3A_1412 = tpu.memref_slice %arg10[%scan3A_870, %gather3A_1410, %gather3A_1411] : memref<4x128x128xf32, #tpu.memory_space<vmem>> -> memref<1x128x128xf32, #tpu.memory_space<vmem>>
        %gather3A_1413 = tpu.memref_squeeze %gather3A_1412 : memref<1x128x128xf32, #tpu.memory_space<vmem>> -> memref<128x128xf32, #tpu.memory_space<vmem>>
        %gather3A_1414 = tpu.vector_load_idx %gather3A_1413[%add3A_759, %add3A_1409] : memref<128x128xf32, #tpu.memory_space<vmem>>[vector<16xi32>, vector<16xi32>], vector<16xf32>,
        %add3A_1415 = arith.addi %mul3A_772, %and3A_1390 : vector<16xi32>
        %gather3A_1416 = arith.constant 0 : i32
        %gather3A_1417 = arith.constant 0 : i32
        %gather3A_1418 = tpu.memref_slice %arg10[%scan3A_870, %gather3A_1416, %gather3A_1417] : memref<4x128x128xf32, #tpu.memory_space<vmem>> -> memref<1x128x128xf32, #tpu.memory_space<vmem>>
        %gather3A_1419 = tpu.memref_squeeze %gather3A_1418 : memref<1x128x128xf32, #tpu.memory_space<vmem>> -> memref<128x128xf32, #tpu.memory_space<vmem>>
        %gather3A_1420 = tpu.vector_load_idx %gather3A_1419[%add3A_769, %add3A_1415] : memref<128x128xf32, #tpu.memory_space<vmem>>[vector<16xi32>, vector<16xi32>], vector<16xf32>,
        %add3A_1421 = arith.addi %mul3A_782, %and3A_1390 : vector<16xi32>
        %gather3A_1422 = arith.constant 0 : i32
        %gather3A_1423 = arith.constant 0 : i32
        %gather3A_1424 = tpu.memref_slice %arg10[%scan3A_870, %gather3A_1422, %gather3A_1423] : memref<4x128x128xf32, #tpu.memory_space<vmem>> -> memref<1x128x128xf32, #tpu.memory_space<vmem>>
        %gather3A_1425 = tpu.memref_squeeze %gather3A_1424 : memref<1x128x128xf32, #tpu.memory_space<vmem>> -> memref<128x128xf32, #tpu.memory_space<vmem>>
        %gather3A_1426 = tpu.vector_load_idx %gather3A_1425[%add3A_779, %add3A_1421] : memref<128x128xf32, #tpu.memory_space<vmem>>[vector<16xi32>, vector<16xi32>], vector<16xf32>,
        %add3A_1427 = arith.addi %mul3A_792, %and3A_1390 : vector<16xi32>
        %gather3A_1428 = arith.constant 0 : i32
        %gather3A_1429 = arith.constant 0 : i32
        %gather3A_1430 = tpu.memref_slice %arg10[%scan3A_870, %gather3A_1428, %gather3A_1429] : memref<4x128x128xf32, #tpu.memory_space<vmem>> -> memref<1x128x128xf32, #tpu.memory_space<vmem>>
        %gather3A_1431 = tpu.memref_squeeze %gather3A_1430 : memref<1x128x128xf32, #tpu.memory_space<vmem>> -> memref<128x128xf32, #tpu.memory_space<vmem>>
        %gather3A_1432 = tpu.vector_load_idx %gather3A_1431[%add3A_789, %add3A_1427] : memref<128x128xf32, #tpu.memory_space<vmem>>[vector<16xi32>, vector<16xi32>], vector<16xf32>,
        %add3A_1433 = arith.addi %mul3A_802, %and3A_1390 : vector<16xi32>
        %gather3A_1434 = arith.constant 0 : i32
        %gather3A_1435 = arith.constant 0 : i32
        %gather3A_1436 = tpu.memref_slice %arg10[%scan3A_870, %gather3A_1434, %gather3A_1435] : memref<4x128x128xf32, #tpu.memory_space<vmem>> -> memref<1x128x128xf32, #tpu.memory_space<vmem>>
        %gather3A_1437 = tpu.memref_squeeze %gather3A_1436 : memref<1x128x128xf32, #tpu.memory_space<vmem>> -> memref<128x128xf32, #tpu.memory_space<vmem>>
        %gather3A_1438 = tpu.vector_load_idx %gather3A_1437[%add3A_799, %add3A_1433] : memref<128x128xf32, #tpu.memory_space<vmem>>[vector<16xi32>, vector<16xi32>], vector<16xf32>,
        %add3A_1439 = arith.addi %broadcast_in_dim3A_805, %and3A_1390 : vector<16xi32>
        %gather3A_1440 = tpu.vector_load_idx %arg7[%add3A_1439] : memref<12800xf32, #tpu.memory_space<vmem>>[vector<16xi32>], vector<16xf32>,
        %mul3A_1441 = arith.constant 8.000000e+00 : f32
        %mul3A_1442 = vector.broadcast %mul3A_1441 : f32 to vector<16xf32>
        %mul3A_1443 = arith.mulf %gather3A_1271, %mul3A_1442 : vector<16xf32>
        %add3A_1444 = arith.addf %mul3A_1443, %gather3A_1315 : vector<16xf32>
        %scatter3A_1445 = arith.constant 0 : i32
        %scatter3A_1446 = arith.constant 0 : i32
        %scatter3A_1447 = tpu.memref_slice %arg11[%scan3A_871, %scatter3A_1445, %scatter3A_1446] : memref<4x64x128xf32, #tpu.memory_space<vmem>> -> memref<1x64x128xf32, #tpu.memory_space<vmem>>
        %scatter3A_1448 = tpu.memref_squeeze %scatter3A_1447 : memref<1x64x128xf32, #tpu.memory_space<vmem>> -> memref<64x128xf32, #tpu.memory_space<vmem>>
        tpu.vector_store_idx %scatter3A_1448[%and3A_1265, %add3A_729], %add3A_1444 : memref<64x128xf32, #tpu.memory_space<vmem>>[vector<16xi32>, vector<16xi32>], vector<16xf32>,
        %mul3A_1449 = arith.constant 8.000000e+00 : f32
        %mul3A_1450 = vector.broadcast %mul3A_1449 : f32 to vector<16xf32>
        %mul3A_1451 = arith.mulf %gather3A_1277, %mul3A_1450 : vector<16xf32>
        %add3A_1452 = arith.addf %mul3A_1451, %gather3A_1315 : vector<16xf32>
        %scatter3A_1453 = arith.constant 0 : i32
        %scatter3A_1454 = arith.constant 0 : i32
        %scatter3A_1455 = tpu.memref_slice %arg11[%scan3A_871, %scatter3A_1453, %scatter3A_1454] : memref<4x64x128xf32, #tpu.memory_space<vmem>> -> memref<1x64x128xf32, #tpu.memory_space<vmem>>
        %scatter3A_1456 = tpu.memref_squeeze %scatter3A_1455 : memref<1x64x128xf32, #tpu.memory_space<vmem>> -> memref<64x128xf32, #tpu.memory_space<vmem>>
        tpu.vector_store_idx %scatter3A_1456[%and3A_1265, %add3A_739], %add3A_1452 : memref<64x128xf32, #tpu.memory_space<vmem>>[vector<16xi32>, vector<16xi32>], vector<16xf32>,
        %mul3A_1457 = arith.constant 8.000000e+00 : f32
        %mul3A_1458 = vector.broadcast %mul3A_1457 : f32 to vector<16xf32>
        %mul3A_1459 = arith.mulf %gather3A_1283, %mul3A_1458 : vector<16xf32>
        %add3A_1460 = arith.addf %mul3A_1459, %gather3A_1315 : vector<16xf32>
        %scatter3A_1461 = arith.constant 0 : i32
        %scatter3A_1462 = arith.constant 0 : i32
        %scatter3A_1463 = tpu.memref_slice %arg11[%scan3A_871, %scatter3A_1461, %scatter3A_1462] : memref<4x64x128xf32, #tpu.memory_space<vmem>> -> memref<1x64x128xf32, #tpu.memory_space<vmem>>
        %scatter3A_1464 = tpu.memref_squeeze %scatter3A_1463 : memref<1x64x128xf32, #tpu.memory_space<vmem>> -> memref<64x128xf32, #tpu.memory_space<vmem>>
        tpu.vector_store_idx %scatter3A_1464[%and3A_1265, %add3A_749], %add3A_1460 : memref<64x128xf32, #tpu.memory_space<vmem>>[vector<16xi32>, vector<16xi32>], vector<16xf32>,
        %mul3A_1465 = arith.constant 8.000000e+00 : f32
        %mul3A_1466 = vector.broadcast %mul3A_1465 : f32 to vector<16xf32>
        %mul3A_1467 = arith.mulf %gather3A_1289, %mul3A_1466 : vector<16xf32>
        %add3A_1468 = arith.addf %mul3A_1467, %gather3A_1315 : vector<16xf32>
        %scatter3A_1469 = arith.constant 0 : i32
        %scatter3A_1470 = arith.constant 0 : i32
        %scatter3A_1471 = tpu.memref_slice %arg11[%scan3A_871, %scatter3A_1469, %scatter3A_1470] : memref<4x64x128xf32, #tpu.memory_space<vmem>> -> memref<1x64x128xf32, #tpu.memory_space<vmem>>
        %scatter3A_1472 = tpu.memref_squeeze %scatter3A_1471 : memref<1x64x128xf32, #tpu.memory_space<vmem>> -> memref<64x128xf32, #tpu.memory_space<vmem>>
        tpu.vector_store_idx %scatter3A_1472[%and3A_1265, %add3A_759], %add3A_1468 : memref<64x128xf32, #tpu.memory_space<vmem>>[vector<16xi32>, vector<16xi32>], vector<16xf32>,
        %mul3A_1473 = arith.constant 8.000000e+00 : f32
        %mul3A_1474 = vector.broadcast %mul3A_1473 : f32 to vector<16xf32>
        %mul3A_1475 = arith.mulf %gather3A_1295, %mul3A_1474 : vector<16xf32>
        %add3A_1476 = arith.addf %mul3A_1475, %gather3A_1315 : vector<16xf32>
        %scatter3A_1477 = arith.constant 0 : i32
        %scatter3A_1478 = arith.constant 0 : i32
        %scatter3A_1479 = tpu.memref_slice %arg11[%scan3A_871, %scatter3A_1477, %scatter3A_1478] : memref<4x64x128xf32, #tpu.memory_space<vmem>> -> memref<1x64x128xf32, #tpu.memory_space<vmem>>
        %scatter3A_1480 = tpu.memref_squeeze %scatter3A_1479 : memref<1x64x128xf32, #tpu.memory_space<vmem>> -> memref<64x128xf32, #tpu.memory_space<vmem>>
        tpu.vector_store_idx %scatter3A_1480[%and3A_1265, %add3A_769], %add3A_1476 : memref<64x128xf32, #tpu.memory_space<vmem>>[vector<16xi32>, vector<16xi32>], vector<16xf32>,
        %mul3A_1481 = arith.constant 8.000000e+00 : f32
        %mul3A_1482 = vector.broadcast %mul3A_1481 : f32 to vector<16xf32>
        %mul3A_1483 = arith.mulf %gather3A_1301, %mul3A_1482 : vector<16xf32>
        %add3A_1484 = arith.addf %mul3A_1483, %gather3A_1315 : vector<16xf32>
        %scatter3A_1485 = arith.constant 0 : i32
        %scatter3A_1486 = arith.constant 0 : i32
        %scatter3A_1487 = tpu.memref_slice %arg11[%scan3A_871, %scatter3A_1485, %scatter3A_1486] : memref<4x64x128xf32, #tpu.memory_space<vmem>> -> memref<1x64x128xf32, #tpu.memory_space<vmem>>
        %scatter3A_1488 = tpu.memref_squeeze %scatter3A_1487 : memref<1x64x128xf32, #tpu.memory_space<vmem>> -> memref<64x128xf32, #tpu.memory_space<vmem>>
        tpu.vector_store_idx %scatter3A_1488[%and3A_1265, %add3A_779], %add3A_1484 : memref<64x128xf32, #tpu.memory_space<vmem>>[vector<16xi32>, vector<16xi32>], vector<16xf32>,
        %mul3A_1489 = arith.constant 8.000000e+00 : f32
        %mul3A_1490 = vector.broadcast %mul3A_1489 : f32 to vector<16xf32>
        %mul3A_1491 = arith.mulf %gather3A_1307, %mul3A_1490 : vector<16xf32>
        %add3A_1492 = arith.addf %mul3A_1491, %gather3A_1315 : vector<16xf32>
        %scatter3A_1493 = arith.constant 0 : i32
        %scatter3A_1494 = arith.constant 0 : i32
        %scatter3A_1495 = tpu.memref_slice %arg11[%scan3A_871, %scatter3A_1493, %scatter3A_1494] : memref<4x64x128xf32, #tpu.memory_space<vmem>> -> memref<1x64x128xf32, #tpu.memory_space<vmem>>
        %scatter3A_1496 = tpu.memref_squeeze %scatter3A_1495 : memref<1x64x128xf32, #tpu.memory_space<vmem>> -> memref<64x128xf32, #tpu.memory_space<vmem>>
        tpu.vector_store_idx %scatter3A_1496[%and3A_1265, %add3A_789], %add3A_1492 : memref<64x128xf32, #tpu.memory_space<vmem>>[vector<16xi32>, vector<16xi32>], vector<16xf32>,
        %mul3A_1497 = arith.constant 8.000000e+00 : f32
        %mul3A_1498 = vector.broadcast %mul3A_1497 : f32 to vector<16xf32>
        %mul3A_1499 = arith.mulf %gather3A_1313, %mul3A_1498 : vector<16xf32>
        %add3A_1500 = arith.addf %mul3A_1499, %gather3A_1315 : vector<16xf32>
        %scatter3A_1501 = arith.constant 0 : i32
        %scatter3A_1502 = arith.constant 0 : i32
        %scatter3A_1503 = tpu.memref_slice %arg11[%scan3A_871, %scatter3A_1501, %scatter3A_1502] : memref<4x64x128xf32, #tpu.memory_space<vmem>> -> memref<1x64x128xf32, #tpu.memory_space<vmem>>
        %scatter3A_1504 = tpu.memref_squeeze %scatter3A_1503 : memref<1x64x128xf32, #tpu.memory_space<vmem>> -> memref<64x128xf32, #tpu.memory_space<vmem>>
        tpu.vector_store_idx %scatter3A_1504[%and3A_1265, %add3A_799], %add3A_1500 : memref<64x128xf32, #tpu.memory_space<vmem>>[vector<16xi32>, vector<16xi32>], vector<16xf32>,
        %scan3A_1505 = arith.constant 3 : i32
        %scan3A_1506 = arith.addi %scan3A_1123, %scan3A_1505 : i32
        %add3A_1507 = arith.constant 1 : i32
        %add3A_1508 = arith.addi %scan3A_1506, %add3A_1507 : i32
        %min3A_1509 = arith.constant 63 : i32
        %min3A_1510 = arith.minsi %add3A_1508, %min3A_1509 : i32
        %add3A_1511 = vector.broadcast %min3A_1510 : i32 to vector<16xi32>
        %add3A_1512 = arith.addi %add3A_1511, %iota3A : vector<16xi32>
        %and3A_1513 = arith.constant 63 : i32
        %and3A_1514 = vector.broadcast %and3A_1513 : i32 to vector<16xi32>
        %and3A_1515 = arith.andi %add3A_1512, %and3A_1514 : vector<16xi32>
        %add3A_1516 = arith.addi %mul3A_732, %and3A_1515 : vector<16xi32>
        %gather3A_1517 = arith.constant 0 : i32
        %gather3A_1518 = arith.constant 0 : i32
        %gather3A_1519 = tpu.memref_slice %arg10[%scan3A_870, %gather3A_1517, %gather3A_1518] : memref<4x128x128xf32, #tpu.memory_space<vmem>> -> memref<1x128x128xf32, #tpu.memory_space<vmem>>
        %gather3A_1520 = tpu.memref_squeeze %gather3A_1519 : memref<1x128x128xf32, #tpu.memory_space<vmem>> -> memref<128x128xf32, #tpu.memory_space<vmem>>
        %gather3A_1521 = tpu.vector_load_idx %gather3A_1520[%add3A_729, %add3A_1516] : memref<128x128xf32, #tpu.memory_space<vmem>>[vector<16xi32>, vector<16xi32>], vector<16xf32>,
        %add3A_1522 = arith.addi %mul3A_742, %and3A_1515 : vector<16xi32>
        %gather3A_1523 = arith.constant 0 : i32
        %gather3A_1524 = arith.constant 0 : i32
        %gather3A_1525 = tpu.memref_slice %arg10[%scan3A_870, %gather3A_1523, %gather3A_1524] : memref<4x128x128xf32, #tpu.memory_space<vmem>> -> memref<1x128x128xf32, #tpu.memory_space<vmem>>
        %gather3A_1526 = tpu.memref_squeeze %gather3A_1525 : memref<1x128x128xf32, #tpu.memory_space<vmem>> -> memref<128x128xf32, #tpu.memory_space<vmem>>
        %gather3A_1527 = tpu.vector_load_idx %gather3A_1526[%add3A_739, %add3A_1522] : memref<128x128xf32, #tpu.memory_space<vmem>>[vector<16xi32>, vector<16xi32>], vector<16xf32>,
        %add3A_1528 = arith.addi %mul3A_752, %and3A_1515 : vector<16xi32>
        %gather3A_1529 = arith.constant 0 : i32
        %gather3A_1530 = arith.constant 0 : i32
        %gather3A_1531 = tpu.memref_slice %arg10[%scan3A_870, %gather3A_1529, %gather3A_1530] : memref<4x128x128xf32, #tpu.memory_space<vmem>> -> memref<1x128x128xf32, #tpu.memory_space<vmem>>
        %gather3A_1532 = tpu.memref_squeeze %gather3A_1531 : memref<1x128x128xf32, #tpu.memory_space<vmem>> -> memref<128x128xf32, #tpu.memory_space<vmem>>
        %gather3A_1533 = tpu.vector_load_idx %gather3A_1532[%add3A_749, %add3A_1528] : memref<128x128xf32, #tpu.memory_space<vmem>>[vector<16xi32>, vector<16xi32>], vector<16xf32>,
        %add3A_1534 = arith.addi %mul3A_762, %and3A_1515 : vector<16xi32>
        %gather3A_1535 = arith.constant 0 : i32
        %gather3A_1536 = arith.constant 0 : i32
        %gather3A_1537 = tpu.memref_slice %arg10[%scan3A_870, %gather3A_1535, %gather3A_1536] : memref<4x128x128xf32, #tpu.memory_space<vmem>> -> memref<1x128x128xf32, #tpu.memory_space<vmem>>
        %gather3A_1538 = tpu.memref_squeeze %gather3A_1537 : memref<1x128x128xf32, #tpu.memory_space<vmem>> -> memref<128x128xf32, #tpu.memory_space<vmem>>
        %gather3A_1539 = tpu.vector_load_idx %gather3A_1538[%add3A_759, %add3A_1534] : memref<128x128xf32, #tpu.memory_space<vmem>>[vector<16xi32>, vector<16xi32>], vector<16xf32>,
        %add3A_1540 = arith.addi %mul3A_772, %and3A_1515 : vector<16xi32>
        %gather3A_1541 = arith.constant 0 : i32
        %gather3A_1542 = arith.constant 0 : i32
        %gather3A_1543 = tpu.memref_slice %arg10[%scan3A_870, %gather3A_1541, %gather3A_1542] : memref<4x128x128xf32, #tpu.memory_space<vmem>> -> memref<1x128x128xf32, #tpu.memory_space<vmem>>
        %gather3A_1544 = tpu.memref_squeeze %gather3A_1543 : memref<1x128x128xf32, #tpu.memory_space<vmem>> -> memref<128x128xf32, #tpu.memory_space<vmem>>
        %gather3A_1545 = tpu.vector_load_idx %gather3A_1544[%add3A_769, %add3A_1540] : memref<128x128xf32, #tpu.memory_space<vmem>>[vector<16xi32>, vector<16xi32>], vector<16xf32>,
        %add3A_1546 = arith.addi %mul3A_782, %and3A_1515 : vector<16xi32>
        %gather3A_1547 = arith.constant 0 : i32
        %gather3A_1548 = arith.constant 0 : i32
        %gather3A_1549 = tpu.memref_slice %arg10[%scan3A_870, %gather3A_1547, %gather3A_1548] : memref<4x128x128xf32, #tpu.memory_space<vmem>> -> memref<1x128x128xf32, #tpu.memory_space<vmem>>
        %gather3A_1550 = tpu.memref_squeeze %gather3A_1549 : memref<1x128x128xf32, #tpu.memory_space<vmem>> -> memref<128x128xf32, #tpu.memory_space<vmem>>
        %gather3A_1551 = tpu.vector_load_idx %gather3A_1550[%add3A_779, %add3A_1546] : memref<128x128xf32, #tpu.memory_space<vmem>>[vector<16xi32>, vector<16xi32>], vector<16xf32>,
        %add3A_1552 = arith.addi %mul3A_792, %and3A_1515 : vector<16xi32>
        %gather3A_1553 = arith.constant 0 : i32
        %gather3A_1554 = arith.constant 0 : i32
        %gather3A_1555 = tpu.memref_slice %arg10[%scan3A_870, %gather3A_1553, %gather3A_1554] : memref<4x128x128xf32, #tpu.memory_space<vmem>> -> memref<1x128x128xf32, #tpu.memory_space<vmem>>
        %gather3A_1556 = tpu.memref_squeeze %gather3A_1555 : memref<1x128x128xf32, #tpu.memory_space<vmem>> -> memref<128x128xf32, #tpu.memory_space<vmem>>
        %gather3A_1557 = tpu.vector_load_idx %gather3A_1556[%add3A_789, %add3A_1552] : memref<128x128xf32, #tpu.memory_space<vmem>>[vector<16xi32>, vector<16xi32>], vector<16xf32>,
        %add3A_1558 = arith.addi %mul3A_802, %and3A_1515 : vector<16xi32>
        %gather3A_1559 = arith.constant 0 : i32
        %gather3A_1560 = arith.constant 0 : i32
        %gather3A_1561 = tpu.memref_slice %arg10[%scan3A_870, %gather3A_1559, %gather3A_1560] : memref<4x128x128xf32, #tpu.memory_space<vmem>> -> memref<1x128x128xf32, #tpu.memory_space<vmem>>
        %gather3A_1562 = tpu.memref_squeeze %gather3A_1561 : memref<1x128x128xf32, #tpu.memory_space<vmem>> -> memref<128x128xf32, #tpu.memory_space<vmem>>
        %gather3A_1563 = tpu.vector_load_idx %gather3A_1562[%add3A_799, %add3A_1558] : memref<128x128xf32, #tpu.memory_space<vmem>>[vector<16xi32>, vector<16xi32>], vector<16xf32>,
        %add3A_1564 = arith.addi %broadcast_in_dim3A_805, %and3A_1515 : vector<16xi32>
        %gather3A_1565 = tpu.vector_load_idx %arg7[%add3A_1564] : memref<12800xf32, #tpu.memory_space<vmem>>[vector<16xi32>], vector<16xf32>,
        %mul3A_1566 = arith.constant 8.000000e+00 : f32
        %mul3A_1567 = vector.broadcast %mul3A_1566 : f32 to vector<16xf32>
        %mul3A_1568 = arith.mulf %gather3A_1396, %mul3A_1567 : vector<16xf32>
        %add3A_1569 = arith.addf %mul3A_1568, %gather3A_1440 : vector<16xf32>
        %scatter3A_1570 = arith.constant 0 : i32
        %scatter3A_1571 = arith.constant 0 : i32
        %scatter3A_1572 = tpu.memref_slice %arg11[%scan3A_871, %scatter3A_1570, %scatter3A_1571] : memref<4x64x128xf32, #tpu.memory_space<vmem>> -> memref<1x64x128xf32, #tpu.memory_space<vmem>>
        %scatter3A_1573 = tpu.memref_squeeze %scatter3A_1572 : memref<1x64x128xf32, #tpu.memory_space<vmem>> -> memref<64x128xf32, #tpu.memory_space<vmem>>
        tpu.vector_store_idx %scatter3A_1573[%and3A_1390, %add3A_729], %add3A_1569 : memref<64x128xf32, #tpu.memory_space<vmem>>[vector<16xi32>, vector<16xi32>], vector<16xf32>,
        %mul3A_1574 = arith.constant 8.000000e+00 : f32
        %mul3A_1575 = vector.broadcast %mul3A_1574 : f32 to vector<16xf32>
        %mul3A_1576 = arith.mulf %gather3A_1402, %mul3A_1575 : vector<16xf32>
        %add3A_1577 = arith.addf %mul3A_1576, %gather3A_1440 : vector<16xf32>
        %scatter3A_1578 = arith.constant 0 : i32
        %scatter3A_1579 = arith.constant 0 : i32
        %scatter3A_1580 = tpu.memref_slice %arg11[%scan3A_871, %scatter3A_1578, %scatter3A_1579] : memref<4x64x128xf32, #tpu.memory_space<vmem>> -> memref<1x64x128xf32, #tpu.memory_space<vmem>>
        %scatter3A_1581 = tpu.memref_squeeze %scatter3A_1580 : memref<1x64x128xf32, #tpu.memory_space<vmem>> -> memref<64x128xf32, #tpu.memory_space<vmem>>
        tpu.vector_store_idx %scatter3A_1581[%and3A_1390, %add3A_739], %add3A_1577 : memref<64x128xf32, #tpu.memory_space<vmem>>[vector<16xi32>, vector<16xi32>], vector<16xf32>,
        %mul3A_1582 = arith.constant 8.000000e+00 : f32
        %mul3A_1583 = vector.broadcast %mul3A_1582 : f32 to vector<16xf32>
        %mul3A_1584 = arith.mulf %gather3A_1408, %mul3A_1583 : vector<16xf32>
        %add3A_1585 = arith.addf %mul3A_1584, %gather3A_1440 : vector<16xf32>
        %scatter3A_1586 = arith.constant 0 : i32
        %scatter3A_1587 = arith.constant 0 : i32
        %scatter3A_1588 = tpu.memref_slice %arg11[%scan3A_871, %scatter3A_1586, %scatter3A_1587] : memref<4x64x128xf32, #tpu.memory_space<vmem>> -> memref<1x64x128xf32, #tpu.memory_space<vmem>>
        %scatter3A_1589 = tpu.memref_squeeze %scatter3A_1588 : memref<1x64x128xf32, #tpu.memory_space<vmem>> -> memref<64x128xf32, #tpu.memory_space<vmem>>
        tpu.vector_store_idx %scatter3A_1589[%and3A_1390, %add3A_749], %add3A_1585 : memref<64x128xf32, #tpu.memory_space<vmem>>[vector<16xi32>, vector<16xi32>], vector<16xf32>,
        %mul3A_1590 = arith.constant 8.000000e+00 : f32
        %mul3A_1591 = vector.broadcast %mul3A_1590 : f32 to vector<16xf32>
        %mul3A_1592 = arith.mulf %gather3A_1414, %mul3A_1591 : vector<16xf32>
        %add3A_1593 = arith.addf %mul3A_1592, %gather3A_1440 : vector<16xf32>
        %scatter3A_1594 = arith.constant 0 : i32
        %scatter3A_1595 = arith.constant 0 : i32
        %scatter3A_1596 = tpu.memref_slice %arg11[%scan3A_871, %scatter3A_1594, %scatter3A_1595] : memref<4x64x128xf32, #tpu.memory_space<vmem>> -> memref<1x64x128xf32, #tpu.memory_space<vmem>>
        %scatter3A_1597 = tpu.memref_squeeze %scatter3A_1596 : memref<1x64x128xf32, #tpu.memory_space<vmem>> -> memref<64x128xf32, #tpu.memory_space<vmem>>
        tpu.vector_store_idx %scatter3A_1597[%and3A_1390, %add3A_759], %add3A_1593 : memref<64x128xf32, #tpu.memory_space<vmem>>[vector<16xi32>, vector<16xi32>], vector<16xf32>,
        %mul3A_1598 = arith.constant 8.000000e+00 : f32
        %mul3A_1599 = vector.broadcast %mul3A_1598 : f32 to vector<16xf32>
        %mul3A_1600 = arith.mulf %gather3A_1420, %mul3A_1599 : vector<16xf32>
        %add3A_1601 = arith.addf %mul3A_1600, %gather3A_1440 : vector<16xf32>
        %scatter3A_1602 = arith.constant 0 : i32
        %scatter3A_1603 = arith.constant 0 : i32
        %scatter3A_1604 = tpu.memref_slice %arg11[%scan3A_871, %scatter3A_1602, %scatter3A_1603] : memref<4x64x128xf32, #tpu.memory_space<vmem>> -> memref<1x64x128xf32, #tpu.memory_space<vmem>>
        %scatter3A_1605 = tpu.memref_squeeze %scatter3A_1604 : memref<1x64x128xf32, #tpu.memory_space<vmem>> -> memref<64x128xf32, #tpu.memory_space<vmem>>
        tpu.vector_store_idx %scatter3A_1605[%and3A_1390, %add3A_769], %add3A_1601 : memref<64x128xf32, #tpu.memory_space<vmem>>[vector<16xi32>, vector<16xi32>], vector<16xf32>,
        %mul3A_1606 = arith.constant 8.000000e+00 : f32
        %mul3A_1607 = vector.broadcast %mul3A_1606 : f32 to vector<16xf32>
        %mul3A_1608 = arith.mulf %gather3A_1426, %mul3A_1607 : vector<16xf32>
        %add3A_1609 = arith.addf %mul3A_1608, %gather3A_1440 : vector<16xf32>
        %scatter3A_1610 = arith.constant 0 : i32
        %scatter3A_1611 = arith.constant 0 : i32
        %scatter3A_1612 = tpu.memref_slice %arg11[%scan3A_871, %scatter3A_1610, %scatter3A_1611] : memref<4x64x128xf32, #tpu.memory_space<vmem>> -> memref<1x64x128xf32, #tpu.memory_space<vmem>>
        %scatter3A_1613 = tpu.memref_squeeze %scatter3A_1612 : memref<1x64x128xf32, #tpu.memory_space<vmem>> -> memref<64x128xf32, #tpu.memory_space<vmem>>
        tpu.vector_store_idx %scatter3A_1613[%and3A_1390, %add3A_779], %add3A_1609 : memref<64x128xf32, #tpu.memory_space<vmem>>[vector<16xi32>, vector<16xi32>], vector<16xf32>,
        %mul3A_1614 = arith.constant 8.000000e+00 : f32
        %mul3A_1615 = vector.broadcast %mul3A_1614 : f32 to vector<16xf32>
        %mul3A_1616 = arith.mulf %gather3A_1432, %mul3A_1615 : vector<16xf32>
        %add3A_1617 = arith.addf %mul3A_1616, %gather3A_1440 : vector<16xf32>
        %scatter3A_1618 = arith.constant 0 : i32
        %scatter3A_1619 = arith.constant 0 : i32
        %scatter3A_1620 = tpu.memref_slice %arg11[%scan3A_871, %scatter3A_1618, %scatter3A_1619] : memref<4x64x128xf32, #tpu.memory_space<vmem>> -> memref<1x64x128xf32, #tpu.memory_space<vmem>>
        %scatter3A_1621 = tpu.memref_squeeze %scatter3A_1620 : memref<1x64x128xf32, #tpu.memory_space<vmem>> -> memref<64x128xf32, #tpu.memory_space<vmem>>
        tpu.vector_store_idx %scatter3A_1621[%and3A_1390, %add3A_789], %add3A_1617 : memref<64x128xf32, #tpu.memory_space<vmem>>[vector<16xi32>, vector<16xi32>], vector<16xf32>,
        %mul3A_1622 = arith.constant 8.000000e+00 : f32
        %mul3A_1623 = vector.broadcast %mul3A_1622 : f32 to vector<16xf32>
        %mul3A_1624 = arith.mulf %gather3A_1438, %mul3A_1623 : vector<16xf32>
        %add3A_1625 = arith.addf %mul3A_1624, %gather3A_1440 : vector<16xf32>
        %scatter3A_1626 = arith.constant 0 : i32
        %scatter3A_1627 = arith.constant 0 : i32
        %scatter3A_1628 = tpu.memref_slice %arg11[%scan3A_871, %scatter3A_1626, %scatter3A_1627] : memref<4x64x128xf32, #tpu.memory_space<vmem>> -> memref<1x64x128xf32, #tpu.memory_space<vmem>>
        %scatter3A_1629 = tpu.memref_squeeze %scatter3A_1628 : memref<1x64x128xf32, #tpu.memory_space<vmem>> -> memref<64x128xf32, #tpu.memory_space<vmem>>
        tpu.vector_store_idx %scatter3A_1629[%and3A_1390, %add3A_799], %add3A_1625 : memref<64x128xf32, #tpu.memory_space<vmem>>[vector<16xi32>, vector<16xi32>], vector<16xf32>,
        scf.yield %gather3A_1521, %gather3A_1527, %gather3A_1533, %gather3A_1539, %gather3A_1545, %gather3A_1551, %gather3A_1557, %gather3A_1563, %gather3A_1565, %and3A_1515 : vector<16xf32>, vector<16xf32>, vector<16xf32>, vector<16xf32>, vector<16xf32>, vector<16xf32>, vector<16xf32>, vector<16xf32>, vector<16xf32>, vector<16xi32>
      }
      %scan3A_877 = arith.constant 64 : i32
      %add3A_878 = arith.constant 4 : i32
      %add3A_879 = arith.addi %add3A_680, %add3A_878 : i32
      %lt3A_880 = arith.constant 200 : i32
      %lt3A_881 = arith.cmpi slt, %add3A_879, %lt3A_880 : i32
      %convert_element_type3A_882 = arith.extui %lt3A_881 : i1 to i32
      %cond3A_883 = arith.constant 0 : i32
      %cond3A_884 = arith.cmpi ne, %convert_element_type3A_882, %cond3A_883 : i32
      scf.if %cond3A_884 {
        %add3A_1123 = arith.constant 4 : i32
        %add3A_1124 = arith.addi %add3A_680, %add3A_1123 : i32
        %dma_start3A_1125 = arith.constant 2 : i32
        %dma_start3A_1126 = arith.constant 0 : i32
        %dma_start3A_1127 = tpu.memref_slice %arg9[%dma_start3A_1125, %dma_start3A_1126] : memref<4x128xi32, #tpu.memory_space<vmem>> -> memref<1x128xi32, #tpu.memory_space<vmem>>
        %dma_start3A_1128 = tpu.memref_squeeze %dma_start3A_1127 : memref<1x128xi32, #tpu.memory_space<vmem>> -> memref<128xi32, #tpu.memory_space<vmem>>
        %dma_start3A_1129 = tpu.memref_slice %arg3[%add3A_1124, %mul3A_2] : memref<200x4096xi32, #tpu.memory_space<hbm>> -> memref<1x128xi32, #tpu.memory_space<hbm>>
        %dma_start3A_1130 = tpu.memref_squeeze %dma_start3A_1129 : memref<1x128xi32, #tpu.memory_space<hbm>> -> memref<128xi32, #tpu.memory_space<hbm>>
        %dma_start3A_1131 = arith.constant 0 : i32
        %dma_start3A_1132 = tpu.memref_slice %arg9[%dma_start3A_1125, %dma_start3A_1131] : memref<4x128xi32, #tpu.memory_space<vmem>> -> memref<1x128xi32, #tpu.memory_space<vmem>>
        %dma_start3A_1133 = tpu.memref_squeeze %dma_start3A_1132 : memref<1x128xi32, #tpu.memory_space<vmem>> -> memref<128xi32, #tpu.memory_space<vmem>>
        %dma_start3A_1134 = tpu.memref_slice %arg3[%add3A_1124, %mul3A_2] : memref<200x4096xi32, #tpu.memory_space<hbm>> -> memref<1x128xi32, #tpu.memory_space<hbm>>
        %dma_start3A_1135 = tpu.memref_squeeze %dma_start3A_1134 : memref<1x128xi32, #tpu.memory_space<hbm>> -> memref<128xi32, #tpu.memory_space<hbm>>
        tpu.enqueue_dma source(%dma_start3A_1135 : memref<128xi32, #tpu.memory_space<hbm>>) target(%dma_start3A_1133 : memref<128xi32, #tpu.memory_space<vmem>>) target_semaphore(%arg18 : memref<!tpu.dma_semaphore, #tpu.memory_space<semaphore_mem>>)
      } else {
      }
      %dma_start3A_885 = arith.constant 2 : i32
      %dma_start3A_886 = arith.constant 0 : i32
      %dma_start3A_887 = arith.constant 0 : i32
      %dma_start3A_888 = tpu.memref_slice %arg11[%dma_start3A_885, %dma_start3A_886, %dma_start3A_887] : memref<4x64x128xf32, #tpu.memory_space<vmem>> -> memref<1x64x128xf32, #tpu.memory_space<vmem>>
      %dma_start3A_889 = tpu.memref_squeeze %dma_start3A_888 : memref<1x64x128xf32, #tpu.memory_space<vmem>> -> memref<64x128xf32, #tpu.memory_space<vmem>>
      %dma_start3A_890 = arith.constant 0 : i32
      %dma_start3A_891 = tpu.memref_slice %arg6[%add3A_680, %dma_start3A_890, %mul3A_2] : memref<200x64x4096xf32, #tpu.memory_space<hbm>> -> memref<1x64x128xf32, #tpu.memory_space<hbm>>
      %dma_start3A_892 = tpu.memref_squeeze %dma_start3A_891 : memref<1x64x128xf32, #tpu.memory_space<hbm>> -> memref<64x128xf32, #tpu.memory_space<hbm>>
      %dma_start3A_893 = arith.constant 0 : i32
      %dma_start3A_894 = tpu.memref_slice %arg6[%add3A_680, %dma_start3A_893, %mul3A_2] : memref<200x64x4096xf32, #tpu.memory_space<hbm>> -> memref<1x64x128xf32, #tpu.memory_space<hbm>>
      %dma_start3A_895 = tpu.memref_squeeze %dma_start3A_894 : memref<1x64x128xf32, #tpu.memory_space<hbm>> -> memref<64x128xf32, #tpu.memory_space<hbm>>
      %dma_start3A_896 = arith.constant 0 : i32
      %dma_start3A_897 = arith.constant 0 : i32
      %dma_start3A_898 = tpu.memref_slice %arg11[%dma_start3A_885, %dma_start3A_896, %dma_start3A_897] : memref<4x64x128xf32, #tpu.memory_space<vmem>> -> memref<1x64x128xf32, #tpu.memory_space<vmem>>
      %dma_start3A_899 = tpu.memref_squeeze %dma_start3A_898 : memref<1x64x128xf32, #tpu.memory_space<vmem>> -> memref<64x128xf32, #tpu.memory_space<vmem>>
      tpu.enqueue_dma source(%dma_start3A_899 : memref<64x128xf32, #tpu.memory_space<vmem>>) target(%dma_start3A_895 : memref<64x128xf32, #tpu.memory_space<hbm>>) target_semaphore(%arg26 : memref<!tpu.dma_semaphore, #tpu.memory_space<semaphore_mem>>)
      %mul3A_900 = arith.constant 4 : i32
      %mul3A_901 = arith.muli %scan3A_238, %mul3A_900 : i32
      %add3A_902 = arith.constant 3 : i32
      %add3A_903 = arith.addi %mul3A_901, %add3A_902 : i32
      %dma_wait3A_904 = arith.constant 3 : i32
      %dma_wait3A_905 = arith.constant 3 : i32
      %dma_wait3A_906 = arith.constant 0 : i32
      %dma_wait3A_907 = arith.constant 0 : i32
      %dma_wait3A_908 = tpu.memref_slice %arg10[%dma_wait3A_905, %dma_wait3A_906, %dma_wait3A_907] : memref<4x128x128xf32, #tpu.memory_space<vmem>> -> memref<1x128x128xf32, #tpu.memory_space<vmem>>
      %dma_wait3A_909 = tpu.memref_squeeze %dma_wait3A_908 : memref<1x128x128xf32, #tpu.memory_space<vmem>> -> memref<128x128xf32, #tpu.memory_space<vmem>>
      %dma_wait3A_910 = arith.constant 0 : i32
      %dma_wait3A_911 = tpu.memref_slice %arg8[%dma_wait3A_904, %dma_wait3A_910] : memref<4x128xi32, #tpu.memory_space<vmem>> -> memref<1x128xi32, #tpu.memory_space<vmem>>
      %dma_wait3A_912 = tpu.memref_squeeze %dma_wait3A_911 : memref<1x128xi32, #tpu.memory_space<vmem>> -> memref<128xi32, #tpu.memory_space<vmem>>
      %dma_wait3A_913 = arith.constant 0 : i32
      %dma_wait3A_914 = arith.constant 0 : i32
      %dma_wait3A_915 = tpu.memref_slice %arg4[%dma_wait3A_913, %dma_wait3A_914] : memref<500000x128xf32, #tpu.memory_space<hbm>> -> memref<500000x128xf32, #tpu.memory_space<hbm>>
      tpu.wait_indirect_dma semaphore(%arg23 : memref<!tpu.dma_semaphore, #tpu.memory_space<semaphore_mem>>) src(%dma_wait3A_915 : memref<500000x128xf32, #tpu.memory_space<hbm>>) dst(%dma_wait3A_909 : memref<128x128xf32, #tpu.memory_space<vmem>>)
      %add3A_916 = arith.constant 4 : i32
      %add3A_917 = arith.addi %add3A_903, %add3A_916 : i32
      %lt3A_918 = arith.constant 200 : i32
      %lt3A_919 = arith.cmpi slt, %add3A_917, %lt3A_918 : i32
      %convert_element_type3A_920 = arith.extui %lt3A_919 : i1 to i32
      %cond3A_921 = arith.constant 0 : i32
      %cond3A_922 = arith.cmpi ne, %convert_element_type3A_920, %cond3A_921 : i32
      scf.if %cond3A_922 {
        %add3A_1123 = arith.constant 4 : i32
        %add3A_1124 = arith.addi %add3A_903, %add3A_1123 : i32
        %dma_start3A_1125 = arith.constant 3 : i32
        %dma_start3A_1126 = arith.constant 0 : i32
        %dma_start3A_1127 = tpu.memref_slice %arg8[%dma_start3A_1125, %dma_start3A_1126] : memref<4x128xi32, #tpu.memory_space<vmem>> -> memref<1x128xi32, #tpu.memory_space<vmem>>
        %dma_start3A_1128 = tpu.memref_squeeze %dma_start3A_1127 : memref<1x128xi32, #tpu.memory_space<vmem>> -> memref<128xi32, #tpu.memory_space<vmem>>
        %dma_start3A_1129 = tpu.memref_slice %arg2[%add3A_1124, %mul3A_2] : memref<200x4096xi32, #tpu.memory_space<hbm>> -> memref<1x128xi32, #tpu.memory_space<hbm>>
        %dma_start3A_1130 = tpu.memref_squeeze %dma_start3A_1129 : memref<1x128xi32, #tpu.memory_space<hbm>> -> memref<128xi32, #tpu.memory_space<hbm>>
        %dma_start3A_1131 = arith.constant 0 : i32
        %dma_start3A_1132 = tpu.memref_slice %arg8[%dma_start3A_1125, %dma_start3A_1131] : memref<4x128xi32, #tpu.memory_space<vmem>> -> memref<1x128xi32, #tpu.memory_space<vmem>>
        %dma_start3A_1133 = tpu.memref_squeeze %dma_start3A_1132 : memref<1x128xi32, #tpu.memory_space<vmem>> -> memref<128xi32, #tpu.memory_space<vmem>>
        %dma_start3A_1134 = tpu.memref_slice %arg2[%add3A_1124, %mul3A_2] : memref<200x4096xi32, #tpu.memory_space<hbm>> -> memref<1x128xi32, #tpu.memory_space<hbm>>
        %dma_start3A_1135 = tpu.memref_squeeze %dma_start3A_1134 : memref<1x128xi32, #tpu.memory_space<hbm>> -> memref<128xi32, #tpu.memory_space<hbm>>
        tpu.enqueue_dma source(%dma_start3A_1135 : memref<128xi32, #tpu.memory_space<hbm>>) target(%dma_start3A_1133 : memref<128xi32, #tpu.memory_space<vmem>>) target_semaphore(%arg15 : memref<!tpu.dma_semaphore, #tpu.memory_space<semaphore_mem>>)
      } else {
      }
      %add3A_923 = arith.constant 3 : i32
      %add3A_924 = arith.addi %add3A_903, %add3A_923 : i32
      %lt3A_925 = arith.constant 200 : i32
      %lt3A_926 = arith.cmpi slt, %add3A_924, %lt3A_925 : i32
      %convert_element_type3A_927 = arith.extui %lt3A_926 : i1 to i32
      %cond3A_928 = arith.constant 0 : i32
      %cond3A_929 = arith.cmpi ne, %convert_element_type3A_927, %cond3A_928 : i32
      scf.if %cond3A_929 {
        %add3A_1123 = arith.constant 3 : i32
        %add3A_1124 = arith.addi %add3A_903, %add3A_1123 : i32
        %dma_wait3A_1125 = arith.constant 2 : i32
        %dma_wait3A_1126 = arith.constant 0 : i32
        %dma_wait3A_1127 = tpu.memref_slice %arg8[%dma_wait3A_1125, %dma_wait3A_1126] : memref<4x128xi32, #tpu.memory_space<vmem>> -> memref<1x128xi32, #tpu.memory_space<vmem>>
        %dma_wait3A_1128 = tpu.memref_squeeze %dma_wait3A_1127 : memref<1x128xi32, #tpu.memory_space<vmem>> -> memref<128xi32, #tpu.memory_space<vmem>>
        %dma_wait3A_1129 = tpu.memref_slice %arg2[%add3A_1124, %mul3A_2] : memref<200x4096xi32, #tpu.memory_space<hbm>> -> memref<1x128xi32, #tpu.memory_space<hbm>>
        %dma_wait3A_1130 = tpu.memref_squeeze %dma_wait3A_1129 : memref<1x128xi32, #tpu.memory_space<hbm>> -> memref<128xi32, #tpu.memory_space<hbm>>
        %dma_wait3A_1131 = arith.constant 0 : i32
        %dma_wait3A_1132 = tpu.memref_slice %arg8[%dma_wait3A_1125, %dma_wait3A_1131] : memref<4x128xi32, #tpu.memory_space<vmem>> -> memref<1x128xi32, #tpu.memory_space<vmem>>
        %dma_wait3A_1133 = tpu.memref_squeeze %dma_wait3A_1132 : memref<1x128xi32, #tpu.memory_space<vmem>> -> memref<128xi32, #tpu.memory_space<vmem>>
        %dma_wait3A_1134 = tpu.memref_slice %arg2[%add3A_1124, %mul3A_2] : memref<200x4096xi32, #tpu.memory_space<hbm>> -> memref<1x128xi32, #tpu.memory_space<hbm>>
        %dma_wait3A_1135 = tpu.memref_squeeze %dma_wait3A_1134 : memref<1x128xi32, #tpu.memory_space<hbm>> -> memref<128xi32, #tpu.memory_space<hbm>>
        tpu.wait_dma2 semaphore(%arg14 : memref<!tpu.dma_semaphore, #tpu.memory_space<semaphore_mem>>) src(%dma_wait3A_1135 : memref<128xi32, #tpu.memory_space<hbm>>) dst(%dma_wait3A_1133 : memref<128xi32, #tpu.memory_space<vmem>>)
        %add3A_1136 = arith.constant 3 : i32
        %add3A_1137 = arith.addi %add3A_903, %add3A_1136 : i32
        %dma_start3A_1138 = arith.constant 2 : i32
        %dma_start3A_1139 = arith.constant 2 : i32
        %dma_start3A_1140 = arith.constant 0 : i32
        %dma_start3A_1141 = arith.constant 0 : i32
        %dma_start3A_1142 = tpu.memref_slice %arg10[%dma_start3A_1139, %dma_start3A_1140, %dma_start3A_1141] : memref<4x128x128xf32, #tpu.memory_space<vmem>> -> memref<1x128x128xf32, #tpu.memory_space<vmem>>
        %dma_start3A_1143 = tpu.memref_squeeze %dma_start3A_1142 : memref<1x128x128xf32, #tpu.memory_space<vmem>> -> memref<128x128xf32, #tpu.memory_space<vmem>>
        %dma_start3A_1144 = arith.constant 0 : i32
        %dma_start3A_1145 = tpu.memref_slice %arg8[%dma_start3A_1138, %dma_start3A_1144] : memref<4x128xi32, #tpu.memory_space<vmem>> -> memref<1x128xi32, #tpu.memory_space<vmem>>
        %dma_start3A_1146 = tpu.memref_squeeze %dma_start3A_1145 : memref<1x128xi32, #tpu.memory_space<vmem>> -> memref<128xi32, #tpu.memory_space<vmem>>
        %dma_start3A_1147 = arith.constant 0 : i32
        %dma_start3A_1148 = arith.constant 0 : i32
        %dma_start3A_1149 = tpu.memref_slice %arg4[%dma_start3A_1147, %dma_start3A_1148] : memref<500000x128xf32, #tpu.memory_space<hbm>> -> memref<500000x128xf32, #tpu.memory_space<hbm>>
        tpu.enqueue_indirect_dma source(%dma_start3A_1149 : memref<500000x128xf32, #tpu.memory_space<hbm>>) target(%dma_start3A_1143 : memref<128x128xf32, #tpu.memory_space<vmem>>) offsets(%dma_start3A_1146 : memref<128xi32, #tpu.memory_space<vmem>>) semaphore(%arg22 : memref<!tpu.dma_semaphore, #tpu.memory_space<semaphore_mem>>)
      } else {
      }
      %dma_wait3A_930 = arith.constant 3 : i32
      %dma_wait3A_931 = arith.constant 0 : i32
      %dma_wait3A_932 = tpu.memref_slice %arg9[%dma_wait3A_930, %dma_wait3A_931] : memref<4x128xi32, #tpu.memory_space<vmem>> -> memref<1x128xi32, #tpu.memory_space<vmem>>
      %dma_wait3A_933 = tpu.memref_squeeze %dma_wait3A_932 : memref<1x128xi32, #tpu.memory_space<vmem>> -> memref<128xi32, #tpu.memory_space<vmem>>
      %dma_wait3A_934 = tpu.memref_slice %arg3[%add3A_903, %mul3A_2] : memref<200x4096xi32, #tpu.memory_space<hbm>> -> memref<1x128xi32, #tpu.memory_space<hbm>>
      %dma_wait3A_935 = tpu.memref_squeeze %dma_wait3A_934 : memref<1x128xi32, #tpu.memory_space<hbm>> -> memref<128xi32, #tpu.memory_space<hbm>>
      %dma_wait3A_936 = arith.constant 0 : i32
      %dma_wait3A_937 = tpu.memref_slice %arg9[%dma_wait3A_930, %dma_wait3A_936] : memref<4x128xi32, #tpu.memory_space<vmem>> -> memref<1x128xi32, #tpu.memory_space<vmem>>
      %dma_wait3A_938 = tpu.memref_squeeze %dma_wait3A_937 : memref<1x128xi32, #tpu.memory_space<vmem>> -> memref<128xi32, #tpu.memory_space<vmem>>
      %dma_wait3A_939 = tpu.memref_slice %arg3[%add3A_903, %mul3A_2] : memref<200x4096xi32, #tpu.memory_space<hbm>> -> memref<1x128xi32, #tpu.memory_space<hbm>>
      %dma_wait3A_940 = tpu.memref_squeeze %dma_wait3A_939 : memref<1x128xi32, #tpu.memory_space<hbm>> -> memref<128xi32, #tpu.memory_space<hbm>>
      tpu.wait_dma2 semaphore(%arg19 : memref<!tpu.dma_semaphore, #tpu.memory_space<semaphore_mem>>) src(%dma_wait3A_940 : memref<128xi32, #tpu.memory_space<hbm>>) dst(%dma_wait3A_938 : memref<128xi32, #tpu.memory_space<vmem>>)
      %ge3A_941 = arith.constant 4 : i32
      %ge3A_942 = arith.cmpi sge, %add3A_903, %ge3A_941 : i32
      %convert_element_type3A_943 = arith.extui %ge3A_942 : i1 to i32
      %cond3A_944 = arith.constant 0 : i32
      %cond3A_945 = arith.cmpi ne, %convert_element_type3A_943, %cond3A_944 : i32
      scf.if %cond3A_945 {
        %sub3A = arith.constant 4 : i32
        %sub3A_1123 = arith.subi %add3A_903, %sub3A : i32
        %dma_wait3A_1124 = arith.constant 3 : i32
        %dma_wait3A_1125 = arith.constant 0 : i32
        %dma_wait3A_1126 = arith.constant 0 : i32
        %dma_wait3A_1127 = tpu.memref_slice %arg11[%dma_wait3A_1124, %dma_wait3A_1125, %dma_wait3A_1126] : memref<4x64x128xf32, #tpu.memory_space<vmem>> -> memref<1x64x128xf32, #tpu.memory_space<vmem>>
        %dma_wait3A_1128 = tpu.memref_squeeze %dma_wait3A_1127 : memref<1x64x128xf32, #tpu.memory_space<vmem>> -> memref<64x128xf32, #tpu.memory_space<vmem>>
        %dma_wait3A_1129 = arith.constant 0 : i32
        %dma_wait3A_1130 = tpu.memref_slice %arg6[%sub3A_1123, %dma_wait3A_1129, %mul3A_2] : memref<200x64x4096xf32, #tpu.memory_space<hbm>> -> memref<1x64x128xf32, #tpu.memory_space<hbm>>
        %dma_wait3A_1131 = tpu.memref_squeeze %dma_wait3A_1130 : memref<1x64x128xf32, #tpu.memory_space<hbm>> -> memref<64x128xf32, #tpu.memory_space<hbm>>
        %dma_wait3A_1132 = arith.constant 0 : i32
        %dma_wait3A_1133 = tpu.memref_slice %arg6[%sub3A_1123, %dma_wait3A_1132, %mul3A_2] : memref<200x64x4096xf32, #tpu.memory_space<hbm>> -> memref<1x64x128xf32, #tpu.memory_space<hbm>>
        %dma_wait3A_1134 = tpu.memref_squeeze %dma_wait3A_1133 : memref<1x64x128xf32, #tpu.memory_space<hbm>> -> memref<64x128xf32, #tpu.memory_space<hbm>>
        %dma_wait3A_1135 = arith.constant 0 : i32
        %dma_wait3A_1136 = arith.constant 0 : i32
        %dma_wait3A_1137 = tpu.memref_slice %arg11[%dma_wait3A_1124, %dma_wait3A_1135, %dma_wait3A_1136] : memref<4x64x128xf32, #tpu.memory_space<vmem>> -> memref<1x64x128xf32, #tpu.memory_space<vmem>>
        %dma_wait3A_1138 = tpu.memref_squeeze %dma_wait3A_1137 : memref<1x64x128xf32, #tpu.memory_space<vmem>> -> memref<64x128xf32, #tpu.memory_space<vmem>>
        tpu.wait_dma2 semaphore(%arg27 : memref<!tpu.dma_semaphore, #tpu.memory_space<semaphore_mem>>) src(%dma_wait3A_1138 : memref<64x128xf32, #tpu.memory_space<vmem>>) dst(%dma_wait3A_1134 : memref<64x128xf32, #tpu.memory_space<hbm>>)
      } else {
      }
      %get3A_946 = arith.constant 3 : i32
      %get3A_947 = arith.index_cast %get3A_946 : i32 to index
      %get3A_948 = arith.constant 0 : index
      %get3A_949 = tpu.vector_load %arg9[%get3A_947, %get3A_948] {strides = array<i32>} : memref<4x128xi32, #tpu.memory_space<vmem>>, vector<16xi32>,
      %add3A_950 = arith.constant 0 : i32
      %add3A_951 = vector.broadcast %add3A_950 : i32 to vector<16xi32>
      %add3A_952 = arith.addi %iota3A, %add3A_951 : vector<16xi32>
      %mul3A_953 = arith.constant 64 : i32
      %mul3A_954 = vector.broadcast %mul3A_953 : i32 to vector<16xi32>
      %mul3A_955 = arith.muli %get3A_949, %mul3A_954 : vector<16xi32>
      %get3A_956 = arith.constant 3 : i32
      %get3A_957 = arith.index_cast %get3A_956 : i32 to index
      %get3A_958 = arith.constant 16 : index
      %get3A_959 = tpu.vector_load %arg9[%get3A_957, %get3A_958] {strides = array<i32>} : memref<4x128xi32, #tpu.memory_space<vmem>>, vector<16xi32>,
      %add3A_960 = arith.constant 16 : i32
      %add3A_961 = vector.broadcast %add3A_960 : i32 to vector<16xi32>
      %add3A_962 = arith.addi %iota3A, %add3A_961 : vector<16xi32>
      %mul3A_963 = arith.constant 64 : i32
      %mul3A_964 = vector.broadcast %mul3A_963 : i32 to vector<16xi32>
      %mul3A_965 = arith.muli %get3A_959, %mul3A_964 : vector<16xi32>
      %get3A_966 = arith.constant 3 : i32
      %get3A_967 = arith.index_cast %get3A_966 : i32 to index
      %get3A_968 = arith.constant 32 : index
      %get3A_969 = tpu.vector_load %arg9[%get3A_967, %get3A_968] {strides = array<i32>} : memref<4x128xi32, #tpu.memory_space<vmem>>, vector<16xi32>,
      %add3A_970 = arith.constant 32 : i32
      %add3A_971 = vector.broadcast %add3A_970 : i32 to vector<16xi32>
      %add3A_972 = arith.addi %iota3A, %add3A_971 : vector<16xi32>
      %mul3A_973 = arith.constant 64 : i32
      %mul3A_974 = vector.broadcast %mul3A_973 : i32 to vector<16xi32>
      %mul3A_975 = arith.muli %get3A_969, %mul3A_974 : vector<16xi32>
      %get3A_976 = arith.constant 3 : i32
      %get3A_977 = arith.index_cast %get3A_976 : i32 to index
      %get3A_978 = arith.constant 48 : index
      %get3A_979 = tpu.vector_load %arg9[%get3A_977, %get3A_978] {strides = array<i32>} : memref<4x128xi32, #tpu.memory_space<vmem>>, vector<16xi32>,
      %add3A_980 = arith.constant 48 : i32
      %add3A_981 = vector.broadcast %add3A_980 : i32 to vector<16xi32>
      %add3A_982 = arith.addi %iota3A, %add3A_981 : vector<16xi32>
      %mul3A_983 = arith.constant 64 : i32
      %mul3A_984 = vector.broadcast %mul3A_983 : i32 to vector<16xi32>
      %mul3A_985 = arith.muli %get3A_979, %mul3A_984 : vector<16xi32>
      %get3A_986 = arith.constant 3 : i32
      %get3A_987 = arith.index_cast %get3A_986 : i32 to index
      %get3A_988 = arith.constant 64 : index
      %get3A_989 = tpu.vector_load %arg9[%get3A_987, %get3A_988] {strides = array<i32>} : memref<4x128xi32, #tpu.memory_space<vmem>>, vector<16xi32>,
      %add3A_990 = arith.constant 64 : i32
      %add3A_991 = vector.broadcast %add3A_990 : i32 to vector<16xi32>
      %add3A_992 = arith.addi %iota3A, %add3A_991 : vector<16xi32>
      %mul3A_993 = arith.constant 64 : i32
      %mul3A_994 = vector.broadcast %mul3A_993 : i32 to vector<16xi32>
      %mul3A_995 = arith.muli %get3A_989, %mul3A_994 : vector<16xi32>
      %get3A_996 = arith.constant 3 : i32
      %get3A_997 = arith.index_cast %get3A_996 : i32 to index
      %get3A_998 = arith.constant 80 : index
      %get3A_999 = tpu.vector_load %arg9[%get3A_997, %get3A_998] {strides = array<i32>} : memref<4x128xi32, #tpu.memory_space<vmem>>, vector<16xi32>,
      %add3A_1000 = arith.constant 80 : i32
      %add3A_1001 = vector.broadcast %add3A_1000 : i32 to vector<16xi32>
      %add3A_1002 = arith.addi %iota3A, %add3A_1001 : vector<16xi32>
      %mul3A_1003 = arith.constant 64 : i32
      %mul3A_1004 = vector.broadcast %mul3A_1003 : i32 to vector<16xi32>
      %mul3A_1005 = arith.muli %get3A_999, %mul3A_1004 : vector<16xi32>
      %get3A_1006 = arith.constant 3 : i32
      %get3A_1007 = arith.index_cast %get3A_1006 : i32 to index
      %get3A_1008 = arith.constant 96 : index
      %get3A_1009 = tpu.vector_load %arg9[%get3A_1007, %get3A_1008] {strides = array<i32>} : memref<4x128xi32, #tpu.memory_space<vmem>>, vector<16xi32>,
      %add3A_1010 = arith.constant 96 : i32
      %add3A_1011 = vector.broadcast %add3A_1010 : i32 to vector<16xi32>
      %add3A_1012 = arith.addi %iota3A, %add3A_1011 : vector<16xi32>
      %mul3A_1013 = arith.constant 64 : i32
      %mul3A_1014 = vector.broadcast %mul3A_1013 : i32 to vector<16xi32>
      %mul3A_1015 = arith.muli %get3A_1009, %mul3A_1014 : vector<16xi32>
      %get3A_1016 = arith.constant 3 : i32
      %get3A_1017 = arith.index_cast %get3A_1016 : i32 to index
      %get3A_1018 = arith.constant 112 : index
      %get3A_1019 = tpu.vector_load %arg9[%get3A_1017, %get3A_1018] {strides = array<i32>} : memref<4x128xi32, #tpu.memory_space<vmem>>, vector<16xi32>,
      %add3A_1020 = arith.constant 112 : i32
      %add3A_1021 = vector.broadcast %add3A_1020 : i32 to vector<16xi32>
      %add3A_1022 = arith.addi %iota3A, %add3A_1021 : vector<16xi32>
      %mul3A_1023 = arith.constant 64 : i32
      %mul3A_1024 = vector.broadcast %mul3A_1023 : i32 to vector<16xi32>
      %mul3A_1025 = arith.muli %get3A_1019, %mul3A_1024 : vector<16xi32>
      %mul3A_1026 = arith.constant 64 : i32
      %mul3A_1027 = arith.muli %add3A_903, %mul3A_1026 : i32
      %broadcast_in_dim3A_1028 = vector.broadcast %mul3A_1027 : i32 to vector<16xi32>
      %add3A_1029 = arith.constant 0 : i32
      %add3A_1030 = vector.broadcast %add3A_1029 : i32 to vector<16xi32>
      %add3A_1031 = arith.addi %add3A_1030, %iota3A : vector<16xi32>
      %and3A_1032 = arith.constant 63 : i32
      %and3A_1033 = vector.broadcast %and3A_1032 : i32 to vector<16xi32>
      %and3A_1034 = arith.andi %add3A_1031, %and3A_1033 : vector<16xi32>
      %add3A_1035 = arith.addi %mul3A_955, %and3A_1034 : vector<16xi32>
      %gather3A_1036 = arith.constant 3 : i32
      %gather3A_1037 = arith.constant 0 : i32
      %gather3A_1038 = arith.constant 0 : i32
      %gather3A_1039 = tpu.memref_slice %arg10[%gather3A_1036, %gather3A_1037, %gather3A_1038] : memref<4x128x128xf32, #tpu.memory_space<vmem>> -> memref<1x128x128xf32, #tpu.memory_space<vmem>>
      %gather3A_1040 = tpu.memref_squeeze %gather3A_1039 : memref<1x128x128xf32, #tpu.memory_space<vmem>> -> memref<128x128xf32, #tpu.memory_space<vmem>>
      %gather3A_1041 = tpu.vector_load_idx %gather3A_1040[%add3A_952, %add3A_1035] : memref<128x128xf32, #tpu.memory_space<vmem>>[vector<16xi32>, vector<16xi32>], vector<16xf32>,
      %add3A_1042 = arith.addi %mul3A_965, %and3A_1034 : vector<16xi32>
      %gather3A_1043 = arith.constant 3 : i32
      %gather3A_1044 = arith.constant 0 : i32
      %gather3A_1045 = arith.constant 0 : i32
      %gather3A_1046 = tpu.memref_slice %arg10[%gather3A_1043, %gather3A_1044, %gather3A_1045] : memref<4x128x128xf32, #tpu.memory_space<vmem>> -> memref<1x128x128xf32, #tpu.memory_space<vmem>>
      %gather3A_1047 = tpu.memref_squeeze %gather3A_1046 : memref<1x128x128xf32, #tpu.memory_space<vmem>> -> memref<128x128xf32, #tpu.memory_space<vmem>>
      %gather3A_1048 = tpu.vector_load_idx %gather3A_1047[%add3A_962, %add3A_1042] : memref<128x128xf32, #tpu.memory_space<vmem>>[vector<16xi32>, vector<16xi32>], vector<16xf32>,
      %add3A_1049 = arith.addi %mul3A_975, %and3A_1034 : vector<16xi32>
      %gather3A_1050 = arith.constant 3 : i32
      %gather3A_1051 = arith.constant 0 : i32
      %gather3A_1052 = arith.constant 0 : i32
      %gather3A_1053 = tpu.memref_slice %arg10[%gather3A_1050, %gather3A_1051, %gather3A_1052] : memref<4x128x128xf32, #tpu.memory_space<vmem>> -> memref<1x128x128xf32, #tpu.memory_space<vmem>>
      %gather3A_1054 = tpu.memref_squeeze %gather3A_1053 : memref<1x128x128xf32, #tpu.memory_space<vmem>> -> memref<128x128xf32, #tpu.memory_space<vmem>>
      %gather3A_1055 = tpu.vector_load_idx %gather3A_1054[%add3A_972, %add3A_1049] : memref<128x128xf32, #tpu.memory_space<vmem>>[vector<16xi32>, vector<16xi32>], vector<16xf32>,
      %add3A_1056 = arith.addi %mul3A_985, %and3A_1034 : vector<16xi32>
      %gather3A_1057 = arith.constant 3 : i32
      %gather3A_1058 = arith.constant 0 : i32
      %gather3A_1059 = arith.constant 0 : i32
      %gather3A_1060 = tpu.memref_slice %arg10[%gather3A_1057, %gather3A_1058, %gather3A_1059] : memref<4x128x128xf32, #tpu.memory_space<vmem>> -> memref<1x128x128xf32, #tpu.memory_space<vmem>>
      %gather3A_1061 = tpu.memref_squeeze %gather3A_1060 : memref<1x128x128xf32, #tpu.memory_space<vmem>> -> memref<128x128xf32, #tpu.memory_space<vmem>>
      %gather3A_1062 = tpu.vector_load_idx %gather3A_1061[%add3A_982, %add3A_1056] : memref<128x128xf32, #tpu.memory_space<vmem>>[vector<16xi32>, vector<16xi32>], vector<16xf32>,
      %add3A_1063 = arith.addi %mul3A_995, %and3A_1034 : vector<16xi32>
      %gather3A_1064 = arith.constant 3 : i32
      %gather3A_1065 = arith.constant 0 : i32
      %gather3A_1066 = arith.constant 0 : i32
      %gather3A_1067 = tpu.memref_slice %arg10[%gather3A_1064, %gather3A_1065, %gather3A_1066] : memref<4x128x128xf32, #tpu.memory_space<vmem>> -> memref<1x128x128xf32, #tpu.memory_space<vmem>>
      %gather3A_1068 = tpu.memref_squeeze %gather3A_1067 : memref<1x128x128xf32, #tpu.memory_space<vmem>> -> memref<128x128xf32, #tpu.memory_space<vmem>>
      %gather3A_1069 = tpu.vector_load_idx %gather3A_1068[%add3A_992, %add3A_1063] : memref<128x128xf32, #tpu.memory_space<vmem>>[vector<16xi32>, vector<16xi32>], vector<16xf32>,
      %add3A_1070 = arith.addi %mul3A_1005, %and3A_1034 : vector<16xi32>
      %gather3A_1071 = arith.constant 3 : i32
      %gather3A_1072 = arith.constant 0 : i32
      %gather3A_1073 = arith.constant 0 : i32
      %gather3A_1074 = tpu.memref_slice %arg10[%gather3A_1071, %gather3A_1072, %gather3A_1073] : memref<4x128x128xf32, #tpu.memory_space<vmem>> -> memref<1x128x128xf32, #tpu.memory_space<vmem>>
      %gather3A_1075 = tpu.memref_squeeze %gather3A_1074 : memref<1x128x128xf32, #tpu.memory_space<vmem>> -> memref<128x128xf32, #tpu.memory_space<vmem>>
      %gather3A_1076 = tpu.vector_load_idx %gather3A_1075[%add3A_1002, %add3A_1070] : memref<128x128xf32, #tpu.memory_space<vmem>>[vector<16xi32>, vector<16xi32>], vector<16xf32>,
      %add3A_1077 = arith.addi %mul3A_1015, %and3A_1034 : vector<16xi32>
      %gather3A_1078 = arith.constant 3 : i32
      %gather3A_1079 = arith.constant 0 : i32
      %gather3A_1080 = arith.constant 0 : i32
      %gather3A_1081 = tpu.memref_slice %arg10[%gather3A_1078, %gather3A_1079, %gather3A_1080] : memref<4x128x128xf32, #tpu.memory_space<vmem>> -> memref<1x128x128xf32, #tpu.memory_space<vmem>>
      %gather3A_1082 = tpu.memref_squeeze %gather3A_1081 : memref<1x128x128xf32, #tpu.memory_space<vmem>> -> memref<128x128xf32, #tpu.memory_space<vmem>>
      %gather3A_1083 = tpu.vector_load_idx %gather3A_1082[%add3A_1012, %add3A_1077] : memref<128x128xf32, #tpu.memory_space<vmem>>[vector<16xi32>, vector<16xi32>], vector<16xf32>,
      %add3A_1084 = arith.addi %mul3A_1025, %and3A_1034 : vector<16xi32>
      %gather3A_1085 = arith.constant 3 : i32
      %gather3A_1086 = arith.constant 0 : i32
      %gather3A_1087 = arith.constant 0 : i32
      %gather3A_1088 = tpu.memref_slice %arg10[%gather3A_1085, %gather3A_1086, %gather3A_1087] : memref<4x128x128xf32, #tpu.memory_space<vmem>> -> memref<1x128x128xf32, #tpu.memory_space<vmem>>
      %gather3A_1089 = tpu.memref_squeeze %gather3A_1088 : memref<1x128x128xf32, #tpu.memory_space<vmem>> -> memref<128x128xf32, #tpu.memory_space<vmem>>
      %gather3A_1090 = tpu.vector_load_idx %gather3A_1089[%add3A_1022, %add3A_1084] : memref<128x128xf32, #tpu.memory_space<vmem>>[vector<16xi32>, vector<16xi32>], vector<16xf32>,
      %add3A_1091 = arith.addi %broadcast_in_dim3A_1028, %and3A_1034 : vector<16xi32>
      %gather3A_1092 = tpu.vector_load_idx %arg7[%add3A_1091] : memref<12800xf32, #tpu.memory_space<vmem>>[vector<16xi32>], vector<16xf32>,
      %scan3A_1093 = arith.constant 3 : i32
      %scan3A_1094 = arith.constant 3 : i32
      %scan3A_1095 = arith.constant 0 : i32
      %scan3A_1096 = arith.constant 64 : i32
      %scan3A_1097 = arith.addi %scan3A_1095, %scan3A_1096 : i32
      %scan3A_1098 = arith.constant 4 : i32
      %scan3A_1099:10 = scf.for %scan3A_1123 = %scan3A_1095 to %scan3A_1097 step %scan3A_1098 iter_args(%scan3A_1124 = %gather3A_1041, %scan3A_1125 = %gather3A_1048, %scan3A_1126 = %gather3A_1055, %scan3A_1127 = %gather3A_1062, %scan3A_1128 = %gather3A_1069, %scan3A_1129 = %gather3A_1076, %scan3A_1130 = %gather3A_1083, %scan3A_1131 = %gather3A_1090, %scan3A_1132 = %gather3A_1092, %scan3A_1133 = %and3A_1034) -> (vector<16xf32>, vector<16xf32>, vector<16xf32>, vector<16xf32>, vector<16xf32>, vector<16xf32>, vector<16xf32>, vector<16xf32>, vector<16xf32>, vector<16xi32>)  : i32 {
        %add3A_1134 = arith.constant 1 : i32
        %add3A_1135 = arith.addi %scan3A_1123, %add3A_1134 : i32
        %min3A = arith.constant 63 : i32
        %min3A_1136 = arith.minsi %add3A_1135, %min3A : i32
        %add3A_1137 = vector.broadcast %min3A_1136 : i32 to vector<16xi32>
        %add3A_1138 = arith.addi %add3A_1137, %iota3A : vector<16xi32>
        %and3A_1139 = arith.constant 63 : i32
        %and3A_1140 = vector.broadcast %and3A_1139 : i32 to vector<16xi32>
        %and3A_1141 = arith.andi %add3A_1138, %and3A_1140 : vector<16xi32>
        %add3A_1142 = arith.addi %mul3A_955, %and3A_1141 : vector<16xi32>
        %gather3A_1143 = arith.constant 0 : i32
        %gather3A_1144 = arith.constant 0 : i32
        %gather3A_1145 = tpu.memref_slice %arg10[%scan3A_1093, %gather3A_1143, %gather3A_1144] : memref<4x128x128xf32, #tpu.memory_space<vmem>> -> memref<1x128x128xf32, #tpu.memory_space<vmem>>
        %gather3A_1146 = tpu.memref_squeeze %gather3A_1145 : memref<1x128x128xf32, #tpu.memory_space<vmem>> -> memref<128x128xf32, #tpu.memory_space<vmem>>
        %gather3A_1147 = tpu.vector_load_idx %gather3A_1146[%add3A_952, %add3A_1142] : memref<128x128xf32, #tpu.memory_space<vmem>>[vector<16xi32>, vector<16xi32>], vector<16xf32>,
        %add3A_1148 = arith.addi %mul3A_965, %and3A_1141 : vector<16xi32>
        %gather3A_1149 = arith.constant 0 : i32
        %gather3A_1150 = arith.constant 0 : i32
        %gather3A_1151 = tpu.memref_slice %arg10[%scan3A_1093, %gather3A_1149, %gather3A_1150] : memref<4x128x128xf32, #tpu.memory_space<vmem>> -> memref<1x128x128xf32, #tpu.memory_space<vmem>>
        %gather3A_1152 = tpu.memref_squeeze %gather3A_1151 : memref<1x128x128xf32, #tpu.memory_space<vmem>> -> memref<128x128xf32, #tpu.memory_space<vmem>>
        %gather3A_1153 = tpu.vector_load_idx %gather3A_1152[%add3A_962, %add3A_1148] : memref<128x128xf32, #tpu.memory_space<vmem>>[vector<16xi32>, vector<16xi32>], vector<16xf32>,
        %add3A_1154 = arith.addi %mul3A_975, %and3A_1141 : vector<16xi32>
        %gather3A_1155 = arith.constant 0 : i32
        %gather3A_1156 = arith.constant 0 : i32
        %gather3A_1157 = tpu.memref_slice %arg10[%scan3A_1093, %gather3A_1155, %gather3A_1156] : memref<4x128x128xf32, #tpu.memory_space<vmem>> -> memref<1x128x128xf32, #tpu.memory_space<vmem>>
        %gather3A_1158 = tpu.memref_squeeze %gather3A_1157 : memref<1x128x128xf32, #tpu.memory_space<vmem>> -> memref<128x128xf32, #tpu.memory_space<vmem>>
        %gather3A_1159 = tpu.vector_load_idx %gather3A_1158[%add3A_972, %add3A_1154] : memref<128x128xf32, #tpu.memory_space<vmem>>[vector<16xi32>, vector<16xi32>], vector<16xf32>,
        %add3A_1160 = arith.addi %mul3A_985, %and3A_1141 : vector<16xi32>
        %gather3A_1161 = arith.constant 0 : i32
        %gather3A_1162 = arith.constant 0 : i32
        %gather3A_1163 = tpu.memref_slice %arg10[%scan3A_1093, %gather3A_1161, %gather3A_1162] : memref<4x128x128xf32, #tpu.memory_space<vmem>> -> memref<1x128x128xf32, #tpu.memory_space<vmem>>
        %gather3A_1164 = tpu.memref_squeeze %gather3A_1163 : memref<1x128x128xf32, #tpu.memory_space<vmem>> -> memref<128x128xf32, #tpu.memory_space<vmem>>
        %gather3A_1165 = tpu.vector_load_idx %gather3A_1164[%add3A_982, %add3A_1160] : memref<128x128xf32, #tpu.memory_space<vmem>>[vector<16xi32>, vector<16xi32>], vector<16xf32>,
        %add3A_1166 = arith.addi %mul3A_995, %and3A_1141 : vector<16xi32>
        %gather3A_1167 = arith.constant 0 : i32
        %gather3A_1168 = arith.constant 0 : i32
        %gather3A_1169 = tpu.memref_slice %arg10[%scan3A_1093, %gather3A_1167, %gather3A_1168] : memref<4x128x128xf32, #tpu.memory_space<vmem>> -> memref<1x128x128xf32, #tpu.memory_space<vmem>>
        %gather3A_1170 = tpu.memref_squeeze %gather3A_1169 : memref<1x128x128xf32, #tpu.memory_space<vmem>> -> memref<128x128xf32, #tpu.memory_space<vmem>>
        %gather3A_1171 = tpu.vector_load_idx %gather3A_1170[%add3A_992, %add3A_1166] : memref<128x128xf32, #tpu.memory_space<vmem>>[vector<16xi32>, vector<16xi32>], vector<16xf32>,
        %add3A_1172 = arith.addi %mul3A_1005, %and3A_1141 : vector<16xi32>
        %gather3A_1173 = arith.constant 0 : i32
        %gather3A_1174 = arith.constant 0 : i32
        %gather3A_1175 = tpu.memref_slice %arg10[%scan3A_1093, %gather3A_1173, %gather3A_1174] : memref<4x128x128xf32, #tpu.memory_space<vmem>> -> memref<1x128x128xf32, #tpu.memory_space<vmem>>
        %gather3A_1176 = tpu.memref_squeeze %gather3A_1175 : memref<1x128x128xf32, #tpu.memory_space<vmem>> -> memref<128x128xf32, #tpu.memory_space<vmem>>
        %gather3A_1177 = tpu.vector_load_idx %gather3A_1176[%add3A_1002, %add3A_1172] : memref<128x128xf32, #tpu.memory_space<vmem>>[vector<16xi32>, vector<16xi32>], vector<16xf32>,
        %add3A_1178 = arith.addi %mul3A_1015, %and3A_1141 : vector<16xi32>
        %gather3A_1179 = arith.constant 0 : i32
        %gather3A_1180 = arith.constant 0 : i32
        %gather3A_1181 = tpu.memref_slice %arg10[%scan3A_1093, %gather3A_1179, %gather3A_1180] : memref<4x128x128xf32, #tpu.memory_space<vmem>> -> memref<1x128x128xf32, #tpu.memory_space<vmem>>
        %gather3A_1182 = tpu.memref_squeeze %gather3A_1181 : memref<1x128x128xf32, #tpu.memory_space<vmem>> -> memref<128x128xf32, #tpu.memory_space<vmem>>
        %gather3A_1183 = tpu.vector_load_idx %gather3A_1182[%add3A_1012, %add3A_1178] : memref<128x128xf32, #tpu.memory_space<vmem>>[vector<16xi32>, vector<16xi32>], vector<16xf32>,
        %add3A_1184 = arith.addi %mul3A_1025, %and3A_1141 : vector<16xi32>
        %gather3A_1185 = arith.constant 0 : i32
        %gather3A_1186 = arith.constant 0 : i32
        %gather3A_1187 = tpu.memref_slice %arg10[%scan3A_1093, %gather3A_1185, %gather3A_1186] : memref<4x128x128xf32, #tpu.memory_space<vmem>> -> memref<1x128x128xf32, #tpu.memory_space<vmem>>
        %gather3A_1188 = tpu.memref_squeeze %gather3A_1187 : memref<1x128x128xf32, #tpu.memory_space<vmem>> -> memref<128x128xf32, #tpu.memory_space<vmem>>
        %gather3A_1189 = tpu.vector_load_idx %gather3A_1188[%add3A_1022, %add3A_1184] : memref<128x128xf32, #tpu.memory_space<vmem>>[vector<16xi32>, vector<16xi32>], vector<16xf32>,
        %add3A_1190 = arith.addi %broadcast_in_dim3A_1028, %and3A_1141 : vector<16xi32>
        %gather3A_1191 = tpu.vector_load_idx %arg7[%add3A_1190] : memref<12800xf32, #tpu.memory_space<vmem>>[vector<16xi32>], vector<16xf32>,
        %mul3A_1192 = arith.constant 8.000000e+00 : f32
        %mul3A_1193 = vector.broadcast %mul3A_1192 : f32 to vector<16xf32>
        %mul3A_1194 = arith.mulf %scan3A_1124, %mul3A_1193 : vector<16xf32>
        %add3A_1195 = arith.addf %mul3A_1194, %scan3A_1132 : vector<16xf32>
        %scatter3A = arith.constant 0 : i32
        %scatter3A_1196 = arith.constant 0 : i32
        %scatter3A_1197 = tpu.memref_slice %arg11[%scan3A_1094, %scatter3A, %scatter3A_1196] : memref<4x64x128xf32, #tpu.memory_space<vmem>> -> memref<1x64x128xf32, #tpu.memory_space<vmem>>
        %scatter3A_1198 = tpu.memref_squeeze %scatter3A_1197 : memref<1x64x128xf32, #tpu.memory_space<vmem>> -> memref<64x128xf32, #tpu.memory_space<vmem>>
        tpu.vector_store_idx %scatter3A_1198[%scan3A_1133, %add3A_952], %add3A_1195 : memref<64x128xf32, #tpu.memory_space<vmem>>[vector<16xi32>, vector<16xi32>], vector<16xf32>,
        %mul3A_1199 = arith.constant 8.000000e+00 : f32
        %mul3A_1200 = vector.broadcast %mul3A_1199 : f32 to vector<16xf32>
        %mul3A_1201 = arith.mulf %scan3A_1125, %mul3A_1200 : vector<16xf32>
        %add3A_1202 = arith.addf %mul3A_1201, %scan3A_1132 : vector<16xf32>
        %scatter3A_1203 = arith.constant 0 : i32
        %scatter3A_1204 = arith.constant 0 : i32
        %scatter3A_1205 = tpu.memref_slice %arg11[%scan3A_1094, %scatter3A_1203, %scatter3A_1204] : memref<4x64x128xf32, #tpu.memory_space<vmem>> -> memref<1x64x128xf32, #tpu.memory_space<vmem>>
        %scatter3A_1206 = tpu.memref_squeeze %scatter3A_1205 : memref<1x64x128xf32, #tpu.memory_space<vmem>> -> memref<64x128xf32, #tpu.memory_space<vmem>>
        tpu.vector_store_idx %scatter3A_1206[%scan3A_1133, %add3A_962], %add3A_1202 : memref<64x128xf32, #tpu.memory_space<vmem>>[vector<16xi32>, vector<16xi32>], vector<16xf32>,
        %mul3A_1207 = arith.constant 8.000000e+00 : f32
        %mul3A_1208 = vector.broadcast %mul3A_1207 : f32 to vector<16xf32>
        %mul3A_1209 = arith.mulf %scan3A_1126, %mul3A_1208 : vector<16xf32>
        %add3A_1210 = arith.addf %mul3A_1209, %scan3A_1132 : vector<16xf32>
        %scatter3A_1211 = arith.constant 0 : i32
        %scatter3A_1212 = arith.constant 0 : i32
        %scatter3A_1213 = tpu.memref_slice %arg11[%scan3A_1094, %scatter3A_1211, %scatter3A_1212] : memref<4x64x128xf32, #tpu.memory_space<vmem>> -> memref<1x64x128xf32, #tpu.memory_space<vmem>>
        %scatter3A_1214 = tpu.memref_squeeze %scatter3A_1213 : memref<1x64x128xf32, #tpu.memory_space<vmem>> -> memref<64x128xf32, #tpu.memory_space<vmem>>
        tpu.vector_store_idx %scatter3A_1214[%scan3A_1133, %add3A_972], %add3A_1210 : memref<64x128xf32, #tpu.memory_space<vmem>>[vector<16xi32>, vector<16xi32>], vector<16xf32>,
        %mul3A_1215 = arith.constant 8.000000e+00 : f32
        %mul3A_1216 = vector.broadcast %mul3A_1215 : f32 to vector<16xf32>
        %mul3A_1217 = arith.mulf %scan3A_1127, %mul3A_1216 : vector<16xf32>
        %add3A_1218 = arith.addf %mul3A_1217, %scan3A_1132 : vector<16xf32>
        %scatter3A_1219 = arith.constant 0 : i32
        %scatter3A_1220 = arith.constant 0 : i32
        %scatter3A_1221 = tpu.memref_slice %arg11[%scan3A_1094, %scatter3A_1219, %scatter3A_1220] : memref<4x64x128xf32, #tpu.memory_space<vmem>> -> memref<1x64x128xf32, #tpu.memory_space<vmem>>
        %scatter3A_1222 = tpu.memref_squeeze %scatter3A_1221 : memref<1x64x128xf32, #tpu.memory_space<vmem>> -> memref<64x128xf32, #tpu.memory_space<vmem>>
        tpu.vector_store_idx %scatter3A_1222[%scan3A_1133, %add3A_982], %add3A_1218 : memref<64x128xf32, #tpu.memory_space<vmem>>[vector<16xi32>, vector<16xi32>], vector<16xf32>,
        %mul3A_1223 = arith.constant 8.000000e+00 : f32
        %mul3A_1224 = vector.broadcast %mul3A_1223 : f32 to vector<16xf32>
        %mul3A_1225 = arith.mulf %scan3A_1128, %mul3A_1224 : vector<16xf32>
        %add3A_1226 = arith.addf %mul3A_1225, %scan3A_1132 : vector<16xf32>
        %scatter3A_1227 = arith.constant 0 : i32
        %scatter3A_1228 = arith.constant 0 : i32
        %scatter3A_1229 = tpu.memref_slice %arg11[%scan3A_1094, %scatter3A_1227, %scatter3A_1228] : memref<4x64x128xf32, #tpu.memory_space<vmem>> -> memref<1x64x128xf32, #tpu.memory_space<vmem>>
        %scatter3A_1230 = tpu.memref_squeeze %scatter3A_1229 : memref<1x64x128xf32, #tpu.memory_space<vmem>> -> memref<64x128xf32, #tpu.memory_space<vmem>>
        tpu.vector_store_idx %scatter3A_1230[%scan3A_1133, %add3A_992], %add3A_1226 : memref<64x128xf32, #tpu.memory_space<vmem>>[vector<16xi32>, vector<16xi32>], vector<16xf32>,
        %mul3A_1231 = arith.constant 8.000000e+00 : f32
        %mul3A_1232 = vector.broadcast %mul3A_1231 : f32 to vector<16xf32>
        %mul3A_1233 = arith.mulf %scan3A_1129, %mul3A_1232 : vector<16xf32>
        %add3A_1234 = arith.addf %mul3A_1233, %scan3A_1132 : vector<16xf32>
        %scatter3A_1235 = arith.constant 0 : i32
        %scatter3A_1236 = arith.constant 0 : i32
        %scatter3A_1237 = tpu.memref_slice %arg11[%scan3A_1094, %scatter3A_1235, %scatter3A_1236] : memref<4x64x128xf32, #tpu.memory_space<vmem>> -> memref<1x64x128xf32, #tpu.memory_space<vmem>>
        %scatter3A_1238 = tpu.memref_squeeze %scatter3A_1237 : memref<1x64x128xf32, #tpu.memory_space<vmem>> -> memref<64x128xf32, #tpu.memory_space<vmem>>
        tpu.vector_store_idx %scatter3A_1238[%scan3A_1133, %add3A_1002], %add3A_1234 : memref<64x128xf32, #tpu.memory_space<vmem>>[vector<16xi32>, vector<16xi32>], vector<16xf32>,
        %mul3A_1239 = arith.constant 8.000000e+00 : f32
        %mul3A_1240 = vector.broadcast %mul3A_1239 : f32 to vector<16xf32>
        %mul3A_1241 = arith.mulf %scan3A_1130, %mul3A_1240 : vector<16xf32>
        %add3A_1242 = arith.addf %mul3A_1241, %scan3A_1132 : vector<16xf32>
        %scatter3A_1243 = arith.constant 0 : i32
        %scatter3A_1244 = arith.constant 0 : i32
        %scatter3A_1245 = tpu.memref_slice %arg11[%scan3A_1094, %scatter3A_1243, %scatter3A_1244] : memref<4x64x128xf32, #tpu.memory_space<vmem>> -> memref<1x64x128xf32, #tpu.memory_space<vmem>>
        %scatter3A_1246 = tpu.memref_squeeze %scatter3A_1245 : memref<1x64x128xf32, #tpu.memory_space<vmem>> -> memref<64x128xf32, #tpu.memory_space<vmem>>
        tpu.vector_store_idx %scatter3A_1246[%scan3A_1133, %add3A_1012], %add3A_1242 : memref<64x128xf32, #tpu.memory_space<vmem>>[vector<16xi32>, vector<16xi32>], vector<16xf32>,
        %mul3A_1247 = arith.constant 8.000000e+00 : f32
        %mul3A_1248 = vector.broadcast %mul3A_1247 : f32 to vector<16xf32>
        %mul3A_1249 = arith.mulf %scan3A_1131, %mul3A_1248 : vector<16xf32>
        %add3A_1250 = arith.addf %mul3A_1249, %scan3A_1132 : vector<16xf32>
        %scatter3A_1251 = arith.constant 0 : i32
        %scatter3A_1252 = arith.constant 0 : i32
        %scatter3A_1253 = tpu.memref_slice %arg11[%scan3A_1094, %scatter3A_1251, %scatter3A_1252] : memref<4x64x128xf32, #tpu.memory_space<vmem>> -> memref<1x64x128xf32, #tpu.memory_space<vmem>>
        %scatter3A_1254 = tpu.memref_squeeze %scatter3A_1253 : memref<1x64x128xf32, #tpu.memory_space<vmem>> -> memref<64x128xf32, #tpu.memory_space<vmem>>
        tpu.vector_store_idx %scatter3A_1254[%scan3A_1133, %add3A_1022], %add3A_1250 : memref<64x128xf32, #tpu.memory_space<vmem>>[vector<16xi32>, vector<16xi32>], vector<16xf32>,
        %scan3A_1255 = arith.constant 1 : i32
        %scan3A_1256 = arith.addi %scan3A_1123, %scan3A_1255 : i32
        %add3A_1257 = arith.constant 1 : i32
        %add3A_1258 = arith.addi %scan3A_1256, %add3A_1257 : i32
        %min3A_1259 = arith.constant 63 : i32
        %min3A_1260 = arith.minsi %add3A_1258, %min3A_1259 : i32
        %add3A_1261 = vector.broadcast %min3A_1260 : i32 to vector<16xi32>
        %add3A_1262 = arith.addi %add3A_1261, %iota3A : vector<16xi32>
        %and3A_1263 = arith.constant 63 : i32
        %and3A_1264 = vector.broadcast %and3A_1263 : i32 to vector<16xi32>
        %and3A_1265 = arith.andi %add3A_1262, %and3A_1264 : vector<16xi32>
        %add3A_1266 = arith.addi %mul3A_955, %and3A_1265 : vector<16xi32>
        %gather3A_1267 = arith.constant 0 : i32
        %gather3A_1268 = arith.constant 0 : i32
        %gather3A_1269 = tpu.memref_slice %arg10[%scan3A_1093, %gather3A_1267, %gather3A_1268] : memref<4x128x128xf32, #tpu.memory_space<vmem>> -> memref<1x128x128xf32, #tpu.memory_space<vmem>>
        %gather3A_1270 = tpu.memref_squeeze %gather3A_1269 : memref<1x128x128xf32, #tpu.memory_space<vmem>> -> memref<128x128xf32, #tpu.memory_space<vmem>>
        %gather3A_1271 = tpu.vector_load_idx %gather3A_1270[%add3A_952, %add3A_1266] : memref<128x128xf32, #tpu.memory_space<vmem>>[vector<16xi32>, vector<16xi32>], vector<16xf32>,
        %add3A_1272 = arith.addi %mul3A_965, %and3A_1265 : vector<16xi32>
        %gather3A_1273 = arith.constant 0 : i32
        %gather3A_1274 = arith.constant 0 : i32
        %gather3A_1275 = tpu.memref_slice %arg10[%scan3A_1093, %gather3A_1273, %gather3A_1274] : memref<4x128x128xf32, #tpu.memory_space<vmem>> -> memref<1x128x128xf32, #tpu.memory_space<vmem>>
        %gather3A_1276 = tpu.memref_squeeze %gather3A_1275 : memref<1x128x128xf32, #tpu.memory_space<vmem>> -> memref<128x128xf32, #tpu.memory_space<vmem>>
        %gather3A_1277 = tpu.vector_load_idx %gather3A_1276[%add3A_962, %add3A_1272] : memref<128x128xf32, #tpu.memory_space<vmem>>[vector<16xi32>, vector<16xi32>], vector<16xf32>,
        %add3A_1278 = arith.addi %mul3A_975, %and3A_1265 : vector<16xi32>
        %gather3A_1279 = arith.constant 0 : i32
        %gather3A_1280 = arith.constant 0 : i32
        %gather3A_1281 = tpu.memref_slice %arg10[%scan3A_1093, %gather3A_1279, %gather3A_1280] : memref<4x128x128xf32, #tpu.memory_space<vmem>> -> memref<1x128x128xf32, #tpu.memory_space<vmem>>
        %gather3A_1282 = tpu.memref_squeeze %gather3A_1281 : memref<1x128x128xf32, #tpu.memory_space<vmem>> -> memref<128x128xf32, #tpu.memory_space<vmem>>
        %gather3A_1283 = tpu.vector_load_idx %gather3A_1282[%add3A_972, %add3A_1278] : memref<128x128xf32, #tpu.memory_space<vmem>>[vector<16xi32>, vector<16xi32>], vector<16xf32>,
        %add3A_1284 = arith.addi %mul3A_985, %and3A_1265 : vector<16xi32>
        %gather3A_1285 = arith.constant 0 : i32
        %gather3A_1286 = arith.constant 0 : i32
        %gather3A_1287 = tpu.memref_slice %arg10[%scan3A_1093, %gather3A_1285, %gather3A_1286] : memref<4x128x128xf32, #tpu.memory_space<vmem>> -> memref<1x128x128xf32, #tpu.memory_space<vmem>>
        %gather3A_1288 = tpu.memref_squeeze %gather3A_1287 : memref<1x128x128xf32, #tpu.memory_space<vmem>> -> memref<128x128xf32, #tpu.memory_space<vmem>>
        %gather3A_1289 = tpu.vector_load_idx %gather3A_1288[%add3A_982, %add3A_1284] : memref<128x128xf32, #tpu.memory_space<vmem>>[vector<16xi32>, vector<16xi32>], vector<16xf32>,
        %add3A_1290 = arith.addi %mul3A_995, %and3A_1265 : vector<16xi32>
        %gather3A_1291 = arith.constant 0 : i32
        %gather3A_1292 = arith.constant 0 : i32
        %gather3A_1293 = tpu.memref_slice %arg10[%scan3A_1093, %gather3A_1291, %gather3A_1292] : memref<4x128x128xf32, #tpu.memory_space<vmem>> -> memref<1x128x128xf32, #tpu.memory_space<vmem>>
        %gather3A_1294 = tpu.memref_squeeze %gather3A_1293 : memref<1x128x128xf32, #tpu.memory_space<vmem>> -> memref<128x128xf32, #tpu.memory_space<vmem>>
        %gather3A_1295 = tpu.vector_load_idx %gather3A_1294[%add3A_992, %add3A_1290] : memref<128x128xf32, #tpu.memory_space<vmem>>[vector<16xi32>, vector<16xi32>], vector<16xf32>,
        %add3A_1296 = arith.addi %mul3A_1005, %and3A_1265 : vector<16xi32>
        %gather3A_1297 = arith.constant 0 : i32
        %gather3A_1298 = arith.constant 0 : i32
        %gather3A_1299 = tpu.memref_slice %arg10[%scan3A_1093, %gather3A_1297, %gather3A_1298] : memref<4x128x128xf32, #tpu.memory_space<vmem>> -> memref<1x128x128xf32, #tpu.memory_space<vmem>>
        %gather3A_1300 = tpu.memref_squeeze %gather3A_1299 : memref<1x128x128xf32, #tpu.memory_space<vmem>> -> memref<128x128xf32, #tpu.memory_space<vmem>>
        %gather3A_1301 = tpu.vector_load_idx %gather3A_1300[%add3A_1002, %add3A_1296] : memref<128x128xf32, #tpu.memory_space<vmem>>[vector<16xi32>, vector<16xi32>], vector<16xf32>,
        %add3A_1302 = arith.addi %mul3A_1015, %and3A_1265 : vector<16xi32>
        %gather3A_1303 = arith.constant 0 : i32
        %gather3A_1304 = arith.constant 0 : i32
        %gather3A_1305 = tpu.memref_slice %arg10[%scan3A_1093, %gather3A_1303, %gather3A_1304] : memref<4x128x128xf32, #tpu.memory_space<vmem>> -> memref<1x128x128xf32, #tpu.memory_space<vmem>>
        %gather3A_1306 = tpu.memref_squeeze %gather3A_1305 : memref<1x128x128xf32, #tpu.memory_space<vmem>> -> memref<128x128xf32, #tpu.memory_space<vmem>>
        %gather3A_1307 = tpu.vector_load_idx %gather3A_1306[%add3A_1012, %add3A_1302] : memref<128x128xf32, #tpu.memory_space<vmem>>[vector<16xi32>, vector<16xi32>], vector<16xf32>,
        %add3A_1308 = arith.addi %mul3A_1025, %and3A_1265 : vector<16xi32>
        %gather3A_1309 = arith.constant 0 : i32
        %gather3A_1310 = arith.constant 0 : i32
        %gather3A_1311 = tpu.memref_slice %arg10[%scan3A_1093, %gather3A_1309, %gather3A_1310] : memref<4x128x128xf32, #tpu.memory_space<vmem>> -> memref<1x128x128xf32, #tpu.memory_space<vmem>>
        %gather3A_1312 = tpu.memref_squeeze %gather3A_1311 : memref<1x128x128xf32, #tpu.memory_space<vmem>> -> memref<128x128xf32, #tpu.memory_space<vmem>>
        %gather3A_1313 = tpu.vector_load_idx %gather3A_1312[%add3A_1022, %add3A_1308] : memref<128x128xf32, #tpu.memory_space<vmem>>[vector<16xi32>, vector<16xi32>], vector<16xf32>,
        %add3A_1314 = arith.addi %broadcast_in_dim3A_1028, %and3A_1265 : vector<16xi32>
        %gather3A_1315 = tpu.vector_load_idx %arg7[%add3A_1314] : memref<12800xf32, #tpu.memory_space<vmem>>[vector<16xi32>], vector<16xf32>,
        %mul3A_1316 = arith.constant 8.000000e+00 : f32
        %mul3A_1317 = vector.broadcast %mul3A_1316 : f32 to vector<16xf32>
        %mul3A_1318 = arith.mulf %gather3A_1147, %mul3A_1317 : vector<16xf32>
        %add3A_1319 = arith.addf %mul3A_1318, %gather3A_1191 : vector<16xf32>
        %scatter3A_1320 = arith.constant 0 : i32
        %scatter3A_1321 = arith.constant 0 : i32
        %scatter3A_1322 = tpu.memref_slice %arg11[%scan3A_1094, %scatter3A_1320, %scatter3A_1321] : memref<4x64x128xf32, #tpu.memory_space<vmem>> -> memref<1x64x128xf32, #tpu.memory_space<vmem>>
        %scatter3A_1323 = tpu.memref_squeeze %scatter3A_1322 : memref<1x64x128xf32, #tpu.memory_space<vmem>> -> memref<64x128xf32, #tpu.memory_space<vmem>>
        tpu.vector_store_idx %scatter3A_1323[%and3A_1141, %add3A_952], %add3A_1319 : memref<64x128xf32, #tpu.memory_space<vmem>>[vector<16xi32>, vector<16xi32>], vector<16xf32>,
        %mul3A_1324 = arith.constant 8.000000e+00 : f32
        %mul3A_1325 = vector.broadcast %mul3A_1324 : f32 to vector<16xf32>
        %mul3A_1326 = arith.mulf %gather3A_1153, %mul3A_1325 : vector<16xf32>
        %add3A_1327 = arith.addf %mul3A_1326, %gather3A_1191 : vector<16xf32>
        %scatter3A_1328 = arith.constant 0 : i32
        %scatter3A_1329 = arith.constant 0 : i32
        %scatter3A_1330 = tpu.memref_slice %arg11[%scan3A_1094, %scatter3A_1328, %scatter3A_1329] : memref<4x64x128xf32, #tpu.memory_space<vmem>> -> memref<1x64x128xf32, #tpu.memory_space<vmem>>
        %scatter3A_1331 = tpu.memref_squeeze %scatter3A_1330 : memref<1x64x128xf32, #tpu.memory_space<vmem>> -> memref<64x128xf32, #tpu.memory_space<vmem>>
        tpu.vector_store_idx %scatter3A_1331[%and3A_1141, %add3A_962], %add3A_1327 : memref<64x128xf32, #tpu.memory_space<vmem>>[vector<16xi32>, vector<16xi32>], vector<16xf32>,
        %mul3A_1332 = arith.constant 8.000000e+00 : f32
        %mul3A_1333 = vector.broadcast %mul3A_1332 : f32 to vector<16xf32>
        %mul3A_1334 = arith.mulf %gather3A_1159, %mul3A_1333 : vector<16xf32>
        %add3A_1335 = arith.addf %mul3A_1334, %gather3A_1191 : vector<16xf32>
        %scatter3A_1336 = arith.constant 0 : i32
        %scatter3A_1337 = arith.constant 0 : i32
        %scatter3A_1338 = tpu.memref_slice %arg11[%scan3A_1094, %scatter3A_1336, %scatter3A_1337] : memref<4x64x128xf32, #tpu.memory_space<vmem>> -> memref<1x64x128xf32, #tpu.memory_space<vmem>>
        %scatter3A_1339 = tpu.memref_squeeze %scatter3A_1338 : memref<1x64x128xf32, #tpu.memory_space<vmem>> -> memref<64x128xf32, #tpu.memory_space<vmem>>
        tpu.vector_store_idx %scatter3A_1339[%and3A_1141, %add3A_972], %add3A_1335 : memref<64x128xf32, #tpu.memory_space<vmem>>[vector<16xi32>, vector<16xi32>], vector<16xf32>,
        %mul3A_1340 = arith.constant 8.000000e+00 : f32
        %mul3A_1341 = vector.broadcast %mul3A_1340 : f32 to vector<16xf32>
        %mul3A_1342 = arith.mulf %gather3A_1165, %mul3A_1341 : vector<16xf32>
        %add3A_1343 = arith.addf %mul3A_1342, %gather3A_1191 : vector<16xf32>
        %scatter3A_1344 = arith.constant 0 : i32
        %scatter3A_1345 = arith.constant 0 : i32
        %scatter3A_1346 = tpu.memref_slice %arg11[%scan3A_1094, %scatter3A_1344, %scatter3A_1345] : memref<4x64x128xf32, #tpu.memory_space<vmem>> -> memref<1x64x128xf32, #tpu.memory_space<vmem>>
        %scatter3A_1347 = tpu.memref_squeeze %scatter3A_1346 : memref<1x64x128xf32, #tpu.memory_space<vmem>> -> memref<64x128xf32, #tpu.memory_space<vmem>>
        tpu.vector_store_idx %scatter3A_1347[%and3A_1141, %add3A_982], %add3A_1343 : memref<64x128xf32, #tpu.memory_space<vmem>>[vector<16xi32>, vector<16xi32>], vector<16xf32>,
        %mul3A_1348 = arith.constant 8.000000e+00 : f32
        %mul3A_1349 = vector.broadcast %mul3A_1348 : f32 to vector<16xf32>
        %mul3A_1350 = arith.mulf %gather3A_1171, %mul3A_1349 : vector<16xf32>
        %add3A_1351 = arith.addf %mul3A_1350, %gather3A_1191 : vector<16xf32>
        %scatter3A_1352 = arith.constant 0 : i32
        %scatter3A_1353 = arith.constant 0 : i32
        %scatter3A_1354 = tpu.memref_slice %arg11[%scan3A_1094, %scatter3A_1352, %scatter3A_1353] : memref<4x64x128xf32, #tpu.memory_space<vmem>> -> memref<1x64x128xf32, #tpu.memory_space<vmem>>
        %scatter3A_1355 = tpu.memref_squeeze %scatter3A_1354 : memref<1x64x128xf32, #tpu.memory_space<vmem>> -> memref<64x128xf32, #tpu.memory_space<vmem>>
        tpu.vector_store_idx %scatter3A_1355[%and3A_1141, %add3A_992], %add3A_1351 : memref<64x128xf32, #tpu.memory_space<vmem>>[vector<16xi32>, vector<16xi32>], vector<16xf32>,
        %mul3A_1356 = arith.constant 8.000000e+00 : f32
        %mul3A_1357 = vector.broadcast %mul3A_1356 : f32 to vector<16xf32>
        %mul3A_1358 = arith.mulf %gather3A_1177, %mul3A_1357 : vector<16xf32>
        %add3A_1359 = arith.addf %mul3A_1358, %gather3A_1191 : vector<16xf32>
        %scatter3A_1360 = arith.constant 0 : i32
        %scatter3A_1361 = arith.constant 0 : i32
        %scatter3A_1362 = tpu.memref_slice %arg11[%scan3A_1094, %scatter3A_1360, %scatter3A_1361] : memref<4x64x128xf32, #tpu.memory_space<vmem>> -> memref<1x64x128xf32, #tpu.memory_space<vmem>>
        %scatter3A_1363 = tpu.memref_squeeze %scatter3A_1362 : memref<1x64x128xf32, #tpu.memory_space<vmem>> -> memref<64x128xf32, #tpu.memory_space<vmem>>
        tpu.vector_store_idx %scatter3A_1363[%and3A_1141, %add3A_1002], %add3A_1359 : memref<64x128xf32, #tpu.memory_space<vmem>>[vector<16xi32>, vector<16xi32>], vector<16xf32>,
        %mul3A_1364 = arith.constant 8.000000e+00 : f32
        %mul3A_1365 = vector.broadcast %mul3A_1364 : f32 to vector<16xf32>
        %mul3A_1366 = arith.mulf %gather3A_1183, %mul3A_1365 : vector<16xf32>
        %add3A_1367 = arith.addf %mul3A_1366, %gather3A_1191 : vector<16xf32>
        %scatter3A_1368 = arith.constant 0 : i32
        %scatter3A_1369 = arith.constant 0 : i32
        %scatter3A_1370 = tpu.memref_slice %arg11[%scan3A_1094, %scatter3A_1368, %scatter3A_1369] : memref<4x64x128xf32, #tpu.memory_space<vmem>> -> memref<1x64x128xf32, #tpu.memory_space<vmem>>
        %scatter3A_1371 = tpu.memref_squeeze %scatter3A_1370 : memref<1x64x128xf32, #tpu.memory_space<vmem>> -> memref<64x128xf32, #tpu.memory_space<vmem>>
        tpu.vector_store_idx %scatter3A_1371[%and3A_1141, %add3A_1012], %add3A_1367 : memref<64x128xf32, #tpu.memory_space<vmem>>[vector<16xi32>, vector<16xi32>], vector<16xf32>,
        %mul3A_1372 = arith.constant 8.000000e+00 : f32
        %mul3A_1373 = vector.broadcast %mul3A_1372 : f32 to vector<16xf32>
        %mul3A_1374 = arith.mulf %gather3A_1189, %mul3A_1373 : vector<16xf32>
        %add3A_1375 = arith.addf %mul3A_1374, %gather3A_1191 : vector<16xf32>
        %scatter3A_1376 = arith.constant 0 : i32
        %scatter3A_1377 = arith.constant 0 : i32
        %scatter3A_1378 = tpu.memref_slice %arg11[%scan3A_1094, %scatter3A_1376, %scatter3A_1377] : memref<4x64x128xf32, #tpu.memory_space<vmem>> -> memref<1x64x128xf32, #tpu.memory_space<vmem>>
        %scatter3A_1379 = tpu.memref_squeeze %scatter3A_1378 : memref<1x64x128xf32, #tpu.memory_space<vmem>> -> memref<64x128xf32, #tpu.memory_space<vmem>>
        tpu.vector_store_idx %scatter3A_1379[%and3A_1141, %add3A_1022], %add3A_1375 : memref<64x128xf32, #tpu.memory_space<vmem>>[vector<16xi32>, vector<16xi32>], vector<16xf32>,
        %scan3A_1380 = arith.constant 2 : i32
        %scan3A_1381 = arith.addi %scan3A_1123, %scan3A_1380 : i32
        %add3A_1382 = arith.constant 1 : i32
        %add3A_1383 = arith.addi %scan3A_1381, %add3A_1382 : i32
        %min3A_1384 = arith.constant 63 : i32
        %min3A_1385 = arith.minsi %add3A_1383, %min3A_1384 : i32
        %add3A_1386 = vector.broadcast %min3A_1385 : i32 to vector<16xi32>
        %add3A_1387 = arith.addi %add3A_1386, %iota3A : vector<16xi32>
        %and3A_1388 = arith.constant 63 : i32
        %and3A_1389 = vector.broadcast %and3A_1388 : i32 to vector<16xi32>
        %and3A_1390 = arith.andi %add3A_1387, %and3A_1389 : vector<16xi32>
        %add3A_1391 = arith.addi %mul3A_955, %and3A_1390 : vector<16xi32>
        %gather3A_1392 = arith.constant 0 : i32
        %gather3A_1393 = arith.constant 0 : i32
        %gather3A_1394 = tpu.memref_slice %arg10[%scan3A_1093, %gather3A_1392, %gather3A_1393] : memref<4x128x128xf32, #tpu.memory_space<vmem>> -> memref<1x128x128xf32, #tpu.memory_space<vmem>>
        %gather3A_1395 = tpu.memref_squeeze %gather3A_1394 : memref<1x128x128xf32, #tpu.memory_space<vmem>> -> memref<128x128xf32, #tpu.memory_space<vmem>>
        %gather3A_1396 = tpu.vector_load_idx %gather3A_1395[%add3A_952, %add3A_1391] : memref<128x128xf32, #tpu.memory_space<vmem>>[vector<16xi32>, vector<16xi32>], vector<16xf32>,
        %add3A_1397 = arith.addi %mul3A_965, %and3A_1390 : vector<16xi32>
        %gather3A_1398 = arith.constant 0 : i32
        %gather3A_1399 = arith.constant 0 : i32
        %gather3A_1400 = tpu.memref_slice %arg10[%scan3A_1093, %gather3A_1398, %gather3A_1399] : memref<4x128x128xf32, #tpu.memory_space<vmem>> -> memref<1x128x128xf32, #tpu.memory_space<vmem>>
        %gather3A_1401 = tpu.memref_squeeze %gather3A_1400 : memref<1x128x128xf32, #tpu.memory_space<vmem>> -> memref<128x128xf32, #tpu.memory_space<vmem>>
        %gather3A_1402 = tpu.vector_load_idx %gather3A_1401[%add3A_962, %add3A_1397] : memref<128x128xf32, #tpu.memory_space<vmem>>[vector<16xi32>, vector<16xi32>], vector<16xf32>,
        %add3A_1403 = arith.addi %mul3A_975, %and3A_1390 : vector<16xi32>
        %gather3A_1404 = arith.constant 0 : i32
        %gather3A_1405 = arith.constant 0 : i32
        %gather3A_1406 = tpu.memref_slice %arg10[%scan3A_1093, %gather3A_1404, %gather3A_1405] : memref<4x128x128xf32, #tpu.memory_space<vmem>> -> memref<1x128x128xf32, #tpu.memory_space<vmem>>
        %gather3A_1407 = tpu.memref_squeeze %gather3A_1406 : memref<1x128x128xf32, #tpu.memory_space<vmem>> -> memref<128x128xf32, #tpu.memory_space<vmem>>
        %gather3A_1408 = tpu.vector_load_idx %gather3A_1407[%add3A_972, %add3A_1403] : memref<128x128xf32, #tpu.memory_space<vmem>>[vector<16xi32>, vector<16xi32>], vector<16xf32>,
        %add3A_1409 = arith.addi %mul3A_985, %and3A_1390 : vector<16xi32>
        %gather3A_1410 = arith.constant 0 : i32
        %gather3A_1411 = arith.constant 0 : i32
        %gather3A_1412 = tpu.memref_slice %arg10[%scan3A_1093, %gather3A_1410, %gather3A_1411] : memref<4x128x128xf32, #tpu.memory_space<vmem>> -> memref<1x128x128xf32, #tpu.memory_space<vmem>>
        %gather3A_1413 = tpu.memref_squeeze %gather3A_1412 : memref<1x128x128xf32, #tpu.memory_space<vmem>> -> memref<128x128xf32, #tpu.memory_space<vmem>>
        %gather3A_1414 = tpu.vector_load_idx %gather3A_1413[%add3A_982, %add3A_1409] : memref<128x128xf32, #tpu.memory_space<vmem>>[vector<16xi32>, vector<16xi32>], vector<16xf32>,
        %add3A_1415 = arith.addi %mul3A_995, %and3A_1390 : vector<16xi32>
        %gather3A_1416 = arith.constant 0 : i32
        %gather3A_1417 = arith.constant 0 : i32
        %gather3A_1418 = tpu.memref_slice %arg10[%scan3A_1093, %gather3A_1416, %gather3A_1417] : memref<4x128x128xf32, #tpu.memory_space<vmem>> -> memref<1x128x128xf32, #tpu.memory_space<vmem>>
        %gather3A_1419 = tpu.memref_squeeze %gather3A_1418 : memref<1x128x128xf32, #tpu.memory_space<vmem>> -> memref<128x128xf32, #tpu.memory_space<vmem>>
        %gather3A_1420 = tpu.vector_load_idx %gather3A_1419[%add3A_992, %add3A_1415] : memref<128x128xf32, #tpu.memory_space<vmem>>[vector<16xi32>, vector<16xi32>], vector<16xf32>,
        %add3A_1421 = arith.addi %mul3A_1005, %and3A_1390 : vector<16xi32>
        %gather3A_1422 = arith.constant 0 : i32
        %gather3A_1423 = arith.constant 0 : i32
        %gather3A_1424 = tpu.memref_slice %arg10[%scan3A_1093, %gather3A_1422, %gather3A_1423] : memref<4x128x128xf32, #tpu.memory_space<vmem>> -> memref<1x128x128xf32, #tpu.memory_space<vmem>>
        %gather3A_1425 = tpu.memref_squeeze %gather3A_1424 : memref<1x128x128xf32, #tpu.memory_space<vmem>> -> memref<128x128xf32, #tpu.memory_space<vmem>>
        %gather3A_1426 = tpu.vector_load_idx %gather3A_1425[%add3A_1002, %add3A_1421] : memref<128x128xf32, #tpu.memory_space<vmem>>[vector<16xi32>, vector<16xi32>], vector<16xf32>,
        %add3A_1427 = arith.addi %mul3A_1015, %and3A_1390 : vector<16xi32>
        %gather3A_1428 = arith.constant 0 : i32
        %gather3A_1429 = arith.constant 0 : i32
        %gather3A_1430 = tpu.memref_slice %arg10[%scan3A_1093, %gather3A_1428, %gather3A_1429] : memref<4x128x128xf32, #tpu.memory_space<vmem>> -> memref<1x128x128xf32, #tpu.memory_space<vmem>>
        %gather3A_1431 = tpu.memref_squeeze %gather3A_1430 : memref<1x128x128xf32, #tpu.memory_space<vmem>> -> memref<128x128xf32, #tpu.memory_space<vmem>>
        %gather3A_1432 = tpu.vector_load_idx %gather3A_1431[%add3A_1012, %add3A_1427] : memref<128x128xf32, #tpu.memory_space<vmem>>[vector<16xi32>, vector<16xi32>], vector<16xf32>,
        %add3A_1433 = arith.addi %mul3A_1025, %and3A_1390 : vector<16xi32>
        %gather3A_1434 = arith.constant 0 : i32
        %gather3A_1435 = arith.constant 0 : i32
        %gather3A_1436 = tpu.memref_slice %arg10[%scan3A_1093, %gather3A_1434, %gather3A_1435] : memref<4x128x128xf32, #tpu.memory_space<vmem>> -> memref<1x128x128xf32, #tpu.memory_space<vmem>>
        %gather3A_1437 = tpu.memref_squeeze %gather3A_1436 : memref<1x128x128xf32, #tpu.memory_space<vmem>> -> memref<128x128xf32, #tpu.memory_space<vmem>>
        %gather3A_1438 = tpu.vector_load_idx %gather3A_1437[%add3A_1022, %add3A_1433] : memref<128x128xf32, #tpu.memory_space<vmem>>[vector<16xi32>, vector<16xi32>], vector<16xf32>,
        %add3A_1439 = arith.addi %broadcast_in_dim3A_1028, %and3A_1390 : vector<16xi32>
        %gather3A_1440 = tpu.vector_load_idx %arg7[%add3A_1439] : memref<12800xf32, #tpu.memory_space<vmem>>[vector<16xi32>], vector<16xf32>,
        %mul3A_1441 = arith.constant 8.000000e+00 : f32
        %mul3A_1442 = vector.broadcast %mul3A_1441 : f32 to vector<16xf32>
        %mul3A_1443 = arith.mulf %gather3A_1271, %mul3A_1442 : vector<16xf32>
        %add3A_1444 = arith.addf %mul3A_1443, %gather3A_1315 : vector<16xf32>
        %scatter3A_1445 = arith.constant 0 : i32
        %scatter3A_1446 = arith.constant 0 : i32
        %scatter3A_1447 = tpu.memref_slice %arg11[%scan3A_1094, %scatter3A_1445, %scatter3A_1446] : memref<4x64x128xf32, #tpu.memory_space<vmem>> -> memref<1x64x128xf32, #tpu.memory_space<vmem>>
        %scatter3A_1448 = tpu.memref_squeeze %scatter3A_1447 : memref<1x64x128xf32, #tpu.memory_space<vmem>> -> memref<64x128xf32, #tpu.memory_space<vmem>>
        tpu.vector_store_idx %scatter3A_1448[%and3A_1265, %add3A_952], %add3A_1444 : memref<64x128xf32, #tpu.memory_space<vmem>>[vector<16xi32>, vector<16xi32>], vector<16xf32>,
        %mul3A_1449 = arith.constant 8.000000e+00 : f32
        %mul3A_1450 = vector.broadcast %mul3A_1449 : f32 to vector<16xf32>
        %mul3A_1451 = arith.mulf %gather3A_1277, %mul3A_1450 : vector<16xf32>
        %add3A_1452 = arith.addf %mul3A_1451, %gather3A_1315 : vector<16xf32>
        %scatter3A_1453 = arith.constant 0 : i32
        %scatter3A_1454 = arith.constant 0 : i32
        %scatter3A_1455 = tpu.memref_slice %arg11[%scan3A_1094, %scatter3A_1453, %scatter3A_1454] : memref<4x64x128xf32, #tpu.memory_space<vmem>> -> memref<1x64x128xf32, #tpu.memory_space<vmem>>
        %scatter3A_1456 = tpu.memref_squeeze %scatter3A_1455 : memref<1x64x128xf32, #tpu.memory_space<vmem>> -> memref<64x128xf32, #tpu.memory_space<vmem>>
        tpu.vector_store_idx %scatter3A_1456[%and3A_1265, %add3A_962], %add3A_1452 : memref<64x128xf32, #tpu.memory_space<vmem>>[vector<16xi32>, vector<16xi32>], vector<16xf32>,
        %mul3A_1457 = arith.constant 8.000000e+00 : f32
        %mul3A_1458 = vector.broadcast %mul3A_1457 : f32 to vector<16xf32>
        %mul3A_1459 = arith.mulf %gather3A_1283, %mul3A_1458 : vector<16xf32>
        %add3A_1460 = arith.addf %mul3A_1459, %gather3A_1315 : vector<16xf32>
        %scatter3A_1461 = arith.constant 0 : i32
        %scatter3A_1462 = arith.constant 0 : i32
        %scatter3A_1463 = tpu.memref_slice %arg11[%scan3A_1094, %scatter3A_1461, %scatter3A_1462] : memref<4x64x128xf32, #tpu.memory_space<vmem>> -> memref<1x64x128xf32, #tpu.memory_space<vmem>>
        %scatter3A_1464 = tpu.memref_squeeze %scatter3A_1463 : memref<1x64x128xf32, #tpu.memory_space<vmem>> -> memref<64x128xf32, #tpu.memory_space<vmem>>
        tpu.vector_store_idx %scatter3A_1464[%and3A_1265, %add3A_972], %add3A_1460 : memref<64x128xf32, #tpu.memory_space<vmem>>[vector<16xi32>, vector<16xi32>], vector<16xf32>,
        %mul3A_1465 = arith.constant 8.000000e+00 : f32
        %mul3A_1466 = vector.broadcast %mul3A_1465 : f32 to vector<16xf32>
        %mul3A_1467 = arith.mulf %gather3A_1289, %mul3A_1466 : vector<16xf32>
        %add3A_1468 = arith.addf %mul3A_1467, %gather3A_1315 : vector<16xf32>
        %scatter3A_1469 = arith.constant 0 : i32
        %scatter3A_1470 = arith.constant 0 : i32
        %scatter3A_1471 = tpu.memref_slice %arg11[%scan3A_1094, %scatter3A_1469, %scatter3A_1470] : memref<4x64x128xf32, #tpu.memory_space<vmem>> -> memref<1x64x128xf32, #tpu.memory_space<vmem>>
        %scatter3A_1472 = tpu.memref_squeeze %scatter3A_1471 : memref<1x64x128xf32, #tpu.memory_space<vmem>> -> memref<64x128xf32, #tpu.memory_space<vmem>>
        tpu.vector_store_idx %scatter3A_1472[%and3A_1265, %add3A_982], %add3A_1468 : memref<64x128xf32, #tpu.memory_space<vmem>>[vector<16xi32>, vector<16xi32>], vector<16xf32>,
        %mul3A_1473 = arith.constant 8.000000e+00 : f32
        %mul3A_1474 = vector.broadcast %mul3A_1473 : f32 to vector<16xf32>
        %mul3A_1475 = arith.mulf %gather3A_1295, %mul3A_1474 : vector<16xf32>
        %add3A_1476 = arith.addf %mul3A_1475, %gather3A_1315 : vector<16xf32>
        %scatter3A_1477 = arith.constant 0 : i32
        %scatter3A_1478 = arith.constant 0 : i32
        %scatter3A_1479 = tpu.memref_slice %arg11[%scan3A_1094, %scatter3A_1477, %scatter3A_1478] : memref<4x64x128xf32, #tpu.memory_space<vmem>> -> memref<1x64x128xf32, #tpu.memory_space<vmem>>
        %scatter3A_1480 = tpu.memref_squeeze %scatter3A_1479 : memref<1x64x128xf32, #tpu.memory_space<vmem>> -> memref<64x128xf32, #tpu.memory_space<vmem>>
        tpu.vector_store_idx %scatter3A_1480[%and3A_1265, %add3A_992], %add3A_1476 : memref<64x128xf32, #tpu.memory_space<vmem>>[vector<16xi32>, vector<16xi32>], vector<16xf32>,
        %mul3A_1481 = arith.constant 8.000000e+00 : f32
        %mul3A_1482 = vector.broadcast %mul3A_1481 : f32 to vector<16xf32>
        %mul3A_1483 = arith.mulf %gather3A_1301, %mul3A_1482 : vector<16xf32>
        %add3A_1484 = arith.addf %mul3A_1483, %gather3A_1315 : vector<16xf32>
        %scatter3A_1485 = arith.constant 0 : i32
        %scatter3A_1486 = arith.constant 0 : i32
        %scatter3A_1487 = tpu.memref_slice %arg11[%scan3A_1094, %scatter3A_1485, %scatter3A_1486] : memref<4x64x128xf32, #tpu.memory_space<vmem>> -> memref<1x64x128xf32, #tpu.memory_space<vmem>>
        %scatter3A_1488 = tpu.memref_squeeze %scatter3A_1487 : memref<1x64x128xf32, #tpu.memory_space<vmem>> -> memref<64x128xf32, #tpu.memory_space<vmem>>
        tpu.vector_store_idx %scatter3A_1488[%and3A_1265, %add3A_1002], %add3A_1484 : memref<64x128xf32, #tpu.memory_space<vmem>>[vector<16xi32>, vector<16xi32>], vector<16xf32>,
        %mul3A_1489 = arith.constant 8.000000e+00 : f32
        %mul3A_1490 = vector.broadcast %mul3A_1489 : f32 to vector<16xf32>
        %mul3A_1491 = arith.mulf %gather3A_1307, %mul3A_1490 : vector<16xf32>
        %add3A_1492 = arith.addf %mul3A_1491, %gather3A_1315 : vector<16xf32>
        %scatter3A_1493 = arith.constant 0 : i32
        %scatter3A_1494 = arith.constant 0 : i32
        %scatter3A_1495 = tpu.memref_slice %arg11[%scan3A_1094, %scatter3A_1493, %scatter3A_1494] : memref<4x64x128xf32, #tpu.memory_space<vmem>> -> memref<1x64x128xf32, #tpu.memory_space<vmem>>
        %scatter3A_1496 = tpu.memref_squeeze %scatter3A_1495 : memref<1x64x128xf32, #tpu.memory_space<vmem>> -> memref<64x128xf32, #tpu.memory_space<vmem>>
        tpu.vector_store_idx %scatter3A_1496[%and3A_1265, %add3A_1012], %add3A_1492 : memref<64x128xf32, #tpu.memory_space<vmem>>[vector<16xi32>, vector<16xi32>], vector<16xf32>,
        %mul3A_1497 = arith.constant 8.000000e+00 : f32
        %mul3A_1498 = vector.broadcast %mul3A_1497 : f32 to vector<16xf32>
        %mul3A_1499 = arith.mulf %gather3A_1313, %mul3A_1498 : vector<16xf32>
        %add3A_1500 = arith.addf %mul3A_1499, %gather3A_1315 : vector<16xf32>
        %scatter3A_1501 = arith.constant 0 : i32
        %scatter3A_1502 = arith.constant 0 : i32
        %scatter3A_1503 = tpu.memref_slice %arg11[%scan3A_1094, %scatter3A_1501, %scatter3A_1502] : memref<4x64x128xf32, #tpu.memory_space<vmem>> -> memref<1x64x128xf32, #tpu.memory_space<vmem>>
        %scatter3A_1504 = tpu.memref_squeeze %scatter3A_1503 : memref<1x64x128xf32, #tpu.memory_space<vmem>> -> memref<64x128xf32, #tpu.memory_space<vmem>>
        tpu.vector_store_idx %scatter3A_1504[%and3A_1265, %add3A_1022], %add3A_1500 : memref<64x128xf32, #tpu.memory_space<vmem>>[vector<16xi32>, vector<16xi32>], vector<16xf32>,
        %scan3A_1505 = arith.constant 3 : i32
        %scan3A_1506 = arith.addi %scan3A_1123, %scan3A_1505 : i32
        %add3A_1507 = arith.constant 1 : i32
        %add3A_1508 = arith.addi %scan3A_1506, %add3A_1507 : i32
        %min3A_1509 = arith.constant 63 : i32
        %min3A_1510 = arith.minsi %add3A_1508, %min3A_1509 : i32
        %add3A_1511 = vector.broadcast %min3A_1510 : i32 to vector<16xi32>
        %add3A_1512 = arith.addi %add3A_1511, %iota3A : vector<16xi32>
        %and3A_1513 = arith.constant 63 : i32
        %and3A_1514 = vector.broadcast %and3A_1513 : i32 to vector<16xi32>
        %and3A_1515 = arith.andi %add3A_1512, %and3A_1514 : vector<16xi32>
        %add3A_1516 = arith.addi %mul3A_955, %and3A_1515 : vector<16xi32>
        %gather3A_1517 = arith.constant 0 : i32
        %gather3A_1518 = arith.constant 0 : i32
        %gather3A_1519 = tpu.memref_slice %arg10[%scan3A_1093, %gather3A_1517, %gather3A_1518] : memref<4x128x128xf32, #tpu.memory_space<vmem>> -> memref<1x128x128xf32, #tpu.memory_space<vmem>>
        %gather3A_1520 = tpu.memref_squeeze %gather3A_1519 : memref<1x128x128xf32, #tpu.memory_space<vmem>> -> memref<128x128xf32, #tpu.memory_space<vmem>>
        %gather3A_1521 = tpu.vector_load_idx %gather3A_1520[%add3A_952, %add3A_1516] : memref<128x128xf32, #tpu.memory_space<vmem>>[vector<16xi32>, vector<16xi32>], vector<16xf32>,
        %add3A_1522 = arith.addi %mul3A_965, %and3A_1515 : vector<16xi32>
        %gather3A_1523 = arith.constant 0 : i32
        %gather3A_1524 = arith.constant 0 : i32
        %gather3A_1525 = tpu.memref_slice %arg10[%scan3A_1093, %gather3A_1523, %gather3A_1524] : memref<4x128x128xf32, #tpu.memory_space<vmem>> -> memref<1x128x128xf32, #tpu.memory_space<vmem>>
        %gather3A_1526 = tpu.memref_squeeze %gather3A_1525 : memref<1x128x128xf32, #tpu.memory_space<vmem>> -> memref<128x128xf32, #tpu.memory_space<vmem>>
        %gather3A_1527 = tpu.vector_load_idx %gather3A_1526[%add3A_962, %add3A_1522] : memref<128x128xf32, #tpu.memory_space<vmem>>[vector<16xi32>, vector<16xi32>], vector<16xf32>,
        %add3A_1528 = arith.addi %mul3A_975, %and3A_1515 : vector<16xi32>
        %gather3A_1529 = arith.constant 0 : i32
        %gather3A_1530 = arith.constant 0 : i32
        %gather3A_1531 = tpu.memref_slice %arg10[%scan3A_1093, %gather3A_1529, %gather3A_1530] : memref<4x128x128xf32, #tpu.memory_space<vmem>> -> memref<1x128x128xf32, #tpu.memory_space<vmem>>
        %gather3A_1532 = tpu.memref_squeeze %gather3A_1531 : memref<1x128x128xf32, #tpu.memory_space<vmem>> -> memref<128x128xf32, #tpu.memory_space<vmem>>
        %gather3A_1533 = tpu.vector_load_idx %gather3A_1532[%add3A_972, %add3A_1528] : memref<128x128xf32, #tpu.memory_space<vmem>>[vector<16xi32>, vector<16xi32>], vector<16xf32>,
        %add3A_1534 = arith.addi %mul3A_985, %and3A_1515 : vector<16xi32>
        %gather3A_1535 = arith.constant 0 : i32
        %gather3A_1536 = arith.constant 0 : i32
        %gather3A_1537 = tpu.memref_slice %arg10[%scan3A_1093, %gather3A_1535, %gather3A_1536] : memref<4x128x128xf32, #tpu.memory_space<vmem>> -> memref<1x128x128xf32, #tpu.memory_space<vmem>>
        %gather3A_1538 = tpu.memref_squeeze %gather3A_1537 : memref<1x128x128xf32, #tpu.memory_space<vmem>> -> memref<128x128xf32, #tpu.memory_space<vmem>>
        %gather3A_1539 = tpu.vector_load_idx %gather3A_1538[%add3A_982, %add3A_1534] : memref<128x128xf32, #tpu.memory_space<vmem>>[vector<16xi32>, vector<16xi32>], vector<16xf32>,
        %add3A_1540 = arith.addi %mul3A_995, %and3A_1515 : vector<16xi32>
        %gather3A_1541 = arith.constant 0 : i32
        %gather3A_1542 = arith.constant 0 : i32
        %gather3A_1543 = tpu.memref_slice %arg10[%scan3A_1093, %gather3A_1541, %gather3A_1542] : memref<4x128x128xf32, #tpu.memory_space<vmem>> -> memref<1x128x128xf32, #tpu.memory_space<vmem>>
        %gather3A_1544 = tpu.memref_squeeze %gather3A_1543 : memref<1x128x128xf32, #tpu.memory_space<vmem>> -> memref<128x128xf32, #tpu.memory_space<vmem>>
        %gather3A_1545 = tpu.vector_load_idx %gather3A_1544[%add3A_992, %add3A_1540] : memref<128x128xf32, #tpu.memory_space<vmem>>[vector<16xi32>, vector<16xi32>], vector<16xf32>,
        %add3A_1546 = arith.addi %mul3A_1005, %and3A_1515 : vector<16xi32>
        %gather3A_1547 = arith.constant 0 : i32
        %gather3A_1548 = arith.constant 0 : i32
        %gather3A_1549 = tpu.memref_slice %arg10[%scan3A_1093, %gather3A_1547, %gather3A_1548] : memref<4x128x128xf32, #tpu.memory_space<vmem>> -> memref<1x128x128xf32, #tpu.memory_space<vmem>>
        %gather3A_1550 = tpu.memref_squeeze %gather3A_1549 : memref<1x128x128xf32, #tpu.memory_space<vmem>> -> memref<128x128xf32, #tpu.memory_space<vmem>>
        %gather3A_1551 = tpu.vector_load_idx %gather3A_1550[%add3A_1002, %add3A_1546] : memref<128x128xf32, #tpu.memory_space<vmem>>[vector<16xi32>, vector<16xi32>], vector<16xf32>,
        %add3A_1552 = arith.addi %mul3A_1015, %and3A_1515 : vector<16xi32>
        %gather3A_1553 = arith.constant 0 : i32
        %gather3A_1554 = arith.constant 0 : i32
        %gather3A_1555 = tpu.memref_slice %arg10[%scan3A_1093, %gather3A_1553, %gather3A_1554] : memref<4x128x128xf32, #tpu.memory_space<vmem>> -> memref<1x128x128xf32, #tpu.memory_space<vmem>>
        %gather3A_1556 = tpu.memref_squeeze %gather3A_1555 : memref<1x128x128xf32, #tpu.memory_space<vmem>> -> memref<128x128xf32, #tpu.memory_space<vmem>>
        %gather3A_1557 = tpu.vector_load_idx %gather3A_1556[%add3A_1012, %add3A_1552] : memref<128x128xf32, #tpu.memory_space<vmem>>[vector<16xi32>, vector<16xi32>], vector<16xf32>,
        %add3A_1558 = arith.addi %mul3A_1025, %and3A_1515 : vector<16xi32>
        %gather3A_1559 = arith.constant 0 : i32
        %gather3A_1560 = arith.constant 0 : i32
        %gather3A_1561 = tpu.memref_slice %arg10[%scan3A_1093, %gather3A_1559, %gather3A_1560] : memref<4x128x128xf32, #tpu.memory_space<vmem>> -> memref<1x128x128xf32, #tpu.memory_space<vmem>>
        %gather3A_1562 = tpu.memref_squeeze %gather3A_1561 : memref<1x128x128xf32, #tpu.memory_space<vmem>> -> memref<128x128xf32, #tpu.memory_space<vmem>>
        %gather3A_1563 = tpu.vector_load_idx %gather3A_1562[%add3A_1022, %add3A_1558] : memref<128x128xf32, #tpu.memory_space<vmem>>[vector<16xi32>, vector<16xi32>], vector<16xf32>,
        %add3A_1564 = arith.addi %broadcast_in_dim3A_1028, %and3A_1515 : vector<16xi32>
        %gather3A_1565 = tpu.vector_load_idx %arg7[%add3A_1564] : memref<12800xf32, #tpu.memory_space<vmem>>[vector<16xi32>], vector<16xf32>,
        %mul3A_1566 = arith.constant 8.000000e+00 : f32
        %mul3A_1567 = vector.broadcast %mul3A_1566 : f32 to vector<16xf32>
        %mul3A_1568 = arith.mulf %gather3A_1396, %mul3A_1567 : vector<16xf32>
        %add3A_1569 = arith.addf %mul3A_1568, %gather3A_1440 : vector<16xf32>
        %scatter3A_1570 = arith.constant 0 : i32
        %scatter3A_1571 = arith.constant 0 : i32
        %scatter3A_1572 = tpu.memref_slice %arg11[%scan3A_1094, %scatter3A_1570, %scatter3A_1571] : memref<4x64x128xf32, #tpu.memory_space<vmem>> -> memref<1x64x128xf32, #tpu.memory_space<vmem>>
        %scatter3A_1573 = tpu.memref_squeeze %scatter3A_1572 : memref<1x64x128xf32, #tpu.memory_space<vmem>> -> memref<64x128xf32, #tpu.memory_space<vmem>>
        tpu.vector_store_idx %scatter3A_1573[%and3A_1390, %add3A_952], %add3A_1569 : memref<64x128xf32, #tpu.memory_space<vmem>>[vector<16xi32>, vector<16xi32>], vector<16xf32>,
        %mul3A_1574 = arith.constant 8.000000e+00 : f32
        %mul3A_1575 = vector.broadcast %mul3A_1574 : f32 to vector<16xf32>
        %mul3A_1576 = arith.mulf %gather3A_1402, %mul3A_1575 : vector<16xf32>
        %add3A_1577 = arith.addf %mul3A_1576, %gather3A_1440 : vector<16xf32>
        %scatter3A_1578 = arith.constant 0 : i32
        %scatter3A_1579 = arith.constant 0 : i32
        %scatter3A_1580 = tpu.memref_slice %arg11[%scan3A_1094, %scatter3A_1578, %scatter3A_1579] : memref<4x64x128xf32, #tpu.memory_space<vmem>> -> memref<1x64x128xf32, #tpu.memory_space<vmem>>
        %scatter3A_1581 = tpu.memref_squeeze %scatter3A_1580 : memref<1x64x128xf32, #tpu.memory_space<vmem>> -> memref<64x128xf32, #tpu.memory_space<vmem>>
        tpu.vector_store_idx %scatter3A_1581[%and3A_1390, %add3A_962], %add3A_1577 : memref<64x128xf32, #tpu.memory_space<vmem>>[vector<16xi32>, vector<16xi32>], vector<16xf32>,
        %mul3A_1582 = arith.constant 8.000000e+00 : f32
        %mul3A_1583 = vector.broadcast %mul3A_1582 : f32 to vector<16xf32>
        %mul3A_1584 = arith.mulf %gather3A_1408, %mul3A_1583 : vector<16xf32>
        %add3A_1585 = arith.addf %mul3A_1584, %gather3A_1440 : vector<16xf32>
        %scatter3A_1586 = arith.constant 0 : i32
        %scatter3A_1587 = arith.constant 0 : i32
        %scatter3A_1588 = tpu.memref_slice %arg11[%scan3A_1094, %scatter3A_1586, %scatter3A_1587] : memref<4x64x128xf32, #tpu.memory_space<vmem>> -> memref<1x64x128xf32, #tpu.memory_space<vmem>>
        %scatter3A_1589 = tpu.memref_squeeze %scatter3A_1588 : memref<1x64x128xf32, #tpu.memory_space<vmem>> -> memref<64x128xf32, #tpu.memory_space<vmem>>
        tpu.vector_store_idx %scatter3A_1589[%and3A_1390, %add3A_972], %add3A_1585 : memref<64x128xf32, #tpu.memory_space<vmem>>[vector<16xi32>, vector<16xi32>], vector<16xf32>,
        %mul3A_1590 = arith.constant 8.000000e+00 : f32
        %mul3A_1591 = vector.broadcast %mul3A_1590 : f32 to vector<16xf32>
        %mul3A_1592 = arith.mulf %gather3A_1414, %mul3A_1591 : vector<16xf32>
        %add3A_1593 = arith.addf %mul3A_1592, %gather3A_1440 : vector<16xf32>
        %scatter3A_1594 = arith.constant 0 : i32
        %scatter3A_1595 = arith.constant 0 : i32
        %scatter3A_1596 = tpu.memref_slice %arg11[%scan3A_1094, %scatter3A_1594, %scatter3A_1595] : memref<4x64x128xf32, #tpu.memory_space<vmem>> -> memref<1x64x128xf32, #tpu.memory_space<vmem>>
        %scatter3A_1597 = tpu.memref_squeeze %scatter3A_1596 : memref<1x64x128xf32, #tpu.memory_space<vmem>> -> memref<64x128xf32, #tpu.memory_space<vmem>>
        tpu.vector_store_idx %scatter3A_1597[%and3A_1390, %add3A_982], %add3A_1593 : memref<64x128xf32, #tpu.memory_space<vmem>>[vector<16xi32>, vector<16xi32>], vector<16xf32>,
        %mul3A_1598 = arith.constant 8.000000e+00 : f32
        %mul3A_1599 = vector.broadcast %mul3A_1598 : f32 to vector<16xf32>
        %mul3A_1600 = arith.mulf %gather3A_1420, %mul3A_1599 : vector<16xf32>
        %add3A_1601 = arith.addf %mul3A_1600, %gather3A_1440 : vector<16xf32>
        %scatter3A_1602 = arith.constant 0 : i32
        %scatter3A_1603 = arith.constant 0 : i32
        %scatter3A_1604 = tpu.memref_slice %arg11[%scan3A_1094, %scatter3A_1602, %scatter3A_1603] : memref<4x64x128xf32, #tpu.memory_space<vmem>> -> memref<1x64x128xf32, #tpu.memory_space<vmem>>
        %scatter3A_1605 = tpu.memref_squeeze %scatter3A_1604 : memref<1x64x128xf32, #tpu.memory_space<vmem>> -> memref<64x128xf32, #tpu.memory_space<vmem>>
        tpu.vector_store_idx %scatter3A_1605[%and3A_1390, %add3A_992], %add3A_1601 : memref<64x128xf32, #tpu.memory_space<vmem>>[vector<16xi32>, vector<16xi32>], vector<16xf32>,
        %mul3A_1606 = arith.constant 8.000000e+00 : f32
        %mul3A_1607 = vector.broadcast %mul3A_1606 : f32 to vector<16xf32>
        %mul3A_1608 = arith.mulf %gather3A_1426, %mul3A_1607 : vector<16xf32>
        %add3A_1609 = arith.addf %mul3A_1608, %gather3A_1440 : vector<16xf32>
        %scatter3A_1610 = arith.constant 0 : i32
        %scatter3A_1611 = arith.constant 0 : i32
        %scatter3A_1612 = tpu.memref_slice %arg11[%scan3A_1094, %scatter3A_1610, %scatter3A_1611] : memref<4x64x128xf32, #tpu.memory_space<vmem>> -> memref<1x64x128xf32, #tpu.memory_space<vmem>>
        %scatter3A_1613 = tpu.memref_squeeze %scatter3A_1612 : memref<1x64x128xf32, #tpu.memory_space<vmem>> -> memref<64x128xf32, #tpu.memory_space<vmem>>
        tpu.vector_store_idx %scatter3A_1613[%and3A_1390, %add3A_1002], %add3A_1609 : memref<64x128xf32, #tpu.memory_space<vmem>>[vector<16xi32>, vector<16xi32>], vector<16xf32>,
        %mul3A_1614 = arith.constant 8.000000e+00 : f32
        %mul3A_1615 = vector.broadcast %mul3A_1614 : f32 to vector<16xf32>
        %mul3A_1616 = arith.mulf %gather3A_1432, %mul3A_1615 : vector<16xf32>
        %add3A_1617 = arith.addf %mul3A_1616, %gather3A_1440 : vector<16xf32>
        %scatter3A_1618 = arith.constant 0 : i32
        %scatter3A_1619 = arith.constant 0 : i32
        %scatter3A_1620 = tpu.memref_slice %arg11[%scan3A_1094, %scatter3A_1618, %scatter3A_1619] : memref<4x64x128xf32, #tpu.memory_space<vmem>> -> memref<1x64x128xf32, #tpu.memory_space<vmem>>
        %scatter3A_1621 = tpu.memref_squeeze %scatter3A_1620 : memref<1x64x128xf32, #tpu.memory_space<vmem>> -> memref<64x128xf32, #tpu.memory_space<vmem>>
        tpu.vector_store_idx %scatter3A_1621[%and3A_1390, %add3A_1012], %add3A_1617 : memref<64x128xf32, #tpu.memory_space<vmem>>[vector<16xi32>, vector<16xi32>], vector<16xf32>,
        %mul3A_1622 = arith.constant 8.000000e+00 : f32
        %mul3A_1623 = vector.broadcast %mul3A_1622 : f32 to vector<16xf32>
        %mul3A_1624 = arith.mulf %gather3A_1438, %mul3A_1623 : vector<16xf32>
        %add3A_1625 = arith.addf %mul3A_1624, %gather3A_1440 : vector<16xf32>
        %scatter3A_1626 = arith.constant 0 : i32
        %scatter3A_1627 = arith.constant 0 : i32
        %scatter3A_1628 = tpu.memref_slice %arg11[%scan3A_1094, %scatter3A_1626, %scatter3A_1627] : memref<4x64x128xf32, #tpu.memory_space<vmem>> -> memref<1x64x128xf32, #tpu.memory_space<vmem>>
        %scatter3A_1629 = tpu.memref_squeeze %scatter3A_1628 : memref<1x64x128xf32, #tpu.memory_space<vmem>> -> memref<64x128xf32, #tpu.memory_space<vmem>>
        tpu.vector_store_idx %scatter3A_1629[%and3A_1390, %add3A_1022], %add3A_1625 : memref<64x128xf32, #tpu.memory_space<vmem>>[vector<16xi32>, vector<16xi32>], vector<16xf32>,
        scf.yield %gather3A_1521, %gather3A_1527, %gather3A_1533, %gather3A_1539, %gather3A_1545, %gather3A_1551, %gather3A_1557, %gather3A_1563, %gather3A_1565, %and3A_1515 : vector<16xf32>, vector<16xf32>, vector<16xf32>, vector<16xf32>, vector<16xf32>, vector<16xf32>, vector<16xf32>, vector<16xf32>, vector<16xf32>, vector<16xi32>
      }
      %scan3A_1100 = arith.constant 64 : i32
      %add3A_1101 = arith.constant 4 : i32
      %add3A_1102 = arith.addi %add3A_903, %add3A_1101 : i32
      %lt3A_1103 = arith.constant 200 : i32
      %lt3A_1104 = arith.cmpi slt, %add3A_1102, %lt3A_1103 : i32
      %convert_element_type3A_1105 = arith.extui %lt3A_1104 : i1 to i32
      %cond3A_1106 = arith.constant 0 : i32
      %cond3A_1107 = arith.cmpi ne, %convert_element_type3A_1105, %cond3A_1106 : i32
      scf.if %cond3A_1107 {
        %add3A_1123 = arith.constant 4 : i32
        %add3A_1124 = arith.addi %add3A_903, %add3A_1123 : i32
        %dma_start3A_1125 = arith.constant 3 : i32
        %dma_start3A_1126 = arith.constant 0 : i32
        %dma_start3A_1127 = tpu.memref_slice %arg9[%dma_start3A_1125, %dma_start3A_1126] : memref<4x128xi32, #tpu.memory_space<vmem>> -> memref<1x128xi32, #tpu.memory_space<vmem>>
        %dma_start3A_1128 = tpu.memref_squeeze %dma_start3A_1127 : memref<1x128xi32, #tpu.memory_space<vmem>> -> memref<128xi32, #tpu.memory_space<vmem>>
        %dma_start3A_1129 = tpu.memref_slice %arg3[%add3A_1124, %mul3A_2] : memref<200x4096xi32, #tpu.memory_space<hbm>> -> memref<1x128xi32, #tpu.memory_space<hbm>>
        %dma_start3A_1130 = tpu.memref_squeeze %dma_start3A_1129 : memref<1x128xi32, #tpu.memory_space<hbm>> -> memref<128xi32, #tpu.memory_space<hbm>>
        %dma_start3A_1131 = arith.constant 0 : i32
        %dma_start3A_1132 = tpu.memref_slice %arg9[%dma_start3A_1125, %dma_start3A_1131] : memref<4x128xi32, #tpu.memory_space<vmem>> -> memref<1x128xi32, #tpu.memory_space<vmem>>
        %dma_start3A_1133 = tpu.memref_squeeze %dma_start3A_1132 : memref<1x128xi32, #tpu.memory_space<vmem>> -> memref<128xi32, #tpu.memory_space<vmem>>
        %dma_start3A_1134 = tpu.memref_slice %arg3[%add3A_1124, %mul3A_2] : memref<200x4096xi32, #tpu.memory_space<hbm>> -> memref<1x128xi32, #tpu.memory_space<hbm>>
        %dma_start3A_1135 = tpu.memref_squeeze %dma_start3A_1134 : memref<1x128xi32, #tpu.memory_space<hbm>> -> memref<128xi32, #tpu.memory_space<hbm>>
        tpu.enqueue_dma source(%dma_start3A_1135 : memref<128xi32, #tpu.memory_space<hbm>>) target(%dma_start3A_1133 : memref<128xi32, #tpu.memory_space<vmem>>) target_semaphore(%arg19 : memref<!tpu.dma_semaphore, #tpu.memory_space<semaphore_mem>>)
      } else {
      }
      %dma_start3A_1108 = arith.constant 3 : i32
      %dma_start3A_1109 = arith.constant 0 : i32
      %dma_start3A_1110 = arith.constant 0 : i32
      %dma_start3A_1111 = tpu.memref_slice %arg11[%dma_start3A_1108, %dma_start3A_1109, %dma_start3A_1110] : memref<4x64x128xf32, #tpu.memory_space<vmem>> -> memref<1x64x128xf32, #tpu.memory_space<vmem>>
      %dma_start3A_1112 = tpu.memref_squeeze %dma_start3A_1111 : memref<1x64x128xf32, #tpu.memory_space<vmem>> -> memref<64x128xf32, #tpu.memory_space<vmem>>
      %dma_start3A_1113 = arith.constant 0 : i32
      %dma_start3A_1114 = tpu.memref_slice %arg6[%add3A_903, %dma_start3A_1113, %mul3A_2] : memref<200x64x4096xf32, #tpu.memory_space<hbm>> -> memref<1x64x128xf32, #tpu.memory_space<hbm>>
      %dma_start3A_1115 = tpu.memref_squeeze %dma_start3A_1114 : memref<1x64x128xf32, #tpu.memory_space<hbm>> -> memref<64x128xf32, #tpu.memory_space<hbm>>
      %dma_start3A_1116 = arith.constant 0 : i32
      %dma_start3A_1117 = tpu.memref_slice %arg6[%add3A_903, %dma_start3A_1116, %mul3A_2] : memref<200x64x4096xf32, #tpu.memory_space<hbm>> -> memref<1x64x128xf32, #tpu.memory_space<hbm>>
      %dma_start3A_1118 = tpu.memref_squeeze %dma_start3A_1117 : memref<1x64x128xf32, #tpu.memory_space<hbm>> -> memref<64x128xf32, #tpu.memory_space<hbm>>
      %dma_start3A_1119 = arith.constant 0 : i32
      %dma_start3A_1120 = arith.constant 0 : i32
      %dma_start3A_1121 = tpu.memref_slice %arg11[%dma_start3A_1108, %dma_start3A_1119, %dma_start3A_1120] : memref<4x64x128xf32, #tpu.memory_space<vmem>> -> memref<1x64x128xf32, #tpu.memory_space<vmem>>
      %dma_start3A_1122 = tpu.memref_squeeze %dma_start3A_1121 : memref<1x64x128xf32, #tpu.memory_space<vmem>> -> memref<64x128xf32, #tpu.memory_space<vmem>>
      tpu.enqueue_dma source(%dma_start3A_1122 : memref<64x128xf32, #tpu.memory_space<vmem>>) target(%dma_start3A_1118 : memref<64x128xf32, #tpu.memory_space<hbm>>) target_semaphore(%arg27 : memref<!tpu.dma_semaphore, #tpu.memory_space<semaphore_mem>>)
    }
    %scan3A_173 = arith.constant 50 : i32
    %dma_wait3A_174 = arith.constant 0 : i32
    %dma_wait3A_175 = arith.constant 196 : i32
    %dma_wait3A_176 = arith.constant 0 : i32
    %dma_wait3A_177 = arith.constant 0 : i32
    %dma_wait3A_178 = tpu.memref_slice %arg11[%dma_wait3A_174, %dma_wait3A_176, %dma_wait3A_177] : memref<4x64x128xf32, #tpu.memory_space<vmem>> -> memref<1x64x128xf32, #tpu.memory_space<vmem>>
    %dma_wait3A_179 = tpu.memref_squeeze %dma_wait3A_178 : memref<1x64x128xf32, #tpu.memory_space<vmem>> -> memref<64x128xf32, #tpu.memory_space<vmem>>
    %dma_wait3A_180 = arith.constant 0 : i32
    %dma_wait3A_181 = tpu.memref_slice %arg6[%dma_wait3A_175, %dma_wait3A_180, %mul3A_2] : memref<200x64x4096xf32, #tpu.memory_space<hbm>> -> memref<1x64x128xf32, #tpu.memory_space<hbm>>
    %dma_wait3A_182 = tpu.memref_squeeze %dma_wait3A_181 : memref<1x64x128xf32, #tpu.memory_space<hbm>> -> memref<64x128xf32, #tpu.memory_space<hbm>>
    %dma_wait3A_183 = arith.constant 0 : i32
    %dma_wait3A_184 = tpu.memref_slice %arg6[%dma_wait3A_175, %dma_wait3A_183, %mul3A_2] : memref<200x64x4096xf32, #tpu.memory_space<hbm>> -> memref<1x64x128xf32, #tpu.memory_space<hbm>>
    %dma_wait3A_185 = tpu.memref_squeeze %dma_wait3A_184 : memref<1x64x128xf32, #tpu.memory_space<hbm>> -> memref<64x128xf32, #tpu.memory_space<hbm>>
    %dma_wait3A_186 = arith.constant 0 : i32
    %dma_wait3A_187 = arith.constant 0 : i32
    %dma_wait3A_188 = tpu.memref_slice %arg11[%dma_wait3A_174, %dma_wait3A_186, %dma_wait3A_187] : memref<4x64x128xf32, #tpu.memory_space<vmem>> -> memref<1x64x128xf32, #tpu.memory_space<vmem>>
    %dma_wait3A_189 = tpu.memref_squeeze %dma_wait3A_188 : memref<1x64x128xf32, #tpu.memory_space<vmem>> -> memref<64x128xf32, #tpu.memory_space<vmem>>
    tpu.wait_dma2 semaphore(%arg24 : memref<!tpu.dma_semaphore, #tpu.memory_space<semaphore_mem>>) src(%dma_wait3A_189 : memref<64x128xf32, #tpu.memory_space<vmem>>) dst(%dma_wait3A_185 : memref<64x128xf32, #tpu.memory_space<hbm>>)
    %dma_wait3A_190 = arith.constant 1 : i32
    %dma_wait3A_191 = arith.constant 197 : i32
    %dma_wait3A_192 = arith.constant 0 : i32
    %dma_wait3A_193 = arith.constant 0 : i32
    %dma_wait3A_194 = tpu.memref_slice %arg11[%dma_wait3A_190, %dma_wait3A_192, %dma_wait3A_193] : memref<4x64x128xf32, #tpu.memory_space<vmem>> -> memref<1x64x128xf32, #tpu.memory_space<vmem>>
    %dma_wait3A_195 = tpu.memref_squeeze %dma_wait3A_194 : memref<1x64x128xf32, #tpu.memory_space<vmem>> -> memref<64x128xf32, #tpu.memory_space<vmem>>
    %dma_wait3A_196 = arith.constant 0 : i32
    %dma_wait3A_197 = tpu.memref_slice %arg6[%dma_wait3A_191, %dma_wait3A_196, %mul3A_2] : memref<200x64x4096xf32, #tpu.memory_space<hbm>> -> memref<1x64x128xf32, #tpu.memory_space<hbm>>
    %dma_wait3A_198 = tpu.memref_squeeze %dma_wait3A_197 : memref<1x64x128xf32, #tpu.memory_space<hbm>> -> memref<64x128xf32, #tpu.memory_space<hbm>>
    %dma_wait3A_199 = arith.constant 0 : i32
    %dma_wait3A_200 = tpu.memref_slice %arg6[%dma_wait3A_191, %dma_wait3A_199, %mul3A_2] : memref<200x64x4096xf32, #tpu.memory_space<hbm>> -> memref<1x64x128xf32, #tpu.memory_space<hbm>>
    %dma_wait3A_201 = tpu.memref_squeeze %dma_wait3A_200 : memref<1x64x128xf32, #tpu.memory_space<hbm>> -> memref<64x128xf32, #tpu.memory_space<hbm>>
    %dma_wait3A_202 = arith.constant 0 : i32
    %dma_wait3A_203 = arith.constant 0 : i32
    %dma_wait3A_204 = tpu.memref_slice %arg11[%dma_wait3A_190, %dma_wait3A_202, %dma_wait3A_203] : memref<4x64x128xf32, #tpu.memory_space<vmem>> -> memref<1x64x128xf32, #tpu.memory_space<vmem>>
    %dma_wait3A_205 = tpu.memref_squeeze %dma_wait3A_204 : memref<1x64x128xf32, #tpu.memory_space<vmem>> -> memref<64x128xf32, #tpu.memory_space<vmem>>
    tpu.wait_dma2 semaphore(%arg25 : memref<!tpu.dma_semaphore, #tpu.memory_space<semaphore_mem>>) src(%dma_wait3A_205 : memref<64x128xf32, #tpu.memory_space<vmem>>) dst(%dma_wait3A_201 : memref<64x128xf32, #tpu.memory_space<hbm>>)
    %dma_wait3A_206 = arith.constant 2 : i32
    %dma_wait3A_207 = arith.constant 198 : i32
    %dma_wait3A_208 = arith.constant 0 : i32
    %dma_wait3A_209 = arith.constant 0 : i32
    %dma_wait3A_210 = tpu.memref_slice %arg11[%dma_wait3A_206, %dma_wait3A_208, %dma_wait3A_209] : memref<4x64x128xf32, #tpu.memory_space<vmem>> -> memref<1x64x128xf32, #tpu.memory_space<vmem>>
    %dma_wait3A_211 = tpu.memref_squeeze %dma_wait3A_210 : memref<1x64x128xf32, #tpu.memory_space<vmem>> -> memref<64x128xf32, #tpu.memory_space<vmem>>
    %dma_wait3A_212 = arith.constant 0 : i32
    %dma_wait3A_213 = tpu.memref_slice %arg6[%dma_wait3A_207, %dma_wait3A_212, %mul3A_2] : memref<200x64x4096xf32, #tpu.memory_space<hbm>> -> memref<1x64x128xf32, #tpu.memory_space<hbm>>
    %dma_wait3A_214 = tpu.memref_squeeze %dma_wait3A_213 : memref<1x64x128xf32, #tpu.memory_space<hbm>> -> memref<64x128xf32, #tpu.memory_space<hbm>>
    %dma_wait3A_215 = arith.constant 0 : i32
    %dma_wait3A_216 = tpu.memref_slice %arg6[%dma_wait3A_207, %dma_wait3A_215, %mul3A_2] : memref<200x64x4096xf32, #tpu.memory_space<hbm>> -> memref<1x64x128xf32, #tpu.memory_space<hbm>>
    %dma_wait3A_217 = tpu.memref_squeeze %dma_wait3A_216 : memref<1x64x128xf32, #tpu.memory_space<hbm>> -> memref<64x128xf32, #tpu.memory_space<hbm>>
    %dma_wait3A_218 = arith.constant 0 : i32
    %dma_wait3A_219 = arith.constant 0 : i32
    %dma_wait3A_220 = tpu.memref_slice %arg11[%dma_wait3A_206, %dma_wait3A_218, %dma_wait3A_219] : memref<4x64x128xf32, #tpu.memory_space<vmem>> -> memref<1x64x128xf32, #tpu.memory_space<vmem>>
    %dma_wait3A_221 = tpu.memref_squeeze %dma_wait3A_220 : memref<1x64x128xf32, #tpu.memory_space<vmem>> -> memref<64x128xf32, #tpu.memory_space<vmem>>
    tpu.wait_dma2 semaphore(%arg26 : memref<!tpu.dma_semaphore, #tpu.memory_space<semaphore_mem>>) src(%dma_wait3A_221 : memref<64x128xf32, #tpu.memory_space<vmem>>) dst(%dma_wait3A_217 : memref<64x128xf32, #tpu.memory_space<hbm>>)
    %dma_wait3A_222 = arith.constant 3 : i32
    %dma_wait3A_223 = arith.constant 199 : i32
    %dma_wait3A_224 = arith.constant 0 : i32
    %dma_wait3A_225 = arith.constant 0 : i32
    %dma_wait3A_226 = tpu.memref_slice %arg11[%dma_wait3A_222, %dma_wait3A_224, %dma_wait3A_225] : memref<4x64x128xf32, #tpu.memory_space<vmem>> -> memref<1x64x128xf32, #tpu.memory_space<vmem>>
    %dma_wait3A_227 = tpu.memref_squeeze %dma_wait3A_226 : memref<1x64x128xf32, #tpu.memory_space<vmem>> -> memref<64x128xf32, #tpu.memory_space<vmem>>
    %dma_wait3A_228 = arith.constant 0 : i32
    %dma_wait3A_229 = tpu.memref_slice %arg6[%dma_wait3A_223, %dma_wait3A_228, %mul3A_2] : memref<200x64x4096xf32, #tpu.memory_space<hbm>> -> memref<1x64x128xf32, #tpu.memory_space<hbm>>
    %dma_wait3A_230 = tpu.memref_squeeze %dma_wait3A_229 : memref<1x64x128xf32, #tpu.memory_space<hbm>> -> memref<64x128xf32, #tpu.memory_space<hbm>>
    %dma_wait3A_231 = arith.constant 0 : i32
    %dma_wait3A_232 = tpu.memref_slice %arg6[%dma_wait3A_223, %dma_wait3A_231, %mul3A_2] : memref<200x64x4096xf32, #tpu.memory_space<hbm>> -> memref<1x64x128xf32, #tpu.memory_space<hbm>>
    %dma_wait3A_233 = tpu.memref_squeeze %dma_wait3A_232 : memref<1x64x128xf32, #tpu.memory_space<hbm>> -> memref<64x128xf32, #tpu.memory_space<hbm>>
    %dma_wait3A_234 = arith.constant 0 : i32
    %dma_wait3A_235 = arith.constant 0 : i32
    %dma_wait3A_236 = tpu.memref_slice %arg11[%dma_wait3A_222, %dma_wait3A_234, %dma_wait3A_235] : memref<4x64x128xf32, #tpu.memory_space<vmem>> -> memref<1x64x128xf32, #tpu.memory_space<vmem>>
    %dma_wait3A_237 = tpu.memref_squeeze %dma_wait3A_236 : memref<1x64x128xf32, #tpu.memory_space<vmem>> -> memref<64x128xf32, #tpu.memory_space<vmem>>
    tpu.wait_dma2 semaphore(%arg27 : memref<!tpu.dma_semaphore, #tpu.memory_space<semaphore_mem>>) src(%dma_wait3A_237 : memref<64x128xf32, #tpu.memory_space<vmem>>) dst(%dma_wait3A_233 : memref<64x128xf32, #tpu.memory_space<hbm>>)
    return
  }
}

</mosaic_0001>

<sc_bundles>
// kernel: kernel.3.cloned.1.call-start
scs
__scs_entry_jumppad:
0x0: {  	(pc) =	sbr.rel $0x88, $3  }
0x1: {  	(tag) =	ssettag $0x0;
	lr =	simm.s32 $0x1  }
0x2: {  	[smem:$0x3F9F] =	sst lr;
	_ =	strace $0xD0000000  }
0x3: {  	_ = 	snop  }
0x4: {  	_ = 	snop  }
0x5: {  	_ = 	snop  }
0x6: {  	_ = 	snop  }
0x7: {  	_ = 	snop  }
__scs_overlays_trampoline_lowered:
0x8: {  	[smem:$0x3FAE] =	sst s0  }
0x9: {  	[smem:$0x3FAF] =	sst s1  }
0xa: {  	[smem:$0x3FB0] =	sst s2  }
0xb: {  	[smem:$0x3FB1] =	sst s3  }
0xc: {  	[smem:$0x3FB2] =	sst s4  }
0xd: {  	[smem:$0x3FB3] =	sst s5  }
0xe: {  	[smem:$0x3FB4] =	sst s6  }
0xf: {  	[smem:$0x3FB5] =	sst s7  }
0x10: {  	[smem:$0x3FB6] =	sst s8  }
0x11: {  	[smem:$0x3FB7] =	sst s9;
	s0 =	simm.s32 @!p0 $0x0  }
0x12: {  	s1 =	sld [smem:$0x3F9D];
	s0 =	simm.s32 @p0 $0x1  }
0x13: {  	[smem:$0x3FB8] =	sst s0;
	s0 =	simm.s32 @!p1 $0x0  }
0x14: {  	s2 =	sld [smem:$0x3F9C];
	s0 =	simm.s32 @p1 $0x1  }
0x15: {  	[smem:$0x3FB9] =	sst s0;
	s0 =	simm.s32 @!p2 $0x0  }
0x16: {  	s3 =	sld [smem:$0x3FDB];
	s0 =	simm.s32 @p2 $0x1  }
0x17: {  	s4 =	simm.s32 $0x1BF5;
	[smem:$0x3FBB] =	sst s0  }
0x18: {  	s0 =	sld [smem:$0x3F9E];
	_ =	swait.ge [sflag:s4], $0x0  }
0x19: {  	s7 =	sld [smem:$0x3F9F]  }
0x1a: {  	s8 =	sadd.s32 $0xFFFFE003, lr  }
0x1b: {  	s9 =	sadd.s32 $0xFFFFFEF7, lr;
	s5 =	simm.s32 $0xFFFFFFFF;
	p2 =	slt.u32 s8, $0xFFFFF086  }
0x1c: {  	p1 =	slt.u32 s9, $0xF7A;
	s5 =	simm.s32 @!p2 $0x0  }
0x1d: {  	s5 =	simm.s32 @p1 $0x1;
	p0 =	seq.s32 s7, s2  }
0x1e: {  	s7 =	smul.u32 @!p0 $0xF7A, s2;
	p2 =	seq.s32 @!p0 s5, $0x0  }
0x1f: {  	s9 =	smul.u32 $0xF7A, s1;
	s8 =	simm.s32 @!p0 $0x1BF5;
	p2 =	por !p2, p0  }
0x20: {  	[sflag:s8] =	ssyncset.s32 @!p0 $0xFFFFF086;
	s6 =	sadd.s32 @!p0 s3, s7;
	s7 =	simm.s32 @!p0 $0x108  }
0x21: {  	s3 =	sadd.s32 s3, s9;
	s6 =	sadd.s32 @!p0 $0x88, s6;
	s7 =	simm.s32 @p2 $0x1082  }
0x22: {  	[simem:s7], [sflag:s8] =	dma.local @!p0 [hbm:s6], $0xF7A  }
0x23: {  	s9 =	sor.u32 $0xD0000000, s2;
	s6 =	simm.s32 $0x108;
	_ =	swait.ge @!p0 [sflag:s8], $0x0  }
0x24: {  	s3 =	sadd.s32 $0x88, s3;
	s6 =	simm.s32 @!p1 $0x1082;
	[sflag:s4] =	ssyncset.s32 $0xFFFFF086  }
0x25: {  	[simem:s6], [sflag:s4] =	dma.local [hbm:s3], $0xF7A  }
0x26: {  	[smem:$0x3F9F] =	sst s1;
	(tag) =	ssettag s2;
	_ =	strace s9  }
0x27: {  	s1 =	sld [smem:$0x3FAF]  }
0x28: {  	s2 =	sld [smem:$0x3FB0]  }
0x29: {  	s4 =	sld [smem:$0x3FB2]  }
0x2a: {  	p0 =	seq.s32 s5, $0x0;
	s5 =	sld [smem:$0x3FB3]  }
0x2b: {  	s6 =	sld [smem:$0x3FB4]  }
0x2c: {  	s7 =	sld [smem:$0x3FB5]  }
0x2d: {  	s3 =	simm.s32 $0x108;
	s8 =	sld [smem:$0x3FB6]  }
0x2e: {  	s3 =	simm.s32 @!p0 $0x1082;
	s9 =	sld [smem:$0x3FB7]  }
0x2f: {  	lr =	sadd.s32 s0, s3;
	s0 =	sld [smem:$0x3FAE]  }
0x30: {  	s3 =	sld [smem:$0x3FB1]  }
0x31: {  	[smem:$0x3FBA] =	sst s10  }
0x32: {  	s10 =	sld [smem:$0x3FB8];
	_ =	sdelay $0x3  }
0x33: {  	p0 =	seq.s32 s10, $0x1;
	s10 =	sld [smem:$0x3FBA];
	_ =	sdelay $0x3  }
0x34: {  	[smem:$0x3FBA] =	sst s10  }
0x35: {  	s10 =	sld [smem:$0x3FB9];
	_ =	sdelay $0x3  }
0x36: {  	p1 =	seq.s32 s10, $0x1;
	s10 =	sld [smem:$0x3FBA];
	_ =	sdelay $0x3  }
0x37: {  	[smem:$0x3FBA] =	sst s10  }
0x38: {  	s10 =	sld [smem:$0x3FBB]  }
0x39: {  	_ = 	snop;
	(pc) =	sbr.ind lr, $3  }
0x3a: {  	_ = 	snop  }
0x3b: {  	_ = 	snop  }
0x3c: {  	p2 =	seq.s32 s10, $0x1;
	s10 =	sld [smem:$0x3FBA]  }
0x3d: {  	_ =	shalt  }
0x3e: {  	_ =	shalt  }
0x3f: {  	_ =	shalt  }
0x40: {  	_ =	shalt  }
0x41: {  	_ =	shalt  }
0x42: {  	_ =	shalt  }
0x43: {  	_ =	shalt  }
0x44: {  	_ =	shalt  }
0x45: {  	_ =	shalt  }
0x46: {  	_ =	shalt  }
0x47: {  	_ =	shalt  }
0x48: {  	_ =	shalt  }
0x49: {  	_ =	shalt  }
0x4a: {  	_ =	shalt  }
0x4b: {  	_ =	shalt  }
0x4c: {  	_ =	shalt  }
0x4d: {  	_ =	shalt  }
0x4e: {  	_ =	shalt  }
0x4f: {  	_ =	shalt  }
0x50: {  	_ =	shalt  }
0x51: {  	_ =	shalt  }
0x52: {  	_ =	shalt  }
0x53: {  	_ =	shalt  }
0x54: {  	_ =	shalt  }
0x55: {  	_ =	shalt  }
0x56: {  	_ =	shalt  }
0x57: {  	_ =	shalt  }
0x58: {  	_ =	shalt  }
0x59: {  	_ =	shalt  }
0x5a: {  	_ =	shalt  }
0x5b: {  	_ =	shalt  }
0x5c: {  	_ =	shalt  }
0x5d: {  	_ =	shalt  }
0x5e: {  	_ =	shalt  }
0x5f: {  	_ =	shalt  }
0x60: {  	_ =	shalt  }
0x61: {  	_ =	shalt  }
0x62: {  	_ =	shalt  }
0x63: {  	_ =	shalt  }
0x64: {  	_ =	shalt  }
0x65: {  	_ =	shalt  }
0x66: {  	_ =	shalt  }
0x67: {  	_ =	shalt  }
0x68: {  	_ =	shalt  }
0x69: {  	_ =	shalt  }
0x6a: {  	_ =	shalt  }
0x6b: {  	_ =	shalt  }
0x6c: {  	_ =	shalt  }
0x6d: {  	_ =	shalt  }
0x6e: {  	_ =	shalt  }
0x6f: {  	_ =	shalt  }
0x70: {  	_ =	shalt  }
0x71: {  	_ =	shalt  }
0x72: {  	_ =	shalt  }
0x73: {  	_ =	shalt  }
0x74: {  	_ =	shalt  }
0x75: {  	_ =	shalt  }
0x76: {  	_ =	shalt  }
0x77: {  	_ =	shalt  }
0x78: {  	_ =	shalt  }
0x79: {  	_ =	shalt  }
0x7a: {  	_ =	shalt  }
0x7b: {  	_ =	shalt  }
0x7c: {  	_ =	shalt  }
0x7d: {  	_ =	shalt  }
0x7e: {  	_ =	shalt  }
0x7f: {  	_ =	shalt  }
0x80: {  	_ =	shalt  }
0x81: {  	_ =	shalt  }
0x82: {  	_ =	shalt  }
0x83: {  	_ =	shalt  }
0x84: {  	_ =	shalt  }
0x85: {  	_ =	shalt  }
0x86: {  	_ =	shalt  }
0x87: {  	_ =	shalt  }
.Lfunc_end0:
.L_simem_size_0:
called_computation_lowered:
.L_overlay_start_0:
0x88: {  	s2 =	sld [smem:$0x3FD9]  }
0x89: {  	s3 =	sld [smem:$0x3FFE];
	_ =	sdelay $0x1  }
0x8a: {  	s1 =	srdreg.scid  }
0x8b: {  	s0 =	sand.u32 $0x1, s1  }
0x8c: {  	s17 =	sshll.u32 s0, $0xA;
	s2 =	sadd.s32 s3, s2  }
0x8d: {  	s2 =	sadd.s32 s2, s17  }
0x8e: {  	[smem:$0x3FC6] =	sst s2  }
0x8f: {  	_ = 	snop  }
0x90: {  	s2 =	sld [smem:$0x3FD0];
	(tm) =	ssettm $0x1  }
0x91: {  	s18 =	sld [smem:$0x3FFB];
	_ =	sdelay $0x3  }
0x92: {  	_ =	strace s18  }
0x93: {  	s3 =	sld [smem:$0x3FFC];
	_ =	sdelay $0x3  }
0x94: {  	_ =	strace s3  }
0x95: {  	s3 =	sld [smem:$0x3FFD];
	_ =	sdelay $0x3  }
0x96: {  	_ =	strace s3  }
0x97: {  	_ =	strace $0x8FFFFFFF  }
0x98: {  	s19 =	sld [smem:$0x3FDB];
	_ =	sdelay $0x1  }
0x99: {  	s4 =	simm.s32 $_scs_section_size  }
0x9a: {  	s5 =	simm.s32 $_size__tile_overlayer_lowered;
	s6 =	simm.s32 $_tile_overlayer_lowered  }
0x9b: {  	s22 =	simm.s32 $0x1BFF;
	s21 =	sshll.u32 s6, $0x1;
	s3 =	sadd.s32 s4, s19  }
0x9c: {  	s7 =	simm.s32 $0x0;
	s20 =	sshll.u32 s5, $0x1;
	s5 =	sadd.s32 s21, s3  }
0x9d: {  	[timem:s7], [sflag:s22] =	dma.local [hbm:s5], s20  }
0x9e: {  	_ =	swait.ge [sflag:s22], s20  }
0x9f: {  	s4 =	ssub.s32 $0x0, s20;
	[sflag:s22] =	ssyncset.done $0x0  }
0xa0: {  	[sflag:s22] =	ssyncadd.s32 s4;
	_ =	sdelay $0x1  }
0xa1: {  	s23 =	simm.s32 $0x1B8B  }
0xa2: {  	_ =	swait.ge [sflag:s23], $0x1  }
0xa3: {  	[sflag:s23] =	ssyncset.done $0x0  }
0xa4: {  	s25 =	simm.s32 $0x1B8E;
	s24 =	sld [smem:$0x3FFE];
	[sflag:s23] =	ssyncadd.s32 $0xFFFFFFFF  }
0xa5: {  	s26 =	simm.s32 $execute0_lowered;
	[smem:$0x3FD2] =	sst s25  }
0xa6: {  	s5 =	sshll.u32 s26, $0x1;
	_ =	strace $0x80000046;
	[dreg:$0x1] =	wrdreg $0xFFFFFFFF  }
0xa7: {  	s28 =	simm.s32 $_size_execute0_lowered;
	s3 =	sadd.s32 s3, s5;
	[dreg:$0x0] =	wrdreg $0x0  }
0xa8: {  	s5 =	sshll.u32 s28, $0x1;
	[dreg:$0x2] =	wrdreg s3  }
0xa9: {  	[dreg:$0x3] =	wrdreg s5  }
0xaa: {  	[dreg:$0x4] =	wrdreg $0xC0  }
0xab: {  	_ =	task [dreg:s7], $0x5FFFF  }
0xac: {  	[dreg:$0x1] =	wrdreg $0xFFFFFFFF  }
0xad: {  	[dreg:$0x0] =	wrdreg $0x60  }
0xae: {  	[dreg:$0x2] =	wrdreg s24  }
0xaf: {  	[dreg:$0x3] =	wrdreg s2  }
0xb0: {  	[dreg:$0x4] =	wrdreg $0x9  }
0xb1: {  	_ =	task.clear_ibuf [dreg:s7], $0x5FFFF;
	_ =	strace $0x90000046  }
0xb2: {  	s29 =	simm.s32 $0x9;
	_ =	strace $0x80000048  }
0xb3: {  	_ =	swait.ge [sflag:s29], $0x1  }
0xb4: {  	[sflag:s29] =	ssyncadd.s32 $0xFFFFFFFF  }
0xb5: {  	_ =	strace $0x90000048  }
0xb6: {  	_ =	sfence  }
0xb7: {  	s30 =	sld [smem:$0x0];
	_ =	sdelay $0x2  }
0xb8: {  	s31 =	sshll.u32 s1, $0xD;
	s1 =	sshrl.u32 s1, $0x2  }
0xb9: {  	s3 =	sand.u32 $0x4000, s31;
	s1 =	sadd.s32 s1, s30  }
0xba: {  	s0 =	sor.u32 s3, s0;
	s1 =	sshll.u32 s1, $0x11  }
0xbb: {  	s0 =	sor.u32 s1, s0  }
0xbc: {  	s0 =	sadd.s32 $0x8F2B, s0  }
0xbd: {  	[sflag:s0] =	ssyncadd.remote.s32 $0x1  }
0xbe: {  	_ =	sfence.sel $0xFFFF  }
0xbf: {  	[dreg:$0x0] =	wrdreg $0xFFFFFFFF;
	(pc) =	sbr.abs _section_cstart, $3  }
0xc0: {  	[dreg:$0x1] =	wrdreg $0xFFFFFFFF  }
0xc1: {  	_ =	task.clear_ibuf [dreg:s7], $0x2FFFF;
	_ =	strace $0x9FFFFFFF  }
0xc2: {  	(tm) =	ssettm $0x7FFFFFFF  }
0xc3: {  	_ =	shalt  }
tec
execute0_lowered:
.L_overlay_start_1:
0x0: {  	(tag) =	ssettag $0x1  }
0x1: {  	s0 =	rddreg [dreg:$0x0]  }
0x2: {  	s1 =	rddreg [dreg:$0x1];
	s3 =	simm.s32 $0x0;
	s2 =	srdreg.scid  }
0x3: {  	s5 =	stileid.u32;
	s30 =	simm.s32 $0x3600;
	s10 =	simm.s32 $0x400  }
0x4: {  	s11 =	simm.s32 $0x8000;
	s12 =	simm.s32 $0xA;
	s13 =	simm.s32 $0x6  }
0x5: {  	s15 =	simm.s32 $0x15600;
	s16 =	simm.s32 $0xB;
	s17 =	simm.s32 $0x7  }
0x6: {  	s28 =	simm.s32 $0x19600;
	s14 =	simm.s32 $0x0;
	[smem:$0x7FF] =	sst s3  }
0x7: {  	s2 =	sand.u32 $0x1, s2;
	s4 =	sadd.s32 $0x19600, s0;
	s6 =	sshll.u32 s5, $0xB  }
0x8: {  	s5 =	sadd.s32 $0x600, s0;
	_ =	strace $0x80000047;
	s7 =	sshll.u32 s2, $0xA  }
0x9: {  	s2 =	ssub.s32 $0x2, s2;
	s6 =	sor.u32 s7, s6;
	s7 =	sadd.s32 $0xF74A00, s0  }
0xa: {  	s8 =	sshrl.u32 s2, $0x1;
	s0 =	sadd.s32 $0x32600, s0;
	s9 =	sshrl.u32 s6, $0x3  }
0xb: {  	[dreg:$0x3] =	wrdreg s0;
	s19 =	ssub.s32 s2, s8;
	s21 =	sadd.s32 s4, s9  }
0xc: {  	s20 =	sor.u32 $0x10, s9;
	s22 =	sadd.s32 s5, s9;
	[dreg:$0x4] =	wrdreg s21  }
0xd: {  	s24 =	sor.u32 $0x20, s9;
	s0 =	smax.u32 s19, $0x1;
	[dreg:$0x5] =	wrdreg s22  }
0xe: {  	s25 =	sor.u32 $0x30, s9;
	s23 =	sadd.s32 s4, s20;
	[dreg:$0xc] =	wrdreg s0  }
0xf: {  	s9 =	simm.s32 $0x13600;
	s2 =	sadd.s32 s5, s20;
	[dreg:$0x6] =	wrdreg s23  }
0x10: {  	s19 =	simm.s32 $0x17600;
	s26 =	sadd.s32 s4, s24;
	[dreg:$0x7] =	wrdreg s2  }
0x11: {  	v0 =	vlaneseq.u32;
	s29 =	sadd.s32 s4, s25;
	s31 =	sadd.s32 s5, s25;
	[dreg:$0x8] =	wrdreg s26  }
0x12: {  	v1 =	vor.u32 $0x10, v0;
	s0 =	simm.s32 $0x7600;
	s20 =	simm.s32 $0xB600;
	[dreg:$0xa] =	wrdreg s29  }
0x13: {  	v2 =	vor.u32 $0x20, v0;
	v3 =	vor.u32 $0x30, v0;
	v4 =	vor.u32 $0x40, v0;
	s21 =	simm.s32 $0xC;
	s2 =	sadd.s32 s5, s24;
	[dreg:$0xb] =	wrdreg s31  }
0x14: {  	v5 =	vor.u32 $0x50, v0;
	v6 =	vor.u32 $0x60, v0;
	v7 =	vor.u32 $0x70, v0;
	s26 =	simm.s32 $0xF600;
	s23 =	simm.s32 $0x8;
	[dreg:$0x9] =	wrdreg s2  }
.LBB2_1:
0x15: {  	[dreg:$0xd] =	wrdreg s14  }
0x16: {  	s2 =	rddreg [dreg:$0x3];
	s25 =	simm.s32 $0x11  }
0x17: {  	[tilespmem:s3], [sflag:$0x11] =	stream.linear.gather [hbm4b:s2+s3], $0x3200, $0x38;
	[tilespmem:$0x1B600] =	vst v63  }
0x18: {  	_ =	swait.ge [sflag:s25], $0x3200  }
0x19: {  	[sflag:s25] =	ssyncset.done $0x0  }
0x1a: {  	s8 =	simm.s32 $0x3200;
	s29 =	rddreg [dreg:$0x4];
	[sflag:s25] =	ssyncadd.s32 $0xFFFFCE00  }
0x1b: {  	[tilespmem:s8], [sflag:$0x1] =	stream.linear.gather [hbm4b:s29+s3], $0x80, $0x38;
	[tilespmem:$0x1B600] =	vst v63  }
0x1c: {  	s18 =	simm.s32 $0x3400;
	s14 =	rddreg [dreg:$0x5]  }
0x1d: {  	[tilespmem:s18], [sflag:$0x5] =	stream.linear.gather [hbm4b:s14+s3], $0x80, $0x38;
	[tilespmem:$0x1B600] =	vst v63  }
0x1e: {  	s22 =	rddreg [dreg:$0x6];
	s14 =	simm.s32 $0x3280  }
0x1f: {  	[tilespmem:s14], [sflag:$0x2] =	stream.linear.gather [hbm4b:s22+s3], $0x80, $0x38;
	[tilespmem:$0x1B600] =	vst v63  }
0x20: {  	s24 =	rddreg [dreg:$0x7];
	s18 =	simm.s32 $0x3480  }
0x21: {  	[tilespmem:s18], [sflag:$0x6] =	stream.linear.gather [hbm4b:s24+s3], $0x80, $0x38;
	[tilespmem:$0x1B600] =	vst v63  }
0x22: {  	s25 =	rddreg [dreg:$0x8];
	s18 =	simm.s32 $0x3300  }
0x23: {  	[tilespmem:s18], [sflag:$0x3] =	stream.linear.gather [hbm4b:s25+s3], $0x80, $0x38;
	[tilespmem:$0x1B600] =	vst v63  }
0x24: {  	s29 =	rddreg [dreg:$0x9];
	s22 =	simm.s32 $0x3500  }
0x25: {  	[tilespmem:s22], [sflag:$0x7] =	stream.linear.gather [hbm4b:s29+s3], $0x80, $0x38;
	[tilespmem:$0x1B600] =	vst v63  }
0x26: {  	s24 =	simm.s32 $0x3380;
	s22 =	rddreg [dreg:$0xa]  }
0x27: {  	[tilespmem:s24], [sflag:$0x4] =	stream.linear.gather [hbm4b:s22+s3], $0x80, $0x38;
	[tilespmem:$0x1B600] =	vst v63  }
0x28: {  	s25 =	rddreg [dreg:$0xb];
	s29 =	simm.s32 $0x3580;
	s22 =	simm.s32 $0x1  }
0x29: {  	[tilespmem:s29], [sflag:$0x8] =	stream.linear.gather [hbm4b:s25+s3], $0x80, $0x38;
	[tilespmem:$0x1B600] =	vst v63  }
0x2a: {  	_ =	swait.ge [sflag:s22], $0x80  }
0x2b: {  	[sflag:s22] =	ssyncset.done $0x0  }
0x2c: {  	s24 =	simm.s32 $0x80;
	s25 =	simm.s32 $0x2;
	[sflag:s22] =	ssyncadd.s32 $0xFFFFFF80  }
0x2d: {  	[tilespmem:s30], [sflag:$0x9] =	stream.indirect.gather [hbm4b:s7+s24], $0x80, s8, s24, $0xb8;
	[tilespmem:$0x1B600] =	vst v63  }
0x2e: {  	_ =	swait.ge [sflag:s25], $0x80  }
0x2f: {  	[sflag:s25] =	ssyncset.done $0x0  }
0x30: {  	s29 =	simm.s32 $0x3;
	[sflag:s25] =	ssyncadd.s32 $0xFFFFFF80  }
0x31: {  	[tilespmem:s0], [sflag:$0xA] =	stream.indirect.gather [hbm4b:s7+s24], $0x80, s14, s24, $0xb8;
	[tilespmem:$0x1B600] =	vst v63  }
0x32: {  	_ =	swait.ge [sflag:s29], $0x80  }
0x33: {  	[sflag:s29] =	ssyncset.done $0x0  }
0x34: {  	s31 =	simm.s32 $0x0;
	[sflag:s29] =	ssyncadd.s32 $0xFFFFFF80  }
0x35: {  	[tilespmem:s20], [sflag:$0xB] =	stream.indirect.gather [hbm4b:s7+s24], $0x80, s18, s24, $0xb8;
	[tilespmem:$0x1B600] =	vst v63  }
.LBB2_2:
0x36: {  	s14 =	sshll.u32 s31, $0x2  }
0x37: {  	p0 =	seq.s32 s31, $0x31;
	s2 =	sadd.s32 $0x4, s14  }
0x38: {  	s18 =	sshll.u32 @!p0 s2, $0x7;
	s2 =	sshll.u32 @!p0 s2, $0xC  }
0x39: {  	s18 =	sand.u32 @!p0 $0x200, s18;
	s2 =	sand.u32 @!p0 $0x1F8000, s2  }
0x3a: {  	s8 =	simm.s32 $0x9;
	s2 =	sor.u32 @!p0 s2, s18  }
0x3b: {  	s25 =	simm.s32 $0x4;
	_ =	swait.ge [sflag:s8], $0x4000;
	s2 =	sor.u32 @!p0 s6, s2  }
0x3c: {  	s22 =	simm.s32 @!p0 $0x0;
	[sflag:s8] =	ssyncset.done $0x0;
	s18 =	sshrl.u32 @!p0 s2, $0x3  }
0x3d: {  	s24 =	simm.s32 @!p0 $0x3200;
	[sflag:s8] =	ssyncadd.s32 $0xFFFFC000;
	s2 =	sadd.s32 @!p0 s4, s18  }
0x3e: {  	[tilespmem:s24], [sflag:$0x1] =	stream.linear.gather @!p0 [hbm4b:s2+s22], $0x80, $0x38;
	[tilespmem:$0x1B600] =	vst v63  }
0x3f: {  	_ =	swait.ge [sflag:s25], $0x80  }
0x40: {  	s8 =	simm.s32 $0x3380;
	[sflag:s25] =	ssyncset.done $0x0  }
0x41: {  	s22 =	simm.s32 $0x80;
	s24 =	simm.s32 $0x5;
	[sflag:s25] =	ssyncadd.s32 $0xFFFFFF80  }
0x42: {  	[tilespmem:s26], [sflag:$0xC] =	stream.indirect.gather [hbm4b:s7+s22], $0x80, s8, s22, $0xb8;
	[tilespmem:$0x1B600] =	vst v63  }
0x43: {  	_ =	swait.ge [sflag:s24], $0x80  }
0x44: {  	p1 =	seq.s32 s31, $0x0;
	[sflag:s24] =	ssyncset.done $0x0  }
0x45: {  	s2 =	simm.s32 @!p1 $0xD;
	[sflag:s24] =	ssyncadd.s32 $0xFFFFFF80  }
0x46: {  	_ =	swait.ge @!p1 [sflag:s2], $0x2000  }
0x47: {  	[sflag:s2] =	ssyncset.done @!p1 $0x0  }
0x48: {  	[sflag:s2] =	ssyncadd.s32 @!p1 $0xFFFFE000  }
0x49: {  	v8 =	vld [tilespmem:$0x3400]  }
0x4a: {  	v9 =	vld [tilespmem:$0x3410]  }
0x4b: {  	v10 =	vld [tilespmem:$0x3420]  }
0x4c: {  	v11 =	vld [tilespmem:$0x3430]  }
0x4d: {  	v12 =	vld [tilespmem:$0x3440]  }
0x4e: {  	v13 =	vld [tilespmem:$0x3450]  }
0x4f: {  	v14 =	vld [tilespmem:$0x3460]  }
0x50: {  	v15 =	vld [tilespmem:$0x3470]  }
0x51: {  	v19 =	vlaneseq.u32;
	s25 =	sshll.u32 s31, $0x8  }
0x52: {  	v51 =	vor.u32 s25, v19  }
0x53: {  	v8 =	vshll.u32 v8, $0x6;
	v9 =	vshll.u32 v9, $0x6;
	v16 =	vshll.u32 v10, $0x6  }
0x54: {  	v17 =	vshll.u32 v11, $0x6;
	v12 =	vshll.u32 v12, $0x6;
	v18 =	vshll.u32 v13, $0x6  }
0x55: {  	v13 =	vshll.u32 v14, $0x6;
	v11 =	vmul.u32 $0x80, v19;
	v14 =	vshll.u32 v15, $0x6  }
0x56: {  	v10 =	vor.u32 v19, v8;
	v15 =	vand.u32 $0xFFFFFF80, v8;
	v20 =	vor.u32 v19, v9  }
0x57: {  	v21 =	vand.u32 $0xFFFFFF80, v9;
	v23 =	vand.u32 $0xFFFFFF80, v16;
	v25 =	vor.u32 v19, v17  }
0x58: {  	v26 =	vand.u32 $0xFFFFFF80, v17;
	v29 =	vor.u32 v19, v18;
	v30 =	vand.u32 $0xFFFFFF80, v18  }
0x59: {  	v33 =	vor.u32 v19, v14;
	v34 =	vand.u32 $0xFFFFFF80, v14;
	v8 =	vand.u32 $0x40, v8  }
0x5a: {  	v9 =	vand.u32 $0x40, v9;
	v10 =	vand.u32 $0x4F, v10;
	v22 =	vor.u32 $0x800, v11  }
0x5b: {  	v15 =	vadd.s32 v11, v15;
	v20 =	vand.u32 $0x4F, v20;
	v24 =	vor.u32 $0x1000, v11  }
0x5c: {  	v27 =	vor.u32 $0x1800, v11;
	v28 =	vor.u32 $0x2000, v11;
	v31 =	vor.u32 $0x2800, v11  }
0x5d: {  	v32 =	vor.u32 $0x3000, v11;
	v11 =	vor.u32 $0x3800, v11;
	v21 =	vadd.s32 v22, v21  }
0x5e: {  	v10 =	vor.u32 v10, v15;
	v22 =	vor.u32 v19, v16;
	v23 =	vadd.s32 v24, v23  }
0x5f: {  	v24 =	vand.u32 $0x4F, v25;
	v25 =	vadd.s32 v27, v26;
	v26 =	vor.u32 v19, v12  }
0x60: {  	v27 =	vand.u32 $0xFFFFFF80, v12;
	v11 =	vadd.s32 v11, v34;
	v8 =	vor.u32 v8, v15  }
0x61: {  	v20 =	vor.u32 v20, v21;
	v22 =	vand.u32 $0x4F, v22;
	v24 =	vor.u32 v24, v25  }
0x62: {  	v26 =	vand.u32 $0x4F, v26;
	v27 =	vadd.s32 v28, v27;
	v28 =	vand.u32 $0x4F, v29  }
0x63: {  	v29 =	vadd.s32 v31, v30;
	v30 =	vor.u32 v19, v13;
	v22 =	vor.u32 v22, v23  }
0x64: {  	v31 =	vand.u32 $0xFFFFFF80, v13;
	v26 =	vor.u32 v26, v27;
	v28 =	vor.u32 v28, v29;
	v35 =	vld.idx.msk [tilespmem:v10+s30+$0x0], $0xffff  }
0x65: {  	s8 =	simm.s32 $0x1;
	v30 =	vand.u32 $0x4F, v30;
	v31 =	vadd.s32 v32, v31;
	v10 =	vand.u32 $0x4F, v33;
	v33 =	vld.idx.msk [tilespmem:v51+s3+$0x0], $0xffff  }
0x66: {  	v30 =	vor.u32 v30, v31;
	v20 =	vld.idx.msk [tilespmem:v20+s30+$0x0], $0xffff;
	v50 =	vor.u32 v10, v11;
	v10 =	vadd.s32 s8, v0  }
0x67: {  	v12 =	vand.u32 $0x40, v12;
	v16 =	vand.u32 $0x40, v16;
	v24 =	vld.idx.msk [tilespmem:v24+s30+$0x0], $0xffff;
	v52 =	vand.u32 $0x3F, v10  }
0x68: {  	v9 =	vor.u32 v9, v21;
	v13 =	vand.u32 $0x40, v13;
	v22 =	vld.idx.msk [tilespmem:v22+s30+$0x0], $0xffff;
	v15 =	vor.u32 v8, v52  }
0x69: {  	v12 =	vor.u32 v12, v27;
	v10 =	vand.u32 $0x40, v14;
	v21 =	vld.idx.msk [tilespmem:v28+s30+$0x0], $0xffff;
	v28 =	vor.u32 v9, v52  }
0x6a: {  	v26 =	vld.idx.msk [tilespmem:v26+s30+$0x0], $0xffff;
	v14 =	vor.u32 v13, v31;
	v13 =	vor.u32 v16, v23;
	v31 =	vor.u32 v12, v52  }
0x6b: {  	v16 =	vand.u32 $0x40, v17;
	v10 =	vor.u32 v10, v11;
	v30 =	vld.idx.msk [tilespmem:v30+s30+$0x0], $0xffff;
	v17 =	vor.u32 v14, v52  }
0x6c: {  	v11 =	vmov s25;
	v36 =	vor.u32 v10, v52;
	v32 =	vld.idx.msk [tilespmem:v50+s30+$0x0], $0xffff  }
0x6d: {  	v27 =	vor.u32 v11, v52;
	v23 =	vld.idx.msk [tilespmem:v15+s30+$0x0], $0xffff  }
0x6e: {  	v15 =	vor.u32 v16, v25;
	v16 =	vand.u32 $0x40, v18;
	v18 =	vor.u32 v13, v52;
	v25 =	vld.idx.msk [tilespmem:v28+s30+$0x0], $0xffff  }
0x6f: {  	v19 =	vshll.u32 v19, $0x7;
	v31 =	vld.idx.msk [tilespmem:v31+s30+$0x0], $0xffff;
	v16 =	vor.u32 v16, v29;
	v28 =	vor.u32 v15, v52  }
0x70: {  	v37 =	vor.u32 v0, v19;
	v38 =	vor.u32 v1, v19;
	v17 =	vld.idx.msk [tilespmem:v17+s30+$0x0], $0xffff;
	v53 =	vor.u32 v16, v52  }
0x71: {  	v39 =	vor.u32 v2, v19;
	v40 =	vor.u32 v3, v19;
	v35 =	vmul.f32 $8.000000000e+00, v35;
	v29 =	vld.idx.msk [tilespmem:v36+s30+$0x0], $0xffff  }
0x72: {  	v41 =	vor.u32 v4, v19;
	v42 =	vor.u32 v5, v19;
	v20 =	vmul.f32 $8.000000000e+00, v20;
	v27 =	vld.idx.msk [tilespmem:v27+s3+$0x0], $0xffff  }
0x73: {  	v54 =	vor.u32 v6, v19;
	v22 =	vmul.f32 $8.000000000e+00, v22;
	v35 =	vadd.f32 v33, v35;
	v18 =	vld.idx.msk [tilespmem:v18+s30+$0x0], $0xffff  }
0x74: {  	v19 =	vor.u32 v7, v19;
	v24 =	vmul.f32 $8.000000000e+00, v24;
	v20 =	vadd.f32 v33, v20;
	v28 =	vld.idx.msk [tilespmem:v28+s30+$0x0], $0xffff  }
0x75: {  	s24 =	simm.s32 $0x2;
	v26 =	vmul.f32 $8.000000000e+00, v26;
	v22 =	vadd.f32 v33, v22;
	v36 =	vld.idx.msk [tilespmem:v53+s30+$0x0], $0xffff;
	[tilespmem:v37+s9+$0x0] =	vst.idx.msk $0xffff, v35  }
0x76: {  	v21 =	vmul.f32 $8.000000000e+00, v21;
	[tilespmem:v38+s9+$0x0] =	vst.idx.msk $0xffff, v20;
	v20 =	vadd.f32 v33, v24;
	v24 =	vadd.s32 s24, v0  }
0x77: {  	v30 =	vmul.f32 $8.000000000e+00, v30;
	[tilespmem:v39+s9+$0x0] =	vst.idx.msk $0xffff, v22;
	v22 =	vadd.f32 v33, v26;
	v55 =	vand.u32 $0x3F, v24  }
0x78: {  	v21 =	vadd.f32 v33, v21;
	v24 =	vmul.f32 $8.000000000e+00, v32;
	[tilespmem:v40+s9+$0x0] =	vst.idx.msk $0xffff, v20;
	v20 =	vor.u32 v9, v55  }
0x79: {  	v26 =	vadd.f32 v33, v30;
	v30 =	vor.u32 v14, v55;
	[tilespmem:v41+s9+$0x0] =	vst.idx.msk $0xffff, v22  }
0x7a: {  	v56 =	vor.u32 v15, v55;
	[tilespmem:v42+s9+$0x0] =	vst.idx.msk $0xffff, v21;
	v21 =	vadd.f32 v33, v24  }
0x7b: {  	v31 =	vmul.f32 $8.000000000e+00, v31;
	v17 =	vmul.f32 $8.000000000e+00, v17;
	v22 =	vor.u32 v11, v55;
	[tilespmem:v54+s9+$0x0] =	vst.idx.msk $0xffff, v26  }
0x7c: {  	v23 =	vmul.f32 $8.000000000e+00, v23;
	v29 =	vmul.f32 $8.000000000e+00, v29;
	v24 =	vor.u32 v10, v55;
	[tilespmem:v19+s9+$0x0] =	vst.idx.msk $0xffff, v21  }
0x7d: {  	v31 =	vadd.f32 v27, v31;
	v19 =	vor.u32 v16, v55;
	v21 =	vmul.f32 $8.000000000e+00, v25;
	v20 =	vld.idx.msk [tilespmem:v20+s30+$0x0], $0xffff  }
0x7e: {  	v59 =	vadd.f32 v27, v17;
	v23 =	vadd.f32 v27, v23;
	v25 =	vor.u32 v12, v55;
	v30 =	vld.idx.msk [tilespmem:v30+s30+$0x0], $0xffff  }
0x7f: {  	v26 =	vshll.u32 v52, $0x7;
	v32 =	vld.idx.msk [tilespmem:v56+s30+$0x0], $0xffff;
	v57 =	vadd.f32 v27, v21;
	v21 =	vor.u32 v8, v55  }
0x80: {  	v18 =	vmul.f32 $8.000000000e+00, v18;
	v17 =	vor.u32 v0, v26;
	v58 =	vld.idx.msk [tilespmem:v22+s3+$0x0], $0xffff;
	v22 =	vor.u32 v13, v55  }
0x81: {  	v28 =	vmul.f32 $8.000000000e+00, v28;
	v36 =	vmul.f32 $8.000000000e+00, v36;
	v60 =	vor.u32 v1, v26;
	v24 =	vld.idx.msk [tilespmem:v24+s30+$0x0], $0xffff  }
0x82: {  	v29 =	vadd.f32 v27, v29;
	v18 =	vadd.f32 v27, v18;
	v61 =	vor.u32 v2, v26;
	v19 =	vld.idx.msk [tilespmem:v19+s30+$0x0], $0xffff  }
0x83: {  	v28 =	vadd.f32 v27, v28;
	v62 =	vor.u32 v3, v26;
	v36 =	vadd.f32 v27, v36;
	v25 =	vld.idx.msk [tilespmem:v25+s30+$0x0], $0xffff  }
0x84: {  	v43 =	vor.u32 v6, v26;
	v27 =	vor.u32 v4, v26;
	v20 =	vmul.f32 $8.000000000e+00, v20;
	v41 =	vld.idx.msk [tilespmem:v21+s30+$0x0], $0xffff  }
0x85: {  	v42 =	vld.idx.msk [tilespmem:v22+s30+$0x0], $0xffff;
	v22 =	vmul.f32 $8.000000000e+00, v30;
	v30 =	vor.u32 v5, v26;
	[tilespmem:v17+s9+$0x0] =	vst.idx.msk $0xffff, v23  }
0x86: {  	v21 =	vadd.f32 v58, v20;
	v20 =	vmul.f32 $8.000000000e+00, v24;
	[tilespmem:v60+s9+$0x0] =	vst.idx.msk $0xffff, v57;
	v24 =	vmul.f32 $8.000000000e+00, v32  }
0x87: {  	v63 =	vor.u32 v7, v26;
	v17 =	vadd.f32 v58, v22;
	[tilespmem:v61+s9+$0x0] =	vst.idx.msk $0xffff, v18;
	v19 =	vmul.f32 $8.000000000e+00, v19  }
0x88: {  	s25 =	simm.s32 $0x3;
	v23 =	vmul.f32 $8.000000000e+00, v25;
	v18 =	vadd.f32 v58, v20;
	[tilespmem:v62+s9+$0x0] =	vst.idx.msk $0xffff, v28;
	v24 =	vadd.f32 v58, v24  }
0x89: {  	[tilespmem:v27+s9+$0x0] =	vst.idx.msk $0xffff, v31;
	v22 =	vadd.f32 v58, v19;
	v19 =	vadd.s32 s25, v0;
	v25 =	vmul.f32 $8.000000000e+00, v41  }
0x8a: {  	v23 =	vadd.f32 v58, v23;
	[tilespmem:v30+s9+$0x0] =	vst.idx.msk $0xffff, v36;
	v30 =	vmul.f32 $8.000000000e+00, v42;
	v20 =	vand.u32 $0x3F, v19  }
0x8b: {  	[tilespmem:v43+s9+$0x0] =	vst.idx.msk $0xffff, v59;
	v27 =	vor.u32 v11, v20;
	v26 =	vadd.f32 v58, v25  }
0x8c: {  	s29 =	simm.s32 $0xFFFFFFFC;
	s2 =	sor.u32 $0x3, s14;
	s25 =	simm.s32 $0x0;
	v19 =	vshll.u32 v55, $0x7;
	[tilespmem:v63+s9+$0x0] =	vst.idx.msk $0xffff, v29;
	v28 =	vor.u32 v10, v20;
	v25 =	vadd.f32 v58, v30  }
.LBB2_3:
0x8d: {  	v29 =	vor.u32 v14, v20;
	s22 =	smov.u32 s25;
	s25 =	sadd.s32 $0x4, s25  }
0x8e: {  	v30 =	vor.u32 v16, v20;
	p2 =	slt.u32 s25, $0x3C  }
0x8f: {  	v31 =	vor.u32 v12, v20  }
0x90: {  	v32 =	vor.u32 v15, v20;
	v27 =	vld.idx.msk [tilespmem:v27+s3+$0x0], $0xffff  }
0x91: {  	v33 =	vor.u32 v13, v20;
	v28 =	vld.idx.msk [tilespmem:v28+s30+$0x0], $0xffff  }
0x92: {  	v34 =	vor.u32 v9, v20;
	v29 =	vld.idx.msk [tilespmem:v29+s30+$0x0], $0xffff  }
0x93: {  	v35 =	vor.u32 v8, v20;
	v30 =	vld.idx.msk [tilespmem:v30+s30+$0x0], $0xffff  }
0x94: {  	v36 =	vor.u32 v0, v19;
	v31 =	vld.idx.msk [tilespmem:v31+s30+$0x0], $0xffff  }
0x95: {  	v37 =	vor.u32 v1, v19;
	v32 =	vld.idx.msk [tilespmem:v32+s30+$0x0], $0xffff  }
0x96: {  	v38 =	vor.u32 v2, v19;
	v33 =	vld.idx.msk [tilespmem:v33+s30+$0x0], $0xffff  }
0x97: {  	v39 =	vor.u32 v3, v19;
	v40 =	vor.u32 v7, v19;
	v28 =	vmul.f32 $8.000000000e+00, v28;
	v34 =	vld.idx.msk [tilespmem:v34+s30+$0x0], $0xffff  }
0x98: {  	v41 =	vor.u32 v4, v19;
	v42 =	vor.u32 v6, v19;
	s24 =	sadd.s32 $0x8, s29;
	s29 =	smov.u32 s22;
	v29 =	vmul.f32 $8.000000000e+00, v29;
	v35 =	vld.idx.msk [tilespmem:v35+s30+$0x0], $0xffff  }
0x99: {  	v19 =	vor.u32 v5, v19;
	s22 =	smin.u32 s24, $0x3F;
	v28 =	vadd.f32 v27, v28;
	[tilespmem:v36+s9+$0x0] =	vst.idx.msk $0xffff, v26;
	v26 =	vmul.f32 $8.000000000e+00, v30  }
0x9a: {  	v30 =	vmul.f32 $8.000000000e+00, v31;
	v29 =	vadd.f32 v27, v29;
	[tilespmem:v37+s9+$0x0] =	vst.idx.msk $0xffff, v21;
	v21 =	vadd.s32 s22, v0  }
0x9b: {  	[tilespmem:v38+s9+$0x0] =	vst.idx.msk $0xffff, v25;
	v21 =	vand.u32 $0x3F, v21;
	v25 =	vmul.f32 $8.000000000e+00, v32;
	v26 =	vadd.f32 v27, v26  }
0x9c: {  	v31 =	vmul.f32 $8.000000000e+00, v33;
	v30 =	vadd.f32 v27, v30;
	[tilespmem:v39+s9+$0x0] =	vst.idx.msk $0xffff, v24;
	v24 =	vor.u32 v10, v21  }
0x9d: {  	v32 =	vmul.f32 $8.000000000e+00, v34;
	[tilespmem:v41+s9+$0x0] =	vst.idx.msk $0xffff, v23;
	v23 =	vor.u32 v14, v21;
	v25 =	vadd.f32 v27, v25  }
0x9e: {  	v31 =	vadd.f32 v27, v31;
	[tilespmem:v19+s9+$0x0] =	vst.idx.msk $0xffff, v22;
	v19 =	vor.u32 v8, v21;
	v22 =	vmul.f32 $8.000000000e+00, v35  }
0x9f: {  	v32 =	vadd.f32 v27, v32;
	[tilespmem:v42+s9+$0x0] =	vst.idx.msk $0xffff, v17;
	v17 =	vor.u32 v16, v21  }
0xa0: {  	v33 =	vor.u32 v12, v21;
	[tilespmem:v40+s9+$0x0] =	vst.idx.msk $0xffff, v18;
	v18 =	vor.u32 v13, v21;
	_ =	sdelay $0x1  }
0xa1: {  	v34 =	vor.u32 v15, v21;
	v23 =	vld.idx.msk [tilespmem:v23+s30+$0x0], $0xffff  }
0xa2: {  	v35 =	vor.u32 v11, v21;
	v24 =	vld.idx.msk [tilespmem:v24+s30+$0x0], $0xffff  }
0xa3: {  	v36 =	vor.u32 v9, v21;
	v17 =	vld.idx.msk [tilespmem:v17+s30+$0x0], $0xffff  }
0xa4: {  	v20 =	vshll.u32 v20, $0x7;
	v33 =	vld.idx.msk [tilespmem:v33+s30+$0x0], $0xffff  }
0xa5: {  	v37 =	vld.idx.msk [tilespmem:v18+s30+$0x0], $0xffff;
	v18 =	vor.u32 v0, v20  }
0xa6: {  	v38 =	vor.u32 v1, v20;
	v34 =	vld.idx.msk [tilespmem:v34+s30+$0x0], $0xffff  }
0xa7: {  	v39 =	vor.u32 v2, v20;
	v24 =	vmul.f32 $8.000000000e+00, v24;
	v35 =	vld.idx.msk [tilespmem:v35+s3+$0x0], $0xffff  }
0xa8: {  	v22 =	vadd.f32 v27, v22;
	v27 =	vor.u32 v3, v20;
	v23 =	vmul.f32 $8.000000000e+00, v23;
	v19 =	vld.idx.msk [tilespmem:v19+s30+$0x0], $0xffff  }
0xa9: {  	v40 =	vor.u32 v4, v20;
	v36 =	vld.idx.msk [tilespmem:v36+s30+$0x0], $0xffff  }
0xaa: {  	s22 =	sadd.s32 $0x5, s29;
	[tilespmem:v18+s9+$0x0] =	vst.idx.msk $0xffff, v22;
	v22 =	vor.u32 v5, v20  }
0xab: {  	v18 =	vadd.s32 s22, v0;
	[tilespmem:v38+s9+$0x0] =	vst.idx.msk $0xffff, v32;
	v32 =	vor.u32 v6, v20  }
0xac: {  	v38 =	vand.u32 $0x3F, v18;
	v20 =	vor.u32 v7, v20;
	[tilespmem:v39+s9+$0x0] =	vst.idx.msk $0xffff, v31  }
0xad: {  	v31 =	vor.u32 v8, v38;
	v39 =	vor.u32 v9, v38;
	v18 =	vshll.u32 v38, $0x7;
	[tilespmem:v27+s9+$0x0] =	vst.idx.msk $0xffff, v25  }
0xae: {  	v25 =	vor.u32 v13, v38;
	v27 =	vor.u32 v15, v38;
	[tilespmem:v40+s9+$0x0] =	vst.idx.msk $0xffff, v30  }
0xaf: {  	v30 =	vor.u32 v16, v38;
	v40 =	vor.u32 v10, v38;
	[tilespmem:v22+s9+$0x0] =	vst.idx.msk $0xffff, v26  }
0xb0: {  	v22 =	vor.u32 v12, v38;
	v26 =	vor.u32 v11, v38;
	[tilespmem:v32+s9+$0x0] =	vst.idx.msk $0xffff, v29  }
0xb1: {  	v29 =	vor.u32 v14, v38;
	[tilespmem:v20+s9+$0x0] =	vst.idx.msk $0xffff, v28  }
0xb2: {  	v20 =	vld.idx.msk [tilespmem:v31+s30+$0x0], $0xffff  }
0xb3: {  	v17 =	vmul.f32 $8.000000000e+00, v17;
	v28 =	vld.idx.msk [tilespmem:v39+s30+$0x0], $0xffff  }
0xb4: {  	v19 =	vmul.f32 $8.000000000e+00, v19;
	v31 =	vld.idx.msk [tilespmem:v40+s30+$0x0], $0xffff  }
0xb5: {  	v21 =	vshll.u32 v21, $0x7;
	v17 =	vadd.f32 v35, v17;
	v23 =	vadd.f32 v35, v23;
	v26 =	vld.idx.msk [tilespmem:v26+s3+$0x0], $0xffff  }
0xb6: {  	v37 =	vmul.f32 $8.000000000e+00, v37;
	v32 =	vor.u32 v0, v21;
	v38 =	vor.u32 v7, v21;
	v22 =	vld.idx.msk [tilespmem:v22+s30+$0x0], $0xffff  }
0xb7: {  	v41 =	vor.u32 v6, v21;
	v39 =	vor.u32 v1, v21;
	v40 =	vor.u32 v5, v21;
	v29 =	vld.idx.msk [tilespmem:v29+s30+$0x0], $0xffff  }
0xb8: {  	v42 =	vor.u32 v2, v21;
	v43 =	vor.u32 v4, v21;
	v36 =	vmul.f32 $8.000000000e+00, v36;
	v25 =	vld.idx.msk [tilespmem:v25+s30+$0x0], $0xffff  }
0xb9: {  	v19 =	vadd.f32 v35, v19;
	v21 =	vor.u32 v3, v21;
	v28 =	vmul.f32 $8.000000000e+00, v28;
	v27 =	vld.idx.msk [tilespmem:v27+s30+$0x0], $0xffff  }
0xba: {  	v34 =	vmul.f32 $8.000000000e+00, v34;
	v36 =	vadd.f32 v35, v36;
	v31 =	vmul.f32 $8.000000000e+00, v31;
	v30 =	vld.idx.msk [tilespmem:v30+s30+$0x0], $0xffff  }
0xbb: {  	s22 =	sadd.s32 $0x6, s29;
	v28 =	vadd.f32 v26, v28;
	[tilespmem:v32+s9+$0x0] =	vst.idx.msk $0xffff, v19;
	v19 =	vadd.f32 v35, v37;
	v32 =	vmul.f32 $8.000000000e+00, v33  }
0xbc: {  	v33 =	vadd.f32 v35, v34;
	v34 =	vadd.s32 s22, v0;
	v22 =	vmul.f32 $8.000000000e+00, v22;
	[tilespmem:v39+s9+$0x0] =	vst.idx.msk $0xffff, v36  }
0xbd: {  	v29 =	vmul.f32 $8.000000000e+00, v29;
	[tilespmem:v42+s9+$0x0] =	vst.idx.msk $0xffff, v19;
	v19 =	vadd.f32 v35, v32;
	v32 =	vand.u32 $0x3F, v34  }
0xbe: {  	v25 =	vmul.f32 $8.000000000e+00, v25;
	[tilespmem:v21+s9+$0x0] =	vst.idx.msk $0xffff, v33;
	v21 =	vor.u32 v14, v32;
	v33 =	vadd.f32 v26, v22  }
0xbf: {  	v22 =	vor.u32 v9, v32;
	[tilespmem:v43+s9+$0x0] =	vst.idx.msk $0xffff, v19;
	v19 =	vmul.f32 $8.000000000e+00, v27;
	v27 =	vadd.f32 v26, v29  }
0xc0: {  	[tilespmem:v40+s9+$0x0] =	vst.idx.msk $0xffff, v17;
	v17 =	vadd.f32 v35, v24;
	v24 =	vadd.f32 v26, v25;
	v25 =	vmul.f32 $8.000000000e+00, v30  }
0xc1: {  	[tilespmem:v41+s9+$0x0] =	vst.idx.msk $0xffff, v23;
	v23 =	vor.u32 v11, v32;
	v29 =	vadd.f32 v26, v19;
	v19 =	vshll.u32 v32, $0x7  }
0xc2: {  	[tilespmem:v38+s9+$0x0] =	vst.idx.msk $0xffff, v17;
	v17 =	vor.u32 v10, v32;
	v25 =	vadd.f32 v26, v25  }
0xc3: {  	v31 =	vadd.f32 v26, v31;
	v34 =	vor.u32 v16, v32;
	v30 =	vor.u32 v8, v32  }
0xc4: {  	v35 =	vor.u32 v12, v32;
	v22 =	vld.idx.msk [tilespmem:v22+s30+$0x0], $0xffff  }
0xc5: {  	v36 =	vor.u32 v15, v32;
	v21 =	vld.idx.msk [tilespmem:v21+s30+$0x0], $0xffff  }
0xc6: {  	v32 =	vor.u32 v13, v32;
	v37 =	vld.idx.msk [tilespmem:v23+s3+$0x0], $0xffff  }
0xc7: {  	v23 =	vld.idx.msk [tilespmem:v17+s30+$0x0], $0xffff;
	v17 =	vor.u32 v0, v18  }
0xc8: {  	v20 =	vmul.f32 $8.000000000e+00, v20;
	v38 =	vor.u32 v1, v18;
	v34 =	vld.idx.msk [tilespmem:v34+s30+$0x0], $0xffff  }
0xc9: {  	v39 =	vor.u32 v2, v18;
	v35 =	vld.idx.msk [tilespmem:v35+s30+$0x0], $0xffff  }
0xca: {  	v20 =	vadd.f32 v26, v20;
	v26 =	vor.u32 v3, v18;
	v22 =	vmul.f32 $8.000000000e+00, v22;
	v36 =	vld.idx.msk [tilespmem:v36+s30+$0x0], $0xffff  }
0xcb: {  	v40 =	vor.u32 v4, v18;
	v41 =	vmul.f32 $8.000000000e+00, v21;
	v30 =	vld.idx.msk [tilespmem:v30+s30+$0x0], $0xffff  }
0xcc: {  	v42 =	vor.u32 v5, v18;
	v21 =	vadd.f32 v37, v22;
	v32 =	vld.idx.msk [tilespmem:v32+s30+$0x0], $0xffff  }
0xcd: {  	v43 =	vor.u32 v6, v18;
	[tilespmem:v17+s9+$0x0] =	vst.idx.msk $0xffff, v20;
	v17 =	vadd.f32 v37, v41;
	v20 =	vmul.f32 $8.000000000e+00, v23  }
0xce: {  	v22 =	vmul.f32 $8.000000000e+00, v34;
	[tilespmem:v38+s9+$0x0] =	vst.idx.msk $0xffff, v28;
	v28 =	vor.u32 v7, v18  }
0xcf: {  	v23 =	vmul.f32 $8.000000000e+00, v35;
	[tilespmem:v39+s9+$0x0] =	vst.idx.msk $0xffff, v24;
	v18 =	vadd.f32 v37, v20  }
.Ltmp0:
0xd0: {  	s22 =	sadd.s32 $0x7, s29;
	v24 =	vmul.f32 $8.000000000e+00, v36;
	v22 =	vadd.f32 v37, v22;
	[tilespmem:v26+s9+$0x0] =	vst.idx.msk $0xffff, v29;
	(pc) =	sbr.rel @p2 .LBB2_3-.Ltmp0, $4  }
0xd1: {  	v20 =	vadd.s32 s22, v0;
	v26 =	vmul.f32 $8.000000000e+00, v30;
	v23 =	vadd.f32 v37, v23;
	[tilespmem:v40+s9+$0x0] =	vst.idx.msk $0xffff, v33  }
0xd2: {  	v20 =	vand.u32 $0x3F, v20;
	v24 =	vadd.f32 v37, v24;
	[tilespmem:v42+s9+$0x0] =	vst.idx.msk $0xffff, v25;
	v25 =	vmul.f32 $8.000000000e+00, v32  }
0xd3: {  	v26 =	vadd.f32 v37, v26;
	[tilespmem:v43+s9+$0x0] =	vst.idx.msk $0xffff, v27;
	v27 =	vor.u32 v11, v20  }
0xd4: {  	[tilespmem:v28+s9+$0x0] =	vst.idx.msk $0xffff, v31;
	v28 =	vor.u32 v10, v20;
	v25 =	vadd.f32 v37, v25  }
0xd5: {  	_ = 	snop  }
0xd6: {  	v10 =	vor.u32 v14, v20  }
0xd7: {  	v11 =	vor.u32 v16, v20  }
0xd8: {  	v12 =	vor.u32 v12, v20  }
0xd9: {  	v47 =	vor.u32 v15, v20;
	v48 =	vld.idx.msk [tilespmem:v27+s3+$0x0], $0xffff  }
0xda: {  	v13 =	vor.u32 v13, v20;
	v49 =	vld.idx.msk [tilespmem:v28+s30+$0x0], $0xffff  }
0xdb: {  	v8 =	vor.u32 v8, v20;
	v10 =	vld.idx.msk [tilespmem:v10+s30+$0x0], $0xffff  }
0xdc: {  	v9 =	vor.u32 v9, v20;
	v50 =	vor.u32 v0, v19;
	v11 =	vld.idx.msk [tilespmem:v11+s30+$0x0], $0xffff  }
0xdd: {  	v51 =	vor.u32 v1, v19;
	v12 =	vld.idx.msk [tilespmem:v12+s30+$0x0], $0xffff  }
0xde: {  	v29 =	vor.u32 v2, v19;
	v14 =	vld.idx.msk [tilespmem:v47+s30+$0x0], $0xffff  }
0xdf: {  	v30 =	vor.u32 v3, v19;
	v13 =	vld.idx.msk [tilespmem:v13+s30+$0x0], $0xffff  }
0xe0: {  	v31 =	vor.u32 v4, v19;
	v8 =	vld.idx.msk [tilespmem:v8+s30+$0x0], $0xffff  }
0xe1: {  	v52 =	vor.u32 v5, v19;
	v9 =	vld.idx.msk [tilespmem:v9+s30+$0x0], $0xffff;
	[tilespmem:v50+s9+$0x0] =	vst.idx.msk $0xffff, v26  }
0xe2: {  	v53 =	vor.u32 v6, v19;
	[tilespmem:v51+s9+$0x0] =	vst.idx.msk $0xffff, v21  }
0xe3: {  	v54 =	vor.u32 v7, v19;
	v55 =	vshll.u32 v20, $0x7;
	[tilespmem:v29+s9+$0x0] =	vst.idx.msk $0xffff, v25  }
0xe4: {  	v56 =	vor.u32 v0, v55;
	[tilespmem:v30+s9+$0x0] =	vst.idx.msk $0xffff, v24  }
0xe5: {  	v57 =	vor.u32 v1, v55;
	[tilespmem:v31+s9+$0x0] =	vst.idx.msk $0xffff, v23;
	v8 =	vmul.f32 $8.000000000e+00, v8  }
0xe6: {  	v58 =	vor.u32 v2, v55;
	v9 =	vmul.f32 $8.000000000e+00, v9;
	[tilespmem:v52+s9+$0x0] =	vst.idx.msk $0xffff, v22  }
0xe7: {  	v59 =	vor.u32 v3, v55;
	v13 =	vmul.f32 $8.000000000e+00, v13;
	[tilespmem:v53+s9+$0x0] =	vst.idx.msk $0xffff, v17;
	v8 =	vadd.f32 v48, v8  }
0xe8: {  	v60 =	vor.u32 v4, v55;
	v14 =	vmul.f32 $8.000000000e+00, v14;
	v9 =	vadd.f32 v48, v9;
	[tilespmem:v54+s9+$0x0] =	vst.idx.msk $0xffff, v18  }
0xe9: {  	v12 =	vmul.f32 $8.000000000e+00, v12;
	v13 =	vadd.f32 v48, v13;
	[tilespmem:v56+s9+$0x0] =	vst.idx.msk $0xffff, v8;
	v8 =	vor.u32 v5, v55  }
0xea: {  	v61 =	vor.u32 v6, v55;
	v11 =	vmul.f32 $8.000000000e+00, v11;
	v14 =	vadd.f32 v48, v14;
	[tilespmem:v57+s9+$0x0] =	vst.idx.msk $0xffff, v9  }
0xeb: {  	v62 =	vor.u32 v7, v55;
	v10 =	vmul.f32 $8.000000000e+00, v10;
	v12 =	vadd.f32 v48, v12;
	[tilespmem:v58+s9+$0x0] =	vst.idx.msk $0xffff, v13  }
0xec: {  	v16 =	vmul.f32 $8.000000000e+00, v49;
	v11 =	vadd.f32 v48, v11;
	[tilespmem:v59+s9+$0x0] =	vst.idx.msk $0xffff, v14  }
0xed: {  	v10 =	vadd.f32 v48, v10;
	[tilespmem:v60+s9+$0x0] =	vst.idx.msk $0xffff, v12  }
0xee: {  	v63 =	vadd.f32 v48, v16;
	[tilespmem:v8+s9+$0x0] =	vst.idx.msk $0xffff, v11  }
0xef: {  	s18 =	sadd.s32 @!p0 s5, s18;
	[tilespmem:v61+s9+$0x0] =	vst.idx.msk $0xffff, v10  }
0xf0: {  	s22 =	simm.s32 @!p0 $0x0;
	s24 =	simm.s32 @!p0 $0x3400;
	s29 =	sshll.u32 s31, $0x14;
	[tilespmem:v62+s9+$0x0] =	vst.idx.msk $0xffff, v63  }
0xf1: {  	[tilespmem:s24], [sflag:$0x5] =	stream.linear.gather @!p0 [hbm4b:s18+s22], $0x80, $0x38;
	[tilespmem:$0x1B600] =	vst v63  }
0xf2: {  	s18 =	sor.u32 s6, s29  }
0xf3: {  	p2 =	sne.s32 s31, $0x31;
	s18 =	sshrl.u32 s18, $0x3  }
.Ltmp1:
0xf4: {  	s18 =	sadd.s32 s1, s18;
	(pc) =	sbr.rel @p2 .LBB2_6-.Ltmp1, $4  }
0xf5: {  	[hbm4b:s18+s10] =	stream.strided.scatter [tilespmem:s9], [sflag:$0xD], $0x2000, s11, s10, $0x38;
	[tilespmem:$0x1B600] =	vst v63  }
0xf6: {  	_ =	swait.ge [sflag:s12], $0x4000  }
0xf7: {  	[sflag:s12] =	ssyncset.done $0x0  }
0xf8: {  	s18 =	sadd.s32 $0x5, s14;
	[sflag:s12] =	ssyncadd.s32 $0xFFFFC000  }
.Ltmp2:
0xf9: {  	(pc) =	sbr.rel .LBB2_7-.Ltmp2, $4  }
0xfa: {  	_ = 	snop  }
0xfb: {  	_ =	swait.ge [sflag:s13], $0x80  }
0xfc: {  	[sflag:s13] =	ssyncset.done $0x0  }
0xfd: {  	[sflag:s13] =	ssyncadd.s32 $0xFFFFFF80  }
.LBB2_6:
0xfe: {  	s22 =	sshll.u32 s18, $0x7;
	s24 =	sshll.u32 s18, $0xC  }
0xff: {  	s22 =	sand.u32 $0x280, s22;
	s24 =	sand.u32 $0x1F8000, s24  }
0x100: {  	s22 =	sor.u32 s24, s22  }
0x101: {  	s22 =	sor.u32 s6, s22  }
0x102: {  	s22 =	sshrl.u32 s22, $0x3  }
0x103: {  	s8 =	simm.s32 $0x3280;
	s24 =	simm.s32 $0x1;
	s22 =	sadd.s32 s4, s22  }
0x104: {  	[tilespmem:s8], [sflag:$0x2] =	stream.linear.gather [hbm4b:s22+s3], $0x80, $0x38;
	[tilespmem:$0x1B600] =	vst v63  }
0x105: {  	_ =	swait.ge [sflag:s24], $0x80  }
0x106: {  	s25 =	simm.s32 $0x3200;
	[sflag:s24] =	ssyncset.done $0x0  }
.Ltmp3:
0x107: {  	s29 =	simm.s32 $0x80;
	[sflag:s24] =	ssyncadd.s32 $0xFFFFFF80;
	(pc) =	sbr.rel @p1 .LBB2_8-.Ltmp3, $4  }
0x108: {  	[tilespmem:s30], [sflag:$0x9] =	stream.indirect.gather [hbm4b:s7+s29], $0x80, s25, s29, $0xb8;
	[tilespmem:$0x1B600] =	vst v63  }
0x109: {  	_ =	swait.ge [sflag:s13], $0x80  }
0x10a: {  	[sflag:s13] =	ssyncset.done $0x0  }
0x10b: {  	[sflag:s13] =	ssyncadd.s32 $0xFFFFFF80  }
.LBB2_7:
0x10c: {  	s8 =	simm.s32 $0xE  }
0x10d: {  	_ =	swait.ge [sflag:s8], $0x2000  }
0x10e: {  	[sflag:s8] =	ssyncset.done $0x0  }
0x10f: {  	[sflag:s8] =	ssyncadd.s32 $0xFFFFE000  }
.LBB2_8:
0x110: {  	v8 =	vld [tilespmem:$0x3480]  }
0x111: {  	v9 =	vld [tilespmem:$0x3490]  }
0x112: {  	v10 =	vld [tilespmem:$0x34A0]  }
0x113: {  	v11 =	vld [tilespmem:$0x34B0]  }
0x114: {  	v12 =	vld [tilespmem:$0x34C0]  }
0x115: {  	v13 =	vld [tilespmem:$0x34D0]  }
0x116: {  	v14 =	vld [tilespmem:$0x34E0]  }
0x117: {  	v15 =	vld [tilespmem:$0x34F0];
	_ =	sdelay $0x1  }
0x118: {  	v24 =	vlaneseq.u32;
	v16 =	vshll.u32 v8, $0x6;
	v9 =	vshll.u32 v9, $0x6  }
0x119: {  	s25 =	sor.u32 $0x1, s14;
	v10 =	vshll.u32 v10, $0x6;
	v17 =	vshll.u32 v11, $0x6;
	v18 =	vshll.u32 v12, $0x6  }
0x11a: {  	s22 =	sshll.u32 s25, $0x6;
	v19 =	vshll.u32 v13, $0x6;
	v20 =	vshll.u32 v14, $0x6;
	v11 =	vmul.u32 $0x80, v24  }
0x11b: {  	v21 =	vshll.u32 v15, $0x6;
	v8 =	vmov s22;
	v12 =	vor.u32 v24, v16  }
0x11c: {  	v13 =	vand.u32 $0xFFFFFF80, v16;
	v14 =	vor.u32 v24, v9;
	v15 =	vand.u32 $0xFFFFFF80, v9  }
0x11d: {  	v23 =	vand.u32 $0xFFFFFF80, v10;
	v26 =	vand.u32 $0xFFFFFF80, v17;
	v28 =	vand.u32 $0xFFFFFF80, v18  }
0x11e: {  	v30 =	vand.u32 $0xFFFFFF80, v19;
	v32 =	vand.u32 $0xFFFFFF80, v20;
	v61 =	vor.u32 v24, v21  }
0x11f: {  	v34 =	vand.u32 $0xFFFFFF80, v21;
	v9 =	vand.u32 $0x40, v9;
	v12 =	vand.u32 $0x4F, v12  }
0x120: {  	v13 =	vadd.s32 v11, v13;
	v22 =	vor.u32 $0x800, v11;
	v14 =	vand.u32 $0x4F, v14  }
0x121: {  	v25 =	vor.u32 $0x1000, v11;
	v27 =	vor.u32 $0x1800, v11;
	v29 =	vor.u32 $0x2000, v11  }
0x122: {  	v31 =	vor.u32 $0x2800, v11;
	v33 =	vor.u32 $0x3000, v11;
	v11 =	vor.u32 $0x3800, v11  }
0x123: {  	v12 =	vor.u32 v12, v13;
	v15 =	vadd.s32 v22, v15;
	v22 =	vor.u32 v24, v10  }
0x124: {  	v23 =	vadd.s32 v25, v23;
	v25 =	vor.u32 v24, v17;
	v26 =	vadd.s32 v27, v26  }
0x125: {  	v27 =	vor.u32 v24, v18;
	v28 =	vadd.s32 v29, v28;
	v29 =	vor.u32 v24, v19  }
0x126: {  	v30 =	vadd.s32 v31, v30;
	v31 =	vor.u32 v24, v20;
	v32 =	vadd.s32 v33, v32  }
0x127: {  	v33 =	vand.u32 $0x4F, v61;
	v14 =	vor.u32 v14, v15;
	v25 =	vand.u32 $0x4F, v25  }
0x128: {  	v34 =	vadd.s32 v11, v34;
	v27 =	vand.u32 $0x4F, v27;
	v25 =	vor.u32 v25, v26  }
0x129: {  	v11 =	vor.u32 $0x40, v24;
	v31 =	vand.u32 $0x4F, v31;
	v27 =	vor.u32 v27, v28  }
0x12a: {  	v22 =	vand.u32 $0x4F, v22;
	v29 =	vand.u32 $0x4F, v29;
	v31 =	vor.u32 v31, v32  }
0x12b: {  	v33 =	vor.u32 v33, v34;
	v22 =	vor.u32 v22, v23;
	v35 =	vld.idx.msk [tilespmem:v12+s0+$0x0], $0xffff;
	v12 =	vand.u32 $0x40, v16  }
0x12c: {  	v29 =	vor.u32 v29, v30;
	v16 =	vor.u32 s22, v11;
	v36 =	vld.idx.msk [tilespmem:v14+s0+$0x0], $0xffff;
	v11 =	vor.u32 v12, v13  }
0x12d: {  	s24 =	simm.s32 $0x1;
	v12 =	vor.u32 v9, v15;
	v9 =	vand.u32 $0x40, v10;
	v10 =	vand.u32 $0x40, v17;
	v25 =	vld.idx.msk [tilespmem:v25+s0+$0x0], $0xffff  }
0x12e: {  	v14 =	vand.u32 $0x40, v19;
	v17 =	vadd.s32 s24, v0;
	v15 =	vand.u32 $0x40, v20;
	v27 =	vld.idx.msk [tilespmem:v27+s0+$0x0], $0xffff  }
0x12f: {  	v13 =	vor.u32 v9, v23;
	v9 =	vor.u32 v10, v26;
	v10 =	vand.u32 $0x40, v18;
	v18 =	vld.idx.msk [tilespmem:v31+s0+$0x0], $0xffff  }
0x130: {  	v19 =	vand.u32 $0x40, v21;
	v26 =	vld.idx.msk [tilespmem:v33+s0+$0x0], $0xffff;
	v14 =	vor.u32 v14, v30;
	v20 =	vand.u32 $0x3F, v17  }
0x131: {  	v15 =	vor.u32 v15, v32;
	v10 =	vor.u32 v10, v28;
	v28 =	vld.idx.msk [tilespmem:v29+s0+$0x0], $0xffff;
	v29 =	vor.u32 v9, v20  }
0x132: {  	v30 =	vor.u32 v17, v8;
	v31 =	vor.u32 v11, v20;
	v63 =	vor.u32 v12, v20;
	v23 =	vld.idx.msk [tilespmem:v16+s3+$0x0], $0xffff  }
0x133: {  	v62 =	vld.idx.msk [tilespmem:v22+s0+$0x0], $0xffff;
	v17 =	vshll.u32 v20, $0x7;
	v22 =	vor.u32 v14, v20;
	v39 =	vor.u32 v15, v20  }
0x134: {  	v21 =	vor.u32 v10, v20;
	v16 =	vor.u32 v19, v34;
	v19 =	vor.u32 v13, v20  }
0x135: {  	v35 =	vmul.f32 $8.000000000e+00, v35;
	v34 =	vshll.u32 v24, $0x7;
	v18 =	vmul.f32 $8.000000000e+00, v18  }
0x136: {  	v20 =	vor.u32 v16, v20;
	v26 =	vmul.f32 $8.000000000e+00, v26;
	v40 =	vmul.f32 $8.000000000e+00, v27;
	v41 =	vld.idx.msk [tilespmem:v29+s0+$0x0], $0xffff  }
0x137: {  	v25 =	vmul.f32 $8.000000000e+00, v25;
	v37 =	vmul.f32 $8.000000000e+00, v28;
	v27 =	vadd.f32 v23, v18;
	v18 =	vld.idx.msk [tilespmem:v30+s3+$0x0], $0xffff  }
0x138: {  	v32 =	vmul.f32 $8.000000000e+00, v36;
	v33 =	vmul.f32 $8.000000000e+00, v62;
	v28 =	vadd.f32 v23, v26;
	v26 =	vld.idx.msk [tilespmem:v63+s0+$0x0], $0xffff  }
0x139: {  	v38 =	vor.u32 v0, v34;
	v31 =	vld.idx.msk [tilespmem:v31+s0+$0x0], $0xffff;
	v29 =	vadd.f32 v23, v37;
	v30 =	vadd.f32 v23, v25  }
0x13a: {  	v24 =	vld.idx.msk [tilespmem:v39+s0+$0x0], $0xffff;
	v39 =	vor.u32 v1, v34;
	v36 =	vadd.f32 v23, v35;
	v35 =	vadd.f32 v23, v33  }
0x13b: {  	s29 =	simm.s32 $0xFFFFFFFC;
	s22 =	simm.s32 $0x0;
	v22 =	vld.idx.msk [tilespmem:v22+s0+$0x0], $0xffff;
	v37 =	vor.u32 v2, v34;
	v33 =	vadd.f32 v23, v40;
	v25 =	vmul.f32 $8.000000000e+00, v41  }
.LBB2_9:
0x13c: {  	v21 =	vld.idx.msk [tilespmem:v21+s0+$0x0], $0xffff;
	s24 =	smov.u32 s22;
	s22 =	sadd.s32 $0x4, s22  }
0x13d: {  	v40 =	vor.u32 v3, v34;
	v26 =	vmul.f32 $8.000000000e+00, v26;
	p3 =	slt.u32 s22, $0x3C;
	v19 =	vld.idx.msk [tilespmem:v19+s0+$0x0], $0xffff;
	v25 =	vadd.f32 v18, v25  }
0x13e: {  	v23 =	vadd.f32 v23, v32;
	v32 =	vor.u32 v4, v34;
	v31 =	vmul.f32 $8.000000000e+00, v31;
	v20 =	vld.idx.msk [tilespmem:v20+s0+$0x0], $0xffff  }
0x13f: {  	v26 =	vadd.f32 v18, v26;
	[tilespmem:v38+s15+$0x0] =	vst.idx.msk $0xffff, v36;
	v36 =	vor.u32 v5, v34  }
0x140: {  	s8 =	sadd.s32 $0x6, s29;
	v38 =	vor.u32 v6, v34;
	v31 =	vadd.f32 v18, v31;
	[tilespmem:v39+s15+$0x0] =	vst.idx.msk $0xffff, v23  }
0x141: {  	v34 =	vor.u32 v7, v34;
	v23 =	vadd.s32 s8, v0;
	v24 =	vmul.f32 $8.000000000e+00, v24;
	[tilespmem:v37+s15+$0x0] =	vst.idx.msk $0xffff, v35  }
0x142: {  	v35 =	vor.u32 v23, v8;
	[tilespmem:v40+s15+$0x0] =	vst.idx.msk $0xffff, v30;
	v30 =	vand.u32 $0x3F, v23  }
0x143: {  	v24 =	vadd.f32 v18, v24;
	[tilespmem:v32+s15+$0x0] =	vst.idx.msk $0xffff, v33;
	v32 =	vor.u32 v16, v30;
	v23 =	vshll.u32 v30, $0x7  }
0x144: {  	v20 =	vmul.f32 $8.000000000e+00, v20;
	[tilespmem:v36+s15+$0x0] =	vst.idx.msk $0xffff, v29;
	v29 =	vor.u32 v14, v30  }
0x145: {  	[tilespmem:v38+s15+$0x0] =	vst.idx.msk $0xffff, v27;
	v27 =	vor.u32 v15, v30  }
0x146: {  	v19 =	vmul.f32 $8.000000000e+00, v19;
	v20 =	vadd.f32 v18, v20;
	[tilespmem:v34+s15+$0x0] =	vst.idx.msk $0xffff, v28;
	v28 =	vor.u32 v10, v30  }
0x147: {  	v21 =	vmul.f32 $8.000000000e+00, v21;
	v33 =	vor.u32 v9, v30;
	v34 =	vld.idx.msk [tilespmem:v35+s3+$0x0], $0xffff  }
0x148: {  	v19 =	vadd.f32 v18, v19;
	v35 =	vor.u32 v13, v30;
	v32 =	vld.idx.msk [tilespmem:v32+s0+$0x0], $0xffff  }
0x149: {  	v21 =	vadd.f32 v18, v21;
	v36 =	vor.u32 v12, v30;
	v29 =	vld.idx.msk [tilespmem:v29+s0+$0x0], $0xffff  }
0x14a: {  	v30 =	vor.u32 v11, v30;
	v27 =	vld.idx.msk [tilespmem:v27+s0+$0x0], $0xffff  }
0x14b: {  	v37 =	vor.u32 v0, v17;
	v28 =	vld.idx.msk [tilespmem:v28+s0+$0x0], $0xffff  }
0x14c: {  	v38 =	vor.u32 v1, v17;
	v33 =	vld.idx.msk [tilespmem:v33+s0+$0x0], $0xffff  }
0x14d: {  	v41 =	vor.u32 v7, v17;
	v39 =	vor.u32 v2, v17;
	v40 =	vor.u32 v5, v17;
	v35 =	vld.idx.msk [tilespmem:v35+s0+$0x0], $0xffff  }
0x14e: {  	v42 =	vor.u32 v3, v17;
	v22 =	vmul.f32 $8.000000000e+00, v22;
	v32 =	vmul.f32 $8.000000000e+00, v32;
	v36 =	vld.idx.msk [tilespmem:v36+s0+$0x0], $0xffff  }
0x14f: {  	v43 =	vor.u32 v4, v17;
	v17 =	vor.u32 v6, v17;
	v29 =	vmul.f32 $8.000000000e+00, v29;
	v30 =	vld.idx.msk [tilespmem:v30+s0+$0x0], $0xffff  }
0x150: {  	s8 =	sadd.s32 $0x7, s29;
	v18 =	vadd.f32 v18, v22;
	v22 =	vmul.f32 $8.000000000e+00, v27;
	v27 =	vadd.f32 v34, v32;
	[tilespmem:v37+s15+$0x0] =	vst.idx.msk $0xffff, v31  }
0x151: {  	v28 =	vmul.f32 $8.000000000e+00, v28;
	v29 =	vadd.f32 v34, v29;
	[tilespmem:v38+s15+$0x0] =	vst.idx.msk $0xffff, v26;
	v26 =	vadd.s32 s8, v0  }
0x152: {  	v32 =	vadd.f32 v34, v22;
	[tilespmem:v39+s15+$0x0] =	vst.idx.msk $0xffff, v19;
	v31 =	vand.u32 $0x3F, v26;
	v19 =	vmul.f32 $8.000000000e+00, v33  }
0x153: {  	v22 =	vmul.f32 $8.000000000e+00, v35;
	v28 =	vadd.f32 v34, v28;
	[tilespmem:v42+s15+$0x0] =	vst.idx.msk $0xffff, v25;
	v25 =	vor.u32 v11, v31  }
0x154: {  	v33 =	vmul.f32 $8.000000000e+00, v36;
	[tilespmem:v43+s15+$0x0] =	vst.idx.msk $0xffff, v21;
	v21 =	vor.u32 v12, v31;
	v35 =	vadd.f32 v34, v19  }
0x155: {  	v19 =	vor.u32 v13, v31;
	[tilespmem:v40+s15+$0x0] =	vst.idx.msk $0xffff, v18;
	v18 =	vmul.f32 $8.000000000e+00, v30;
	v30 =	vadd.f32 v34, v22  }
0x156: {  	v36 =	vor.u32 v26, v8;
	v33 =	vadd.f32 v34, v33;
	v22 =	vshll.u32 v31, $0x7;
	[tilespmem:v17+s15+$0x0] =	vst.idx.msk $0xffff, v24  }
0x157: {  	s8 =	sadd.s32 $0x5, s24;
	[tilespmem:v41+s15+$0x0] =	vst.idx.msk $0xffff, v20;
	v20 =	vor.u32 v16, v31;
	v34 =	vadd.f32 v34, v18  }
0x158: {  	v38 =	vor.u32 v9, v31;
	v39 =	vor.u32 v15, v31;
	v17 =	vadd.s32 s8, v0;
	v37 =	vld.idx.msk [tilespmem:v25+s0+$0x0], $0xffff  }
0x159: {  	v42 =	vor.u32 v14, v31;
	v40 =	vand.u32 $0x3F, v17;
	v18 =	vor.u32 v17, v8;
	v41 =	vld.idx.msk [tilespmem:v21+s0+$0x0], $0xffff  }
0x15a: {  	v24 =	vor.u32 v11, v40;
	v26 =	vor.u32 v12, v40;
	v17 =	vshll.u32 v40, $0x7;
	v43 =	vld.idx.msk [tilespmem:v19+s0+$0x0], $0xffff  }
0x15b: {  	v31 =	vor.u32 v10, v31;
	v44 =	vor.u32 v9, v40;
	v19 =	vor.u32 v13, v40;
	v36 =	vld.idx.msk [tilespmem:v36+s3+$0x0], $0xffff  }
0x15c: {  	v46 =	vor.u32 v0, v23;
	v25 =	vor.u32 v15, v40;
	v21 =	vor.u32 v10, v40;
	v45 =	vld.idx.msk [tilespmem:v20+s0+$0x0], $0xffff  }
0x15d: {  	v47 =	vor.u32 v14, v40;
	v20 =	vor.u32 v16, v40;
	v40 =	vor.u32 v1, v23;
	v39 =	vld.idx.msk [tilespmem:v39+s0+$0x0], $0xffff  }
0x15e: {  	v48 =	vor.u32 v2, v23;
	v37 =	vmul.f32 $8.000000000e+00, v37;
	v42 =	vld.idx.msk [tilespmem:v42+s0+$0x0], $0xffff  }
0x15f: {  	v49 =	vor.u32 v3, v23;
	v50 =	vor.u32 v6, v23;
	v41 =	vmul.f32 $8.000000000e+00, v41;
	v38 =	vld.idx.msk [tilespmem:v38+s0+$0x0], $0xffff  }
0x160: {  	v51 =	vor.u32 v4, v23;
	v52 =	vor.u32 v5, v23;
	s8 =	sadd.s32 $0x8, s29;
	s29 =	smov.u32 s24;
	v43 =	vmul.f32 $8.000000000e+00, v43;
	v31 =	vld.idx.msk [tilespmem:v31+s0+$0x0], $0xffff  }
0x161: {  	s8 =	smin.u32 s8, $0x3F;
	[tilespmem:v46+s15+$0x0] =	vst.idx.msk $0xffff, v34;
	v34 =	vadd.f32 v36, v37;
	v37 =	vadd.f32 v36, v41  }
0x162: {  	v41 =	vmul.f32 $8.000000000e+00, v45;
	[tilespmem:v40+s15+$0x0] =	vst.idx.msk $0xffff, v33;
	v33 =	vadd.s32 s8, v0;
	v40 =	vadd.f32 v36, v43  }
0x163: {  	v23 =	vor.u32 v7, v23;
	[tilespmem:v48+s15+$0x0] =	vst.idx.msk $0xffff, v30;
	v43 =	vand.u32 $0x3F, v33;
	v30 =	vmul.f32 $8.000000000e+00, v39  }
0x164: {  	v39 =	vadd.f32 v36, v41;
	[tilespmem:v49+s15+$0x0] =	vst.idx.msk $0xffff, v35;
	v35 =	vor.u32 v11, v43  }
0x165: {  	[tilespmem:v51+s15+$0x0] =	vst.idx.msk $0xffff, v28;
	v28 =	vor.u32 v10, v43;
	v41 =	vadd.f32 v36, v30  }
0x166: {  	v30 =	vmul.f32 $8.000000000e+00, v31;
	[tilespmem:v52+s15+$0x0] =	vst.idx.msk $0xffff, v29;
	v29 =	vor.u32 v15, v43  }
0x167: {  	v31 =	vor.u32 v16, v43;
	[tilespmem:v50+s15+$0x0] =	vst.idx.msk $0xffff, v32;
	v32 =	vor.u32 v33, v8  }
0x168: {  	v30 =	vadd.f32 v36, v30;
	[tilespmem:v23+s15+$0x0] =	vst.idx.msk $0xffff, v27;
	v27 =	vor.u32 v13, v43  }
0x169: {  	v33 =	vld.idx.msk [tilespmem:v35+s0+$0x0], $0xffff  }
0x16a: {  	v35 =	vor.u32 v14, v43;
	v28 =	vld.idx.msk [tilespmem:v28+s0+$0x0], $0xffff  }
0x16b: {  	v45 =	vor.u32 v12, v43;
	v46 =	vor.u32 v9, v43;
	v29 =	vld.idx.msk [tilespmem:v29+s0+$0x0], $0xffff  }
0x16c: {  	v23 =	vld.idx.msk [tilespmem:v32+s3+$0x0], $0xffff  }
0x16d: {  	v32 =	vor.u32 v0, v22;
	v31 =	vld.idx.msk [tilespmem:v31+s0+$0x0], $0xffff  }
0x16e: {  	v49 =	vor.u32 v1, v22;
	v48 =	vld.idx.msk [tilespmem:v27+s0+$0x0], $0xffff  }
0x16f: {  	v50 =	vor.u32 v2, v22;
	v35 =	vld.idx.msk [tilespmem:v35+s0+$0x0], $0xffff  }
0x170: {  	v52 =	vor.u32 v3, v22;
	v33 =	vmul.f32 $8.000000000e+00, v33;
	v51 =	vmul.f32 $8.000000000e+00, v28;
	v46 =	vld.idx.msk [tilespmem:v46+s0+$0x0], $0xffff  }
0x171: {  	v28 =	vmul.f32 $8.000000000e+00, v38;
	v38 =	vor.u32 v4, v22;
	v27 =	vmul.f32 $8.000000000e+00, v29;
	v29 =	vld.idx.msk [tilespmem:v45+s0+$0x0], $0xffff  }
0x172: {  	v45 =	vor.u32 v6, v22;
	v31 =	vmul.f32 $8.000000000e+00, v31;
	[tilespmem:v32+s15+$0x0] =	vst.idx.msk $0xffff, v34;
	v34 =	vor.u32 v5, v22  }
0x173: {  	v27 =	vadd.f32 v23, v27;
	v32 =	vadd.f32 v36, v28;
	[tilespmem:v49+s15+$0x0] =	vst.idx.msk $0xffff, v37;
	v37 =	vmul.f32 $8.000000000e+00, v42  }
0x174: {  	v22 =	vor.u32 v7, v22;
	v35 =	vmul.f32 $8.000000000e+00, v35;
	v28 =	vadd.f32 v23, v31;
	[tilespmem:v50+s15+$0x0] =	vst.idx.msk $0xffff, v40  }
0x175: {  	[tilespmem:v52+s15+$0x0] =	vst.idx.msk $0xffff, v32;
	v31 =	vadd.f32 v36, v37  }
0x176: {  	v36 =	vmul.f32 $8.000000000e+00, v46;
	v32 =	vmul.f32 $8.000000000e+00, v29;
	v29 =	vadd.f32 v23, v35;
	[tilespmem:v38+s15+$0x0] =	vst.idx.msk $0xffff, v30  }
0x177: {  	[tilespmem:v34+s15+$0x0] =	vst.idx.msk $0xffff, v31  }
0x178: {  	v30 =	vadd.f32 v23, v36;
	[tilespmem:v45+s15+$0x0] =	vst.idx.msk $0xffff, v41  }
0x179: {  	[tilespmem:v22+s15+$0x0] =	vst.idx.msk $0xffff, v39  }
0x17a: {  	v18 =	vld.idx.msk [tilespmem:v18+s3+$0x0], $0xffff  }
0x17b: {  	v40 =	vld.idx.msk [tilespmem:v44+s0+$0x0], $0xffff  }
0x17c: {  	v36 =	vadd.f32 v23, v33;
	v33 =	vmul.f32 $8.000000000e+00, v48;
	v22 =	vld.idx.msk [tilespmem:v47+s0+$0x0], $0xffff  }
.Ltmp4:
0x17d: {  	v26 =	vld.idx.msk [tilespmem:v26+s0+$0x0], $0xffff;
	(pc) =	sbr.rel @p3 .LBB2_9-.Ltmp4, $4  }
0x17e: {  	v35 =	vadd.f32 v23, v33;
	v31 =	vld.idx.msk [tilespmem:v24+s0+$0x0], $0xffff  }
0x17f: {  	v34 =	vshll.u32 v43, $0x7  }
0x180: {  	v38 =	vor.u32 v0, v34;
	v37 =	vor.u32 v2, v34;
	v33 =	vadd.f32 v23, v51  }
0x181: {  	v39 =	vor.u32 v1, v34;
	v24 =	vld.idx.msk [tilespmem:v25+s0+$0x0], $0xffff;
	v25 =	vmul.f32 $8.000000000e+00, v40  }
0x182: {  	_ =	sdelay $0x3  }
0x183: {  	v21 =	vld.idx.msk [tilespmem:v21+s0+$0x0], $0xffff;
	v40 =	vor.u32 v3, v34  }
0x184: {  	v19 =	vld.idx.msk [tilespmem:v19+s0+$0x0], $0xffff;
	v23 =	vadd.f32 v23, v32;
	v58 =	vor.u32 v4, v34  }
0x185: {  	v20 =	vld.idx.msk [tilespmem:v20+s0+$0x0], $0xffff;
	[tilespmem:v38+s15+$0x0] =	vst.idx.msk $0xffff, v36;
	v59 =	vor.u32 v5, v34  }
0x186: {  	v60 =	vor.u32 v6, v34;
	s8 =	sadd.s32 $0x6, s29;
	[tilespmem:v39+s15+$0x0] =	vst.idx.msk $0xffff, v23  }
0x187: {  	v61 =	vor.u32 v7, v34;
	v62 =	vadd.s32 s8, v0;
	[tilespmem:v37+s15+$0x0] =	vst.idx.msk $0xffff, v35  }
0x188: {  	v63 =	vand.u32 $0x3F, v62;
	v35 =	vor.u32 v62, v8;
	[tilespmem:v40+s15+$0x0] =	vst.idx.msk $0xffff, v30  }
0x189: {  	v38 =	vor.u32 v16, v63;
	[tilespmem:v58+s15+$0x0] =	vst.idx.msk $0xffff, v33  }
0x18a: {  	v39 =	vor.u32 v14, v63;
	[tilespmem:v59+s15+$0x0] =	vst.idx.msk $0xffff, v29  }
0x18b: {  	v40 =	vor.u32 v15, v63;
	[tilespmem:v60+s15+$0x0] =	vst.idx.msk $0xffff, v27  }
0x18c: {  	v41 =	vor.u32 v10, v63;
	[tilespmem:v61+s15+$0x0] =	vst.idx.msk $0xffff, v28  }
0x18d: {  	v42 =	vor.u32 v9, v63;
	v33 =	vld.idx.msk [tilespmem:v35+s3+$0x0], $0xffff  }
0x18e: {  	v43 =	vor.u32 v13, v63;
	v32 =	vld.idx.msk [tilespmem:v38+s0+$0x0], $0xffff  }
0x18f: {  	v44 =	vor.u32 v12, v63;
	v29 =	vld.idx.msk [tilespmem:v39+s0+$0x0], $0xffff  }
0x190: {  	v46 =	vor.u32 v0, v17;
	v45 =	vor.u32 v11, v63;
	v23 =	vld.idx.msk [tilespmem:v40+s0+$0x0], $0xffff  }
0x191: {  	v47 =	vor.u32 v1, v17;
	v26 =	vmul.f32 $8.000000000e+00, v26;
	v31 =	vmul.f32 $8.000000000e+00, v31;
	v27 =	vld.idx.msk [tilespmem:v41+s0+$0x0], $0xffff  }
0x192: {  	v48 =	vor.u32 v2, v17;
	v49 =	vor.u32 v3, v17;
	v22 =	vmul.f32 $8.000000000e+00, v22;
	v28 =	vld.idx.msk [tilespmem:v42+s0+$0x0], $0xffff  }
0x193: {  	v50 =	vor.u32 v6, v17;
	v31 =	vadd.f32 v18, v31;
	v19 =	vmul.f32 $8.000000000e+00, v19;
	v34 =	vld.idx.msk [tilespmem:v43+s0+$0x0], $0xffff  }
0x194: {  	v26 =	vadd.f32 v18, v26;
	v21 =	vmul.f32 $8.000000000e+00, v21;
	v35 =	vld.idx.msk [tilespmem:v44+s0+$0x0], $0xffff;
	v41 =	vor.u32 v4, v17  }
0x195: {  	s24 =	sadd.s32 $0x7, s29;
	v19 =	vadd.f32 v18, v19;
	v36 =	vld.idx.msk [tilespmem:v45+s0+$0x0], $0xffff;
	v42 =	vor.u32 v5, v17;
	[tilespmem:v46+s15+$0x0] =	vst.idx.msk $0xffff, v31  }
0x196: {  	v52 =	vor.u32 v7, v17;
	v25 =	vadd.f32 v18, v25;
	v51 =	vadd.s32 s24, v0;
	[tilespmem:v47+s15+$0x0] =	vst.idx.msk $0xffff, v26  }
0x197: {  	v53 =	vand.u32 $0x3F, v51;
	v24 =	vmul.f32 $8.000000000e+00, v24;
	v21 =	vadd.f32 v18, v21;
	[tilespmem:v48+s15+$0x0] =	vst.idx.msk $0xffff, v19  }
0x198: {  	v22 =	vadd.f32 v18, v22;
	v54 =	vor.u32 v11, v53;
	v20 =	vmul.f32 $8.000000000e+00, v20;
	[tilespmem:v49+s15+$0x0] =	vst.idx.msk $0xffff, v25  }
0x199: {  	v55 =	vor.u32 v12, v53;
	v24 =	vadd.f32 v18, v24;
	[tilespmem:v41+s15+$0x0] =	vst.idx.msk $0xffff, v21  }
0x19a: {  	v57 =	vor.u32 v13, v53;
	v56 =	vadd.f32 v18, v20;
	[tilespmem:v42+s15+$0x0] =	vst.idx.msk $0xffff, v22  }
0x19b: {  	v8 =	vor.u32 v51, v8;
	[tilespmem:v50+s15+$0x0] =	vst.idx.msk $0xffff, v24  }
0x19c: {  	v58 =	vor.u32 v16, v53;
	[tilespmem:v52+s15+$0x0] =	vst.idx.msk $0xffff, v56  }
0x19d: {  	v59 =	vor.u32 v15, v53;
	v11 =	vld.idx.msk [tilespmem:v54+s0+$0x0], $0xffff  }
0x19e: {  	v60 =	vor.u32 v14, v53;
	v12 =	vld.idx.msk [tilespmem:v55+s0+$0x0], $0xffff  }
0x19f: {  	v62 =	vshll.u32 v63, $0x7;
	v61 =	vor.u32 v9, v53;
	v13 =	vld.idx.msk [tilespmem:v57+s0+$0x0], $0xffff  }
0x1a0: {  	v37 =	vor.u32 v0, v62;
	v63 =	vor.u32 v10, v53;
	v8 =	vld.idx.msk [tilespmem:v8+s3+$0x0], $0xffff  }
0x1a1: {  	v30 =	vor.u32 v4, v62;
	v39 =	vor.u32 v1, v62;
	v38 =	vmul.f32 $8.000000000e+00, v36;
	v16 =	vld.idx.msk [tilespmem:v58+s0+$0x0], $0xffff  }
0x1a2: {  	v44 =	vor.u32 v3, v62;
	v41 =	vmul.f32 $8.000000000e+00, v35;
	v42 =	vor.u32 v2, v62;
	v15 =	vld.idx.msk [tilespmem:v59+s0+$0x0], $0xffff  }
0x1a3: {  	v45 =	vor.u32 v5, v62;
	v43 =	vmul.f32 $8.000000000e+00, v34;
	v20 =	vadd.f32 v33, v38;
	v14 =	vld.idx.msk [tilespmem:v60+s0+$0x0], $0xffff  }
0x1a4: {  	v17 =	vor.u32 v7, v62;
	v28 =	vmul.f32 $8.000000000e+00, v28;
	v24 =	vadd.f32 v33, v41;
	v9 =	vld.idx.msk [tilespmem:v61+s0+$0x0], $0xffff  }
0x1a5: {  	v27 =	vmul.f32 $8.000000000e+00, v27;
	v26 =	vadd.f32 v33, v43;
	v10 =	vld.idx.msk [tilespmem:v63+s0+$0x0], $0xffff;
	[tilespmem:v37+s15+$0x0] =	vst.idx.msk $0xffff, v20  }
0x1a6: {  	v48 =	vor.u32 v6, v62;
	v40 =	vmul.f32 $8.000000000e+00, v29;
	v47 =	vadd.f32 v33, v28;
	[tilespmem:v39+s15+$0x0] =	vst.idx.msk $0xffff, v24  }
0x1a7: {  	v19 =	vshll.u32 v53, $0x7;
	v46 =	vmul.f32 $8.000000000e+00, v23;
	v49 =	vadd.f32 v33, v27;
	[tilespmem:v42+s15+$0x0] =	vst.idx.msk $0xffff, v26  }
0x1a8: {  	v51 =	vor.u32 v0, v19;
	v50 =	vmul.f32 $8.000000000e+00, v32;
	v22 =	vadd.f32 v33, v40;
	[tilespmem:v44+s15+$0x0] =	vst.idx.msk $0xffff, v47  }
0x1a9: {  	v18 =	vadd.f32 v33, v46;
	v52 =	vor.u32 v1, v19;
	[tilespmem:v30+s15+$0x0] =	vst.idx.msk $0xffff, v49;
	v11 =	vmul.f32 $8.000000000e+00, v11  }
0x1aa: {  	v53 =	vor.u32 v2, v19;
	v24 =	vadd.f32 v33, v50;
	v12 =	vmul.f32 $8.000000000e+00, v12;
	[tilespmem:v45+s15+$0x0] =	vst.idx.msk $0xffff, v22  }
0x1ab: {  	v54 =	vor.u32 v3, v19;
	v13 =	vmul.f32 $8.000000000e+00, v13;
	[tilespmem:v48+s15+$0x0] =	vst.idx.msk $0xffff, v18;
	v11 =	vadd.f32 v8, v11  }
0x1ac: {  	v55 =	vor.u32 v4, v19;
	v9 =	vmul.f32 $8.000000000e+00, v9;
	v12 =	vadd.f32 v8, v12;
	[tilespmem:v17+s15+$0x0] =	vst.idx.msk $0xffff, v24  }
0x1ad: {  	v56 =	vor.u32 v5, v19;
	v10 =	vmul.f32 $8.000000000e+00, v10;
	v13 =	vadd.f32 v8, v13;
	[tilespmem:v51+s15+$0x0] =	vst.idx.msk $0xffff, v11  }
0x1ae: {  	v57 =	vor.u32 v6, v19;
	v58 =	vmul.f32 $8.000000000e+00, v14;
	v9 =	vadd.f32 v8, v9;
	[tilespmem:v52+s15+$0x0] =	vst.idx.msk $0xffff, v12  }
0x1af: {  	s8 =	sshll.u32 @!p0 s18, $0x7;
	s18 =	sshll.u32 @!p0 s18, $0xC;
	v60 =	vor.u32 v7, v19;
	v59 =	vmul.f32 $8.000000000e+00, v15;
	v10 =	vadd.f32 v8, v10;
	[tilespmem:v53+s15+$0x0] =	vst.idx.msk $0xffff, v13  }
0x1b0: {  	s8 =	sand.u32 @!p0 $0x280, s8;
	s18 =	sand.u32 @!p0 $0x1F8000, s18;
	v61 =	vmul.f32 $8.000000000e+00, v16;
	v62 =	vadd.f32 v8, v58;
	[tilespmem:v54+s15+$0x0] =	vst.idx.msk $0xffff, v9  }
0x1b1: {  	s8 =	sor.u32 @!p0 s18, s8;
	v63 =	vadd.f32 v8, v59;
	[tilespmem:v55+s15+$0x0] =	vst.idx.msk $0xffff, v10  }
0x1b2: {  	s8 =	sor.u32 @!p0 s6, s8;
	v8 =	vadd.f32 v8, v61;
	[tilespmem:v56+s15+$0x0] =	vst.idx.msk $0xffff, v62  }
0x1b3: {  	s22 =	simm.s32 @!p0 $0x3480;
	s8 =	sshrl.u32 @!p0 s8, $0x3;
	[tilespmem:v57+s15+$0x0] =	vst.idx.msk $0xffff, v63  }
0x1b4: {  	s29 =	sshll.u32 s25, $0x12;
	s18 =	simm.s32 @!p0 $0x0;
	s8 =	sadd.s32 @!p0 s5, s8;
	[tilespmem:v60+s15+$0x0] =	vst.idx.msk $0xffff, v8  }
0x1b5: {  	[tilespmem:s22], [sflag:$0x6] =	stream.linear.gather @!p0 [hbm4b:s8+s18], $0x80, $0x38;
	[tilespmem:$0x1B600] =	vst v63  }
0x1b6: {  	s8 =	sor.u32 s6, s29  }
0x1b7: {  	s8 =	sshrl.u32 s8, $0x3  }
.Ltmp5:
0x1b8: {  	s8 =	sadd.s32 s1, s8;
	(pc) =	sbr.rel @p2 .LBB2_12-.Ltmp5, $4  }
0x1b9: {  	[hbm4b:s8+s10] =	stream.strided.scatter [tilespmem:s15], [sflag:$0xE], $0x2000, s11, s10, $0x38;
	[tilespmem:$0x1B600] =	vst v63  }
0x1ba: {  	_ =	swait.ge [sflag:s16], $0x4000  }
0x1bb: {  	[sflag:s16] =	ssyncset.done $0x0  }
0x1bc: {  	s18 =	sadd.s32 $0x6, s14;
	[sflag:s16] =	ssyncadd.s32 $0xFFFFC000  }
.Ltmp6:
0x1bd: {  	(pc) =	sbr.rel .LBB2_13-.Ltmp6, $4  }
0x1be: {  	_ = 	snop  }
0x1bf: {  	_ =	swait.ge [sflag:s17], $0x80  }
0x1c0: {  	[sflag:s17] =	ssyncset.done $0x0  }
0x1c1: {  	[sflag:s17] =	ssyncadd.s32 $0xFFFFFF80  }
.LBB2_12:
0x1c2: {  	s8 =	sshll.u32 s18, $0x7;
	s22 =	sshll.u32 s18, $0xC  }
0x1c3: {  	s8 =	sand.u32 $0x300, s8;
	s22 =	sand.u32 $0x1F8000, s22  }
0x1c4: {  	s8 =	sor.u32 s22, s8  }
0x1c5: {  	s8 =	sor.u32 s6, s8  }
0x1c6: {  	s8 =	sshrl.u32 s8, $0x3  }
0x1c7: {  	s29 =	simm.s32 $0x3300;
	s24 =	simm.s32 $0x2;
	s8 =	sadd.s32 s4, s8  }
0x1c8: {  	[tilespmem:s29], [sflag:$0x3] =	stream.linear.gather [hbm4b:s8+s3], $0x80, $0x38;
	[tilespmem:$0x1B600] =	vst v63  }
0x1c9: {  	_ =	swait.ge [sflag:s24], $0x80  }
0x1ca: {  	s25 =	simm.s32 $0x3280;
	[sflag:s24] =	ssyncset.done $0x0  }
.Ltmp7:
0x1cb: {  	s29 =	simm.s32 $0x80;
	[sflag:s24] =	ssyncadd.s32 $0xFFFFFF80;
	(pc) =	sbr.rel @p1 .LBB2_14-.Ltmp7, $4  }
0x1cc: {  	[tilespmem:s0], [sflag:$0xA] =	stream.indirect.gather [hbm4b:s7+s29], $0x80, s25, s29, $0xb8;
	[tilespmem:$0x1B600] =	vst v63  }
0x1cd: {  	_ =	swait.ge [sflag:s17], $0x80  }
0x1ce: {  	[sflag:s17] =	ssyncset.done $0x0  }
0x1cf: {  	[sflag:s17] =	ssyncadd.s32 $0xFFFFFF80  }
.LBB2_13:
0x1d0: {  	s8 =	simm.s32 $0xF  }
0x1d1: {  	_ =	swait.ge [sflag:s8], $0x2000  }
0x1d2: {  	[sflag:s8] =	ssyncset.done $0x0  }
0x1d3: {  	[sflag:s8] =	ssyncadd.s32 $0xFFFFE000  }
.LBB2_14:
0x1d4: {  	v8 =	vld [tilespmem:$0x3500]  }
0x1d5: {  	v9 =	vld [tilespmem:$0x3510]  }
0x1d6: {  	v10 =	vld [tilespmem:$0x3520]  }
0x1d7: {  	v11 =	vld [tilespmem:$0x3530]  }
0x1d8: {  	v12 =	vld [tilespmem:$0x3540]  }
0x1d9: {  	v13 =	vld [tilespmem:$0x3550]  }
0x1da: {  	v14 =	vld [tilespmem:$0x3560]  }
0x1db: {  	v15 =	vld [tilespmem:$0x3570];
	s25 =	sor.u32 $0x2, s14  }
0x1dc: {  	v19 =	vlaneseq.u32;
	s8 =	sshll.u32 s25, $0x6  }
0x1dd: {  	v51 =	vor.u32 s8, v19  }
0x1de: {  	v8 =	vshll.u32 v8, $0x6;
	v9 =	vshll.u32 v9, $0x6;
	v16 =	vshll.u32 v10, $0x6  }
0x1df: {  	v17 =	vshll.u32 v11, $0x6;
	v12 =	vshll.u32 v12, $0x6;
	v18 =	vshll.u32 v13, $0x6  }
0x1e0: {  	v13 =	vshll.u32 v14, $0x6;
	v11 =	vmul.u32 $0x80, v19;
	v14 =	vshll.u32 v15, $0x6  }
0x1e1: {  	v10 =	vor.u32 v19, v8;
	v15 =	vand.u32 $0xFFFFFF80, v8;
	v20 =	vor.u32 v19, v9  }
0x1e2: {  	v21 =	vand.u32 $0xFFFFFF80, v9;
	v23 =	vand.u32 $0xFFFFFF80, v16;
	v25 =	vor.u32 v19, v17  }
0x1e3: {  	v26 =	vand.u32 $0xFFFFFF80, v17;
	v29 =	vor.u32 v19, v18;
	v30 =	vand.u32 $0xFFFFFF80, v18  }
0x1e4: {  	v33 =	vor.u32 v19, v14;
	v34 =	vand.u32 $0xFFFFFF80, v14;
	v8 =	vand.u32 $0x40, v8  }
0x1e5: {  	v9 =	vand.u32 $0x40, v9;
	v10 =	vand.u32 $0x4F, v10;
	v22 =	vor.u32 $0x800, v11  }
0x1e6: {  	v15 =	vadd.s32 v11, v15;
	v20 =	vand.u32 $0x4F, v20;
	v24 =	vor.u32 $0x1000, v11  }
0x1e7: {  	v27 =	vor.u32 $0x1800, v11;
	v28 =	vor.u32 $0x2000, v11;
	v31 =	vor.u32 $0x2800, v11  }
0x1e8: {  	v32 =	vor.u32 $0x3000, v11;
	v11 =	vor.u32 $0x3800, v11;
	v21 =	vadd.s32 v22, v21  }
0x1e9: {  	v10 =	vor.u32 v10, v15;
	v22 =	vor.u32 v19, v16;
	v23 =	vadd.s32 v24, v23  }
0x1ea: {  	v24 =	vand.u32 $0x4F, v25;
	v25 =	vadd.s32 v27, v26;
	v26 =	vor.u32 v19, v12  }
0x1eb: {  	v27 =	vand.u32 $0xFFFFFF80, v12;
	v11 =	vadd.s32 v11, v34;
	v8 =	vor.u32 v8, v15  }
0x1ec: {  	v20 =	vor.u32 v20, v21;
	v22 =	vand.u32 $0x4F, v22;
	v24 =	vor.u32 v24, v25  }
0x1ed: {  	v26 =	vand.u32 $0x4F, v26;
	v27 =	vadd.s32 v28, v27;
	v28 =	vand.u32 $0x4F, v29  }
0x1ee: {  	v29 =	vadd.s32 v31, v30;
	v30 =	vor.u32 v19, v13;
	v22 =	vor.u32 v22, v23  }
0x1ef: {  	v31 =	vand.u32 $0xFFFFFF80, v13;
	v26 =	vor.u32 v26, v27;
	v28 =	vor.u32 v28, v29;
	v35 =	vld.idx.msk [tilespmem:v10+s20+$0x0], $0xffff  }
0x1f0: {  	s22 =	simm.s32 $0x1;
	v30 =	vand.u32 $0x4F, v30;
	v31 =	vadd.s32 v32, v31;
	v10 =	vand.u32 $0x4F, v33;
	v33 =	vld.idx.msk [tilespmem:v51+s3+$0x0], $0xffff  }
0x1f1: {  	v30 =	vor.u32 v30, v31;
	v20 =	vld.idx.msk [tilespmem:v20+s20+$0x0], $0xffff;
	v50 =	vor.u32 v10, v11;
	v10 =	vadd.s32 s22, v0  }
0x1f2: {  	v12 =	vand.u32 $0x40, v12;
	v16 =	vand.u32 $0x40, v16;
	v24 =	vld.idx.msk [tilespmem:v24+s20+$0x0], $0xffff;
	v52 =	vand.u32 $0x3F, v10  }
0x1f3: {  	v9 =	vor.u32 v9, v21;
	v13 =	vand.u32 $0x40, v13;
	v22 =	vld.idx.msk [tilespmem:v22+s20+$0x0], $0xffff;
	v15 =	vor.u32 v8, v52  }
0x1f4: {  	v12 =	vor.u32 v12, v27;
	v10 =	vand.u32 $0x40, v14;
	v21 =	vld.idx.msk [tilespmem:v28+s20+$0x0], $0xffff;
	v28 =	vor.u32 v9, v52  }
0x1f5: {  	v26 =	vld.idx.msk [tilespmem:v26+s20+$0x0], $0xffff;
	v14 =	vor.u32 v13, v31;
	v13 =	vor.u32 v16, v23;
	v31 =	vor.u32 v12, v52  }
0x1f6: {  	v16 =	vand.u32 $0x40, v17;
	v10 =	vor.u32 v10, v11;
	v30 =	vld.idx.msk [tilespmem:v30+s20+$0x0], $0xffff;
	v17 =	vor.u32 v14, v52  }
0x1f7: {  	v11 =	vmov s8;
	v36 =	vor.u32 v10, v52;
	v32 =	vld.idx.msk [tilespmem:v50+s20+$0x0], $0xffff  }
0x1f8: {  	v27 =	vor.u32 v11, v52;
	v23 =	vld.idx.msk [tilespmem:v15+s20+$0x0], $0xffff  }
0x1f9: {  	v15 =	vor.u32 v16, v25;
	v16 =	vand.u32 $0x40, v18;
	v18 =	vor.u32 v13, v52;
	v25 =	vld.idx.msk [tilespmem:v28+s20+$0x0], $0xffff  }
0x1fa: {  	v19 =	vshll.u32 v19, $0x7;
	v31 =	vld.idx.msk [tilespmem:v31+s20+$0x0], $0xffff;
	v16 =	vor.u32 v16, v29;
	v28 =	vor.u32 v15, v52  }
0x1fb: {  	v37 =	vor.u32 v0, v19;
	v38 =	vor.u32 v1, v19;
	v17 =	vld.idx.msk [tilespmem:v17+s20+$0x0], $0xffff;
	v53 =	vor.u32 v16, v52  }
0x1fc: {  	v39 =	vor.u32 v2, v19;
	v40 =	vor.u32 v3, v19;
	v35 =	vmul.f32 $8.000000000e+00, v35;
	v29 =	vld.idx.msk [tilespmem:v36+s20+$0x0], $0xffff  }
0x1fd: {  	v41 =	vor.u32 v4, v19;
	v42 =	vor.u32 v5, v19;
	v20 =	vmul.f32 $8.000000000e+00, v20;
	v27 =	vld.idx.msk [tilespmem:v27+s3+$0x0], $0xffff  }
0x1fe: {  	v54 =	vor.u32 v6, v19;
	v22 =	vmul.f32 $8.000000000e+00, v22;
	v35 =	vadd.f32 v33, v35;
	v18 =	vld.idx.msk [tilespmem:v18+s20+$0x0], $0xffff  }
0x1ff: {  	v19 =	vor.u32 v7, v19;
	v24 =	vmul.f32 $8.000000000e+00, v24;
	v20 =	vadd.f32 v33, v20;
	v28 =	vld.idx.msk [tilespmem:v28+s20+$0x0], $0xffff  }
0x200: {  	s22 =	simm.s32 $0x2;
	v26 =	vmul.f32 $8.000000000e+00, v26;
	v22 =	vadd.f32 v33, v22;
	v36 =	vld.idx.msk [tilespmem:v53+s20+$0x0], $0xffff;
	[tilespmem:v37+s19+$0x0] =	vst.idx.msk $0xffff, v35  }
0x201: {  	v21 =	vmul.f32 $8.000000000e+00, v21;
	[tilespmem:v38+s19+$0x0] =	vst.idx.msk $0xffff, v20;
	v20 =	vadd.f32 v33, v24;
	v24 =	vadd.s32 s22, v0  }
0x202: {  	v30 =	vmul.f32 $8.000000000e+00, v30;
	[tilespmem:v39+s19+$0x0] =	vst.idx.msk $0xffff, v22;
	v22 =	vadd.f32 v33, v26;
	v55 =	vand.u32 $0x3F, v24  }
0x203: {  	v21 =	vadd.f32 v33, v21;
	v24 =	vmul.f32 $8.000000000e+00, v32;
	[tilespmem:v40+s19+$0x0] =	vst.idx.msk $0xffff, v20;
	v20 =	vor.u32 v9, v55  }
0x204: {  	v26 =	vadd.f32 v33, v30;
	v30 =	vor.u32 v14, v55;
	[tilespmem:v41+s19+$0x0] =	vst.idx.msk $0xffff, v22  }
0x205: {  	v56 =	vor.u32 v15, v55;
	[tilespmem:v42+s19+$0x0] =	vst.idx.msk $0xffff, v21;
	v21 =	vadd.f32 v33, v24  }
0x206: {  	v31 =	vmul.f32 $8.000000000e+00, v31;
	v17 =	vmul.f32 $8.000000000e+00, v17;
	v22 =	vor.u32 v11, v55;
	[tilespmem:v54+s19+$0x0] =	vst.idx.msk $0xffff, v26  }
0x207: {  	v23 =	vmul.f32 $8.000000000e+00, v23;
	v29 =	vmul.f32 $8.000000000e+00, v29;
	v24 =	vor.u32 v10, v55;
	[tilespmem:v19+s19+$0x0] =	vst.idx.msk $0xffff, v21  }
0x208: {  	v31 =	vadd.f32 v27, v31;
	v19 =	vor.u32 v16, v55;
	v21 =	vmul.f32 $8.000000000e+00, v25;
	v20 =	vld.idx.msk [tilespmem:v20+s20+$0x0], $0xffff  }
0x209: {  	v59 =	vadd.f32 v27, v17;
	v23 =	vadd.f32 v27, v23;
	v25 =	vor.u32 v12, v55;
	v30 =	vld.idx.msk [tilespmem:v30+s20+$0x0], $0xffff  }
0x20a: {  	v26 =	vshll.u32 v52, $0x7;
	v32 =	vld.idx.msk [tilespmem:v56+s20+$0x0], $0xffff;
	v57 =	vadd.f32 v27, v21;
	v21 =	vor.u32 v8, v55  }
0x20b: {  	v18 =	vmul.f32 $8.000000000e+00, v18;
	v17 =	vor.u32 v0, v26;
	v58 =	vld.idx.msk [tilespmem:v22+s3+$0x0], $0xffff;
	v22 =	vor.u32 v13, v55  }
0x20c: {  	v28 =	vmul.f32 $8.000000000e+00, v28;
	v36 =	vmul.f32 $8.000000000e+00, v36;
	v60 =	vor.u32 v1, v26;
	v24 =	vld.idx.msk [tilespmem:v24+s20+$0x0], $0xffff  }
0x20d: {  	v29 =	vadd.f32 v27, v29;
	v18 =	vadd.f32 v27, v18;
	v61 =	vor.u32 v2, v26;
	v19 =	vld.idx.msk [tilespmem:v19+s20+$0x0], $0xffff  }
0x20e: {  	v28 =	vadd.f32 v27, v28;
	v62 =	vor.u32 v3, v26;
	v36 =	vadd.f32 v27, v36;
	v25 =	vld.idx.msk [tilespmem:v25+s20+$0x0], $0xffff  }
0x20f: {  	v43 =	vor.u32 v6, v26;
	v27 =	vor.u32 v4, v26;
	v20 =	vmul.f32 $8.000000000e+00, v20;
	v41 =	vld.idx.msk [tilespmem:v21+s20+$0x0], $0xffff  }
0x210: {  	v42 =	vld.idx.msk [tilespmem:v22+s20+$0x0], $0xffff;
	v22 =	vmul.f32 $8.000000000e+00, v30;
	v30 =	vor.u32 v5, v26;
	[tilespmem:v17+s19+$0x0] =	vst.idx.msk $0xffff, v23  }
0x211: {  	v21 =	vadd.f32 v58, v20;
	v20 =	vmul.f32 $8.000000000e+00, v24;
	[tilespmem:v60+s19+$0x0] =	vst.idx.msk $0xffff, v57;
	v24 =	vmul.f32 $8.000000000e+00, v32  }
0x212: {  	v63 =	vor.u32 v7, v26;
	v17 =	vadd.f32 v58, v22;
	[tilespmem:v61+s19+$0x0] =	vst.idx.msk $0xffff, v18;
	v19 =	vmul.f32 $8.000000000e+00, v19  }
0x213: {  	s24 =	simm.s32 $0x3;
	v23 =	vmul.f32 $8.000000000e+00, v25;
	v18 =	vadd.f32 v58, v20;
	[tilespmem:v62+s19+$0x0] =	vst.idx.msk $0xffff, v28;
	v24 =	vadd.f32 v58, v24  }
0x214: {  	[tilespmem:v27+s19+$0x0] =	vst.idx.msk $0xffff, v31;
	v22 =	vadd.f32 v58, v19;
	v19 =	vadd.s32 s24, v0;
	v25 =	vmul.f32 $8.000000000e+00, v41  }
0x215: {  	v23 =	vadd.f32 v58, v23;
	[tilespmem:v30+s19+$0x0] =	vst.idx.msk $0xffff, v36;
	v30 =	vmul.f32 $8.000000000e+00, v42;
	v20 =	vand.u32 $0x3F, v19  }
0x216: {  	[tilespmem:v43+s19+$0x0] =	vst.idx.msk $0xffff, v59;
	v27 =	vor.u32 v11, v20;
	v26 =	vadd.f32 v58, v25  }
0x217: {  	s29 =	simm.s32 $0x0;
	s22 =	simm.s32 $0xFFFFFFFC;
	v19 =	vshll.u32 v55, $0x7;
	[tilespmem:v63+s19+$0x0] =	vst.idx.msk $0xffff, v29;
	v28 =	vor.u32 v10, v20;
	v25 =	vadd.f32 v58, v30  }
.LBB2_15:
0x218: {  	v29 =	vor.u32 v14, v20;
	s8 =	smov.u32 s29;
	s29 =	sadd.s32 $0x4, s29  }
0x219: {  	v30 =	vor.u32 v16, v20;
	p3 =	slt.u32 s29, $0x3C  }
0x21a: {  	v31 =	vor.u32 v12, v20  }
0x21b: {  	v32 =	vor.u32 v15, v20;
	v27 =	vld.idx.msk [tilespmem:v27+s3+$0x0], $0xffff  }
0x21c: {  	v33 =	vor.u32 v13, v20;
	v28 =	vld.idx.msk [tilespmem:v28+s20+$0x0], $0xffff  }
0x21d: {  	v34 =	vor.u32 v9, v20;
	v29 =	vld.idx.msk [tilespmem:v29+s20+$0x0], $0xffff  }
0x21e: {  	v35 =	vor.u32 v8, v20;
	v30 =	vld.idx.msk [tilespmem:v30+s20+$0x0], $0xffff  }
0x21f: {  	v36 =	vor.u32 v0, v19;
	v31 =	vld.idx.msk [tilespmem:v31+s20+$0x0], $0xffff  }
0x220: {  	v37 =	vor.u32 v1, v19;
	v32 =	vld.idx.msk [tilespmem:v32+s20+$0x0], $0xffff  }
0x221: {  	v38 =	vor.u32 v2, v19;
	v33 =	vld.idx.msk [tilespmem:v33+s20+$0x0], $0xffff  }
0x222: {  	v39 =	vor.u32 v3, v19;
	v40 =	vor.u32 v7, v19;
	v28 =	vmul.f32 $8.000000000e+00, v28;
	v34 =	vld.idx.msk [tilespmem:v34+s20+$0x0], $0xffff  }
0x223: {  	v41 =	vor.u32 v4, v19;
	v42 =	vor.u32 v6, v19;
	s24 =	sadd.s32 $0x8, s22;
	s22 =	smov.u32 s8;
	v29 =	vmul.f32 $8.000000000e+00, v29;
	v35 =	vld.idx.msk [tilespmem:v35+s20+$0x0], $0xffff  }
0x224: {  	v19 =	vor.u32 v5, v19;
	s8 =	smin.u32 s24, $0x3F;
	v28 =	vadd.f32 v27, v28;
	[tilespmem:v36+s19+$0x0] =	vst.idx.msk $0xffff, v26;
	v26 =	vmul.f32 $8.000000000e+00, v30  }
0x225: {  	v30 =	vmul.f32 $8.000000000e+00, v31;
	v29 =	vadd.f32 v27, v29;
	[tilespmem:v37+s19+$0x0] =	vst.idx.msk $0xffff, v21;
	v21 =	vadd.s32 s8, v0  }
0x226: {  	[tilespmem:v38+s19+$0x0] =	vst.idx.msk $0xffff, v25;
	v21 =	vand.u32 $0x3F, v21;
	v25 =	vmul.f32 $8.000000000e+00, v32;
	v26 =	vadd.f32 v27, v26  }
0x227: {  	v31 =	vmul.f32 $8.000000000e+00, v33;
	v30 =	vadd.f32 v27, v30;
	[tilespmem:v39+s19+$0x0] =	vst.idx.msk $0xffff, v24;
	v24 =	vor.u32 v10, v21  }
0x228: {  	v32 =	vmul.f32 $8.000000000e+00, v34;
	[tilespmem:v41+s19+$0x0] =	vst.idx.msk $0xffff, v23;
	v23 =	vor.u32 v14, v21;
	v25 =	vadd.f32 v27, v25  }
0x229: {  	v31 =	vadd.f32 v27, v31;
	[tilespmem:v19+s19+$0x0] =	vst.idx.msk $0xffff, v22;
	v19 =	vor.u32 v8, v21;
	v22 =	vmul.f32 $8.000000000e+00, v35  }
0x22a: {  	v32 =	vadd.f32 v27, v32;
	[tilespmem:v42+s19+$0x0] =	vst.idx.msk $0xffff, v17;
	v17 =	vor.u32 v16, v21  }
0x22b: {  	v33 =	vor.u32 v12, v21;
	[tilespmem:v40+s19+$0x0] =	vst.idx.msk $0xffff, v18;
	v18 =	vor.u32 v13, v21;
	_ =	sdelay $0x1  }
0x22c: {  	v34 =	vor.u32 v15, v21;
	v23 =	vld.idx.msk [tilespmem:v23+s20+$0x0], $0xffff  }
0x22d: {  	v35 =	vor.u32 v11, v21;
	v24 =	vld.idx.msk [tilespmem:v24+s20+$0x0], $0xffff  }
0x22e: {  	v36 =	vor.u32 v9, v21;
	v17 =	vld.idx.msk [tilespmem:v17+s20+$0x0], $0xffff  }
0x22f: {  	v20 =	vshll.u32 v20, $0x7;
	v33 =	vld.idx.msk [tilespmem:v33+s20+$0x0], $0xffff  }
0x230: {  	v37 =	vld.idx.msk [tilespmem:v18+s20+$0x0], $0xffff;
	v18 =	vor.u32 v0, v20  }
0x231: {  	v38 =	vor.u32 v1, v20;
	v34 =	vld.idx.msk [tilespmem:v34+s20+$0x0], $0xffff  }
0x232: {  	v39 =	vor.u32 v2, v20;
	v24 =	vmul.f32 $8.000000000e+00, v24;
	v35 =	vld.idx.msk [tilespmem:v35+s3+$0x0], $0xffff  }
0x233: {  	v22 =	vadd.f32 v27, v22;
	v27 =	vor.u32 v3, v20;
	v23 =	vmul.f32 $8.000000000e+00, v23;
	v19 =	vld.idx.msk [tilespmem:v19+s20+$0x0], $0xffff  }
0x234: {  	v40 =	vor.u32 v4, v20;
	v36 =	vld.idx.msk [tilespmem:v36+s20+$0x0], $0xffff  }
0x235: {  	s8 =	sadd.s32 $0x5, s22;
	[tilespmem:v18+s19+$0x0] =	vst.idx.msk $0xffff, v22;
	v22 =	vor.u32 v5, v20  }
0x236: {  	v18 =	vadd.s32 s8, v0;
	[tilespmem:v38+s19+$0x0] =	vst.idx.msk $0xffff, v32;
	v32 =	vor.u32 v6, v20  }
0x237: {  	v38 =	vand.u32 $0x3F, v18;
	v20 =	vor.u32 v7, v20;
	[tilespmem:v39+s19+$0x0] =	vst.idx.msk $0xffff, v31  }
0x238: {  	v31 =	vor.u32 v8, v38;
	v39 =	vor.u32 v9, v38;
	v18 =	vshll.u32 v38, $0x7;
	[tilespmem:v27+s19+$0x0] =	vst.idx.msk $0xffff, v25  }
0x239: {  	v25 =	vor.u32 v13, v38;
	v27 =	vor.u32 v15, v38;
	[tilespmem:v40+s19+$0x0] =	vst.idx.msk $0xffff, v30  }
0x23a: {  	v30 =	vor.u32 v16, v38;
	v40 =	vor.u32 v10, v38;
	[tilespmem:v22+s19+$0x0] =	vst.idx.msk $0xffff, v26  }
0x23b: {  	v22 =	vor.u32 v12, v38;
	v26 =	vor.u32 v11, v38;
	[tilespmem:v32+s19+$0x0] =	vst.idx.msk $0xffff, v29  }
0x23c: {  	v29 =	vor.u32 v14, v38;
	[tilespmem:v20+s19+$0x0] =	vst.idx.msk $0xffff, v28  }
0x23d: {  	v20 =	vld.idx.msk [tilespmem:v31+s20+$0x0], $0xffff  }
0x23e: {  	v17 =	vmul.f32 $8.000000000e+00, v17;
	v28 =	vld.idx.msk [tilespmem:v39+s20+$0x0], $0xffff  }
0x23f: {  	v19 =	vmul.f32 $8.000000000e+00, v19;
	v31 =	vld.idx.msk [tilespmem:v40+s20+$0x0], $0xffff  }
0x240: {  	v21 =	vshll.u32 v21, $0x7;
	v17 =	vadd.f32 v35, v17;
	v23 =	vadd.f32 v35, v23;
	v26 =	vld.idx.msk [tilespmem:v26+s3+$0x0], $0xffff  }
0x241: {  	v37 =	vmul.f32 $8.000000000e+00, v37;
	v32 =	vor.u32 v0, v21;
	v38 =	vor.u32 v7, v21;
	v22 =	vld.idx.msk [tilespmem:v22+s20+$0x0], $0xffff  }
0x242: {  	v41 =	vor.u32 v6, v21;
	v39 =	vor.u32 v1, v21;
	v40 =	vor.u32 v5, v21;
	v29 =	vld.idx.msk [tilespmem:v29+s20+$0x0], $0xffff  }
0x243: {  	v42 =	vor.u32 v2, v21;
	v43 =	vor.u32 v4, v21;
	v36 =	vmul.f32 $8.000000000e+00, v36;
	v25 =	vld.idx.msk [tilespmem:v25+s20+$0x0], $0xffff  }
0x244: {  	v19 =	vadd.f32 v35, v19;
	v21 =	vor.u32 v3, v21;
	v28 =	vmul.f32 $8.000000000e+00, v28;
	v27 =	vld.idx.msk [tilespmem:v27+s20+$0x0], $0xffff  }
0x245: {  	v34 =	vmul.f32 $8.000000000e+00, v34;
	v36 =	vadd.f32 v35, v36;
	v31 =	vmul.f32 $8.000000000e+00, v31;
	v30 =	vld.idx.msk [tilespmem:v30+s20+$0x0], $0xffff  }
0x246: {  	s8 =	sadd.s32 $0x6, s22;
	v28 =	vadd.f32 v26, v28;
	[tilespmem:v32+s19+$0x0] =	vst.idx.msk $0xffff, v19;
	v19 =	vadd.f32 v35, v37;
	v32 =	vmul.f32 $8.000000000e+00, v33  }
0x247: {  	v33 =	vadd.f32 v35, v34;
	v34 =	vadd.s32 s8, v0;
	v22 =	vmul.f32 $8.000000000e+00, v22;
	[tilespmem:v39+s19+$0x0] =	vst.idx.msk $0xffff, v36  }
0x248: {  	v29 =	vmul.f32 $8.000000000e+00, v29;
	[tilespmem:v42+s19+$0x0] =	vst.idx.msk $0xffff, v19;
	v19 =	vadd.f32 v35, v32;
	v32 =	vand.u32 $0x3F, v34  }
0x249: {  	v25 =	vmul.f32 $8.000000000e+00, v25;
	[tilespmem:v21+s19+$0x0] =	vst.idx.msk $0xffff, v33;
	v21 =	vor.u32 v14, v32;
	v33 =	vadd.f32 v26, v22  }
0x24a: {  	v22 =	vor.u32 v9, v32;
	[tilespmem:v43+s19+$0x0] =	vst.idx.msk $0xffff, v19;
	v19 =	vmul.f32 $8.000000000e+00, v27;
	v27 =	vadd.f32 v26, v29  }
0x24b: {  	[tilespmem:v40+s19+$0x0] =	vst.idx.msk $0xffff, v17;
	v17 =	vadd.f32 v35, v24;
	v24 =	vadd.f32 v26, v25;
	v25 =	vmul.f32 $8.000000000e+00, v30  }
0x24c: {  	[tilespmem:v41+s19+$0x0] =	vst.idx.msk $0xffff, v23;
	v23 =	vor.u32 v11, v32;
	v29 =	vadd.f32 v26, v19;
	v19 =	vshll.u32 v32, $0x7  }
0x24d: {  	[tilespmem:v38+s19+$0x0] =	vst.idx.msk $0xffff, v17;
	v17 =	vor.u32 v10, v32;
	v25 =	vadd.f32 v26, v25  }
0x24e: {  	v31 =	vadd.f32 v26, v31;
	v34 =	vor.u32 v16, v32;
	v30 =	vor.u32 v8, v32  }
0x24f: {  	v35 =	vor.u32 v12, v32;
	v22 =	vld.idx.msk [tilespmem:v22+s20+$0x0], $0xffff  }
0x250: {  	v36 =	vor.u32 v15, v32;
	v21 =	vld.idx.msk [tilespmem:v21+s20+$0x0], $0xffff  }
0x251: {  	v32 =	vor.u32 v13, v32;
	v37 =	vld.idx.msk [tilespmem:v23+s3+$0x0], $0xffff  }
0x252: {  	v23 =	vld.idx.msk [tilespmem:v17+s20+$0x0], $0xffff;
	v17 =	vor.u32 v0, v18  }
0x253: {  	v20 =	vmul.f32 $8.000000000e+00, v20;
	v38 =	vor.u32 v1, v18;
	v34 =	vld.idx.msk [tilespmem:v34+s20+$0x0], $0xffff  }
0x254: {  	v39 =	vor.u32 v2, v18;
	v35 =	vld.idx.msk [tilespmem:v35+s20+$0x0], $0xffff  }
0x255: {  	v20 =	vadd.f32 v26, v20;
	v26 =	vor.u32 v3, v18;
	v22 =	vmul.f32 $8.000000000e+00, v22;
	v36 =	vld.idx.msk [tilespmem:v36+s20+$0x0], $0xffff  }
0x256: {  	v40 =	vor.u32 v4, v18;
	v41 =	vmul.f32 $8.000000000e+00, v21;
	v30 =	vld.idx.msk [tilespmem:v30+s20+$0x0], $0xffff  }
0x257: {  	v42 =	vor.u32 v5, v18;
	v21 =	vadd.f32 v37, v22;
	v32 =	vld.idx.msk [tilespmem:v32+s20+$0x0], $0xffff  }
0x258: {  	v43 =	vor.u32 v6, v18;
	[tilespmem:v17+s19+$0x0] =	vst.idx.msk $0xffff, v20;
	v17 =	vadd.f32 v37, v41;
	v20 =	vmul.f32 $8.000000000e+00, v23  }
0x259: {  	v22 =	vmul.f32 $8.000000000e+00, v34;
	[tilespmem:v38+s19+$0x0] =	vst.idx.msk $0xffff, v28;
	v28 =	vor.u32 v7, v18  }
0x25a: {  	v23 =	vmul.f32 $8.000000000e+00, v35;
	[tilespmem:v39+s19+$0x0] =	vst.idx.msk $0xffff, v24;
	v18 =	vadd.f32 v37, v20  }
.Ltmp8:
0x25b: {  	s8 =	sadd.s32 $0x7, s22;
	v24 =	vmul.f32 $8.000000000e+00, v36;
	v22 =	vadd.f32 v37, v22;
	[tilespmem:v26+s19+$0x0] =	vst.idx.msk $0xffff, v29;
	(pc) =	sbr.rel @p3 .LBB2_15-.Ltmp8, $4  }
0x25c: {  	v20 =	vadd.s32 s8, v0;
	v26 =	vmul.f32 $8.000000000e+00, v30;
	v23 =	vadd.f32 v37, v23;
	[tilespmem:v40+s19+$0x0] =	vst.idx.msk $0xffff, v33  }
0x25d: {  	v20 =	vand.u32 $0x3F, v20;
	v24 =	vadd.f32 v37, v24;
	[tilespmem:v42+s19+$0x0] =	vst.idx.msk $0xffff, v25;
	v25 =	vmul.f32 $8.000000000e+00, v32  }
0x25e: {  	v26 =	vadd.f32 v37, v26;
	[tilespmem:v43+s19+$0x0] =	vst.idx.msk $0xffff, v27;
	v27 =	vor.u32 v11, v20  }
0x25f: {  	[tilespmem:v28+s19+$0x0] =	vst.idx.msk $0xffff, v31;
	v28 =	vor.u32 v10, v20;
	v25 =	vadd.f32 v37, v25  }
0x260: {  	_ = 	snop  }
0x261: {  	v10 =	vor.u32 v14, v20  }
0x262: {  	v11 =	vor.u32 v16, v20  }
0x263: {  	v12 =	vor.u32 v12, v20  }
0x264: {  	v47 =	vor.u32 v15, v20;
	v48 =	vld.idx.msk [tilespmem:v27+s3+$0x0], $0xffff  }
0x265: {  	v13 =	vor.u32 v13, v20;
	v49 =	vld.idx.msk [tilespmem:v28+s20+$0x0], $0xffff  }
0x266: {  	v8 =	vor.u32 v8, v20;
	v10 =	vld.idx.msk [tilespmem:v10+s20+$0x0], $0xffff  }
0x267: {  	v9 =	vor.u32 v9, v20;
	v50 =	vor.u32 v0, v19;
	v11 =	vld.idx.msk [tilespmem:v11+s20+$0x0], $0xffff  }
0x268: {  	v51 =	vor.u32 v1, v19;
	v12 =	vld.idx.msk [tilespmem:v12+s20+$0x0], $0xffff  }
0x269: {  	v29 =	vor.u32 v2, v19;
	v14 =	vld.idx.msk [tilespmem:v47+s20+$0x0], $0xffff  }
0x26a: {  	v30 =	vor.u32 v3, v19;
	v13 =	vld.idx.msk [tilespmem:v13+s20+$0x0], $0xffff  }
0x26b: {  	v31 =	vor.u32 v4, v19;
	v8 =	vld.idx.msk [tilespmem:v8+s20+$0x0], $0xffff  }
0x26c: {  	v52 =	vor.u32 v5, v19;
	v9 =	vld.idx.msk [tilespmem:v9+s20+$0x0], $0xffff;
	[tilespmem:v50+s19+$0x0] =	vst.idx.msk $0xffff, v26  }
0x26d: {  	v53 =	vor.u32 v6, v19;
	[tilespmem:v51+s19+$0x0] =	vst.idx.msk $0xffff, v21  }
0x26e: {  	v54 =	vor.u32 v7, v19;
	v55 =	vshll.u32 v20, $0x7;
	[tilespmem:v29+s19+$0x0] =	vst.idx.msk $0xffff, v25  }
0x26f: {  	v56 =	vor.u32 v0, v55;
	[tilespmem:v30+s19+$0x0] =	vst.idx.msk $0xffff, v24  }
0x270: {  	v57 =	vor.u32 v1, v55;
	[tilespmem:v31+s19+$0x0] =	vst.idx.msk $0xffff, v23;
	v8 =	vmul.f32 $8.000000000e+00, v8  }
0x271: {  	v58 =	vor.u32 v2, v55;
	v9 =	vmul.f32 $8.000000000e+00, v9;
	[tilespmem:v52+s19+$0x0] =	vst.idx.msk $0xffff, v22  }
0x272: {  	v59 =	vor.u32 v3, v55;
	v13 =	vmul.f32 $8.000000000e+00, v13;
	[tilespmem:v53+s19+$0x0] =	vst.idx.msk $0xffff, v17;
	v8 =	vadd.f32 v48, v8  }
0x273: {  	v60 =	vor.u32 v4, v55;
	v14 =	vmul.f32 $8.000000000e+00, v14;
	v9 =	vadd.f32 v48, v9;
	[tilespmem:v54+s19+$0x0] =	vst.idx.msk $0xffff, v18  }
0x274: {  	v12 =	vmul.f32 $8.000000000e+00, v12;
	v13 =	vadd.f32 v48, v13;
	[tilespmem:v56+s19+$0x0] =	vst.idx.msk $0xffff, v8;
	v8 =	vor.u32 v5, v55  }
0x275: {  	v61 =	vor.u32 v6, v55;
	v11 =	vmul.f32 $8.000000000e+00, v11;
	v14 =	vadd.f32 v48, v14;
	[tilespmem:v57+s19+$0x0] =	vst.idx.msk $0xffff, v9  }
0x276: {  	s8 =	sshll.u32 @!p0 s18, $0x7;
	s18 =	sshll.u32 @!p0 s18, $0xC;
	v62 =	vor.u32 v7, v55;
	v10 =	vmul.f32 $8.000000000e+00, v10;
	v12 =	vadd.f32 v48, v12;
	[tilespmem:v58+s19+$0x0] =	vst.idx.msk $0xffff, v13  }
0x277: {  	s8 =	sand.u32 @!p0 $0x300, s8;
	s18 =	sand.u32 @!p0 $0x1F8000, s18;
	v16 =	vmul.f32 $8.000000000e+00, v49;
	v11 =	vadd.f32 v48, v11;
	[tilespmem:v59+s19+$0x0] =	vst.idx.msk $0xffff, v14  }
0x278: {  	s8 =	sor.u32 @!p0 s18, s8;
	v10 =	vadd.f32 v48, v10;
	[tilespmem:v60+s19+$0x0] =	vst.idx.msk $0xffff, v12  }
0x279: {  	s8 =	sor.u32 @!p0 s6, s8;
	v63 =	vadd.f32 v48, v16;
	[tilespmem:v8+s19+$0x0] =	vst.idx.msk $0xffff, v11  }
0x27a: {  	s22 =	simm.s32 @!p0 $0x3500;
	s8 =	sshrl.u32 @!p0 s8, $0x3;
	[tilespmem:v61+s19+$0x0] =	vst.idx.msk $0xffff, v10  }
0x27b: {  	s29 =	sshll.u32 s25, $0x12;
	s18 =	simm.s32 @!p0 $0x0;
	s8 =	sadd.s32 @!p0 s5, s8;
	[tilespmem:v62+s19+$0x0] =	vst.idx.msk $0xffff, v63  }
0x27c: {  	[tilespmem:s22], [sflag:$0x7] =	stream.linear.gather @!p0 [hbm4b:s8+s18], $0x80, $0x38;
	[tilespmem:$0x1B600] =	vst v63  }
0x27d: {  	s8 =	sor.u32 s6, s29  }
0x27e: {  	s8 =	sshrl.u32 s8, $0x3  }
.Ltmp9:
0x27f: {  	s8 =	sadd.s32 s1, s8;
	(pc) =	sbr.rel @p2 .LBB2_18-.Ltmp9, $4  }
0x280: {  	[hbm4b:s8+s10] =	stream.strided.scatter [tilespmem:s19], [sflag:$0xF], $0x2000, s11, s10, $0x38;
	[tilespmem:$0x1B600] =	vst v63  }
0x281: {  	_ =	swait.ge [sflag:s21], $0x4000  }
0x282: {  	[sflag:s21] =	ssyncset.done $0x0  }
0x283: {  	s14 =	sadd.s32 $0x7, s14;
	[sflag:s21] =	ssyncadd.s32 $0xFFFFC000  }
.Ltmp10:
0x284: {  	(pc) =	sbr.rel .LBB2_19-.Ltmp10, $4  }
0x285: {  	_ = 	snop  }
0x286: {  	_ =	swait.ge [sflag:s23], $0x80  }
0x287: {  	[sflag:s23] =	ssyncset.done $0x0  }
0x288: {  	[sflag:s23] =	ssyncadd.s32 $0xFFFFFF80  }
.LBB2_18:
0x289: {  	s8 =	sshll.u32 s14, $0x7;
	s18 =	sshll.u32 s14, $0xC  }
0x28a: {  	s8 =	sand.u32 $0x380, s8;
	s18 =	sand.u32 $0x1F8000, s18  }
0x28b: {  	s8 =	sor.u32 s18, s8  }
0x28c: {  	s8 =	sor.u32 s6, s8  }
0x28d: {  	s8 =	sshrl.u32 s8, $0x3  }
0x28e: {  	s22 =	simm.s32 $0x3380;
	s24 =	simm.s32 $0x3;
	s8 =	sadd.s32 s4, s8  }
0x28f: {  	[tilespmem:s22], [sflag:$0x4] =	stream.linear.gather [hbm4b:s8+s3], $0x80, $0x38;
	[tilespmem:$0x1B600] =	vst v63  }
0x290: {  	_ =	swait.ge [sflag:s24], $0x80  }
0x291: {  	s25 =	simm.s32 $0x3300;
	[sflag:s24] =	ssyncset.done $0x0  }
.Ltmp11:
0x292: {  	s29 =	simm.s32 $0x80;
	[sflag:s24] =	ssyncadd.s32 $0xFFFFFF80;
	(pc) =	sbr.rel @p1 .LBB2_20-.Ltmp11, $4  }
0x293: {  	[tilespmem:s20], [sflag:$0xB] =	stream.indirect.gather [hbm4b:s7+s29], $0x80, s25, s29, $0xb8;
	[tilespmem:$0x1B600] =	vst v63  }
0x294: {  	_ =	swait.ge [sflag:s23], $0x80  }
0x295: {  	[sflag:s23] =	ssyncset.done $0x0  }
0x296: {  	[sflag:s23] =	ssyncadd.s32 $0xFFFFFF80  }
.LBB2_19:
0x297: {  	s8 =	simm.s32 $0x10  }
0x298: {  	_ =	swait.ge [sflag:s8], $0x2000  }
0x299: {  	[sflag:s8] =	ssyncset.done $0x0  }
0x29a: {  	[sflag:s8] =	ssyncadd.s32 $0xFFFFE000  }
.LBB2_20:
0x29b: {  	v8 =	vld [tilespmem:$0x3580]  }
0x29c: {  	v9 =	vld [tilespmem:$0x3590]  }
0x29d: {  	v10 =	vld [tilespmem:$0x35A0]  }
0x29e: {  	v11 =	vld [tilespmem:$0x35B0]  }
0x29f: {  	v12 =	vld [tilespmem:$0x35C0]  }
0x2a0: {  	v13 =	vld [tilespmem:$0x35D0]  }
0x2a1: {  	v14 =	vld [tilespmem:$0x35E0]  }
0x2a2: {  	v15 =	vld [tilespmem:$0x35F0];
	_ =	sdelay $0x1  }
0x2a3: {  	v24 =	vlaneseq.u32;
	v16 =	vshll.u32 v8, $0x6;
	v9 =	vshll.u32 v9, $0x6  }
0x2a4: {  	v10 =	vshll.u32 v10, $0x6;
	v17 =	vshll.u32 v11, $0x6;
	v18 =	vshll.u32 v12, $0x6  }
0x2a5: {  	s8 =	sshll.u32 s2, $0x6;
	v19 =	vshll.u32 v13, $0x6;
	v20 =	vshll.u32 v14, $0x6;
	v11 =	vmul.u32 $0x80, v24  }
0x2a6: {  	v21 =	vshll.u32 v15, $0x6;
	v8 =	vmov s8;
	v12 =	vor.u32 v24, v16  }
0x2a7: {  	v13 =	vand.u32 $0xFFFFFF80, v16;
	v14 =	vor.u32 v24, v9;
	v15 =	vand.u32 $0xFFFFFF80, v9  }
0x2a8: {  	v23 =	vand.u32 $0xFFFFFF80, v10;
	v26 =	vand.u32 $0xFFFFFF80, v17;
	v28 =	vand.u32 $0xFFFFFF80, v18  }
0x2a9: {  	v30 =	vand.u32 $0xFFFFFF80, v19;
	v32 =	vand.u32 $0xFFFFFF80, v20;
	v61 =	vor.u32 v24, v21  }
0x2aa: {  	v34 =	vand.u32 $0xFFFFFF80, v21;
	v9 =	vand.u32 $0x40, v9;
	v12 =	vand.u32 $0x4F, v12  }
0x2ab: {  	v13 =	vadd.s32 v11, v13;
	v22 =	vor.u32 $0x800, v11;
	v14 =	vand.u32 $0x4F, v14  }
0x2ac: {  	v25 =	vor.u32 $0x1000, v11;
	v27 =	vor.u32 $0x1800, v11;
	v29 =	vor.u32 $0x2000, v11  }
0x2ad: {  	v31 =	vor.u32 $0x2800, v11;
	v33 =	vor.u32 $0x3000, v11;
	v11 =	vor.u32 $0x3800, v11  }
0x2ae: {  	v12 =	vor.u32 v12, v13;
	v15 =	vadd.s32 v22, v15;
	v22 =	vor.u32 v24, v10  }
0x2af: {  	v23 =	vadd.s32 v25, v23;
	v25 =	vor.u32 v24, v17;
	v26 =	vadd.s32 v27, v26  }
0x2b0: {  	v27 =	vor.u32 v24, v18;
	v28 =	vadd.s32 v29, v28;
	v29 =	vor.u32 v24, v19  }
0x2b1: {  	v30 =	vadd.s32 v31, v30;
	v31 =	vor.u32 v24, v20;
	v32 =	vadd.s32 v33, v32  }
0x2b2: {  	v33 =	vand.u32 $0x4F, v61;
	v14 =	vor.u32 v14, v15;
	v25 =	vand.u32 $0x4F, v25  }
0x2b3: {  	v34 =	vadd.s32 v11, v34;
	v27 =	vand.u32 $0x4F, v27;
	v25 =	vor.u32 v25, v26  }
0x2b4: {  	v11 =	vor.u32 $0x40, v24;
	v31 =	vand.u32 $0x4F, v31;
	v27 =	vor.u32 v27, v28  }
0x2b5: {  	v22 =	vand.u32 $0x4F, v22;
	v29 =	vand.u32 $0x4F, v29;
	v31 =	vor.u32 v31, v32  }
0x2b6: {  	v33 =	vor.u32 v33, v34;
	v22 =	vor.u32 v22, v23;
	v35 =	vld.idx.msk [tilespmem:v12+s26+$0x0], $0xffff;
	v12 =	vand.u32 $0x40, v16  }
0x2b7: {  	v29 =	vor.u32 v29, v30;
	v16 =	vor.u32 s8, v11;
	v36 =	vld.idx.msk [tilespmem:v14+s26+$0x0], $0xffff;
	v11 =	vor.u32 v12, v13  }
0x2b8: {  	s29 =	simm.s32 $0x1;
	v12 =	vor.u32 v9, v15;
	v9 =	vand.u32 $0x40, v10;
	v10 =	vand.u32 $0x40, v17;
	v25 =	vld.idx.msk [tilespmem:v25+s26+$0x0], $0xffff  }
0x2b9: {  	v14 =	vand.u32 $0x40, v19;
	v17 =	vadd.s32 s29, v0;
	v15 =	vand.u32 $0x40, v20;
	v27 =	vld.idx.msk [tilespmem:v27+s26+$0x0], $0xffff  }
0x2ba: {  	v13 =	vor.u32 v9, v23;
	v9 =	vor.u32 v10, v26;
	v10 =	vand.u32 $0x40, v18;
	v18 =	vld.idx.msk [tilespmem:v31+s26+$0x0], $0xffff  }
0x2bb: {  	v19 =	vand.u32 $0x40, v21;
	v26 =	vld.idx.msk [tilespmem:v33+s26+$0x0], $0xffff;
	v14 =	vor.u32 v14, v30;
	v20 =	vand.u32 $0x3F, v17  }
0x2bc: {  	v15 =	vor.u32 v15, v32;
	v10 =	vor.u32 v10, v28;
	v28 =	vld.idx.msk [tilespmem:v29+s26+$0x0], $0xffff;
	v29 =	vor.u32 v9, v20  }
0x2bd: {  	v30 =	vor.u32 v17, v8;
	v31 =	vor.u32 v11, v20;
	v63 =	vor.u32 v12, v20;
	v23 =	vld.idx.msk [tilespmem:v16+s3+$0x0], $0xffff  }
0x2be: {  	v62 =	vld.idx.msk [tilespmem:v22+s26+$0x0], $0xffff;
	v17 =	vshll.u32 v20, $0x7;
	v22 =	vor.u32 v14, v20;
	v39 =	vor.u32 v15, v20  }
0x2bf: {  	v21 =	vor.u32 v10, v20;
	v16 =	vor.u32 v19, v34;
	v19 =	vor.u32 v13, v20  }
0x2c0: {  	v35 =	vmul.f32 $8.000000000e+00, v35;
	v34 =	vshll.u32 v24, $0x7;
	v18 =	vmul.f32 $8.000000000e+00, v18  }
0x2c1: {  	v20 =	vor.u32 v16, v20;
	v26 =	vmul.f32 $8.000000000e+00, v26;
	v40 =	vmul.f32 $8.000000000e+00, v27;
	v41 =	vld.idx.msk [tilespmem:v29+s26+$0x0], $0xffff  }
0x2c2: {  	v25 =	vmul.f32 $8.000000000e+00, v25;
	v37 =	vmul.f32 $8.000000000e+00, v28;
	v27 =	vadd.f32 v23, v18;
	v18 =	vld.idx.msk [tilespmem:v30+s3+$0x0], $0xffff  }
0x2c3: {  	v32 =	vmul.f32 $8.000000000e+00, v36;
	v33 =	vmul.f32 $8.000000000e+00, v62;
	v28 =	vadd.f32 v23, v26;
	v26 =	vld.idx.msk [tilespmem:v63+s26+$0x0], $0xffff  }
0x2c4: {  	v38 =	vor.u32 v0, v34;
	v31 =	vld.idx.msk [tilespmem:v31+s26+$0x0], $0xffff;
	v29 =	vadd.f32 v23, v37;
	v30 =	vadd.f32 v23, v25  }
0x2c5: {  	v24 =	vld.idx.msk [tilespmem:v39+s26+$0x0], $0xffff;
	v39 =	vor.u32 v1, v34;
	v36 =	vadd.f32 v23, v35;
	v35 =	vadd.f32 v23, v33  }
0x2c6: {  	s18 =	simm.s32 $0xFFFFFFFC;
	s22 =	simm.s32 $0x0;
	v22 =	vld.idx.msk [tilespmem:v22+s26+$0x0], $0xffff;
	v37 =	vor.u32 v2, v34;
	v33 =	vadd.f32 v23, v40;
	v25 =	vmul.f32 $8.000000000e+00, v41  }
.LBB2_21:
0x2c7: {  	v21 =	vld.idx.msk [tilespmem:v21+s26+$0x0], $0xffff;
	s24 =	smov.u32 s22;
	s22 =	sadd.s32 $0x4, s22  }
0x2c8: {  	v40 =	vor.u32 v3, v34;
	v26 =	vmul.f32 $8.000000000e+00, v26;
	p1 =	slt.u32 s22, $0x3C;
	v19 =	vld.idx.msk [tilespmem:v19+s26+$0x0], $0xffff;
	v25 =	vadd.f32 v18, v25  }
0x2c9: {  	v23 =	vadd.f32 v23, v32;
	v32 =	vor.u32 v4, v34;
	v31 =	vmul.f32 $8.000000000e+00, v31;
	v20 =	vld.idx.msk [tilespmem:v20+s26+$0x0], $0xffff  }
0x2ca: {  	v26 =	vadd.f32 v18, v26;
	[tilespmem:v38+s28+$0x0] =	vst.idx.msk $0xffff, v36;
	v36 =	vor.u32 v5, v34  }
0x2cb: {  	s8 =	sadd.s32 $0x6, s18;
	v38 =	vor.u32 v6, v34;
	v31 =	vadd.f32 v18, v31;
	[tilespmem:v39+s28+$0x0] =	vst.idx.msk $0xffff, v23  }
0x2cc: {  	v34 =	vor.u32 v7, v34;
	v23 =	vadd.s32 s8, v0;
	v24 =	vmul.f32 $8.000000000e+00, v24;
	[tilespmem:v37+s28+$0x0] =	vst.idx.msk $0xffff, v35  }
0x2cd: {  	v35 =	vor.u32 v23, v8;
	[tilespmem:v40+s28+$0x0] =	vst.idx.msk $0xffff, v30;
	v30 =	vand.u32 $0x3F, v23  }
0x2ce: {  	v24 =	vadd.f32 v18, v24;
	[tilespmem:v32+s28+$0x0] =	vst.idx.msk $0xffff, v33;
	v32 =	vor.u32 v16, v30;
	v23 =	vshll.u32 v30, $0x7  }
0x2cf: {  	v20 =	vmul.f32 $8.000000000e+00, v20;
	[tilespmem:v36+s28+$0x0] =	vst.idx.msk $0xffff, v29;
	v29 =	vor.u32 v14, v30  }
0x2d0: {  	[tilespmem:v38+s28+$0x0] =	vst.idx.msk $0xffff, v27;
	v27 =	vor.u32 v15, v30  }
0x2d1: {  	v19 =	vmul.f32 $8.000000000e+00, v19;
	v20 =	vadd.f32 v18, v20;
	[tilespmem:v34+s28+$0x0] =	vst.idx.msk $0xffff, v28;
	v28 =	vor.u32 v10, v30  }
0x2d2: {  	v21 =	vmul.f32 $8.000000000e+00, v21;
	v33 =	vor.u32 v9, v30;
	v34 =	vld.idx.msk [tilespmem:v35+s3+$0x0], $0xffff  }
0x2d3: {  	v19 =	vadd.f32 v18, v19;
	v35 =	vor.u32 v13, v30;
	v32 =	vld.idx.msk [tilespmem:v32+s26+$0x0], $0xffff  }
0x2d4: {  	v21 =	vadd.f32 v18, v21;
	v36 =	vor.u32 v12, v30;
	v29 =	vld.idx.msk [tilespmem:v29+s26+$0x0], $0xffff  }
0x2d5: {  	v30 =	vor.u32 v11, v30;
	v27 =	vld.idx.msk [tilespmem:v27+s26+$0x0], $0xffff  }
0x2d6: {  	v37 =	vor.u32 v0, v17;
	v28 =	vld.idx.msk [tilespmem:v28+s26+$0x0], $0xffff  }
0x2d7: {  	v38 =	vor.u32 v1, v17;
	v33 =	vld.idx.msk [tilespmem:v33+s26+$0x0], $0xffff  }
0x2d8: {  	v41 =	vor.u32 v7, v17;
	v39 =	vor.u32 v2, v17;
	v40 =	vor.u32 v5, v17;
	v35 =	vld.idx.msk [tilespmem:v35+s26+$0x0], $0xffff  }
0x2d9: {  	v42 =	vor.u32 v3, v17;
	v22 =	vmul.f32 $8.000000000e+00, v22;
	v32 =	vmul.f32 $8.000000000e+00, v32;
	v36 =	vld.idx.msk [tilespmem:v36+s26+$0x0], $0xffff  }
0x2da: {  	v43 =	vor.u32 v4, v17;
	v17 =	vor.u32 v6, v17;
	v29 =	vmul.f32 $8.000000000e+00, v29;
	v30 =	vld.idx.msk [tilespmem:v30+s26+$0x0], $0xffff  }
0x2db: {  	s8 =	sadd.s32 $0x7, s18;
	v18 =	vadd.f32 v18, v22;
	v22 =	vmul.f32 $8.000000000e+00, v27;
	v27 =	vadd.f32 v34, v32;
	[tilespmem:v37+s28+$0x0] =	vst.idx.msk $0xffff, v31  }
0x2dc: {  	v28 =	vmul.f32 $8.000000000e+00, v28;
	v29 =	vadd.f32 v34, v29;
	[tilespmem:v38+s28+$0x0] =	vst.idx.msk $0xffff, v26;
	v26 =	vadd.s32 s8, v0  }
0x2dd: {  	v32 =	vadd.f32 v34, v22;
	[tilespmem:v39+s28+$0x0] =	vst.idx.msk $0xffff, v19;
	v31 =	vand.u32 $0x3F, v26;
	v19 =	vmul.f32 $8.000000000e+00, v33  }
0x2de: {  	v22 =	vmul.f32 $8.000000000e+00, v35;
	v28 =	vadd.f32 v34, v28;
	[tilespmem:v42+s28+$0x0] =	vst.idx.msk $0xffff, v25;
	v25 =	vor.u32 v11, v31  }
0x2df: {  	v33 =	vmul.f32 $8.000000000e+00, v36;
	[tilespmem:v43+s28+$0x0] =	vst.idx.msk $0xffff, v21;
	v21 =	vor.u32 v12, v31;
	v35 =	vadd.f32 v34, v19  }
0x2e0: {  	v19 =	vor.u32 v13, v31;
	[tilespmem:v40+s28+$0x0] =	vst.idx.msk $0xffff, v18;
	v18 =	vmul.f32 $8.000000000e+00, v30;
	v30 =	vadd.f32 v34, v22  }
0x2e1: {  	v36 =	vor.u32 v26, v8;
	v33 =	vadd.f32 v34, v33;
	v22 =	vshll.u32 v31, $0x7;
	[tilespmem:v17+s28+$0x0] =	vst.idx.msk $0xffff, v24  }
0x2e2: {  	s8 =	sadd.s32 $0x5, s24;
	[tilespmem:v41+s28+$0x0] =	vst.idx.msk $0xffff, v20;
	v20 =	vor.u32 v16, v31;
	v34 =	vadd.f32 v34, v18  }
0x2e3: {  	v38 =	vor.u32 v9, v31;
	v39 =	vor.u32 v15, v31;
	v17 =	vadd.s32 s8, v0;
	v37 =	vld.idx.msk [tilespmem:v25+s26+$0x0], $0xffff  }
0x2e4: {  	v42 =	vor.u32 v14, v31;
	v40 =	vand.u32 $0x3F, v17;
	v18 =	vor.u32 v17, v8;
	v41 =	vld.idx.msk [tilespmem:v21+s26+$0x0], $0xffff  }
0x2e5: {  	v24 =	vor.u32 v11, v40;
	v26 =	vor.u32 v12, v40;
	v17 =	vshll.u32 v40, $0x7;
	v43 =	vld.idx.msk [tilespmem:v19+s26+$0x0], $0xffff  }
0x2e6: {  	v31 =	vor.u32 v10, v31;
	v44 =	vor.u32 v9, v40;
	v19 =	vor.u32 v13, v40;
	v36 =	vld.idx.msk [tilespmem:v36+s3+$0x0], $0xffff  }
0x2e7: {  	v46 =	vor.u32 v0, v23;
	v25 =	vor.u32 v15, v40;
	v21 =	vor.u32 v10, v40;
	v45 =	vld.idx.msk [tilespmem:v20+s26+$0x0], $0xffff  }
0x2e8: {  	v47 =	vor.u32 v14, v40;
	v20 =	vor.u32 v16, v40;
	v40 =	vor.u32 v1, v23;
	v39 =	vld.idx.msk [tilespmem:v39+s26+$0x0], $0xffff  }
0x2e9: {  	v48 =	vor.u32 v2, v23;
	v37 =	vmul.f32 $8.000000000e+00, v37;
	v42 =	vld.idx.msk [tilespmem:v42+s26+$0x0], $0xffff  }
0x2ea: {  	v49 =	vor.u32 v3, v23;
	v50 =	vor.u32 v6, v23;
	v41 =	vmul.f32 $8.000000000e+00, v41;
	v38 =	vld.idx.msk [tilespmem:v38+s26+$0x0], $0xffff  }
0x2eb: {  	v51 =	vor.u32 v4, v23;
	v52 =	vor.u32 v5, v23;
	s8 =	sadd.s32 $0x8, s18;
	s18 =	smov.u32 s24;
	v43 =	vmul.f32 $8.000000000e+00, v43;
	v31 =	vld.idx.msk [tilespmem:v31+s26+$0x0], $0xffff  }
0x2ec: {  	s8 =	smin.u32 s8, $0x3F;
	[tilespmem:v46+s28+$0x0] =	vst.idx.msk $0xffff, v34;
	v34 =	vadd.f32 v36, v37;
	v37 =	vadd.f32 v36, v41  }
0x2ed: {  	v41 =	vmul.f32 $8.000000000e+00, v45;
	[tilespmem:v40+s28+$0x0] =	vst.idx.msk $0xffff, v33;
	v33 =	vadd.s32 s8, v0;
	v40 =	vadd.f32 v36, v43  }
0x2ee: {  	v23 =	vor.u32 v7, v23;
	[tilespmem:v48+s28+$0x0] =	vst.idx.msk $0xffff, v30;
	v43 =	vand.u32 $0x3F, v33;
	v30 =	vmul.f32 $8.000000000e+00, v39  }
0x2ef: {  	v39 =	vadd.f32 v36, v41;
	[tilespmem:v49+s28+$0x0] =	vst.idx.msk $0xffff, v35;
	v35 =	vor.u32 v11, v43  }
0x2f0: {  	[tilespmem:v51+s28+$0x0] =	vst.idx.msk $0xffff, v28;
	v28 =	vor.u32 v10, v43;
	v41 =	vadd.f32 v36, v30  }
0x2f1: {  	v30 =	vmul.f32 $8.000000000e+00, v31;
	[tilespmem:v52+s28+$0x0] =	vst.idx.msk $0xffff, v29;
	v29 =	vor.u32 v15, v43  }
0x2f2: {  	v31 =	vor.u32 v16, v43;
	[tilespmem:v50+s28+$0x0] =	vst.idx.msk $0xffff, v32;
	v32 =	vor.u32 v33, v8  }
0x2f3: {  	v30 =	vadd.f32 v36, v30;
	[tilespmem:v23+s28+$0x0] =	vst.idx.msk $0xffff, v27;
	v27 =	vor.u32 v13, v43  }
0x2f4: {  	v33 =	vld.idx.msk [tilespmem:v35+s26+$0x0], $0xffff  }
0x2f5: {  	v35 =	vor.u32 v14, v43;
	v28 =	vld.idx.msk [tilespmem:v28+s26+$0x0], $0xffff  }
0x2f6: {  	v45 =	vor.u32 v12, v43;
	v46 =	vor.u32 v9, v43;
	v29 =	vld.idx.msk [tilespmem:v29+s26+$0x0], $0xffff  }
0x2f7: {  	v23 =	vld.idx.msk [tilespmem:v32+s3+$0x0], $0xffff  }
0x2f8: {  	v32 =	vor.u32 v0, v22;
	v31 =	vld.idx.msk [tilespmem:v31+s26+$0x0], $0xffff  }
0x2f9: {  	v49 =	vor.u32 v1, v22;
	v48 =	vld.idx.msk [tilespmem:v27+s26+$0x0], $0xffff  }
0x2fa: {  	v50 =	vor.u32 v2, v22;
	v35 =	vld.idx.msk [tilespmem:v35+s26+$0x0], $0xffff  }
0x2fb: {  	v52 =	vor.u32 v3, v22;
	v33 =	vmul.f32 $8.000000000e+00, v33;
	v51 =	vmul.f32 $8.000000000e+00, v28;
	v46 =	vld.idx.msk [tilespmem:v46+s26+$0x0], $0xffff  }
0x2fc: {  	v28 =	vmul.f32 $8.000000000e+00, v38;
	v38 =	vor.u32 v4, v22;
	v27 =	vmul.f32 $8.000000000e+00, v29;
	v29 =	vld.idx.msk [tilespmem:v45+s26+$0x0], $0xffff  }
0x2fd: {  	v45 =	vor.u32 v6, v22;
	v31 =	vmul.f32 $8.000000000e+00, v31;
	[tilespmem:v32+s28+$0x0] =	vst.idx.msk $0xffff, v34;
	v34 =	vor.u32 v5, v22  }
0x2fe: {  	v27 =	vadd.f32 v23, v27;
	v32 =	vadd.f32 v36, v28;
	[tilespmem:v49+s28+$0x0] =	vst.idx.msk $0xffff, v37;
	v37 =	vmul.f32 $8.000000000e+00, v42  }
0x2ff: {  	v22 =	vor.u32 v7, v22;
	v35 =	vmul.f32 $8.000000000e+00, v35;
	v28 =	vadd.f32 v23, v31;
	[tilespmem:v50+s28+$0x0] =	vst.idx.msk $0xffff, v40  }
0x300: {  	[tilespmem:v52+s28+$0x0] =	vst.idx.msk $0xffff, v32;
	v31 =	vadd.f32 v36, v37  }
0x301: {  	v36 =	vmul.f32 $8.000000000e+00, v46;
	v32 =	vmul.f32 $8.000000000e+00, v29;
	v29 =	vadd.f32 v23, v35;
	[tilespmem:v38+s28+$0x0] =	vst.idx.msk $0xffff, v30  }
0x302: {  	[tilespmem:v34+s28+$0x0] =	vst.idx.msk $0xffff, v31  }
0x303: {  	v30 =	vadd.f32 v23, v36;
	[tilespmem:v45+s28+$0x0] =	vst.idx.msk $0xffff, v41  }
0x304: {  	[tilespmem:v22+s28+$0x0] =	vst.idx.msk $0xffff, v39  }
0x305: {  	v18 =	vld.idx.msk [tilespmem:v18+s3+$0x0], $0xffff  }
0x306: {  	v40 =	vld.idx.msk [tilespmem:v44+s26+$0x0], $0xffff  }
0x307: {  	v36 =	vadd.f32 v23, v33;
	v33 =	vmul.f32 $8.000000000e+00, v48;
	v22 =	vld.idx.msk [tilespmem:v47+s26+$0x0], $0xffff  }
.Ltmp12:
0x308: {  	v26 =	vld.idx.msk [tilespmem:v26+s26+$0x0], $0xffff;
	(pc) =	sbr.rel @p1 .LBB2_21-.Ltmp12, $4  }
0x309: {  	v35 =	vadd.f32 v23, v33;
	v31 =	vld.idx.msk [tilespmem:v24+s26+$0x0], $0xffff  }
0x30a: {  	v34 =	vshll.u32 v43, $0x7  }
0x30b: {  	v38 =	vor.u32 v0, v34;
	v37 =	vor.u32 v2, v34;
	v33 =	vadd.f32 v23, v51  }
0x30c: {  	v39 =	vor.u32 v1, v34;
	v24 =	vld.idx.msk [tilespmem:v25+s26+$0x0], $0xffff;
	v25 =	vmul.f32 $8.000000000e+00, v40  }
0x30d: {  	_ =	sdelay $0x3  }
0x30e: {  	v21 =	vld.idx.msk [tilespmem:v21+s26+$0x0], $0xffff;
	v40 =	vor.u32 v3, v34  }
0x30f: {  	v19 =	vld.idx.msk [tilespmem:v19+s26+$0x0], $0xffff;
	v23 =	vadd.f32 v23, v32;
	v58 =	vor.u32 v4, v34  }
0x310: {  	v20 =	vld.idx.msk [tilespmem:v20+s26+$0x0], $0xffff;
	[tilespmem:v38+s28+$0x0] =	vst.idx.msk $0xffff, v36;
	v59 =	vor.u32 v5, v34  }
0x311: {  	v60 =	vor.u32 v6, v34;
	s8 =	sadd.s32 $0x6, s18;
	[tilespmem:v39+s28+$0x0] =	vst.idx.msk $0xffff, v23  }
0x312: {  	v61 =	vor.u32 v7, v34;
	v62 =	vadd.s32 s8, v0;
	[tilespmem:v37+s28+$0x0] =	vst.idx.msk $0xffff, v35  }
0x313: {  	v63 =	vand.u32 $0x3F, v62;
	v35 =	vor.u32 v62, v8;
	[tilespmem:v40+s28+$0x0] =	vst.idx.msk $0xffff, v30  }
0x314: {  	v38 =	vor.u32 v16, v63;
	[tilespmem:v58+s28+$0x0] =	vst.idx.msk $0xffff, v33  }
0x315: {  	v39 =	vor.u32 v14, v63;
	[tilespmem:v59+s28+$0x0] =	vst.idx.msk $0xffff, v29  }
0x316: {  	v40 =	vor.u32 v15, v63;
	[tilespmem:v60+s28+$0x0] =	vst.idx.msk $0xffff, v27  }
0x317: {  	v41 =	vor.u32 v10, v63;
	[tilespmem:v61+s28+$0x0] =	vst.idx.msk $0xffff, v28  }
0x318: {  	v42 =	vor.u32 v9, v63;
	v33 =	vld.idx.msk [tilespmem:v35+s3+$0x0], $0xffff  }
0x319: {  	v43 =	vor.u32 v13, v63;
	v32 =	vld.idx.msk [tilespmem:v38+s26+$0x0], $0xffff  }
0x31a: {  	v44 =	vor.u32 v12, v63;
	v29 =	vld.idx.msk [tilespmem:v39+s26+$0x0], $0xffff  }
0x31b: {  	v46 =	vor.u32 v0, v17;
	v45 =	vor.u32 v11, v63;
	v23 =	vld.idx.msk [tilespmem:v40+s26+$0x0], $0xffff  }
0x31c: {  	v47 =	vor.u32 v1, v17;
	v26 =	vmul.f32 $8.000000000e+00, v26;
	v31 =	vmul.f32 $8.000000000e+00, v31;
	v27 =	vld.idx.msk [tilespmem:v41+s26+$0x0], $0xffff  }
0x31d: {  	v48 =	vor.u32 v2, v17;
	v49 =	vor.u32 v3, v17;
	v22 =	vmul.f32 $8.000000000e+00, v22;
	v28 =	vld.idx.msk [tilespmem:v42+s26+$0x0], $0xffff  }
0x31e: {  	v50 =	vor.u32 v6, v17;
	v31 =	vadd.f32 v18, v31;
	v19 =	vmul.f32 $8.000000000e+00, v19;
	v34 =	vld.idx.msk [tilespmem:v43+s26+$0x0], $0xffff  }
0x31f: {  	v26 =	vadd.f32 v18, v26;
	v21 =	vmul.f32 $8.000000000e+00, v21;
	v35 =	vld.idx.msk [tilespmem:v44+s26+$0x0], $0xffff;
	v41 =	vor.u32 v4, v17  }
0x320: {  	s29 =	sadd.s32 $0x7, s18;
	v19 =	vadd.f32 v18, v19;
	v36 =	vld.idx.msk [tilespmem:v45+s26+$0x0], $0xffff;
	v42 =	vor.u32 v5, v17;
	[tilespmem:v46+s28+$0x0] =	vst.idx.msk $0xffff, v31  }
0x321: {  	v52 =	vor.u32 v7, v17;
	v25 =	vadd.f32 v18, v25;
	v51 =	vadd.s32 s29, v0;
	[tilespmem:v47+s28+$0x0] =	vst.idx.msk $0xffff, v26  }
0x322: {  	v53 =	vand.u32 $0x3F, v51;
	v24 =	vmul.f32 $8.000000000e+00, v24;
	v21 =	vadd.f32 v18, v21;
	[tilespmem:v48+s28+$0x0] =	vst.idx.msk $0xffff, v19  }
0x323: {  	v22 =	vadd.f32 v18, v22;
	v54 =	vor.u32 v11, v53;
	v20 =	vmul.f32 $8.000000000e+00, v20;
	[tilespmem:v49+s28+$0x0] =	vst.idx.msk $0xffff, v25  }
0x324: {  	v55 =	vor.u32 v12, v53;
	v24 =	vadd.f32 v18, v24;
	[tilespmem:v41+s28+$0x0] =	vst.idx.msk $0xffff, v21  }
0x325: {  	v57 =	vor.u32 v13, v53;
	v56 =	vadd.f32 v18, v20;
	[tilespmem:v42+s28+$0x0] =	vst.idx.msk $0xffff, v22  }
0x326: {  	v8 =	vor.u32 v51, v8;
	[tilespmem:v50+s28+$0x0] =	vst.idx.msk $0xffff, v24  }
0x327: {  	v58 =	vor.u32 v16, v53;
	[tilespmem:v52+s28+$0x0] =	vst.idx.msk $0xffff, v56  }
0x328: {  	v59 =	vor.u32 v15, v53;
	v11 =	vld.idx.msk [tilespmem:v54+s26+$0x0], $0xffff  }
0x329: {  	v60 =	vor.u32 v14, v53;
	v12 =	vld.idx.msk [tilespmem:v55+s26+$0x0], $0xffff  }
0x32a: {  	v62 =	vshll.u32 v63, $0x7;
	v61 =	vor.u32 v9, v53;
	v13 =	vld.idx.msk [tilespmem:v57+s26+$0x0], $0xffff  }
0x32b: {  	v37 =	vor.u32 v0, v62;
	v63 =	vor.u32 v10, v53;
	v8 =	vld.idx.msk [tilespmem:v8+s3+$0x0], $0xffff  }
0x32c: {  	v30 =	vor.u32 v4, v62;
	v39 =	vor.u32 v1, v62;
	v38 =	vmul.f32 $8.000000000e+00, v36;
	v16 =	vld.idx.msk [tilespmem:v58+s26+$0x0], $0xffff  }
0x32d: {  	v44 =	vor.u32 v3, v62;
	v41 =	vmul.f32 $8.000000000e+00, v35;
	v42 =	vor.u32 v2, v62;
	v15 =	vld.idx.msk [tilespmem:v59+s26+$0x0], $0xffff  }
0x32e: {  	v45 =	vor.u32 v5, v62;
	v43 =	vmul.f32 $8.000000000e+00, v34;
	v20 =	vadd.f32 v33, v38;
	v14 =	vld.idx.msk [tilespmem:v60+s26+$0x0], $0xffff  }
0x32f: {  	v17 =	vor.u32 v7, v62;
	v28 =	vmul.f32 $8.000000000e+00, v28;
	v24 =	vadd.f32 v33, v41;
	v9 =	vld.idx.msk [tilespmem:v61+s26+$0x0], $0xffff  }
0x330: {  	v27 =	vmul.f32 $8.000000000e+00, v27;
	v26 =	vadd.f32 v33, v43;
	v10 =	vld.idx.msk [tilespmem:v63+s26+$0x0], $0xffff;
	[tilespmem:v37+s28+$0x0] =	vst.idx.msk $0xffff, v20  }
0x331: {  	v48 =	vor.u32 v6, v62;
	v40 =	vmul.f32 $8.000000000e+00, v29;
	v47 =	vadd.f32 v33, v28;
	[tilespmem:v39+s28+$0x0] =	vst.idx.msk $0xffff, v24  }
0x332: {  	v19 =	vshll.u32 v53, $0x7;
	v46 =	vmul.f32 $8.000000000e+00, v23;
	v49 =	vadd.f32 v33, v27;
	[tilespmem:v42+s28+$0x0] =	vst.idx.msk $0xffff, v26  }
0x333: {  	v51 =	vor.u32 v0, v19;
	v50 =	vmul.f32 $8.000000000e+00, v32;
	v22 =	vadd.f32 v33, v40;
	[tilespmem:v44+s28+$0x0] =	vst.idx.msk $0xffff, v47  }
0x334: {  	v18 =	vadd.f32 v33, v46;
	v52 =	vor.u32 v1, v19;
	[tilespmem:v30+s28+$0x0] =	vst.idx.msk $0xffff, v49;
	v11 =	vmul.f32 $8.000000000e+00, v11  }
0x335: {  	v53 =	vor.u32 v2, v19;
	v24 =	vadd.f32 v33, v50;
	v12 =	vmul.f32 $8.000000000e+00, v12;
	[tilespmem:v45+s28+$0x0] =	vst.idx.msk $0xffff, v22  }
0x336: {  	v54 =	vor.u32 v3, v19;
	v13 =	vmul.f32 $8.000000000e+00, v13;
	[tilespmem:v48+s28+$0x0] =	vst.idx.msk $0xffff, v18;
	v11 =	vadd.f32 v8, v11  }
0x337: {  	v55 =	vor.u32 v4, v19;
	v9 =	vmul.f32 $8.000000000e+00, v9;
	v12 =	vadd.f32 v8, v12;
	[tilespmem:v17+s28+$0x0] =	vst.idx.msk $0xffff, v24  }
0x338: {  	v56 =	vor.u32 v5, v19;
	v10 =	vmul.f32 $8.000000000e+00, v10;
	v13 =	vadd.f32 v8, v13;
	[tilespmem:v51+s28+$0x0] =	vst.idx.msk $0xffff, v11  }
0x339: {  	v57 =	vor.u32 v6, v19;
	v58 =	vmul.f32 $8.000000000e+00, v14;
	v9 =	vadd.f32 v8, v9;
	[tilespmem:v52+s28+$0x0] =	vst.idx.msk $0xffff, v12  }
0x33a: {  	s8 =	sshll.u32 @!p0 s14, $0x7;
	s14 =	sshll.u32 @!p0 s14, $0xC;
	v60 =	vor.u32 v7, v19;
	v59 =	vmul.f32 $8.000000000e+00, v15;
	v10 =	vadd.f32 v8, v10;
	[tilespmem:v53+s28+$0x0] =	vst.idx.msk $0xffff, v13  }
0x33b: {  	s8 =	sand.u32 @!p0 $0x380, s8;
	s14 =	sand.u32 @!p0 $0x1F8000, s14;
	v61 =	vmul.f32 $8.000000000e+00, v16;
	v62 =	vadd.f32 v8, v58;
	[tilespmem:v54+s28+$0x0] =	vst.idx.msk $0xffff, v9  }
0x33c: {  	s8 =	sor.u32 @!p0 s14, s8;
	v63 =	vadd.f32 v8, v59;
	[tilespmem:v55+s28+$0x0] =	vst.idx.msk $0xffff, v10  }
0x33d: {  	s8 =	sor.u32 @!p0 s6, s8;
	v8 =	vadd.f32 v8, v61;
	[tilespmem:v56+s28+$0x0] =	vst.idx.msk $0xffff, v62  }
0x33e: {  	s18 =	simm.s32 @!p0 $0x3580;
	s8 =	sshrl.u32 @!p0 s8, $0x3;
	[tilespmem:v57+s28+$0x0] =	vst.idx.msk $0xffff, v63  }
0x33f: {  	s31 =	sadd.s32 $0x1, s31;
	s14 =	simm.s32 @!p0 $0x0;
	s8 =	sadd.s32 @!p0 s5, s8;
	[tilespmem:v60+s28+$0x0] =	vst.idx.msk $0xffff, v8  }
0x340: {  	[tilespmem:s18], [sflag:$0x8] =	stream.linear.gather @!p0 [hbm4b:s8+s14], $0x80, $0x38;
	[tilespmem:$0x1B600] =	vst v63  }
0x341: {  	p0 =	sne.s32 s31, $0x32  }
.Ltmp13:
0x342: {  	s2 =	sshll.u32 s2, $0x12;
	(pc) =	sbr.rel @p0 .LBB2_2-.Ltmp13, $4  }
0x343: {  	s2 =	sor.u32 s6, s2  }
0x344: {  	s2 =	sshrl.u32 s2, $0x3  }
0x345: {  	s2 =	sadd.s32 s1, s2  }
0x346: {  	[hbm4b:s2+s10] =	stream.strided.scatter [tilespmem:s28], [sflag:$0x10], $0x2000, s11, s10, $0x38;
	[tilespmem:$0x1B600] =	vst v63  }
0x347: {  	s2 =	simm.s32 $0xD  }
0x348: {  	_ =	swait.ge [sflag:s2], $0x2000  }
0x349: {  	[sflag:s2] =	ssyncset.done $0x0  }
0x34a: {  	s25 =	simm.s32 $0xE;
	[sflag:s2] =	ssyncadd.s32 $0xFFFFE000  }
0x34b: {  	_ =	swait.ge [sflag:s25], $0x2000  }
0x34c: {  	[sflag:s25] =	ssyncset.done $0x0  }
0x34d: {  	s29 =	simm.s32 $0xF;
	[sflag:s25] =	ssyncadd.s32 $0xFFFFE000  }
0x34e: {  	_ =	swait.ge [sflag:s29], $0x2000  }
0x34f: {  	[sflag:s29] =	ssyncset.done $0x0  }
0x350: {  	s8 =	simm.s32 $0x10;
	[sflag:s29] =	ssyncadd.s32 $0xFFFFE000  }
0x351: {  	_ =	swait.ge [sflag:s8], $0x2000  }
0x352: {  	s14 =	rddreg [dreg:$0xd]  }
0x353: {  	s31 =	rddreg [dreg:$0xc];
	s14 =	sadd.s32 $0x1, s14  }
0x354: {  	p0 =	sne.s32 s14, s31  }
.Ltmp14:
0x355: {  	_ = 	snop;
	(pc) =	sbr.rel @p0 .LBB2_1-.Ltmp14, $3  }
0x356: {  	_ =	sdelay $0x1  }
0x357: {  	[sflag:s8] =	ssyncset.done $0x0  }
0x358: {  	[sflag:s8] =	ssyncadd.s32 $0xFFFFE000  }
0x359: {  	_ =	sfence.sel $0x180000  }
0x35a: {  	[bflag:$0x0] =	sbarrier.arrive $0xFFFF  }
0x35b: {  	_ =	strace $0x90000047  }
0x35c: {  	s0 =	stileid.u32;
	[bflag:$0x2] =	sbarrier.arrive $0xFFFF  }
0x35d: {  	p0 =	sne.s32 s0, $0x0;
	s0 =	rddreg [dreg:$0x2]  }
0x35e: {  	s0 =	sadd.s32 @!p0 $0x100000, s0  }
0x35f: {  	[sflag:s0] =	ssyncadd.tile.s32 @!p0 $0x1;
	_ =	shalt  }
.Lfunc_end2:
_tile_overlayer_lowered:
.L_overlay_start_2:
0x360: {  	(tag) =	ssettag $0x2  }
0x361: {  	s0 =	rddreg [dreg:$0x0];
	s2 =	stileid.u32  }
0x362: {  	s1 =	rddreg [dreg:$0x1];
	p0 =	sne.s32 s2, $0x0  }
0x363: {  	s3 =	rddreg [dreg:$0x2];
	[bflag:$0x3] =	sbarrier.arrive $0xFFFF;
	s2 =	simm.s32 @!p0 $0x1C11  }
0x364: {  	[timem:s3], [sflag:s2] =	dma.local @!p0 [hbm:s0], s1  }
0x365: {  	s0 =	simm.s32 @!p0 $0x11  }
0x366: {  	_ =	swait.ge @!p0 [sflag:s0], s1  }
0x367: {  	s1 =	ssub.s32 @!p0 $0x0, s1;
	[sflag:s0] =	ssyncset.done @!p0 $0x0  }
0x368: {  	[sflag:s0] =	ssyncadd.s32 @!p0 s1  }
0x369: {  	[bflag:$0x3] =	sbarrier.arrive $0xFFFF  }
0x36a: {  	_ =	shalt  }

</sc_bundles>
